<compile_context>
chip_gen: v7x
topology: tpu7x:2x2x1
jax: 0.10.2.dev20260603
libtpu: 0.0.44.dev20260713+nightly
codegen_flags: <defaults>
</compile_context>

<pallas_src>
import functools

import jax
import jax.numpy as jnp
from jax import lax
from jax.experimental import pallas as pl
from jax.experimental.pallas import tpu as pltpu
from jax.experimental.pallas import tpu_sc as plsc

EMBED = 64
LANES = 16
NC, NS = 2, 16
NW = NC * NS
BATCH = 16
CTX = 2048
TOTAL = BATCH * CTX
BPW = TOTAL // NW
CHUNK = 128
NCHUNK = BPW // CHUNK
SCALE = 8.0


def _sc_embed(X, tab, pos):
    mesh = plsc.VectorSubcoreMesh(core_axis_name="c", subcore_axis_name="s")

    @functools.partial(
        pl.kernel,
        out_type=jax.ShapeDtypeStruct((BATCH, CTX, EMBED), jnp.float32),
        mesh=mesh,
        scratch_types=[
            pltpu.VMEM((BPW,), jnp.int32),
            pltpu.VMEM((CHUNK, EMBED), jnp.float32),
            pltpu.VMEM((CHUNK, EMBED), jnp.float32),
            pltpu.VMEM((CHUNK, EMBED), jnp.float32),
            pltpu.VMEM((CHUNK, EMBED), jnp.float32),
            pltpu.SemaphoreType.DMA,
            pltpu.SemaphoreType.DMA,
            pltpu.SemaphoreType.DMA,
            pltpu.SemaphoreType.DMA,
            pltpu.SemaphoreType.DMA,
            pltpu.SemaphoreType.DMA,
        ],
        compiler_params=pltpu.CompilerParams(
            needs_layout_passes=False, use_tc_tiling_on_sc=True),
    )
    def k(x_hbm, tab_hbm, pos_hbm, out_hbm, idx_v, buf_a, buf_b,
          pos_a, pos_b, gsem_a, gsem_b, wsem_a, wsem_b, psem_a, psem_b):
        wid = lax.axis_index("s") * NC + lax.axis_index("c")
        b = wid // 2
        t0 = (wid % 2) * BPW

        bufs = (buf_a, buf_b)
        poss = (pos_a, pos_b)
        gsems = (gsem_a, gsem_b)
        wsems = (wsem_a, wsem_b)
        psems = (psem_a, psem_b)

        pltpu.sync_copy(x_hbm.at[b, pl.ds(t0, BPW)], idx_v)

        def fire_chunk(j, par):
            buf, gsem = bufs[par], gsems[par]
            pltpu.async_copy(
                pos_hbm.at[0, pl.ds(t0 + j * CHUNK, CHUNK)],
                poss[par], psems[par])

            def fire_group(i, _):
                v16 = idx_v[pl.ds(j * CHUNK + i * LANES, LANES)]
                for r in range(LANES):
                    pltpu.async_copy(
                        tab_hbm.at[pl.ds(v16[r], 1)],
                        buf.at[pl.ds(i * LANES + r, 1)], gsem)
                return 0

            lax.fori_loop(0, CHUNK // LANES, fire_group, 0)

        def drain_chunk(par):
            pltpu.make_async_copy(
                tab_hbm.at[pl.ds(0, CHUNK)], bufs[par], gsems[par]).wait()
            pltpu.make_async_copy(
                pos_hbm.at[0, pl.ds(0, CHUNK)], poss[par], psems[par]).wait()

        fire_chunk(0, 0)

        wb = [None] * NCHUNK
        for j in range(NCHUNK):
            par = j % 2
            if j + 1 < NCHUNK:
                if j >= 1 and wb[j - 1] is not None:
                    wb[j - 1].wait()
                    wb[j - 1] = None
                fire_chunk(j + 1, 1 - par)
            drain_chunk(par)

            buf, posb = bufs[par], poss[par]

            def row_body(r, _):
                for c in range(EMBED // LANES):
                    sl = (r, pl.ds(c * LANES, LANES))
                    buf[sl] = buf[sl] * SCALE + posb[sl]
                return 0

            lax.fori_loop(0, CHUNK, row_body, 0)
            wb[j] = pltpu.async_copy(
                buf, out_hbm.at[b, pl.ds(t0 + j * CHUNK, CHUNK)], wsems[par])

        for h in wb:
            if h is not None:
                h.wait()

    return k(X, tab, pos)


def kernel(X, tok_table, pos_embedding):
    return _sc_embed(X, tok_table * 1.0, pos_embedding)

# --- scband reference (transcript-rebuilt; emitter-appended) ---
"""Pipeline reference for scband-complete-embedding-48558900249344 (READ-ONLY COPY).

The authoritative reference and input builder live on the scoring server;
editing this copy changes nothing except your own understanding.
"""

import jax, jax.numpy as jnp
import numpy as np

EMBED_DIM = 64
VOCAB = 1000000
CONTEXT_LEN = 2048
BATCH = 16


def _sincos_pos_embedding(max_num_tokens, embedding_dim):
    k = jnp.arange(0, max_num_tokens, dtype=jnp.float32)[:, None]
    denom = jnp.exp(jnp.arange(0, embedding_dim, 2, dtype=jnp.float32) * (-jnp.log(jnp.float32(1000.0)) / embedding_dim))
    pe = jnp.zeros((max_num_tokens, embedding_dim), dtype=jnp.float32)
    pe = pe.at[:, ::2].set(jnp.sin(k * denom))
    pe = pe.at[:, 1::2].set(jnp.cos(k * denom))
    return pe[None, :, :]


def setup_inputs(seed: int = 0) -> dict:
    key = jax.random.key(seed)
    k1, k2 = jax.random.split(key)
    X = jax.random.randint(k1, (BATCH, CONTEXT_LEN), 0, VOCAB, dtype=jnp.int32)
    tok_table = jax.random.normal(k2, (VOCAB, EMBED_DIM), dtype=jnp.float32)
    pos_embedding = _sincos_pos_embedding(CONTEXT_LEN, EMBED_DIM)
    return {"X": X, "tok_table": tok_table, "pos_embedding": pos_embedding}


def reference(X, tok_table, pos_embedding):
    tok_emb = jnp.take(tok_table, X, axis=0)
    scaled_tok_emb = tok_emb * jnp.sqrt(jnp.float32(EMBED_DIM))
    return scaled_tok_emb + pos_embedding[:, :X.shape[1], :]

if __name__ == "__main__":
    import jax
    _d = setup_inputs()
    print(jax.jit(kernel)(*tuple(_d.values())))

</pallas_src>

<mosaic_0001>
#map = affine_map<(d0, d1) -> (0, 0)>
#map1 = affine_map<(d0, d1) -> (0, 0, 0)>
module attributes {stable_mosaic.version = 14 : i64} {
  func.func @k(%arg0: i32, %arg1: i32, %arg2: memref<16x2048xi32, #tpu.memory_space<hbm>>, %arg3: memref<1000000x64xf32, #tpu.memory_space<hbm>>, %arg4: memref<1x2048x64xf32, #tpu.memory_space<hbm>>, %arg5: memref<16x2048x64xf32, #tpu.memory_space<hbm>>, %arg6: memref<1024xi32, #tpu.memory_space<vmem>>, %arg7: memref<128x64xf32, #tpu.memory_space<vmem>>, %arg8: memref<128x64xf32, #tpu.memory_space<vmem>>, %arg9: memref<128x64xf32, #tpu.memory_space<vmem>>, %arg10: memref<128x64xf32, #tpu.memory_space<vmem>>, %arg11: memref<!tpu.dma_semaphore, #tpu.memory_space<semaphore_mem>>, %arg12: memref<!tpu.dma_semaphore, #tpu.memory_space<semaphore_mem>>, %arg13: memref<!tpu.dma_semaphore, #tpu.memory_space<semaphore_mem>>, %arg14: memref<!tpu.dma_semaphore, #tpu.memory_space<semaphore_mem>>, %arg15: memref<!tpu.dma_semaphore, #tpu.memory_space<semaphore_mem>>, %arg16: memref<!tpu.dma_semaphore, #tpu.memory_space<semaphore_mem>>) attributes {dimension_semantics = [#tpu.dimension_semantics<core_parallel>, #tpu.dimension_semantics<subcore_parallel>], iteration_bounds = array<i64: 2, 16>, scalar_prefetch = 0 : i64, scratch_operands = 11 : i64, tpu.core_type = #tpu.core_type<sc_vector_subcore>, window_params = [{transform_indices = #map}, {transform_indices = #map}, {transform_indices = #map1}, {transform_indices = #map1}]} {
    %mul3A = arith.constant 2 : i32
    %mul3A_0 = arith.muli %arg1, %mul3A : i32
    %add3A = arith.addi %mul3A_0, %arg0 : i32
    %jit3A = arith.constant 2 : i32
    %div3A = arith.divsi %add3A, %jit3A : i32
    %sign3A = arith.constant 0 : i32
    %sign3A_1 = arith.cmpi sgt, %add3A, %sign3A : i32
    %sign3A_2 = arith.extui %sign3A_1 : i1 to i32
    %sign3A_3 = arith.constant 0 : i32
    %sign3A_4 = arith.cmpi slt, %add3A, %sign3A_3 : i32
    %sign3A_5 = arith.extui %sign3A_4 : i1 to i32
    %sign3A_6 = arith.subi %sign3A_2, %sign3A_5 : i32
    %sign3A_7 = arith.constant 0 : i32
    %sign3A_8 = arith.cmpi sgt, %jit3A, %sign3A_7 : i32
    %sign3A_9 = arith.extui %sign3A_8 : i1 to i32
    %sign3A_10 = arith.constant 0 : i32
    %sign3A_11 = arith.cmpi slt, %jit3A, %sign3A_10 : i32
    %sign3A_12 = arith.extui %sign3A_11 : i1 to i32
    %sign3A_13 = arith.subi %sign3A_9, %sign3A_12 : i32
    %ne3A = arith.cmpi ne, %sign3A_6, %sign3A_13 : i32
    %rem3A = arith.remsi %add3A, %jit3A : i32
    %ne3A_14 = arith.constant 0 : i32
    %ne3A_15 = arith.cmpi ne, %rem3A, %ne3A_14 : i32
    %and3A = arith.andi %ne3A, %ne3A_15 : i1
    %sub3A = arith.constant 1 : i32
    %sub3A_16 = arith.subi %div3A, %sub3A : i32
    %select_n3A = arith.select %and3A, %sub3A_16, %div3A : i32
    %jit3A_17 = arith.constant 2 : i32
    %eq3A = arith.constant 0 : i32
    %eq3A_18 = arith.cmpi eq, %jit3A_17, %eq3A : i32
    %jit3A_19 = arith.constant 1 : i32
    %select_n3A_20 = arith.select %eq3A_18, %jit3A_19, %jit3A_17 : i32
    %rem3A_21 = arith.remsi %add3A, %select_n3A_20 : i32
    %ne3A_22 = arith.constant 0 : i32
    %ne3A_23 = arith.cmpi ne, %rem3A_21, %ne3A_22 : i32
    %lt3A = arith.constant 0 : i32
    %lt3A_24 = arith.cmpi slt, %rem3A_21, %lt3A : i32
    %lt3A_25 = arith.constant 0 : i32
    %lt3A_26 = arith.cmpi slt, %select_n3A_20, %lt3A_25 : i32
    %ne3A_27 = arith.xori %lt3A_24, %lt3A_26 : i1
    %and3A_28 = arith.andi %ne3A_27, %ne3A_23 : i1
    %add3A_29 = arith.addi %rem3A_21, %select_n3A_20 : i32
    %select_n3A_30 = arith.select %and3A_28, %add3A_29, %rem3A_21 : i32
    %mul3A_31 = arith.constant 1024 : i32
    %mul3A_32 = arith.muli %select_n3A_30, %mul3A_31 : i32
    "tpu.region"() ({
      %run_scoped3A = tpu.sem_alloc : memref<!tpu.dma_semaphore, #tpu.memory_space<semaphore_mem>>
      %dma_start3A_446 = tpu.memref_slice %arg2[%select_n3A, %mul3A_32] : memref<16x2048xi32, #tpu.memory_space<hbm>> -> memref<1x1024xi32, #tpu.memory_space<hbm>>
      %dma_start3A_447 = tpu.memref_squeeze %dma_start3A_446 : memref<1x1024xi32, #tpu.memory_space<hbm>> -> memref<1024xi32, #tpu.memory_space<hbm>>
      %dma_start3A_448 = tpu.memref_slice %arg2[%select_n3A, %mul3A_32] : memref<16x2048xi32, #tpu.memory_space<hbm>> -> memref<1x1024xi32, #tpu.memory_space<hbm>>
      %dma_start3A_449 = tpu.memref_squeeze %dma_start3A_448 : memref<1x1024xi32, #tpu.memory_space<hbm>> -> memref<1024xi32, #tpu.memory_space<hbm>>
      tpu.enqueue_dma source(%dma_start3A_449 : memref<1024xi32, #tpu.memory_space<hbm>>) target(%arg6 : memref<1024xi32, #tpu.memory_space<vmem>>) target_semaphore(%run_scoped3A : memref<!tpu.dma_semaphore, #tpu.memory_space<semaphore_mem>>)
      %dma_wait3A_450 = tpu.memref_slice %arg2[%select_n3A, %mul3A_32] : memref<16x2048xi32, #tpu.memory_space<hbm>> -> memref<1x1024xi32, #tpu.memory_space<hbm>>
      %dma_wait3A_451 = tpu.memref_squeeze %dma_wait3A_450 : memref<1x1024xi32, #tpu.memory_space<hbm>> -> memref<1024xi32, #tpu.memory_space<hbm>>
      %dma_wait3A_452 = tpu.memref_slice %arg2[%select_n3A, %mul3A_32] : memref<16x2048xi32, #tpu.memory_space<hbm>> -> memref<1x1024xi32, #tpu.memory_space<hbm>>
      %dma_wait3A_453 = tpu.memref_squeeze %dma_wait3A_452 : memref<1x1024xi32, #tpu.memory_space<hbm>> -> memref<1024xi32, #tpu.memory_space<hbm>>
      tpu.wait_dma2 semaphore(%run_scoped3A : memref<!tpu.dma_semaphore, #tpu.memory_space<semaphore_mem>>) src(%dma_wait3A_453 : memref<1024xi32, #tpu.memory_space<hbm>>) dst(%arg6 : memref<1024xi32, #tpu.memory_space<vmem>>)
      tpu.yield
    }) : () -> ()
    %add3A_33 = arith.constant 0 : i32
    %add3A_34 = arith.addi %mul3A_32, %add3A_33 : i32
    %dma_start3A = arith.constant 0 : i32
    %dma_start3A_35 = arith.constant 0 : i32
    %dma_start3A_36 = tpu.memref_slice %arg4[%dma_start3A, %add3A_34, %dma_start3A_35] : memref<1x2048x64xf32, #tpu.memory_space<hbm>> -> memref<1x128x64xf32, #tpu.memory_space<hbm>>
    %dma_start3A_37 = tpu.memref_squeeze %dma_start3A_36 : memref<1x128x64xf32, #tpu.memory_space<hbm>> -> memref<128x64xf32, #tpu.memory_space<hbm>>
    %dma_start3A_38 = arith.constant 0 : i32
    %dma_start3A_39 = tpu.memref_slice %arg4[%dma_start3A, %add3A_34, %dma_start3A_38] : memref<1x2048x64xf32, #tpu.memory_space<hbm>> -> memref<1x128x64xf32, #tpu.memory_space<hbm>>
    %dma_start3A_40 = tpu.memref_squeeze %dma_start3A_39 : memref<1x128x64xf32, #tpu.memory_space<hbm>> -> memref<128x64xf32, #tpu.memory_space<hbm>>
    tpu.enqueue_dma source(%dma_start3A_40 : memref<128x64xf32, #tpu.memory_space<hbm>>) target(%arg9 : memref<128x64xf32, #tpu.memory_space<vmem>>) target_semaphore(%arg15 : memref<!tpu.dma_semaphore, #tpu.memory_space<semaphore_mem>>)
    %scan3A = arith.constant 0 : i32
    %scan3A_41 = arith.constant 0 : i32
    %scan3A_42 = arith.constant 8 : i32
    %scan3A_43 = arith.addi %scan3A_41, %scan3A_42 : i32
    %scan3A_44 = arith.constant 1 : i32
    %scan3A_45 = scf.for %scan3A_446 = %scan3A_41 to %scan3A_43 step %scan3A_44 iter_args(%scan3A_447 = %scan3A) -> (i32)  : i32 {
      %mul3A_448 = arith.constant 16 : i32
      %mul3A_449 = arith.muli %scan3A_446, %mul3A_448 : i32
      %add3A_450 = arith.constant 0 : i32
      %add3A_451 = arith.addi %add3A_450, %mul3A_449 : i32
      %get3A = arith.index_cast %add3A_451 : i32 to index
      %get3A_452 = tpu.vector_load %arg6[%get3A] {strides = array<i32>} : memref<1024xi32, #tpu.memory_space<vmem>>, vector<16xi32>,
      %slice3A = vector.extract_strided_slice %get3A_452 {offsets = [0], sizes = [1], strides = [1]} : vector<16xi32> to vector<1xi32>
      %squeeze3A = vector.extract %slice3A[0] : i32 from vector<1xi32>
      %mul3A_453 = arith.constant 16 : i32
      %mul3A_454 = arith.muli %scan3A_446, %mul3A_453 : i32
      %add3A_455 = arith.constant 0 : i32
      %add3A_456 = arith.addi %mul3A_454, %add3A_455 : i32
      %dma_start3A_457 = arith.constant 0 : i32
      %dma_start3A_458 = tpu.memref_slice %arg7[%add3A_456, %dma_start3A_457] : memref<128x64xf32, #tpu.memory_space<vmem>> -> memref<1x64xf32, #tpu.memory_space<vmem>>
      %dma_start3A_459 = arith.constant 0 : i32
      %dma_start3A_460 = tpu.memref_slice %arg3[%squeeze3A, %dma_start3A_459] : memref<1000000x64xf32, #tpu.memory_space<hbm>> -> memref<1x64xf32, #tpu.memory_space<hbm>>
      %dma_start3A_461 = arith.constant 0 : i32
      %dma_start3A_462 = tpu.memref_slice %arg7[%add3A_456, %dma_start3A_461] : memref<128x64xf32, #tpu.memory_space<vmem>> -> memref<1x64xf32, #tpu.memory_space<vmem>>
      %dma_start3A_463 = arith.constant 0 : i32
      %dma_start3A_464 = tpu.memref_slice %arg3[%squeeze3A, %dma_start3A_463] : memref<1000000x64xf32, #tpu.memory_space<hbm>> -> memref<1x64xf32, #tpu.memory_space<hbm>>
      tpu.enqueue_dma source(%dma_start3A_464 : memref<1x64xf32, #tpu.memory_space<hbm>>) target(%dma_start3A_462 : memref<1x64xf32, #tpu.memory_space<vmem>>) target_semaphore(%arg11 : memref<!tpu.dma_semaphore, #tpu.memory_space<semaphore_mem>>)
      %slice3A_465 = vector.extract_strided_slice %get3A_452 {offsets = [1], sizes = [1], strides = [1]} : vector<16xi32> to vector<1xi32>
      %squeeze3A_466 = vector.extract %slice3A_465[0] : i32 from vector<1xi32>
      %mul3A_467 = arith.constant 16 : i32
      %mul3A_468 = arith.muli %scan3A_446, %mul3A_467 : i32
      %add3A_469 = arith.constant 1 : i32
      %add3A_470 = arith.addi %mul3A_468, %add3A_469 : i32
      %dma_start3A_471 = arith.constant 0 : i32
      %dma_start3A_472 = tpu.memref_slice %arg7[%add3A_470, %dma_start3A_471] : memref<128x64xf32, #tpu.memory_space<vmem>> -> memref<1x64xf32, #tpu.memory_space<vmem>>
      %dma_start3A_473 = arith.constant 0 : i32
      %dma_start3A_474 = tpu.memref_slice %arg3[%squeeze3A_466, %dma_start3A_473] : memref<1000000x64xf32, #tpu.memory_space<hbm>> -> memref<1x64xf32, #tpu.memory_space<hbm>>
      %dma_start3A_475 = arith.constant 0 : i32
      %dma_start3A_476 = tpu.memref_slice %arg7[%add3A_470, %dma_start3A_475] : memref<128x64xf32, #tpu.memory_space<vmem>> -> memref<1x64xf32, #tpu.memory_space<vmem>>
      %dma_start3A_477 = arith.constant 0 : i32
      %dma_start3A_478 = tpu.memref_slice %arg3[%squeeze3A_466, %dma_start3A_477] : memref<1000000x64xf32, #tpu.memory_space<hbm>> -> memref<1x64xf32, #tpu.memory_space<hbm>>
      tpu.enqueue_dma source(%dma_start3A_478 : memref<1x64xf32, #tpu.memory_space<hbm>>) target(%dma_start3A_476 : memref<1x64xf32, #tpu.memory_space<vmem>>) target_semaphore(%arg11 : memref<!tpu.dma_semaphore, #tpu.memory_space<semaphore_mem>>)
      %slice3A_479 = vector.extract_strided_slice %get3A_452 {offsets = [2], sizes = [1], strides = [1]} : vector<16xi32> to vector<1xi32>
      %squeeze3A_480 = vector.extract %slice3A_479[0] : i32 from vector<1xi32>
      %mul3A_481 = arith.constant 16 : i32
      %mul3A_482 = arith.muli %scan3A_446, %mul3A_481 : i32
      %add3A_483 = arith.constant 2 : i32
      %add3A_484 = arith.addi %mul3A_482, %add3A_483 : i32
      %dma_start3A_485 = arith.constant 0 : i32
      %dma_start3A_486 = tpu.memref_slice %arg7[%add3A_484, %dma_start3A_485] : memref<128x64xf32, #tpu.memory_space<vmem>> -> memref<1x64xf32, #tpu.memory_space<vmem>>
      %dma_start3A_487 = arith.constant 0 : i32
      %dma_start3A_488 = tpu.memref_slice %arg3[%squeeze3A_480, %dma_start3A_487] : memref<1000000x64xf32, #tpu.memory_space<hbm>> -> memref<1x64xf32, #tpu.memory_space<hbm>>
      %dma_start3A_489 = arith.constant 0 : i32
      %dma_start3A_490 = tpu.memref_slice %arg7[%add3A_484, %dma_start3A_489] : memref<128x64xf32, #tpu.memory_space<vmem>> -> memref<1x64xf32, #tpu.memory_space<vmem>>
      %dma_start3A_491 = arith.constant 0 : i32
      %dma_start3A_492 = tpu.memref_slice %arg3[%squeeze3A_480, %dma_start3A_491] : memref<1000000x64xf32, #tpu.memory_space<hbm>> -> memref<1x64xf32, #tpu.memory_space<hbm>>
      tpu.enqueue_dma source(%dma_start3A_492 : memref<1x64xf32, #tpu.memory_space<hbm>>) target(%dma_start3A_490 : memref<1x64xf32, #tpu.memory_space<vmem>>) target_semaphore(%arg11 : memref<!tpu.dma_semaphore, #tpu.memory_space<semaphore_mem>>)
      %slice3A_493 = vector.extract_strided_slice %get3A_452 {offsets = [3], sizes = [1], strides = [1]} : vector<16xi32> to vector<1xi32>
      %squeeze3A_494 = vector.extract %slice3A_493[0] : i32 from vector<1xi32>
      %mul3A_495 = arith.constant 16 : i32
      %mul3A_496 = arith.muli %scan3A_446, %mul3A_495 : i32
      %add3A_497 = arith.constant 3 : i32
      %add3A_498 = arith.addi %mul3A_496, %add3A_497 : i32
      %dma_start3A_499 = arith.constant 0 : i32
      %dma_start3A_500 = tpu.memref_slice %arg7[%add3A_498, %dma_start3A_499] : memref<128x64xf32, #tpu.memory_space<vmem>> -> memref<1x64xf32, #tpu.memory_space<vmem>>
      %dma_start3A_501 = arith.constant 0 : i32
      %dma_start3A_502 = tpu.memref_slice %arg3[%squeeze3A_494, %dma_start3A_501] : memref<1000000x64xf32, #tpu.memory_space<hbm>> -> memref<1x64xf32, #tpu.memory_space<hbm>>
      %dma_start3A_503 = arith.constant 0 : i32
      %dma_start3A_504 = tpu.memref_slice %arg7[%add3A_498, %dma_start3A_503] : memref<128x64xf32, #tpu.memory_space<vmem>> -> memref<1x64xf32, #tpu.memory_space<vmem>>
      %dma_start3A_505 = arith.constant 0 : i32
      %dma_start3A_506 = tpu.memref_slice %arg3[%squeeze3A_494, %dma_start3A_505] : memref<1000000x64xf32, #tpu.memory_space<hbm>> -> memref<1x64xf32, #tpu.memory_space<hbm>>
      tpu.enqueue_dma source(%dma_start3A_506 : memref<1x64xf32, #tpu.memory_space<hbm>>) target(%dma_start3A_504 : memref<1x64xf32, #tpu.memory_space<vmem>>) target_semaphore(%arg11 : memref<!tpu.dma_semaphore, #tpu.memory_space<semaphore_mem>>)
      %slice3A_507 = vector.extract_strided_slice %get3A_452 {offsets = [4], sizes = [1], strides = [1]} : vector<16xi32> to vector<1xi32>
      %squeeze3A_508 = vector.extract %slice3A_507[0] : i32 from vector<1xi32>
      %mul3A_509 = arith.constant 16 : i32
      %mul3A_510 = arith.muli %scan3A_446, %mul3A_509 : i32
      %add3A_511 = arith.constant 4 : i32
      %add3A_512 = arith.addi %mul3A_510, %add3A_511 : i32
      %dma_start3A_513 = arith.constant 0 : i32
      %dma_start3A_514 = tpu.memref_slice %arg7[%add3A_512, %dma_start3A_513] : memref<128x64xf32, #tpu.memory_space<vmem>> -> memref<1x64xf32, #tpu.memory_space<vmem>>
      %dma_start3A_515 = arith.constant 0 : i32
      %dma_start3A_516 = tpu.memref_slice %arg3[%squeeze3A_508, %dma_start3A_515] : memref<1000000x64xf32, #tpu.memory_space<hbm>> -> memref<1x64xf32, #tpu.memory_space<hbm>>
      %dma_start3A_517 = arith.constant 0 : i32
      %dma_start3A_518 = tpu.memref_slice %arg7[%add3A_512, %dma_start3A_517] : memref<128x64xf32, #tpu.memory_space<vmem>> -> memref<1x64xf32, #tpu.memory_space<vmem>>
      %dma_start3A_519 = arith.constant 0 : i32
      %dma_start3A_520 = tpu.memref_slice %arg3[%squeeze3A_508, %dma_start3A_519] : memref<1000000x64xf32, #tpu.memory_space<hbm>> -> memref<1x64xf32, #tpu.memory_space<hbm>>
      tpu.enqueue_dma source(%dma_start3A_520 : memref<1x64xf32, #tpu.memory_space<hbm>>) target(%dma_start3A_518 : memref<1x64xf32, #tpu.memory_space<vmem>>) target_semaphore(%arg11 : memref<!tpu.dma_semaphore, #tpu.memory_space<semaphore_mem>>)
      %slice3A_521 = vector.extract_strided_slice %get3A_452 {offsets = [5], sizes = [1], strides = [1]} : vector<16xi32> to vector<1xi32>
      %squeeze3A_522 = vector.extract %slice3A_521[0] : i32 from vector<1xi32>
      %mul3A_523 = arith.constant 16 : i32
      %mul3A_524 = arith.muli %scan3A_446, %mul3A_523 : i32
      %add3A_525 = arith.constant 5 : i32
      %add3A_526 = arith.addi %mul3A_524, %add3A_525 : i32
      %dma_start3A_527 = arith.constant 0 : i32
      %dma_start3A_528 = tpu.memref_slice %arg7[%add3A_526, %dma_start3A_527] : memref<128x64xf32, #tpu.memory_space<vmem>> -> memref<1x64xf32, #tpu.memory_space<vmem>>
      %dma_start3A_529 = arith.constant 0 : i32
      %dma_start3A_530 = tpu.memref_slice %arg3[%squeeze3A_522, %dma_start3A_529] : memref<1000000x64xf32, #tpu.memory_space<hbm>> -> memref<1x64xf32, #tpu.memory_space<hbm>>
      %dma_start3A_531 = arith.constant 0 : i32
      %dma_start3A_532 = tpu.memref_slice %arg7[%add3A_526, %dma_start3A_531] : memref<128x64xf32, #tpu.memory_space<vmem>> -> memref<1x64xf32, #tpu.memory_space<vmem>>
      %dma_start3A_533 = arith.constant 0 : i32
      %dma_start3A_534 = tpu.memref_slice %arg3[%squeeze3A_522, %dma_start3A_533] : memref<1000000x64xf32, #tpu.memory_space<hbm>> -> memref<1x64xf32, #tpu.memory_space<hbm>>
      tpu.enqueue_dma source(%dma_start3A_534 : memref<1x64xf32, #tpu.memory_space<hbm>>) target(%dma_start3A_532 : memref<1x64xf32, #tpu.memory_space<vmem>>) target_semaphore(%arg11 : memref<!tpu.dma_semaphore, #tpu.memory_space<semaphore_mem>>)
      %slice3A_535 = vector.extract_strided_slice %get3A_452 {offsets = [6], sizes = [1], strides = [1]} : vector<16xi32> to vector<1xi32>
      %squeeze3A_536 = vector.extract %slice3A_535[0] : i32 from vector<1xi32>
      %mul3A_537 = arith.constant 16 : i32
      %mul3A_538 = arith.muli %scan3A_446, %mul3A_537 : i32
      %add3A_539 = arith.constant 6 : i32
      %add3A_540 = arith.addi %mul3A_538, %add3A_539 : i32
      %dma_start3A_541 = arith.constant 0 : i32
      %dma_start3A_542 = tpu.memref_slice %arg7[%add3A_540, %dma_start3A_541] : memref<128x64xf32, #tpu.memory_space<vmem>> -> memref<1x64xf32, #tpu.memory_space<vmem>>
      %dma_start3A_543 = arith.constant 0 : i32
      %dma_start3A_544 = tpu.memref_slice %arg3[%squeeze3A_536, %dma_start3A_543] : memref<1000000x64xf32, #tpu.memory_space<hbm>> -> memref<1x64xf32, #tpu.memory_space<hbm>>
      %dma_start3A_545 = arith.constant 0 : i32
      %dma_start3A_546 = tpu.memref_slice %arg7[%add3A_540, %dma_start3A_545] : memref<128x64xf32, #tpu.memory_space<vmem>> -> memref<1x64xf32, #tpu.memory_space<vmem>>
      %dma_start3A_547 = arith.constant 0 : i32
      %dma_start3A_548 = tpu.memref_slice %arg3[%squeeze3A_536, %dma_start3A_547] : memref<1000000x64xf32, #tpu.memory_space<hbm>> -> memref<1x64xf32, #tpu.memory_space<hbm>>
      tpu.enqueue_dma source(%dma_start3A_548 : memref<1x64xf32, #tpu.memory_space<hbm>>) target(%dma_start3A_546 : memref<1x64xf32, #tpu.memory_space<vmem>>) target_semaphore(%arg11 : memref<!tpu.dma_semaphore, #tpu.memory_space<semaphore_mem>>)
      %slice3A_549 = vector.extract_strided_slice %get3A_452 {offsets = [7], sizes = [1], strides = [1]} : vector<16xi32> to vector<1xi32>
      %squeeze3A_550 = vector.extract %slice3A_549[0] : i32 from vector<1xi32>
      %mul3A_551 = arith.constant 16 : i32
      %mul3A_552 = arith.muli %scan3A_446, %mul3A_551 : i32
      %add3A_553 = arith.constant 7 : i32
      %add3A_554 = arith.addi %mul3A_552, %add3A_553 : i32
      %dma_start3A_555 = arith.constant 0 : i32
      %dma_start3A_556 = tpu.memref_slice %arg7[%add3A_554, %dma_start3A_555] : memref<128x64xf32, #tpu.memory_space<vmem>> -> memref<1x64xf32, #tpu.memory_space<vmem>>
      %dma_start3A_557 = arith.constant 0 : i32
      %dma_start3A_558 = tpu.memref_slice %arg3[%squeeze3A_550, %dma_start3A_557] : memref<1000000x64xf32, #tpu.memory_space<hbm>> -> memref<1x64xf32, #tpu.memory_space<hbm>>
      %dma_start3A_559 = arith.constant 0 : i32
      %dma_start3A_560 = tpu.memref_slice %arg7[%add3A_554, %dma_start3A_559] : memref<128x64xf32, #tpu.memory_space<vmem>> -> memref<1x64xf32, #tpu.memory_space<vmem>>
      %dma_start3A_561 = arith.constant 0 : i32
      %dma_start3A_562 = tpu.memref_slice %arg3[%squeeze3A_550, %dma_start3A_561] : memref<1000000x64xf32, #tpu.memory_space<hbm>> -> memref<1x64xf32, #tpu.memory_space<hbm>>
      tpu.enqueue_dma source(%dma_start3A_562 : memref<1x64xf32, #tpu.memory_space<hbm>>) target(%dma_start3A_560 : memref<1x64xf32, #tpu.memory_space<vmem>>) target_semaphore(%arg11 : memref<!tpu.dma_semaphore, #tpu.memory_space<semaphore_mem>>)
      %slice3A_563 = vector.extract_strided_slice %get3A_452 {offsets = [8], sizes = [1], strides = [1]} : vector<16xi32> to vector<1xi32>
      %squeeze3A_564 = vector.extract %slice3A_563[0] : i32 from vector<1xi32>
      %mul3A_565 = arith.constant 16 : i32
      %mul3A_566 = arith.muli %scan3A_446, %mul3A_565 : i32
      %add3A_567 = arith.constant 8 : i32
      %add3A_568 = arith.addi %mul3A_566, %add3A_567 : i32
      %dma_start3A_569 = arith.constant 0 : i32
      %dma_start3A_570 = tpu.memref_slice %arg7[%add3A_568, %dma_start3A_569] : memref<128x64xf32, #tpu.memory_space<vmem>> -> memref<1x64xf32, #tpu.memory_space<vmem>>
      %dma_start3A_571 = arith.constant 0 : i32
      %dma_start3A_572 = tpu.memref_slice %arg3[%squeeze3A_564, %dma_start3A_571] : memref<1000000x64xf32, #tpu.memory_space<hbm>> -> memref<1x64xf32, #tpu.memory_space<hbm>>
      %dma_start3A_573 = arith.constant 0 : i32
      %dma_start3A_574 = tpu.memref_slice %arg7[%add3A_568, %dma_start3A_573] : memref<128x64xf32, #tpu.memory_space<vmem>> -> memref<1x64xf32, #tpu.memory_space<vmem>>
      %dma_start3A_575 = arith.constant 0 : i32
      %dma_start3A_576 = tpu.memref_slice %arg3[%squeeze3A_564, %dma_start3A_575] : memref<1000000x64xf32, #tpu.memory_space<hbm>> -> memref<1x64xf32, #tpu.memory_space<hbm>>
      tpu.enqueue_dma source(%dma_start3A_576 : memref<1x64xf32, #tpu.memory_space<hbm>>) target(%dma_start3A_574 : memref<1x64xf32, #tpu.memory_space<vmem>>) target_semaphore(%arg11 : memref<!tpu.dma_semaphore, #tpu.memory_space<semaphore_mem>>)
      %slice3A_577 = vector.extract_strided_slice %get3A_452 {offsets = [9], sizes = [1], strides = [1]} : vector<16xi32> to vector<1xi32>
      %squeeze3A_578 = vector.extract %slice3A_577[0] : i32 from vector<1xi32>
      %mul3A_579 = arith.constant 16 : i32
      %mul3A_580 = arith.muli %scan3A_446, %mul3A_579 : i32
      %add3A_581 = arith.constant 9 : i32
      %add3A_582 = arith.addi %mul3A_580, %add3A_581 : i32
      %dma_start3A_583 = arith.constant 0 : i32
      %dma_start3A_584 = tpu.memref_slice %arg7[%add3A_582, %dma_start3A_583] : memref<128x64xf32, #tpu.memory_space<vmem>> -> memref<1x64xf32, #tpu.memory_space<vmem>>
      %dma_start3A_585 = arith.constant 0 : i32
      %dma_start3A_586 = tpu.memref_slice %arg3[%squeeze3A_578, %dma_start3A_585] : memref<1000000x64xf32, #tpu.memory_space<hbm>> -> memref<1x64xf32, #tpu.memory_space<hbm>>
      %dma_start3A_587 = arith.constant 0 : i32
      %dma_start3A_588 = tpu.memref_slice %arg7[%add3A_582, %dma_start3A_587] : memref<128x64xf32, #tpu.memory_space<vmem>> -> memref<1x64xf32, #tpu.memory_space<vmem>>
      %dma_start3A_589 = arith.constant 0 : i32
      %dma_start3A_590 = tpu.memref_slice %arg3[%squeeze3A_578, %dma_start3A_589] : memref<1000000x64xf32, #tpu.memory_space<hbm>> -> memref<1x64xf32, #tpu.memory_space<hbm>>
      tpu.enqueue_dma source(%dma_start3A_590 : memref<1x64xf32, #tpu.memory_space<hbm>>) target(%dma_start3A_588 : memref<1x64xf32, #tpu.memory_space<vmem>>) target_semaphore(%arg11 : memref<!tpu.dma_semaphore, #tpu.memory_space<semaphore_mem>>)
      %slice3A_591 = vector.extract_strided_slice %get3A_452 {offsets = [10], sizes = [1], strides = [1]} : vector<16xi32> to vector<1xi32>
      %squeeze3A_592 = vector.extract %slice3A_591[0] : i32 from vector<1xi32>
      %mul3A_593 = arith.constant 16 : i32
      %mul3A_594 = arith.muli %scan3A_446, %mul3A_593 : i32
      %add3A_595 = arith.constant 10 : i32
      %add3A_596 = arith.addi %mul3A_594, %add3A_595 : i32
      %dma_start3A_597 = arith.constant 0 : i32
      %dma_start3A_598 = tpu.memref_slice %arg7[%add3A_596, %dma_start3A_597] : memref<128x64xf32, #tpu.memory_space<vmem>> -> memref<1x64xf32, #tpu.memory_space<vmem>>
      %dma_start3A_599 = arith.constant 0 : i32
      %dma_start3A_600 = tpu.memref_slice %arg3[%squeeze3A_592, %dma_start3A_599] : memref<1000000x64xf32, #tpu.memory_space<hbm>> -> memref<1x64xf32, #tpu.memory_space<hbm>>
      %dma_start3A_601 = arith.constant 0 : i32
      %dma_start3A_602 = tpu.memref_slice %arg7[%add3A_596, %dma_start3A_601] : memref<128x64xf32, #tpu.memory_space<vmem>> -> memref<1x64xf32, #tpu.memory_space<vmem>>
      %dma_start3A_603 = arith.constant 0 : i32
      %dma_start3A_604 = tpu.memref_slice %arg3[%squeeze3A_592, %dma_start3A_603] : memref<1000000x64xf32, #tpu.memory_space<hbm>> -> memref<1x64xf32, #tpu.memory_space<hbm>>
      tpu.enqueue_dma source(%dma_start3A_604 : memref<1x64xf32, #tpu.memory_space<hbm>>) target(%dma_start3A_602 : memref<1x64xf32, #tpu.memory_space<vmem>>) target_semaphore(%arg11 : memref<!tpu.dma_semaphore, #tpu.memory_space<semaphore_mem>>)
      %slice3A_605 = vector.extract_strided_slice %get3A_452 {offsets = [11], sizes = [1], strides = [1]} : vector<16xi32> to vector<1xi32>
      %squeeze3A_606 = vector.extract %slice3A_605[0] : i32 from vector<1xi32>
      %mul3A_607 = arith.constant 16 : i32
      %mul3A_608 = arith.muli %scan3A_446, %mul3A_607 : i32
      %add3A_609 = arith.constant 11 : i32
      %add3A_610 = arith.addi %mul3A_608, %add3A_609 : i32
      %dma_start3A_611 = arith.constant 0 : i32
      %dma_start3A_612 = tpu.memref_slice %arg7[%add3A_610, %dma_start3A_611] : memref<128x64xf32, #tpu.memory_space<vmem>> -> memref<1x64xf32, #tpu.memory_space<vmem>>
      %dma_start3A_613 = arith.constant 0 : i32
      %dma_start3A_614 = tpu.memref_slice %arg3[%squeeze3A_606, %dma_start3A_613] : memref<1000000x64xf32, #tpu.memory_space<hbm>> -> memref<1x64xf32, #tpu.memory_space<hbm>>
      %dma_start3A_615 = arith.constant 0 : i32
      %dma_start3A_616 = tpu.memref_slice %arg7[%add3A_610, %dma_start3A_615] : memref<128x64xf32, #tpu.memory_space<vmem>> -> memref<1x64xf32, #tpu.memory_space<vmem>>
      %dma_start3A_617 = arith.constant 0 : i32
      %dma_start3A_618 = tpu.memref_slice %arg3[%squeeze3A_606, %dma_start3A_617] : memref<1000000x64xf32, #tpu.memory_space<hbm>> -> memref<1x64xf32, #tpu.memory_space<hbm>>
      tpu.enqueue_dma source(%dma_start3A_618 : memref<1x64xf32, #tpu.memory_space<hbm>>) target(%dma_start3A_616 : memref<1x64xf32, #tpu.memory_space<vmem>>) target_semaphore(%arg11 : memref<!tpu.dma_semaphore, #tpu.memory_space<semaphore_mem>>)
      %slice3A_619 = vector.extract_strided_slice %get3A_452 {offsets = [12], sizes = [1], strides = [1]} : vector<16xi32> to vector<1xi32>
      %squeeze3A_620 = vector.extract %slice3A_619[0] : i32 from vector<1xi32>
      %mul3A_621 = arith.constant 16 : i32
      %mul3A_622 = arith.muli %scan3A_446, %mul3A_621 : i32
      %add3A_623 = arith.constant 12 : i32
      %add3A_624 = arith.addi %mul3A_622, %add3A_623 : i32
      %dma_start3A_625 = arith.constant 0 : i32
      %dma_start3A_626 = tpu.memref_slice %arg7[%add3A_624, %dma_start3A_625] : memref<128x64xf32, #tpu.memory_space<vmem>> -> memref<1x64xf32, #tpu.memory_space<vmem>>
      %dma_start3A_627 = arith.constant 0 : i32
      %dma_start3A_628 = tpu.memref_slice %arg3[%squeeze3A_620, %dma_start3A_627] : memref<1000000x64xf32, #tpu.memory_space<hbm>> -> memref<1x64xf32, #tpu.memory_space<hbm>>
      %dma_start3A_629 = arith.constant 0 : i32
      %dma_start3A_630 = tpu.memref_slice %arg7[%add3A_624, %dma_start3A_629] : memref<128x64xf32, #tpu.memory_space<vmem>> -> memref<1x64xf32, #tpu.memory_space<vmem>>
      %dma_start3A_631 = arith.constant 0 : i32
      %dma_start3A_632 = tpu.memref_slice %arg3[%squeeze3A_620, %dma_start3A_631] : memref<1000000x64xf32, #tpu.memory_space<hbm>> -> memref<1x64xf32, #tpu.memory_space<hbm>>
      tpu.enqueue_dma source(%dma_start3A_632 : memref<1x64xf32, #tpu.memory_space<hbm>>) target(%dma_start3A_630 : memref<1x64xf32, #tpu.memory_space<vmem>>) target_semaphore(%arg11 : memref<!tpu.dma_semaphore, #tpu.memory_space<semaphore_mem>>)
      %slice3A_633 = vector.extract_strided_slice %get3A_452 {offsets = [13], sizes = [1], strides = [1]} : vector<16xi32> to vector<1xi32>
      %squeeze3A_634 = vector.extract %slice3A_633[0] : i32 from vector<1xi32>
      %mul3A_635 = arith.constant 16 : i32
      %mul3A_636 = arith.muli %scan3A_446, %mul3A_635 : i32
      %add3A_637 = arith.constant 13 : i32
      %add3A_638 = arith.addi %mul3A_636, %add3A_637 : i32
      %dma_start3A_639 = arith.constant 0 : i32
      %dma_start3A_640 = tpu.memref_slice %arg7[%add3A_638, %dma_start3A_639] : memref<128x64xf32, #tpu.memory_space<vmem>> -> memref<1x64xf32, #tpu.memory_space<vmem>>
      %dma_start3A_641 = arith.constant 0 : i32
      %dma_start3A_642 = tpu.memref_slice %arg3[%squeeze3A_634, %dma_start3A_641] : memref<1000000x64xf32, #tpu.memory_space<hbm>> -> memref<1x64xf32, #tpu.memory_space<hbm>>
      %dma_start3A_643 = arith.constant 0 : i32
      %dma_start3A_644 = tpu.memref_slice %arg7[%add3A_638, %dma_start3A_643] : memref<128x64xf32, #tpu.memory_space<vmem>> -> memref<1x64xf32, #tpu.memory_space<vmem>>
      %dma_start3A_645 = arith.constant 0 : i32
      %dma_start3A_646 = tpu.memref_slice %arg3[%squeeze3A_634, %dma_start3A_645] : memref<1000000x64xf32, #tpu.memory_space<hbm>> -> memref<1x64xf32, #tpu.memory_space<hbm>>
      tpu.enqueue_dma source(%dma_start3A_646 : memref<1x64xf32, #tpu.memory_space<hbm>>) target(%dma_start3A_644 : memref<1x64xf32, #tpu.memory_space<vmem>>) target_semaphore(%arg11 : memref<!tpu.dma_semaphore, #tpu.memory_space<semaphore_mem>>)
      %slice3A_647 = vector.extract_strided_slice %get3A_452 {offsets = [14], sizes = [1], strides = [1]} : vector<16xi32> to vector<1xi32>
      %squeeze3A_648 = vector.extract %slice3A_647[0] : i32 from vector<1xi32>
      %mul3A_649 = arith.constant 16 : i32
      %mul3A_650 = arith.muli %scan3A_446, %mul3A_649 : i32
      %add3A_651 = arith.constant 14 : i32
      %add3A_652 = arith.addi %mul3A_650, %add3A_651 : i32
      %dma_start3A_653 = arith.constant 0 : i32
      %dma_start3A_654 = tpu.memref_slice %arg7[%add3A_652, %dma_start3A_653] : memref<128x64xf32, #tpu.memory_space<vmem>> -> memref<1x64xf32, #tpu.memory_space<vmem>>
      %dma_start3A_655 = arith.constant 0 : i32
      %dma_start3A_656 = tpu.memref_slice %arg3[%squeeze3A_648, %dma_start3A_655] : memref<1000000x64xf32, #tpu.memory_space<hbm>> -> memref<1x64xf32, #tpu.memory_space<hbm>>
      %dma_start3A_657 = arith.constant 0 : i32
      %dma_start3A_658 = tpu.memref_slice %arg7[%add3A_652, %dma_start3A_657] : memref<128x64xf32, #tpu.memory_space<vmem>> -> memref<1x64xf32, #tpu.memory_space<vmem>>
      %dma_start3A_659 = arith.constant 0 : i32
      %dma_start3A_660 = tpu.memref_slice %arg3[%squeeze3A_648, %dma_start3A_659] : memref<1000000x64xf32, #tpu.memory_space<hbm>> -> memref<1x64xf32, #tpu.memory_space<hbm>>
      tpu.enqueue_dma source(%dma_start3A_660 : memref<1x64xf32, #tpu.memory_space<hbm>>) target(%dma_start3A_658 : memref<1x64xf32, #tpu.memory_space<vmem>>) target_semaphore(%arg11 : memref<!tpu.dma_semaphore, #tpu.memory_space<semaphore_mem>>)
      %slice3A_661 = vector.extract_strided_slice %get3A_452 {offsets = [15], sizes = [1], strides = [1]} : vector<16xi32> to vector<1xi32>
      %squeeze3A_662 = vector.extract %slice3A_661[0] : i32 from vector<1xi32>
      %mul3A_663 = arith.constant 16 : i32
      %mul3A_664 = arith.muli %scan3A_446, %mul3A_663 : i32
      %add3A_665 = arith.constant 15 : i32
      %add3A_666 = arith.addi %mul3A_664, %add3A_665 : i32
      %dma_start3A_667 = arith.constant 0 : i32
      %dma_start3A_668 = tpu.memref_slice %arg7[%add3A_666, %dma_start3A_667] : memref<128x64xf32, #tpu.memory_space<vmem>> -> memref<1x64xf32, #tpu.memory_space<vmem>>
      %dma_start3A_669 = arith.constant 0 : i32
      %dma_start3A_670 = tpu.memref_slice %arg3[%squeeze3A_662, %dma_start3A_669] : memref<1000000x64xf32, #tpu.memory_space<hbm>> -> memref<1x64xf32, #tpu.memory_space<hbm>>
      %dma_start3A_671 = arith.constant 0 : i32
      %dma_start3A_672 = tpu.memref_slice %arg7[%add3A_666, %dma_start3A_671] : memref<128x64xf32, #tpu.memory_space<vmem>> -> memref<1x64xf32, #tpu.memory_space<vmem>>
      %dma_start3A_673 = arith.constant 0 : i32
      %dma_start3A_674 = tpu.memref_slice %arg3[%squeeze3A_662, %dma_start3A_673] : memref<1000000x64xf32, #tpu.memory_space<hbm>> -> memref<1x64xf32, #tpu.memory_space<hbm>>
      tpu.enqueue_dma source(%dma_start3A_674 : memref<1x64xf32, #tpu.memory_space<hbm>>) target(%dma_start3A_672 : memref<1x64xf32, #tpu.memory_space<vmem>>) target_semaphore(%arg11 : memref<!tpu.dma_semaphore, #tpu.memory_space<semaphore_mem>>)
      %scan3A_675 = arith.constant 0 : i32
      scf.yield %scan3A_675 : i32
    }
    %scan3A_46 = arith.constant 8 : i32
    %add3A_47 = arith.constant 128 : i32
    %add3A_48 = arith.addi %mul3A_32, %add3A_47 : i32
    %dma_start3A_49 = arith.constant 0 : i32
    %dma_start3A_50 = arith.constant 0 : i32
    %dma_start3A_51 = tpu.memref_slice %arg4[%dma_start3A_49, %add3A_48, %dma_start3A_50] : memref<1x2048x64xf32, #tpu.memory_space<hbm>> -> memref<1x128x64xf32, #tpu.memory_space<hbm>>
    %dma_start3A_52 = tpu.memref_squeeze %dma_start3A_51 : memref<1x128x64xf32, #tpu.memory_space<hbm>> -> memref<128x64xf32, #tpu.memory_space<hbm>>
    %dma_start3A_53 = arith.constant 0 : i32
    %dma_start3A_54 = tpu.memref_slice %arg4[%dma_start3A_49, %add3A_48, %dma_start3A_53] : memref<1x2048x64xf32, #tpu.memory_space<hbm>> -> memref<1x128x64xf32, #tpu.memory_space<hbm>>
    %dma_start3A_55 = tpu.memref_squeeze %dma_start3A_54 : memref<1x128x64xf32, #tpu.memory_space<hbm>> -> memref<128x64xf32, #tpu.memory_space<hbm>>
    tpu.enqueue_dma source(%dma_start3A_55 : memref<128x64xf32, #tpu.memory_space<hbm>>) target(%arg10 : memref<128x64xf32, #tpu.memory_space<vmem>>) target_semaphore(%arg16 : memref<!tpu.dma_semaphore, #tpu.memory_space<semaphore_mem>>)
    %scan3A_56 = arith.constant 0 : i32
    %scan3A_57 = arith.constant 0 : i32
    %scan3A_58 = arith.constant 8 : i32
    %scan3A_59 = arith.addi %scan3A_57, %scan3A_58 : i32
    %scan3A_60 = arith.constant 1 : i32
    %scan3A_61 = scf.for %scan3A_446 = %scan3A_57 to %scan3A_59 step %scan3A_60 iter_args(%scan3A_447 = %scan3A_56) -> (i32)  : i32 {
      %mul3A_448 = arith.constant 16 : i32
      %mul3A_449 = arith.muli %scan3A_446, %mul3A_448 : i32
      %add3A_450 = arith.constant 128 : i32
      %add3A_451 = arith.addi %add3A_450, %mul3A_449 : i32
      %get3A = arith.index_cast %add3A_451 : i32 to index
      %get3A_452 = tpu.vector_load %arg6[%get3A] {strides = array<i32>} : memref<1024xi32, #tpu.memory_space<vmem>>, vector<16xi32>,
      %slice3A = vector.extract_strided_slice %get3A_452 {offsets = [0], sizes = [1], strides = [1]} : vector<16xi32> to vector<1xi32>
      %squeeze3A = vector.extract %slice3A[0] : i32 from vector<1xi32>
      %mul3A_453 = arith.constant 16 : i32
      %mul3A_454 = arith.muli %scan3A_446, %mul3A_453 : i32
      %add3A_455 = arith.constant 0 : i32
      %add3A_456 = arith.addi %mul3A_454, %add3A_455 : i32
      %dma_start3A_457 = arith.constant 0 : i32
      %dma_start3A_458 = tpu.memref_slice %arg8[%add3A_456, %dma_start3A_457] : memref<128x64xf32, #tpu.memory_space<vmem>> -> memref<1x64xf32, #tpu.memory_space<vmem>>
      %dma_start3A_459 = arith.constant 0 : i32
      %dma_start3A_460 = tpu.memref_slice %arg3[%squeeze3A, %dma_start3A_459] : memref<1000000x64xf32, #tpu.memory_space<hbm>> -> memref<1x64xf32, #tpu.memory_space<hbm>>
      %dma_start3A_461 = arith.constant 0 : i32
      %dma_start3A_462 = tpu.memref_slice %arg8[%add3A_456, %dma_start3A_461] : memref<128x64xf32, #tpu.memory_space<vmem>> -> memref<1x64xf32, #tpu.memory_space<vmem>>
      %dma_start3A_463 = arith.constant 0 : i32
      %dma_start3A_464 = tpu.memref_slice %arg3[%squeeze3A, %dma_start3A_463] : memref<1000000x64xf32, #tpu.memory_space<hbm>> -> memref<1x64xf32, #tpu.memory_space<hbm>>
      tpu.enqueue_dma source(%dma_start3A_464 : memref<1x64xf32, #tpu.memory_space<hbm>>) target(%dma_start3A_462 : memref<1x64xf32, #tpu.memory_space<vmem>>) target_semaphore(%arg12 : memref<!tpu.dma_semaphore, #tpu.memory_space<semaphore_mem>>)
      %slice3A_465 = vector.extract_strided_slice %get3A_452 {offsets = [1], sizes = [1], strides = [1]} : vector<16xi32> to vector<1xi32>
      %squeeze3A_466 = vector.extract %slice3A_465[0] : i32 from vector<1xi32>
      %mul3A_467 = arith.constant 16 : i32
      %mul3A_468 = arith.muli %scan3A_446, %mul3A_467 : i32
      %add3A_469 = arith.constant 1 : i32
      %add3A_470 = arith.addi %mul3A_468, %add3A_469 : i32
      %dma_start3A_471 = arith.constant 0 : i32
      %dma_start3A_472 = tpu.memref_slice %arg8[%add3A_470, %dma_start3A_471] : memref<128x64xf32, #tpu.memory_space<vmem>> -> memref<1x64xf32, #tpu.memory_space<vmem>>
      %dma_start3A_473 = arith.constant 0 : i32
      %dma_start3A_474 = tpu.memref_slice %arg3[%squeeze3A_466, %dma_start3A_473] : memref<1000000x64xf32, #tpu.memory_space<hbm>> -> memref<1x64xf32, #tpu.memory_space<hbm>>
      %dma_start3A_475 = arith.constant 0 : i32
      %dma_start3A_476 = tpu.memref_slice %arg8[%add3A_470, %dma_start3A_475] : memref<128x64xf32, #tpu.memory_space<vmem>> -> memref<1x64xf32, #tpu.memory_space<vmem>>
      %dma_start3A_477 = arith.constant 0 : i32
      %dma_start3A_478 = tpu.memref_slice %arg3[%squeeze3A_466, %dma_start3A_477] : memref<1000000x64xf32, #tpu.memory_space<hbm>> -> memref<1x64xf32, #tpu.memory_space<hbm>>
      tpu.enqueue_dma source(%dma_start3A_478 : memref<1x64xf32, #tpu.memory_space<hbm>>) target(%dma_start3A_476 : memref<1x64xf32, #tpu.memory_space<vmem>>) target_semaphore(%arg12 : memref<!tpu.dma_semaphore, #tpu.memory_space<semaphore_mem>>)
      %slice3A_479 = vector.extract_strided_slice %get3A_452 {offsets = [2], sizes = [1], strides = [1]} : vector<16xi32> to vector<1xi32>
      %squeeze3A_480 = vector.extract %slice3A_479[0] : i32 from vector<1xi32>
      %mul3A_481 = arith.constant 16 : i32
      %mul3A_482 = arith.muli %scan3A_446, %mul3A_481 : i32
      %add3A_483 = arith.constant 2 : i32
      %add3A_484 = arith.addi %mul3A_482, %add3A_483 : i32
      %dma_start3A_485 = arith.constant 0 : i32
      %dma_start3A_486 = tpu.memref_slice %arg8[%add3A_484, %dma_start3A_485] : memref<128x64xf32, #tpu.memory_space<vmem>> -> memref<1x64xf32, #tpu.memory_space<vmem>>
      %dma_start3A_487 = arith.constant 0 : i32
      %dma_start3A_488 = tpu.memref_slice %arg3[%squeeze3A_480, %dma_start3A_487] : memref<1000000x64xf32, #tpu.memory_space<hbm>> -> memref<1x64xf32, #tpu.memory_space<hbm>>
      %dma_start3A_489 = arith.constant 0 : i32
      %dma_start3A_490 = tpu.memref_slice %arg8[%add3A_484, %dma_start3A_489] : memref<128x64xf32, #tpu.memory_space<vmem>> -> memref<1x64xf32, #tpu.memory_space<vmem>>
      %dma_start3A_491 = arith.constant 0 : i32
      %dma_start3A_492 = tpu.memref_slice %arg3[%squeeze3A_480, %dma_start3A_491] : memref<1000000x64xf32, #tpu.memory_space<hbm>> -> memref<1x64xf32, #tpu.memory_space<hbm>>
      tpu.enqueue_dma source(%dma_start3A_492 : memref<1x64xf32, #tpu.memory_space<hbm>>) target(%dma_start3A_490 : memref<1x64xf32, #tpu.memory_space<vmem>>) target_semaphore(%arg12 : memref<!tpu.dma_semaphore, #tpu.memory_space<semaphore_mem>>)
      %slice3A_493 = vector.extract_strided_slice %get3A_452 {offsets = [3], sizes = [1], strides = [1]} : vector<16xi32> to vector<1xi32>
      %squeeze3A_494 = vector.extract %slice3A_493[0] : i32 from vector<1xi32>
      %mul3A_495 = arith.constant 16 : i32
      %mul3A_496 = arith.muli %scan3A_446, %mul3A_495 : i32
      %add3A_497 = arith.constant 3 : i32
      %add3A_498 = arith.addi %mul3A_496, %add3A_497 : i32
      %dma_start3A_499 = arith.constant 0 : i32
      %dma_start3A_500 = tpu.memref_slice %arg8[%add3A_498, %dma_start3A_499] : memref<128x64xf32, #tpu.memory_space<vmem>> -> memref<1x64xf32, #tpu.memory_space<vmem>>
      %dma_start3A_501 = arith.constant 0 : i32
      %dma_start3A_502 = tpu.memref_slice %arg3[%squeeze3A_494, %dma_start3A_501] : memref<1000000x64xf32, #tpu.memory_space<hbm>> -> memref<1x64xf32, #tpu.memory_space<hbm>>
      %dma_start3A_503 = arith.constant 0 : i32
      %dma_start3A_504 = tpu.memref_slice %arg8[%add3A_498, %dma_start3A_503] : memref<128x64xf32, #tpu.memory_space<vmem>> -> memref<1x64xf32, #tpu.memory_space<vmem>>
      %dma_start3A_505 = arith.constant 0 : i32
      %dma_start3A_506 = tpu.memref_slice %arg3[%squeeze3A_494, %dma_start3A_505] : memref<1000000x64xf32, #tpu.memory_space<hbm>> -> memref<1x64xf32, #tpu.memory_space<hbm>>
      tpu.enqueue_dma source(%dma_start3A_506 : memref<1x64xf32, #tpu.memory_space<hbm>>) target(%dma_start3A_504 : memref<1x64xf32, #tpu.memory_space<vmem>>) target_semaphore(%arg12 : memref<!tpu.dma_semaphore, #tpu.memory_space<semaphore_mem>>)
      %slice3A_507 = vector.extract_strided_slice %get3A_452 {offsets = [4], sizes = [1], strides = [1]} : vector<16xi32> to vector<1xi32>
      %squeeze3A_508 = vector.extract %slice3A_507[0] : i32 from vector<1xi32>
      %mul3A_509 = arith.constant 16 : i32
      %mul3A_510 = arith.muli %scan3A_446, %mul3A_509 : i32
      %add3A_511 = arith.constant 4 : i32
      %add3A_512 = arith.addi %mul3A_510, %add3A_511 : i32
      %dma_start3A_513 = arith.constant 0 : i32
      %dma_start3A_514 = tpu.memref_slice %arg8[%add3A_512, %dma_start3A_513] : memref<128x64xf32, #tpu.memory_space<vmem>> -> memref<1x64xf32, #tpu.memory_space<vmem>>
      %dma_start3A_515 = arith.constant 0 : i32
      %dma_start3A_516 = tpu.memref_slice %arg3[%squeeze3A_508, %dma_start3A_515] : memref<1000000x64xf32, #tpu.memory_space<hbm>> -> memref<1x64xf32, #tpu.memory_space<hbm>>
      %dma_start3A_517 = arith.constant 0 : i32
      %dma_start3A_518 = tpu.memref_slice %arg8[%add3A_512, %dma_start3A_517] : memref<128x64xf32, #tpu.memory_space<vmem>> -> memref<1x64xf32, #tpu.memory_space<vmem>>
      %dma_start3A_519 = arith.constant 0 : i32
      %dma_start3A_520 = tpu.memref_slice %arg3[%squeeze3A_508, %dma_start3A_519] : memref<1000000x64xf32, #tpu.memory_space<hbm>> -> memref<1x64xf32, #tpu.memory_space<hbm>>
      tpu.enqueue_dma source(%dma_start3A_520 : memref<1x64xf32, #tpu.memory_space<hbm>>) target(%dma_start3A_518 : memref<1x64xf32, #tpu.memory_space<vmem>>) target_semaphore(%arg12 : memref<!tpu.dma_semaphore, #tpu.memory_space<semaphore_mem>>)
      %slice3A_521 = vector.extract_strided_slice %get3A_452 {offsets = [5], sizes = [1], strides = [1]} : vector<16xi32> to vector<1xi32>
      %squeeze3A_522 = vector.extract %slice3A_521[0] : i32 from vector<1xi32>
      %mul3A_523 = arith.constant 16 : i32
      %mul3A_524 = arith.muli %scan3A_446, %mul3A_523 : i32
      %add3A_525 = arith.constant 5 : i32
      %add3A_526 = arith.addi %mul3A_524, %add3A_525 : i32
      %dma_start3A_527 = arith.constant 0 : i32
      %dma_start3A_528 = tpu.memref_slice %arg8[%add3A_526, %dma_start3A_527] : memref<128x64xf32, #tpu.memory_space<vmem>> -> memref<1x64xf32, #tpu.memory_space<vmem>>
      %dma_start3A_529 = arith.constant 0 : i32
      %dma_start3A_530 = tpu.memref_slice %arg3[%squeeze3A_522, %dma_start3A_529] : memref<1000000x64xf32, #tpu.memory_space<hbm>> -> memref<1x64xf32, #tpu.memory_space<hbm>>
      %dma_start3A_531 = arith.constant 0 : i32
      %dma_start3A_532 = tpu.memref_slice %arg8[%add3A_526, %dma_start3A_531] : memref<128x64xf32, #tpu.memory_space<vmem>> -> memref<1x64xf32, #tpu.memory_space<vmem>>
      %dma_start3A_533 = arith.constant 0 : i32
      %dma_start3A_534 = tpu.memref_slice %arg3[%squeeze3A_522, %dma_start3A_533] : memref<1000000x64xf32, #tpu.memory_space<hbm>> -> memref<1x64xf32, #tpu.memory_space<hbm>>
      tpu.enqueue_dma source(%dma_start3A_534 : memref<1x64xf32, #tpu.memory_space<hbm>>) target(%dma_start3A_532 : memref<1x64xf32, #tpu.memory_space<vmem>>) target_semaphore(%arg12 : memref<!tpu.dma_semaphore, #tpu.memory_space<semaphore_mem>>)
      %slice3A_535 = vector.extract_strided_slice %get3A_452 {offsets = [6], sizes = [1], strides = [1]} : vector<16xi32> to vector<1xi32>
      %squeeze3A_536 = vector.extract %slice3A_535[0] : i32 from vector<1xi32>
      %mul3A_537 = arith.constant 16 : i32
      %mul3A_538 = arith.muli %scan3A_446, %mul3A_537 : i32
      %add3A_539 = arith.constant 6 : i32
      %add3A_540 = arith.addi %mul3A_538, %add3A_539 : i32
      %dma_start3A_541 = arith.constant 0 : i32
      %dma_start3A_542 = tpu.memref_slice %arg8[%add3A_540, %dma_start3A_541] : memref<128x64xf32, #tpu.memory_space<vmem>> -> memref<1x64xf32, #tpu.memory_space<vmem>>
      %dma_start3A_543 = arith.constant 0 : i32
      %dma_start3A_544 = tpu.memref_slice %arg3[%squeeze3A_536, %dma_start3A_543] : memref<1000000x64xf32, #tpu.memory_space<hbm>> -> memref<1x64xf32, #tpu.memory_space<hbm>>
      %dma_start3A_545 = arith.constant 0 : i32
      %dma_start3A_546 = tpu.memref_slice %arg8[%add3A_540, %dma_start3A_545] : memref<128x64xf32, #tpu.memory_space<vmem>> -> memref<1x64xf32, #tpu.memory_space<vmem>>
      %dma_start3A_547 = arith.constant 0 : i32
      %dma_start3A_548 = tpu.memref_slice %arg3[%squeeze3A_536, %dma_start3A_547] : memref<1000000x64xf32, #tpu.memory_space<hbm>> -> memref<1x64xf32, #tpu.memory_space<hbm>>
      tpu.enqueue_dma source(%dma_start3A_548 : memref<1x64xf32, #tpu.memory_space<hbm>>) target(%dma_start3A_546 : memref<1x64xf32, #tpu.memory_space<vmem>>) target_semaphore(%arg12 : memref<!tpu.dma_semaphore, #tpu.memory_space<semaphore_mem>>)
      %slice3A_549 = vector.extract_strided_slice %get3A_452 {offsets = [7], sizes = [1], strides = [1]} : vector<16xi32> to vector<1xi32>
      %squeeze3A_550 = vector.extract %slice3A_549[0] : i32 from vector<1xi32>
      %mul3A_551 = arith.constant 16 : i32
      %mul3A_552 = arith.muli %scan3A_446, %mul3A_551 : i32
      %add3A_553 = arith.constant 7 : i32
      %add3A_554 = arith.addi %mul3A_552, %add3A_553 : i32
      %dma_start3A_555 = arith.constant 0 : i32
      %dma_start3A_556 = tpu.memref_slice %arg8[%add3A_554, %dma_start3A_555] : memref<128x64xf32, #tpu.memory_space<vmem>> -> memref<1x64xf32, #tpu.memory_space<vmem>>
      %dma_start3A_557 = arith.constant 0 : i32
      %dma_start3A_558 = tpu.memref_slice %arg3[%squeeze3A_550, %dma_start3A_557] : memref<1000000x64xf32, #tpu.memory_space<hbm>> -> memref<1x64xf32, #tpu.memory_space<hbm>>
      %dma_start3A_559 = arith.constant 0 : i32
      %dma_start3A_560 = tpu.memref_slice %arg8[%add3A_554, %dma_start3A_559] : memref<128x64xf32, #tpu.memory_space<vmem>> -> memref<1x64xf32, #tpu.memory_space<vmem>>
      %dma_start3A_561 = arith.constant 0 : i32
      %dma_start3A_562 = tpu.memref_slice %arg3[%squeeze3A_550, %dma_start3A_561] : memref<1000000x64xf32, #tpu.memory_space<hbm>> -> memref<1x64xf32, #tpu.memory_space<hbm>>
      tpu.enqueue_dma source(%dma_start3A_562 : memref<1x64xf32, #tpu.memory_space<hbm>>) target(%dma_start3A_560 : memref<1x64xf32, #tpu.memory_space<vmem>>) target_semaphore(%arg12 : memref<!tpu.dma_semaphore, #tpu.memory_space<semaphore_mem>>)
      %slice3A_563 = vector.extract_strided_slice %get3A_452 {offsets = [8], sizes = [1], strides = [1]} : vector<16xi32> to vector<1xi32>
      %squeeze3A_564 = vector.extract %slice3A_563[0] : i32 from vector<1xi32>
      %mul3A_565 = arith.constant 16 : i32
      %mul3A_566 = arith.muli %scan3A_446, %mul3A_565 : i32
      %add3A_567 = arith.constant 8 : i32
      %add3A_568 = arith.addi %mul3A_566, %add3A_567 : i32
      %dma_start3A_569 = arith.constant 0 : i32
      %dma_start3A_570 = tpu.memref_slice %arg8[%add3A_568, %dma_start3A_569] : memref<128x64xf32, #tpu.memory_space<vmem>> -> memref<1x64xf32, #tpu.memory_space<vmem>>
      %dma_start3A_571 = arith.constant 0 : i32
      %dma_start3A_572 = tpu.memref_slice %arg3[%squeeze3A_564, %dma_start3A_571] : memref<1000000x64xf32, #tpu.memory_space<hbm>> -> memref<1x64xf32, #tpu.memory_space<hbm>>
      %dma_start3A_573 = arith.constant 0 : i32
      %dma_start3A_574 = tpu.memref_slice %arg8[%add3A_568, %dma_start3A_573] : memref<128x64xf32, #tpu.memory_space<vmem>> -> memref<1x64xf32, #tpu.memory_space<vmem>>
      %dma_start3A_575 = arith.constant 0 : i32
      %dma_start3A_576 = tpu.memref_slice %arg3[%squeeze3A_564, %dma_start3A_575] : memref<1000000x64xf32, #tpu.memory_space<hbm>> -> memref<1x64xf32, #tpu.memory_space<hbm>>
      tpu.enqueue_dma source(%dma_start3A_576 : memref<1x64xf32, #tpu.memory_space<hbm>>) target(%dma_start3A_574 : memref<1x64xf32, #tpu.memory_space<vmem>>) target_semaphore(%arg12 : memref<!tpu.dma_semaphore, #tpu.memory_space<semaphore_mem>>)
      %slice3A_577 = vector.extract_strided_slice %get3A_452 {offsets = [9], sizes = [1], strides = [1]} : vector<16xi32> to vector<1xi32>
      %squeeze3A_578 = vector.extract %slice3A_577[0] : i32 from vector<1xi32>
      %mul3A_579 = arith.constant 16 : i32
      %mul3A_580 = arith.muli %scan3A_446, %mul3A_579 : i32
      %add3A_581 = arith.constant 9 : i32
      %add3A_582 = arith.addi %mul3A_580, %add3A_581 : i32
      %dma_start3A_583 = arith.constant 0 : i32
      %dma_start3A_584 = tpu.memref_slice %arg8[%add3A_582, %dma_start3A_583] : memref<128x64xf32, #tpu.memory_space<vmem>> -> memref<1x64xf32, #tpu.memory_space<vmem>>
      %dma_start3A_585 = arith.constant 0 : i32
      %dma_start3A_586 = tpu.memref_slice %arg3[%squeeze3A_578, %dma_start3A_585] : memref<1000000x64xf32, #tpu.memory_space<hbm>> -> memref<1x64xf32, #tpu.memory_space<hbm>>
      %dma_start3A_587 = arith.constant 0 : i32
      %dma_start3A_588 = tpu.memref_slice %arg8[%add3A_582, %dma_start3A_587] : memref<128x64xf32, #tpu.memory_space<vmem>> -> memref<1x64xf32, #tpu.memory_space<vmem>>
      %dma_start3A_589 = arith.constant 0 : i32
      %dma_start3A_590 = tpu.memref_slice %arg3[%squeeze3A_578, %dma_start3A_589] : memref<1000000x64xf32, #tpu.memory_space<hbm>> -> memref<1x64xf32, #tpu.memory_space<hbm>>
      tpu.enqueue_dma source(%dma_start3A_590 : memref<1x64xf32, #tpu.memory_space<hbm>>) target(%dma_start3A_588 : memref<1x64xf32, #tpu.memory_space<vmem>>) target_semaphore(%arg12 : memref<!tpu.dma_semaphore, #tpu.memory_space<semaphore_mem>>)
      %slice3A_591 = vector.extract_strided_slice %get3A_452 {offsets = [10], sizes = [1], strides = [1]} : vector<16xi32> to vector<1xi32>
      %squeeze3A_592 = vector.extract %slice3A_591[0] : i32 from vector<1xi32>
      %mul3A_593 = arith.constant 16 : i32
      %mul3A_594 = arith.muli %scan3A_446, %mul3A_593 : i32
      %add3A_595 = arith.constant 10 : i32
      %add3A_596 = arith.addi %mul3A_594, %add3A_595 : i32
      %dma_start3A_597 = arith.constant 0 : i32
      %dma_start3A_598 = tpu.memref_slice %arg8[%add3A_596, %dma_start3A_597] : memref<128x64xf32, #tpu.memory_space<vmem>> -> memref<1x64xf32, #tpu.memory_space<vmem>>
      %dma_start3A_599 = arith.constant 0 : i32
      %dma_start3A_600 = tpu.memref_slice %arg3[%squeeze3A_592, %dma_start3A_599] : memref<1000000x64xf32, #tpu.memory_space<hbm>> -> memref<1x64xf32, #tpu.memory_space<hbm>>
      %dma_start3A_601 = arith.constant 0 : i32
      %dma_start3A_602 = tpu.memref_slice %arg8[%add3A_596, %dma_start3A_601] : memref<128x64xf32, #tpu.memory_space<vmem>> -> memref<1x64xf32, #tpu.memory_space<vmem>>
      %dma_start3A_603 = arith.constant 0 : i32
      %dma_start3A_604 = tpu.memref_slice %arg3[%squeeze3A_592, %dma_start3A_603] : memref<1000000x64xf32, #tpu.memory_space<hbm>> -> memref<1x64xf32, #tpu.memory_space<hbm>>
      tpu.enqueue_dma source(%dma_start3A_604 : memref<1x64xf32, #tpu.memory_space<hbm>>) target(%dma_start3A_602 : memref<1x64xf32, #tpu.memory_space<vmem>>) target_semaphore(%arg12 : memref<!tpu.dma_semaphore, #tpu.memory_space<semaphore_mem>>)
      %slice3A_605 = vector.extract_strided_slice %get3A_452 {offsets = [11], sizes = [1], strides = [1]} : vector<16xi32> to vector<1xi32>
      %squeeze3A_606 = vector.extract %slice3A_605[0] : i32 from vector<1xi32>
      %mul3A_607 = arith.constant 16 : i32
      %mul3A_608 = arith.muli %scan3A_446, %mul3A_607 : i32
      %add3A_609 = arith.constant 11 : i32
      %add3A_610 = arith.addi %mul3A_608, %add3A_609 : i32
      %dma_start3A_611 = arith.constant 0 : i32
      %dma_start3A_612 = tpu.memref_slice %arg8[%add3A_610, %dma_start3A_611] : memref<128x64xf32, #tpu.memory_space<vmem>> -> memref<1x64xf32, #tpu.memory_space<vmem>>
      %dma_start3A_613 = arith.constant 0 : i32
      %dma_start3A_614 = tpu.memref_slice %arg3[%squeeze3A_606, %dma_start3A_613] : memref<1000000x64xf32, #tpu.memory_space<hbm>> -> memref<1x64xf32, #tpu.memory_space<hbm>>
      %dma_start3A_615 = arith.constant 0 : i32
      %dma_start3A_616 = tpu.memref_slice %arg8[%add3A_610, %dma_start3A_615] : memref<128x64xf32, #tpu.memory_space<vmem>> -> memref<1x64xf32, #tpu.memory_space<vmem>>
      %dma_start3A_617 = arith.constant 0 : i32
      %dma_start3A_618 = tpu.memref_slice %arg3[%squeeze3A_606, %dma_start3A_617] : memref<1000000x64xf32, #tpu.memory_space<hbm>> -> memref<1x64xf32, #tpu.memory_space<hbm>>
      tpu.enqueue_dma source(%dma_start3A_618 : memref<1x64xf32, #tpu.memory_space<hbm>>) target(%dma_start3A_616 : memref<1x64xf32, #tpu.memory_space<vmem>>) target_semaphore(%arg12 : memref<!tpu.dma_semaphore, #tpu.memory_space<semaphore_mem>>)
      %slice3A_619 = vector.extract_strided_slice %get3A_452 {offsets = [12], sizes = [1], strides = [1]} : vector<16xi32> to vector<1xi32>
      %squeeze3A_620 = vector.extract %slice3A_619[0] : i32 from vector<1xi32>
      %mul3A_621 = arith.constant 16 : i32
      %mul3A_622 = arith.muli %scan3A_446, %mul3A_621 : i32
      %add3A_623 = arith.constant 12 : i32
      %add3A_624 = arith.addi %mul3A_622, %add3A_623 : i32
      %dma_start3A_625 = arith.constant 0 : i32
      %dma_start3A_626 = tpu.memref_slice %arg8[%add3A_624, %dma_start3A_625] : memref<128x64xf32, #tpu.memory_space<vmem>> -> memref<1x64xf32, #tpu.memory_space<vmem>>
      %dma_start3A_627 = arith.constant 0 : i32
      %dma_start3A_628 = tpu.memref_slice %arg3[%squeeze3A_620, %dma_start3A_627] : memref<1000000x64xf32, #tpu.memory_space<hbm>> -> memref<1x64xf32, #tpu.memory_space<hbm>>
      %dma_start3A_629 = arith.constant 0 : i32
      %dma_start3A_630 = tpu.memref_slice %arg8[%add3A_624, %dma_start3A_629] : memref<128x64xf32, #tpu.memory_space<vmem>> -> memref<1x64xf32, #tpu.memory_space<vmem>>
      %dma_start3A_631 = arith.constant 0 : i32
      %dma_start3A_632 = tpu.memref_slice %arg3[%squeeze3A_620, %dma_start3A_631] : memref<1000000x64xf32, #tpu.memory_space<hbm>> -> memref<1x64xf32, #tpu.memory_space<hbm>>
      tpu.enqueue_dma source(%dma_start3A_632 : memref<1x64xf32, #tpu.memory_space<hbm>>) target(%dma_start3A_630 : memref<1x64xf32, #tpu.memory_space<vmem>>) target_semaphore(%arg12 : memref<!tpu.dma_semaphore, #tpu.memory_space<semaphore_mem>>)
      %slice3A_633 = vector.extract_strided_slice %get3A_452 {offsets = [13], sizes = [1], strides = [1]} : vector<16xi32> to vector<1xi32>
      %squeeze3A_634 = vector.extract %slice3A_633[0] : i32 from vector<1xi32>
      %mul3A_635 = arith.constant 16 : i32
      %mul3A_636 = arith.muli %scan3A_446, %mul3A_635 : i32
      %add3A_637 = arith.constant 13 : i32
      %add3A_638 = arith.addi %mul3A_636, %add3A_637 : i32
      %dma_start3A_639 = arith.constant 0 : i32
      %dma_start3A_640 = tpu.memref_slice %arg8[%add3A_638, %dma_start3A_639] : memref<128x64xf32, #tpu.memory_space<vmem>> -> memref<1x64xf32, #tpu.memory_space<vmem>>
      %dma_start3A_641 = arith.constant 0 : i32
      %dma_start3A_642 = tpu.memref_slice %arg3[%squeeze3A_634, %dma_start3A_641] : memref<1000000x64xf32, #tpu.memory_space<hbm>> -> memref<1x64xf32, #tpu.memory_space<hbm>>
      %dma_start3A_643 = arith.constant 0 : i32
      %dma_start3A_644 = tpu.memref_slice %arg8[%add3A_638, %dma_start3A_643] : memref<128x64xf32, #tpu.memory_space<vmem>> -> memref<1x64xf32, #tpu.memory_space<vmem>>
      %dma_start3A_645 = arith.constant 0 : i32
      %dma_start3A_646 = tpu.memref_slice %arg3[%squeeze3A_634, %dma_start3A_645] : memref<1000000x64xf32, #tpu.memory_space<hbm>> -> memref<1x64xf32, #tpu.memory_space<hbm>>
      tpu.enqueue_dma source(%dma_start3A_646 : memref<1x64xf32, #tpu.memory_space<hbm>>) target(%dma_start3A_644 : memref<1x64xf32, #tpu.memory_space<vmem>>) target_semaphore(%arg12 : memref<!tpu.dma_semaphore, #tpu.memory_space<semaphore_mem>>)
      %slice3A_647 = vector.extract_strided_slice %get3A_452 {offsets = [14], sizes = [1], strides = [1]} : vector<16xi32> to vector<1xi32>
      %squeeze3A_648 = vector.extract %slice3A_647[0] : i32 from vector<1xi32>
      %mul3A_649 = arith.constant 16 : i32
      %mul3A_650 = arith.muli %scan3A_446, %mul3A_649 : i32
      %add3A_651 = arith.constant 14 : i32
      %add3A_652 = arith.addi %mul3A_650, %add3A_651 : i32
      %dma_start3A_653 = arith.constant 0 : i32
      %dma_start3A_654 = tpu.memref_slice %arg8[%add3A_652, %dma_start3A_653] : memref<128x64xf32, #tpu.memory_space<vmem>> -> memref<1x64xf32, #tpu.memory_space<vmem>>
      %dma_start3A_655 = arith.constant 0 : i32
      %dma_start3A_656 = tpu.memref_slice %arg3[%squeeze3A_648, %dma_start3A_655] : memref<1000000x64xf32, #tpu.memory_space<hbm>> -> memref<1x64xf32, #tpu.memory_space<hbm>>
      %dma_start3A_657 = arith.constant 0 : i32
      %dma_start3A_658 = tpu.memref_slice %arg8[%add3A_652, %dma_start3A_657] : memref<128x64xf32, #tpu.memory_space<vmem>> -> memref<1x64xf32, #tpu.memory_space<vmem>>
      %dma_start3A_659 = arith.constant 0 : i32
      %dma_start3A_660 = tpu.memref_slice %arg3[%squeeze3A_648, %dma_start3A_659] : memref<1000000x64xf32, #tpu.memory_space<hbm>> -> memref<1x64xf32, #tpu.memory_space<hbm>>
      tpu.enqueue_dma source(%dma_start3A_660 : memref<1x64xf32, #tpu.memory_space<hbm>>) target(%dma_start3A_658 : memref<1x64xf32, #tpu.memory_space<vmem>>) target_semaphore(%arg12 : memref<!tpu.dma_semaphore, #tpu.memory_space<semaphore_mem>>)
      %slice3A_661 = vector.extract_strided_slice %get3A_452 {offsets = [15], sizes = [1], strides = [1]} : vector<16xi32> to vector<1xi32>
      %squeeze3A_662 = vector.extract %slice3A_661[0] : i32 from vector<1xi32>
      %mul3A_663 = arith.constant 16 : i32
      %mul3A_664 = arith.muli %scan3A_446, %mul3A_663 : i32
      %add3A_665 = arith.constant 15 : i32
      %add3A_666 = arith.addi %mul3A_664, %add3A_665 : i32
      %dma_start3A_667 = arith.constant 0 : i32
      %dma_start3A_668 = tpu.memref_slice %arg8[%add3A_666, %dma_start3A_667] : memref<128x64xf32, #tpu.memory_space<vmem>> -> memref<1x64xf32, #tpu.memory_space<vmem>>
      %dma_start3A_669 = arith.constant 0 : i32
      %dma_start3A_670 = tpu.memref_slice %arg3[%squeeze3A_662, %dma_start3A_669] : memref<1000000x64xf32, #tpu.memory_space<hbm>> -> memref<1x64xf32, #tpu.memory_space<hbm>>
      %dma_start3A_671 = arith.constant 0 : i32
      %dma_start3A_672 = tpu.memref_slice %arg8[%add3A_666, %dma_start3A_671] : memref<128x64xf32, #tpu.memory_space<vmem>> -> memref<1x64xf32, #tpu.memory_space<vmem>>
      %dma_start3A_673 = arith.constant 0 : i32
      %dma_start3A_674 = tpu.memref_slice %arg3[%squeeze3A_662, %dma_start3A_673] : memref<1000000x64xf32, #tpu.memory_space<hbm>> -> memref<1x64xf32, #tpu.memory_space<hbm>>
      tpu.enqueue_dma source(%dma_start3A_674 : memref<1x64xf32, #tpu.memory_space<hbm>>) target(%dma_start3A_672 : memref<1x64xf32, #tpu.memory_space<vmem>>) target_semaphore(%arg12 : memref<!tpu.dma_semaphore, #tpu.memory_space<semaphore_mem>>)
      %scan3A_675 = arith.constant 0 : i32
      scf.yield %scan3A_675 : i32
    }
    %scan3A_62 = arith.constant 8 : i32
    %dma_wait3A = arith.constant 0 : i32
    %dma_wait3A_63 = arith.constant 0 : i32
    %dma_wait3A_64 = tpu.memref_slice %arg3[%dma_wait3A, %dma_wait3A_63] : memref<1000000x64xf32, #tpu.memory_space<hbm>> -> memref<128x64xf32, #tpu.memory_space<hbm>>
    %dma_wait3A_65 = arith.constant 0 : i32
    %dma_wait3A_66 = arith.constant 0 : i32
    %dma_wait3A_67 = tpu.memref_slice %arg3[%dma_wait3A_65, %dma_wait3A_66] : memref<1000000x64xf32, #tpu.memory_space<hbm>> -> memref<128x64xf32, #tpu.memory_space<hbm>>
    tpu.wait_dma2 semaphore(%arg11 : memref<!tpu.dma_semaphore, #tpu.memory_space<semaphore_mem>>) src(%dma_wait3A_67 : memref<128x64xf32, #tpu.memory_space<hbm>>) dst(%arg7 : memref<128x64xf32, #tpu.memory_space<vmem>>)
    %dma_wait3A_68 = arith.constant 0 : i32
    %dma_wait3A_69 = arith.constant 0 : i32
    %dma_wait3A_70 = arith.constant 0 : i32
    %dma_wait3A_71 = tpu.memref_slice %arg4[%dma_wait3A_68, %dma_wait3A_69, %dma_wait3A_70] : memref<1x2048x64xf32, #tpu.memory_space<hbm>> -> memref<1x128x64xf32, #tpu.memory_space<hbm>>
    %dma_wait3A_72 = tpu.memref_squeeze %dma_wait3A_71 : memref<1x128x64xf32, #tpu.memory_space<hbm>> -> memref<128x64xf32, #tpu.memory_space<hbm>>
    %dma_wait3A_73 = arith.constant 0 : i32
    %dma_wait3A_74 = arith.constant 0 : i32
    %dma_wait3A_75 = tpu.memref_slice %arg4[%dma_wait3A_68, %dma_wait3A_73, %dma_wait3A_74] : memref<1x2048x64xf32, #tpu.memory_space<hbm>> -> memref<1x128x64xf32, #tpu.memory_space<hbm>>
    %dma_wait3A_76 = tpu.memref_squeeze %dma_wait3A_75 : memref<1x128x64xf32, #tpu.memory_space<hbm>> -> memref<128x64xf32, #tpu.memory_space<hbm>>
    tpu.wait_dma2 semaphore(%arg15 : memref<!tpu.dma_semaphore, #tpu.memory_space<semaphore_mem>>) src(%dma_wait3A_76 : memref<128x64xf32, #tpu.memory_space<hbm>>) dst(%arg9 : memref<128x64xf32, #tpu.memory_space<vmem>>)
    %scan3A_77 = arith.constant 0 : i32
    %scan3A_78 = arith.constant 0 : i32
    %scan3A_79 = arith.constant 128 : i32
    %scan3A_80 = arith.addi %scan3A_78, %scan3A_79 : i32
    %scan3A_81 = arith.constant 1 : i32
    %scan3A_82 = scf.for %scan3A_446 = %scan3A_78 to %scan3A_80 step %scan3A_81 iter_args(%scan3A_447 = %scan3A_77) -> (i32)  : i32 {
      %get3A = arith.index_cast %scan3A_446 : i32 to index
      %get3A_448 = arith.constant 0 : index
      %get3A_449 = tpu.vector_load %arg7[%get3A, %get3A_448] {strides = array<i32>} : memref<128x64xf32, #tpu.memory_space<vmem>>, vector<16xf32>,
      %mul3A_450 = arith.constant 8.000000e+00 : f32
      %mul3A_451 = vector.broadcast %mul3A_450 : f32 to vector<16xf32>
      %mul3A_452 = arith.mulf %get3A_449, %mul3A_451 : vector<16xf32>
      %get3A_453 = arith.index_cast %scan3A_446 : i32 to index
      %get3A_454 = arith.constant 0 : index
      %get3A_455 = tpu.vector_load %arg9[%get3A_453, %get3A_454] {strides = array<i32>} : memref<128x64xf32, #tpu.memory_space<vmem>>, vector<16xf32>,
      %add3A_456 = arith.addf %mul3A_452, %get3A_455 : vector<16xf32>
      %swap3A = arith.index_cast %scan3A_446 : i32 to index
      %swap3A_457 = arith.constant 0 : index
      %swap3A_458 = tpu.vector_load %arg7[%swap3A, %swap3A_457] {strides = array<i32>} : memref<128x64xf32, #tpu.memory_space<vmem>>, vector<16xf32>,
      tpu.vector_store %arg7[%swap3A, %swap3A_457], %add3A_456 {strides = array<i32>} : memref<128x64xf32, #tpu.memory_space<vmem>>, vector<16xf32>,
      %get3A_459 = arith.index_cast %scan3A_446 : i32 to index
      %get3A_460 = arith.constant 16 : index
      %get3A_461 = tpu.vector_load %arg7[%get3A_459, %get3A_460] {strides = array<i32>} : memref<128x64xf32, #tpu.memory_space<vmem>>, vector<16xf32>,
      %mul3A_462 = arith.constant 8.000000e+00 : f32
      %mul3A_463 = vector.broadcast %mul3A_462 : f32 to vector<16xf32>
      %mul3A_464 = arith.mulf %get3A_461, %mul3A_463 : vector<16xf32>
      %get3A_465 = arith.index_cast %scan3A_446 : i32 to index
      %get3A_466 = arith.constant 16 : index
      %get3A_467 = tpu.vector_load %arg9[%get3A_465, %get3A_466] {strides = array<i32>} : memref<128x64xf32, #tpu.memory_space<vmem>>, vector<16xf32>,
      %add3A_468 = arith.addf %mul3A_464, %get3A_467 : vector<16xf32>
      %swap3A_469 = arith.index_cast %scan3A_446 : i32 to index
      %swap3A_470 = arith.constant 16 : index
      %swap3A_471 = tpu.vector_load %arg7[%swap3A_469, %swap3A_470] {strides = array<i32>} : memref<128x64xf32, #tpu.memory_space<vmem>>, vector<16xf32>,
      tpu.vector_store %arg7[%swap3A_469, %swap3A_470], %add3A_468 {strides = array<i32>} : memref<128x64xf32, #tpu.memory_space<vmem>>, vector<16xf32>,
      %get3A_472 = arith.index_cast %scan3A_446 : i32 to index
      %get3A_473 = arith.constant 32 : index
      %get3A_474 = tpu.vector_load %arg7[%get3A_472, %get3A_473] {strides = array<i32>} : memref<128x64xf32, #tpu.memory_space<vmem>>, vector<16xf32>,
      %mul3A_475 = arith.constant 8.000000e+00 : f32
      %mul3A_476 = vector.broadcast %mul3A_475 : f32 to vector<16xf32>
      %mul3A_477 = arith.mulf %get3A_474, %mul3A_476 : vector<16xf32>
      %get3A_478 = arith.index_cast %scan3A_446 : i32 to index
      %get3A_479 = arith.constant 32 : index
      %get3A_480 = tpu.vector_load %arg9[%get3A_478, %get3A_479] {strides = array<i32>} : memref<128x64xf32, #tpu.memory_space<vmem>>, vector<16xf32>,
      %add3A_481 = arith.addf %mul3A_477, %get3A_480 : vector<16xf32>
      %swap3A_482 = arith.index_cast %scan3A_446 : i32 to index
      %swap3A_483 = arith.constant 32 : index
      %swap3A_484 = tpu.vector_load %arg7[%swap3A_482, %swap3A_483] {strides = array<i32>} : memref<128x64xf32, #tpu.memory_space<vmem>>, vector<16xf32>,
      tpu.vector_store %arg7[%swap3A_482, %swap3A_483], %add3A_481 {strides = array<i32>} : memref<128x64xf32, #tpu.memory_space<vmem>>, vector<16xf32>,
      %get3A_485 = arith.index_cast %scan3A_446 : i32 to index
      %get3A_486 = arith.constant 48 : index
      %get3A_487 = tpu.vector_load %arg7[%get3A_485, %get3A_486] {strides = array<i32>} : memref<128x64xf32, #tpu.memory_space<vmem>>, vector<16xf32>,
      %mul3A_488 = arith.constant 8.000000e+00 : f32
      %mul3A_489 = vector.broadcast %mul3A_488 : f32 to vector<16xf32>
      %mul3A_490 = arith.mulf %get3A_487, %mul3A_489 : vector<16xf32>
      %get3A_491 = arith.index_cast %scan3A_446 : i32 to index
      %get3A_492 = arith.constant 48 : index
      %get3A_493 = tpu.vector_load %arg9[%get3A_491, %get3A_492] {strides = array<i32>} : memref<128x64xf32, #tpu.memory_space<vmem>>, vector<16xf32>,
      %add3A_494 = arith.addf %mul3A_490, %get3A_493 : vector<16xf32>
      %swap3A_495 = arith.index_cast %scan3A_446 : i32 to index
      %swap3A_496 = arith.constant 48 : index
      %swap3A_497 = tpu.vector_load %arg7[%swap3A_495, %swap3A_496] {strides = array<i32>} : memref<128x64xf32, #tpu.memory_space<vmem>>, vector<16xf32>,
      tpu.vector_store %arg7[%swap3A_495, %swap3A_496], %add3A_494 {strides = array<i32>} : memref<128x64xf32, #tpu.memory_space<vmem>>, vector<16xf32>,
      %scan3A_498 = arith.constant 0 : i32
      scf.yield %scan3A_498 : i32
    }
    %scan3A_83 = arith.constant 128 : i32
    %add3A_84 = arith.constant 0 : i32
    %add3A_85 = arith.addi %mul3A_32, %add3A_84 : i32
    %dma_start3A_86 = arith.constant 0 : i32
    %dma_start3A_87 = tpu.memref_slice %arg5[%select_n3A, %add3A_85, %dma_start3A_86] : memref<16x2048x64xf32, #tpu.memory_space<hbm>> -> memref<1x128x64xf32, #tpu.memory_space<hbm>>
    %dma_start3A_88 = tpu.memref_squeeze %dma_start3A_87 : memref<1x128x64xf32, #tpu.memory_space<hbm>> -> memref<128x64xf32, #tpu.memory_space<hbm>>
    %dma_start3A_89 = arith.constant 0 : i32
    %dma_start3A_90 = tpu.memref_slice %arg5[%select_n3A, %add3A_85, %dma_start3A_89] : memref<16x2048x64xf32, #tpu.memory_space<hbm>> -> memref<1x128x64xf32, #tpu.memory_space<hbm>>
    %dma_start3A_91 = tpu.memref_squeeze %dma_start3A_90 : memref<1x128x64xf32, #tpu.memory_space<hbm>> -> memref<128x64xf32, #tpu.memory_space<hbm>>
    tpu.enqueue_dma source(%arg7 : memref<128x64xf32, #tpu.memory_space<vmem>>) target(%dma_start3A_91 : memref<128x64xf32, #tpu.memory_space<hbm>>) target_semaphore(%arg13 : memref<!tpu.dma_semaphore, #tpu.memory_space<semaphore_mem>>)
    %dma_wait3A_92 = arith.constant 0 : i32
    %dma_wait3A_93 = tpu.memref_slice %arg5[%select_n3A, %add3A_85, %dma_wait3A_92] : memref<16x2048x64xf32, #tpu.memory_space<hbm>> -> memref<1x128x64xf32, #tpu.memory_space<hbm>>
    %dma_wait3A_94 = tpu.memref_squeeze %dma_wait3A_93 : memref<1x128x64xf32, #tpu.memory_space<hbm>> -> memref<128x64xf32, #tpu.memory_space<hbm>>
    %dma_wait3A_95 = arith.constant 0 : i32
    %dma_wait3A_96 = tpu.memref_slice %arg5[%select_n3A, %add3A_85, %dma_wait3A_95] : memref<16x2048x64xf32, #tpu.memory_space<hbm>> -> memref<1x128x64xf32, #tpu.memory_space<hbm>>
    %dma_wait3A_97 = tpu.memref_squeeze %dma_wait3A_96 : memref<1x128x64xf32, #tpu.memory_space<hbm>> -> memref<128x64xf32, #tpu.memory_space<hbm>>
    tpu.wait_dma2 semaphore(%arg13 : memref<!tpu.dma_semaphore, #tpu.memory_space<semaphore_mem>>) src(%arg7 : memref<128x64xf32, #tpu.memory_space<vmem>>) dst(%dma_wait3A_97 : memref<128x64xf32, #tpu.memory_space<hbm>>)
    %add3A_98 = arith.constant 256 : i32
    %add3A_99 = arith.addi %mul3A_32, %add3A_98 : i32
    %dma_start3A_100 = arith.constant 0 : i32
    %dma_start3A_101 = arith.constant 0 : i32
    %dma_start3A_102 = tpu.memref_slice %arg4[%dma_start3A_100, %add3A_99, %dma_start3A_101] : memref<1x2048x64xf32, #tpu.memory_space<hbm>> -> memref<1x128x64xf32, #tpu.memory_space<hbm>>
    %dma_start3A_103 = tpu.memref_squeeze %dma_start3A_102 : memref<1x128x64xf32, #tpu.memory_space<hbm>> -> memref<128x64xf32, #tpu.memory_space<hbm>>
    %dma_start3A_104 = arith.constant 0 : i32
    %dma_start3A_105 = tpu.memref_slice %arg4[%dma_start3A_100, %add3A_99, %dma_start3A_104] : memref<1x2048x64xf32, #tpu.memory_space<hbm>> -> memref<1x128x64xf32, #tpu.memory_space<hbm>>
    %dma_start3A_106 = tpu.memref_squeeze %dma_start3A_105 : memref<1x128x64xf32, #tpu.memory_space<hbm>> -> memref<128x64xf32, #tpu.memory_space<hbm>>
    tpu.enqueue_dma source(%dma_start3A_106 : memref<128x64xf32, #tpu.memory_space<hbm>>) target(%arg9 : memref<128x64xf32, #tpu.memory_space<vmem>>) target_semaphore(%arg15 : memref<!tpu.dma_semaphore, #tpu.memory_space<semaphore_mem>>)
    %scan3A_107 = arith.constant 0 : i32
    %scan3A_108 = arith.constant 0 : i32
    %scan3A_109 = arith.constant 8 : i32
    %scan3A_110 = arith.addi %scan3A_108, %scan3A_109 : i32
    %scan3A_111 = arith.constant 1 : i32
    %scan3A_112 = scf.for %scan3A_446 = %scan3A_108 to %scan3A_110 step %scan3A_111 iter_args(%scan3A_447 = %scan3A_107) -> (i32)  : i32 {
      %mul3A_448 = arith.constant 16 : i32
      %mul3A_449 = arith.muli %scan3A_446, %mul3A_448 : i32
      %add3A_450 = arith.constant 256 : i32
      %add3A_451 = arith.addi %add3A_450, %mul3A_449 : i32
      %get3A = arith.index_cast %add3A_451 : i32 to index
      %get3A_452 = tpu.vector_load %arg6[%get3A] {strides = array<i32>} : memref<1024xi32, #tpu.memory_space<vmem>>, vector<16xi32>,
      %slice3A = vector.extract_strided_slice %get3A_452 {offsets = [0], sizes = [1], strides = [1]} : vector<16xi32> to vector<1xi32>
      %squeeze3A = vector.extract %slice3A[0] : i32 from vector<1xi32>
      %mul3A_453 = arith.constant 16 : i32
      %mul3A_454 = arith.muli %scan3A_446, %mul3A_453 : i32
      %add3A_455 = arith.constant 0 : i32
      %add3A_456 = arith.addi %mul3A_454, %add3A_455 : i32
      %dma_start3A_457 = arith.constant 0 : i32
      %dma_start3A_458 = tpu.memref_slice %arg7[%add3A_456, %dma_start3A_457] : memref<128x64xf32, #tpu.memory_space<vmem>> -> memref<1x64xf32, #tpu.memory_space<vmem>>
      %dma_start3A_459 = arith.constant 0 : i32
      %dma_start3A_460 = tpu.memref_slice %arg3[%squeeze3A, %dma_start3A_459] : memref<1000000x64xf32, #tpu.memory_space<hbm>> -> memref<1x64xf32, #tpu.memory_space<hbm>>
      %dma_start3A_461 = arith.constant 0 : i32
      %dma_start3A_462 = tpu.memref_slice %arg7[%add3A_456, %dma_start3A_461] : memref<128x64xf32, #tpu.memory_space<vmem>> -> memref<1x64xf32, #tpu.memory_space<vmem>>
      %dma_start3A_463 = arith.constant 0 : i32
      %dma_start3A_464 = tpu.memref_slice %arg3[%squeeze3A, %dma_start3A_463] : memref<1000000x64xf32, #tpu.memory_space<hbm>> -> memref<1x64xf32, #tpu.memory_space<hbm>>
      tpu.enqueue_dma source(%dma_start3A_464 : memref<1x64xf32, #tpu.memory_space<hbm>>) target(%dma_start3A_462 : memref<1x64xf32, #tpu.memory_space<vmem>>) target_semaphore(%arg11 : memref<!tpu.dma_semaphore, #tpu.memory_space<semaphore_mem>>)
      %slice3A_465 = vector.extract_strided_slice %get3A_452 {offsets = [1], sizes = [1], strides = [1]} : vector<16xi32> to vector<1xi32>
      %squeeze3A_466 = vector.extract %slice3A_465[0] : i32 from vector<1xi32>
      %mul3A_467 = arith.constant 16 : i32
      %mul3A_468 = arith.muli %scan3A_446, %mul3A_467 : i32
      %add3A_469 = arith.constant 1 : i32
      %add3A_470 = arith.addi %mul3A_468, %add3A_469 : i32
      %dma_start3A_471 = arith.constant 0 : i32
      %dma_start3A_472 = tpu.memref_slice %arg7[%add3A_470, %dma_start3A_471] : memref<128x64xf32, #tpu.memory_space<vmem>> -> memref<1x64xf32, #tpu.memory_space<vmem>>
      %dma_start3A_473 = arith.constant 0 : i32
      %dma_start3A_474 = tpu.memref_slice %arg3[%squeeze3A_466, %dma_start3A_473] : memref<1000000x64xf32, #tpu.memory_space<hbm>> -> memref<1x64xf32, #tpu.memory_space<hbm>>
      %dma_start3A_475 = arith.constant 0 : i32
      %dma_start3A_476 = tpu.memref_slice %arg7[%add3A_470, %dma_start3A_475] : memref<128x64xf32, #tpu.memory_space<vmem>> -> memref<1x64xf32, #tpu.memory_space<vmem>>
      %dma_start3A_477 = arith.constant 0 : i32
      %dma_start3A_478 = tpu.memref_slice %arg3[%squeeze3A_466, %dma_start3A_477] : memref<1000000x64xf32, #tpu.memory_space<hbm>> -> memref<1x64xf32, #tpu.memory_space<hbm>>
      tpu.enqueue_dma source(%dma_start3A_478 : memref<1x64xf32, #tpu.memory_space<hbm>>) target(%dma_start3A_476 : memref<1x64xf32, #tpu.memory_space<vmem>>) target_semaphore(%arg11 : memref<!tpu.dma_semaphore, #tpu.memory_space<semaphore_mem>>)
      %slice3A_479 = vector.extract_strided_slice %get3A_452 {offsets = [2], sizes = [1], strides = [1]} : vector<16xi32> to vector<1xi32>
      %squeeze3A_480 = vector.extract %slice3A_479[0] : i32 from vector<1xi32>
      %mul3A_481 = arith.constant 16 : i32
      %mul3A_482 = arith.muli %scan3A_446, %mul3A_481 : i32
      %add3A_483 = arith.constant 2 : i32
      %add3A_484 = arith.addi %mul3A_482, %add3A_483 : i32
      %dma_start3A_485 = arith.constant 0 : i32
      %dma_start3A_486 = tpu.memref_slice %arg7[%add3A_484, %dma_start3A_485] : memref<128x64xf32, #tpu.memory_space<vmem>> -> memref<1x64xf32, #tpu.memory_space<vmem>>
      %dma_start3A_487 = arith.constant 0 : i32
      %dma_start3A_488 = tpu.memref_slice %arg3[%squeeze3A_480, %dma_start3A_487] : memref<1000000x64xf32, #tpu.memory_space<hbm>> -> memref<1x64xf32, #tpu.memory_space<hbm>>
      %dma_start3A_489 = arith.constant 0 : i32
      %dma_start3A_490 = tpu.memref_slice %arg7[%add3A_484, %dma_start3A_489] : memref<128x64xf32, #tpu.memory_space<vmem>> -> memref<1x64xf32, #tpu.memory_space<vmem>>
      %dma_start3A_491 = arith.constant 0 : i32
      %dma_start3A_492 = tpu.memref_slice %arg3[%squeeze3A_480, %dma_start3A_491] : memref<1000000x64xf32, #tpu.memory_space<hbm>> -> memref<1x64xf32, #tpu.memory_space<hbm>>
      tpu.enqueue_dma source(%dma_start3A_492 : memref<1x64xf32, #tpu.memory_space<hbm>>) target(%dma_start3A_490 : memref<1x64xf32, #tpu.memory_space<vmem>>) target_semaphore(%arg11 : memref<!tpu.dma_semaphore, #tpu.memory_space<semaphore_mem>>)
      %slice3A_493 = vector.extract_strided_slice %get3A_452 {offsets = [3], sizes = [1], strides = [1]} : vector<16xi32> to vector<1xi32>
      %squeeze3A_494 = vector.extract %slice3A_493[0] : i32 from vector<1xi32>
      %mul3A_495 = arith.constant 16 : i32
      %mul3A_496 = arith.muli %scan3A_446, %mul3A_495 : i32
      %add3A_497 = arith.constant 3 : i32
      %add3A_498 = arith.addi %mul3A_496, %add3A_497 : i32
      %dma_start3A_499 = arith.constant 0 : i32
      %dma_start3A_500 = tpu.memref_slice %arg7[%add3A_498, %dma_start3A_499] : memref<128x64xf32, #tpu.memory_space<vmem>> -> memref<1x64xf32, #tpu.memory_space<vmem>>
      %dma_start3A_501 = arith.constant 0 : i32
      %dma_start3A_502 = tpu.memref_slice %arg3[%squeeze3A_494, %dma_start3A_501] : memref<1000000x64xf32, #tpu.memory_space<hbm>> -> memref<1x64xf32, #tpu.memory_space<hbm>>
      %dma_start3A_503 = arith.constant 0 : i32
      %dma_start3A_504 = tpu.memref_slice %arg7[%add3A_498, %dma_start3A_503] : memref<128x64xf32, #tpu.memory_space<vmem>> -> memref<1x64xf32, #tpu.memory_space<vmem>>
      %dma_start3A_505 = arith.constant 0 : i32
      %dma_start3A_506 = tpu.memref_slice %arg3[%squeeze3A_494, %dma_start3A_505] : memref<1000000x64xf32, #tpu.memory_space<hbm>> -> memref<1x64xf32, #tpu.memory_space<hbm>>
      tpu.enqueue_dma source(%dma_start3A_506 : memref<1x64xf32, #tpu.memory_space<hbm>>) target(%dma_start3A_504 : memref<1x64xf32, #tpu.memory_space<vmem>>) target_semaphore(%arg11 : memref<!tpu.dma_semaphore, #tpu.memory_space<semaphore_mem>>)
      %slice3A_507 = vector.extract_strided_slice %get3A_452 {offsets = [4], sizes = [1], strides = [1]} : vector<16xi32> to vector<1xi32>
      %squeeze3A_508 = vector.extract %slice3A_507[0] : i32 from vector<1xi32>
      %mul3A_509 = arith.constant 16 : i32
      %mul3A_510 = arith.muli %scan3A_446, %mul3A_509 : i32
      %add3A_511 = arith.constant 4 : i32
      %add3A_512 = arith.addi %mul3A_510, %add3A_511 : i32
      %dma_start3A_513 = arith.constant 0 : i32
      %dma_start3A_514 = tpu.memref_slice %arg7[%add3A_512, %dma_start3A_513] : memref<128x64xf32, #tpu.memory_space<vmem>> -> memref<1x64xf32, #tpu.memory_space<vmem>>
      %dma_start3A_515 = arith.constant 0 : i32
      %dma_start3A_516 = tpu.memref_slice %arg3[%squeeze3A_508, %dma_start3A_515] : memref<1000000x64xf32, #tpu.memory_space<hbm>> -> memref<1x64xf32, #tpu.memory_space<hbm>>
      %dma_start3A_517 = arith.constant 0 : i32
      %dma_start3A_518 = tpu.memref_slice %arg7[%add3A_512, %dma_start3A_517] : memref<128x64xf32, #tpu.memory_space<vmem>> -> memref<1x64xf32, #tpu.memory_space<vmem>>
      %dma_start3A_519 = arith.constant 0 : i32
      %dma_start3A_520 = tpu.memref_slice %arg3[%squeeze3A_508, %dma_start3A_519] : memref<1000000x64xf32, #tpu.memory_space<hbm>> -> memref<1x64xf32, #tpu.memory_space<hbm>>
      tpu.enqueue_dma source(%dma_start3A_520 : memref<1x64xf32, #tpu.memory_space<hbm>>) target(%dma_start3A_518 : memref<1x64xf32, #tpu.memory_space<vmem>>) target_semaphore(%arg11 : memref<!tpu.dma_semaphore, #tpu.memory_space<semaphore_mem>>)
      %slice3A_521 = vector.extract_strided_slice %get3A_452 {offsets = [5], sizes = [1], strides = [1]} : vector<16xi32> to vector<1xi32>
      %squeeze3A_522 = vector.extract %slice3A_521[0] : i32 from vector<1xi32>
      %mul3A_523 = arith.constant 16 : i32
      %mul3A_524 = arith.muli %scan3A_446, %mul3A_523 : i32
      %add3A_525 = arith.constant 5 : i32
      %add3A_526 = arith.addi %mul3A_524, %add3A_525 : i32
      %dma_start3A_527 = arith.constant 0 : i32
      %dma_start3A_528 = tpu.memref_slice %arg7[%add3A_526, %dma_start3A_527] : memref<128x64xf32, #tpu.memory_space<vmem>> -> memref<1x64xf32, #tpu.memory_space<vmem>>
      %dma_start3A_529 = arith.constant 0 : i32
      %dma_start3A_530 = tpu.memref_slice %arg3[%squeeze3A_522, %dma_start3A_529] : memref<1000000x64xf32, #tpu.memory_space<hbm>> -> memref<1x64xf32, #tpu.memory_space<hbm>>
      %dma_start3A_531 = arith.constant 0 : i32
      %dma_start3A_532 = tpu.memref_slice %arg7[%add3A_526, %dma_start3A_531] : memref<128x64xf32, #tpu.memory_space<vmem>> -> memref<1x64xf32, #tpu.memory_space<vmem>>
      %dma_start3A_533 = arith.constant 0 : i32
      %dma_start3A_534 = tpu.memref_slice %arg3[%squeeze3A_522, %dma_start3A_533] : memref<1000000x64xf32, #tpu.memory_space<hbm>> -> memref<1x64xf32, #tpu.memory_space<hbm>>
      tpu.enqueue_dma source(%dma_start3A_534 : memref<1x64xf32, #tpu.memory_space<hbm>>) target(%dma_start3A_532 : memref<1x64xf32, #tpu.memory_space<vmem>>) target_semaphore(%arg11 : memref<!tpu.dma_semaphore, #tpu.memory_space<semaphore_mem>>)
      %slice3A_535 = vector.extract_strided_slice %get3A_452 {offsets = [6], sizes = [1], strides = [1]} : vector<16xi32> to vector<1xi32>
      %squeeze3A_536 = vector.extract %slice3A_535[0] : i32 from vector<1xi32>
      %mul3A_537 = arith.constant 16 : i32
      %mul3A_538 = arith.muli %scan3A_446, %mul3A_537 : i32
      %add3A_539 = arith.constant 6 : i32
      %add3A_540 = arith.addi %mul3A_538, %add3A_539 : i32
      %dma_start3A_541 = arith.constant 0 : i32
      %dma_start3A_542 = tpu.memref_slice %arg7[%add3A_540, %dma_start3A_541] : memref<128x64xf32, #tpu.memory_space<vmem>> -> memref<1x64xf32, #tpu.memory_space<vmem>>
      %dma_start3A_543 = arith.constant 0 : i32
      %dma_start3A_544 = tpu.memref_slice %arg3[%squeeze3A_536, %dma_start3A_543] : memref<1000000x64xf32, #tpu.memory_space<hbm>> -> memref<1x64xf32, #tpu.memory_space<hbm>>
      %dma_start3A_545 = arith.constant 0 : i32
      %dma_start3A_546 = tpu.memref_slice %arg7[%add3A_540, %dma_start3A_545] : memref<128x64xf32, #tpu.memory_space<vmem>> -> memref<1x64xf32, #tpu.memory_space<vmem>>
      %dma_start3A_547 = arith.constant 0 : i32
      %dma_start3A_548 = tpu.memref_slice %arg3[%squeeze3A_536, %dma_start3A_547] : memref<1000000x64xf32, #tpu.memory_space<hbm>> -> memref<1x64xf32, #tpu.memory_space<hbm>>
      tpu.enqueue_dma source(%dma_start3A_548 : memref<1x64xf32, #tpu.memory_space<hbm>>) target(%dma_start3A_546 : memref<1x64xf32, #tpu.memory_space<vmem>>) target_semaphore(%arg11 : memref<!tpu.dma_semaphore, #tpu.memory_space<semaphore_mem>>)
      %slice3A_549 = vector.extract_strided_slice %get3A_452 {offsets = [7], sizes = [1], strides = [1]} : vector<16xi32> to vector<1xi32>
      %squeeze3A_550 = vector.extract %slice3A_549[0] : i32 from vector<1xi32>
      %mul3A_551 = arith.constant 16 : i32
      %mul3A_552 = arith.muli %scan3A_446, %mul3A_551 : i32
      %add3A_553 = arith.constant 7 : i32
      %add3A_554 = arith.addi %mul3A_552, %add3A_553 : i32
      %dma_start3A_555 = arith.constant 0 : i32
      %dma_start3A_556 = tpu.memref_slice %arg7[%add3A_554, %dma_start3A_555] : memref<128x64xf32, #tpu.memory_space<vmem>> -> memref<1x64xf32, #tpu.memory_space<vmem>>
      %dma_start3A_557 = arith.constant 0 : i32
      %dma_start3A_558 = tpu.memref_slice %arg3[%squeeze3A_550, %dma_start3A_557] : memref<1000000x64xf32, #tpu.memory_space<hbm>> -> memref<1x64xf32, #tpu.memory_space<hbm>>
      %dma_start3A_559 = arith.constant 0 : i32
      %dma_start3A_560 = tpu.memref_slice %arg7[%add3A_554, %dma_start3A_559] : memref<128x64xf32, #tpu.memory_space<vmem>> -> memref<1x64xf32, #tpu.memory_space<vmem>>
      %dma_start3A_561 = arith.constant 0 : i32
      %dma_start3A_562 = tpu.memref_slice %arg3[%squeeze3A_550, %dma_start3A_561] : memref<1000000x64xf32, #tpu.memory_space<hbm>> -> memref<1x64xf32, #tpu.memory_space<hbm>>
      tpu.enqueue_dma source(%dma_start3A_562 : memref<1x64xf32, #tpu.memory_space<hbm>>) target(%dma_start3A_560 : memref<1x64xf32, #tpu.memory_space<vmem>>) target_semaphore(%arg11 : memref<!tpu.dma_semaphore, #tpu.memory_space<semaphore_mem>>)
      %slice3A_563 = vector.extract_strided_slice %get3A_452 {offsets = [8], sizes = [1], strides = [1]} : vector<16xi32> to vector<1xi32>
      %squeeze3A_564 = vector.extract %slice3A_563[0] : i32 from vector<1xi32>
      %mul3A_565 = arith.constant 16 : i32
      %mul3A_566 = arith.muli %scan3A_446, %mul3A_565 : i32
      %add3A_567 = arith.constant 8 : i32
      %add3A_568 = arith.addi %mul3A_566, %add3A_567 : i32
      %dma_start3A_569 = arith.constant 0 : i32
      %dma_start3A_570 = tpu.memref_slice %arg7[%add3A_568, %dma_start3A_569] : memref<128x64xf32, #tpu.memory_space<vmem>> -> memref<1x64xf32, #tpu.memory_space<vmem>>
      %dma_start3A_571 = arith.constant 0 : i32
      %dma_start3A_572 = tpu.memref_slice %arg3[%squeeze3A_564, %dma_start3A_571] : memref<1000000x64xf32, #tpu.memory_space<hbm>> -> memref<1x64xf32, #tpu.memory_space<hbm>>
      %dma_start3A_573 = arith.constant 0 : i32
      %dma_start3A_574 = tpu.memref_slice %arg7[%add3A_568, %dma_start3A_573] : memref<128x64xf32, #tpu.memory_space<vmem>> -> memref<1x64xf32, #tpu.memory_space<vmem>>
      %dma_start3A_575 = arith.constant 0 : i32
      %dma_start3A_576 = tpu.memref_slice %arg3[%squeeze3A_564, %dma_start3A_575] : memref<1000000x64xf32, #tpu.memory_space<hbm>> -> memref<1x64xf32, #tpu.memory_space<hbm>>
      tpu.enqueue_dma source(%dma_start3A_576 : memref<1x64xf32, #tpu.memory_space<hbm>>) target(%dma_start3A_574 : memref<1x64xf32, #tpu.memory_space<vmem>>) target_semaphore(%arg11 : memref<!tpu.dma_semaphore, #tpu.memory_space<semaphore_mem>>)
      %slice3A_577 = vector.extract_strided_slice %get3A_452 {offsets = [9], sizes = [1], strides = [1]} : vector<16xi32> to vector<1xi32>
      %squeeze3A_578 = vector.extract %slice3A_577[0] : i32 from vector<1xi32>
      %mul3A_579 = arith.constant 16 : i32
      %mul3A_580 = arith.muli %scan3A_446, %mul3A_579 : i32
      %add3A_581 = arith.constant 9 : i32
      %add3A_582 = arith.addi %mul3A_580, %add3A_581 : i32
      %dma_start3A_583 = arith.constant 0 : i32
      %dma_start3A_584 = tpu.memref_slice %arg7[%add3A_582, %dma_start3A_583] : memref<128x64xf32, #tpu.memory_space<vmem>> -> memref<1x64xf32, #tpu.memory_space<vmem>>
      %dma_start3A_585 = arith.constant 0 : i32
      %dma_start3A_586 = tpu.memref_slice %arg3[%squeeze3A_578, %dma_start3A_585] : memref<1000000x64xf32, #tpu.memory_space<hbm>> -> memref<1x64xf32, #tpu.memory_space<hbm>>
      %dma_start3A_587 = arith.constant 0 : i32
      %dma_start3A_588 = tpu.memref_slice %arg7[%add3A_582, %dma_start3A_587] : memref<128x64xf32, #tpu.memory_space<vmem>> -> memref<1x64xf32, #tpu.memory_space<vmem>>
      %dma_start3A_589 = arith.constant 0 : i32
      %dma_start3A_590 = tpu.memref_slice %arg3[%squeeze3A_578, %dma_start3A_589] : memref<1000000x64xf32, #tpu.memory_space<hbm>> -> memref<1x64xf32, #tpu.memory_space<hbm>>
      tpu.enqueue_dma source(%dma_start3A_590 : memref<1x64xf32, #tpu.memory_space<hbm>>) target(%dma_start3A_588 : memref<1x64xf32, #tpu.memory_space<vmem>>) target_semaphore(%arg11 : memref<!tpu.dma_semaphore, #tpu.memory_space<semaphore_mem>>)
      %slice3A_591 = vector.extract_strided_slice %get3A_452 {offsets = [10], sizes = [1], strides = [1]} : vector<16xi32> to vector<1xi32>
      %squeeze3A_592 = vector.extract %slice3A_591[0] : i32 from vector<1xi32>
      %mul3A_593 = arith.constant 16 : i32
      %mul3A_594 = arith.muli %scan3A_446, %mul3A_593 : i32
      %add3A_595 = arith.constant 10 : i32
      %add3A_596 = arith.addi %mul3A_594, %add3A_595 : i32
      %dma_start3A_597 = arith.constant 0 : i32
      %dma_start3A_598 = tpu.memref_slice %arg7[%add3A_596, %dma_start3A_597] : memref<128x64xf32, #tpu.memory_space<vmem>> -> memref<1x64xf32, #tpu.memory_space<vmem>>
      %dma_start3A_599 = arith.constant 0 : i32
      %dma_start3A_600 = tpu.memref_slice %arg3[%squeeze3A_592, %dma_start3A_599] : memref<1000000x64xf32, #tpu.memory_space<hbm>> -> memref<1x64xf32, #tpu.memory_space<hbm>>
      %dma_start3A_601 = arith.constant 0 : i32
      %dma_start3A_602 = tpu.memref_slice %arg7[%add3A_596, %dma_start3A_601] : memref<128x64xf32, #tpu.memory_space<vmem>> -> memref<1x64xf32, #tpu.memory_space<vmem>>
      %dma_start3A_603 = arith.constant 0 : i32
      %dma_start3A_604 = tpu.memref_slice %arg3[%squeeze3A_592, %dma_start3A_603] : memref<1000000x64xf32, #tpu.memory_space<hbm>> -> memref<1x64xf32, #tpu.memory_space<hbm>>
      tpu.enqueue_dma source(%dma_start3A_604 : memref<1x64xf32, #tpu.memory_space<hbm>>) target(%dma_start3A_602 : memref<1x64xf32, #tpu.memory_space<vmem>>) target_semaphore(%arg11 : memref<!tpu.dma_semaphore, #tpu.memory_space<semaphore_mem>>)
      %slice3A_605 = vector.extract_strided_slice %get3A_452 {offsets = [11], sizes = [1], strides = [1]} : vector<16xi32> to vector<1xi32>
      %squeeze3A_606 = vector.extract %slice3A_605[0] : i32 from vector<1xi32>
      %mul3A_607 = arith.constant 16 : i32
      %mul3A_608 = arith.muli %scan3A_446, %mul3A_607 : i32
      %add3A_609 = arith.constant 11 : i32
      %add3A_610 = arith.addi %mul3A_608, %add3A_609 : i32
      %dma_start3A_611 = arith.constant 0 : i32
      %dma_start3A_612 = tpu.memref_slice %arg7[%add3A_610, %dma_start3A_611] : memref<128x64xf32, #tpu.memory_space<vmem>> -> memref<1x64xf32, #tpu.memory_space<vmem>>
      %dma_start3A_613 = arith.constant 0 : i32
      %dma_start3A_614 = tpu.memref_slice %arg3[%squeeze3A_606, %dma_start3A_613] : memref<1000000x64xf32, #tpu.memory_space<hbm>> -> memref<1x64xf32, #tpu.memory_space<hbm>>
      %dma_start3A_615 = arith.constant 0 : i32
      %dma_start3A_616 = tpu.memref_slice %arg7[%add3A_610, %dma_start3A_615] : memref<128x64xf32, #tpu.memory_space<vmem>> -> memref<1x64xf32, #tpu.memory_space<vmem>>
      %dma_start3A_617 = arith.constant 0 : i32
      %dma_start3A_618 = tpu.memref_slice %arg3[%squeeze3A_606, %dma_start3A_617] : memref<1000000x64xf32, #tpu.memory_space<hbm>> -> memref<1x64xf32, #tpu.memory_space<hbm>>
      tpu.enqueue_dma source(%dma_start3A_618 : memref<1x64xf32, #tpu.memory_space<hbm>>) target(%dma_start3A_616 : memref<1x64xf32, #tpu.memory_space<vmem>>) target_semaphore(%arg11 : memref<!tpu.dma_semaphore, #tpu.memory_space<semaphore_mem>>)
      %slice3A_619 = vector.extract_strided_slice %get3A_452 {offsets = [12], sizes = [1], strides = [1]} : vector<16xi32> to vector<1xi32>
      %squeeze3A_620 = vector.extract %slice3A_619[0] : i32 from vector<1xi32>
      %mul3A_621 = arith.constant 16 : i32
      %mul3A_622 = arith.muli %scan3A_446, %mul3A_621 : i32
      %add3A_623 = arith.constant 12 : i32
      %add3A_624 = arith.addi %mul3A_622, %add3A_623 : i32
      %dma_start3A_625 = arith.constant 0 : i32
      %dma_start3A_626 = tpu.memref_slice %arg7[%add3A_624, %dma_start3A_625] : memref<128x64xf32, #tpu.memory_space<vmem>> -> memref<1x64xf32, #tpu.memory_space<vmem>>
      %dma_start3A_627 = arith.constant 0 : i32
      %dma_start3A_628 = tpu.memref_slice %arg3[%squeeze3A_620, %dma_start3A_627] : memref<1000000x64xf32, #tpu.memory_space<hbm>> -> memref<1x64xf32, #tpu.memory_space<hbm>>
      %dma_start3A_629 = arith.constant 0 : i32
      %dma_start3A_630 = tpu.memref_slice %arg7[%add3A_624, %dma_start3A_629] : memref<128x64xf32, #tpu.memory_space<vmem>> -> memref<1x64xf32, #tpu.memory_space<vmem>>
      %dma_start3A_631 = arith.constant 0 : i32
      %dma_start3A_632 = tpu.memref_slice %arg3[%squeeze3A_620, %dma_start3A_631] : memref<1000000x64xf32, #tpu.memory_space<hbm>> -> memref<1x64xf32, #tpu.memory_space<hbm>>
      tpu.enqueue_dma source(%dma_start3A_632 : memref<1x64xf32, #tpu.memory_space<hbm>>) target(%dma_start3A_630 : memref<1x64xf32, #tpu.memory_space<vmem>>) target_semaphore(%arg11 : memref<!tpu.dma_semaphore, #tpu.memory_space<semaphore_mem>>)
      %slice3A_633 = vector.extract_strided_slice %get3A_452 {offsets = [13], sizes = [1], strides = [1]} : vector<16xi32> to vector<1xi32>
      %squeeze3A_634 = vector.extract %slice3A_633[0] : i32 from vector<1xi32>
      %mul3A_635 = arith.constant 16 : i32
      %mul3A_636 = arith.muli %scan3A_446, %mul3A_635 : i32
      %add3A_637 = arith.constant 13 : i32
      %add3A_638 = arith.addi %mul3A_636, %add3A_637 : i32
      %dma_start3A_639 = arith.constant 0 : i32
      %dma_start3A_640 = tpu.memref_slice %arg7[%add3A_638, %dma_start3A_639] : memref<128x64xf32, #tpu.memory_space<vmem>> -> memref<1x64xf32, #tpu.memory_space<vmem>>
      %dma_start3A_641 = arith.constant 0 : i32
      %dma_start3A_642 = tpu.memref_slice %arg3[%squeeze3A_634, %dma_start3A_641] : memref<1000000x64xf32, #tpu.memory_space<hbm>> -> memref<1x64xf32, #tpu.memory_space<hbm>>
      %dma_start3A_643 = arith.constant 0 : i32
      %dma_start3A_644 = tpu.memref_slice %arg7[%add3A_638, %dma_start3A_643] : memref<128x64xf32, #tpu.memory_space<vmem>> -> memref<1x64xf32, #tpu.memory_space<vmem>>
      %dma_start3A_645 = arith.constant 0 : i32
      %dma_start3A_646 = tpu.memref_slice %arg3[%squeeze3A_634, %dma_start3A_645] : memref<1000000x64xf32, #tpu.memory_space<hbm>> -> memref<1x64xf32, #tpu.memory_space<hbm>>
      tpu.enqueue_dma source(%dma_start3A_646 : memref<1x64xf32, #tpu.memory_space<hbm>>) target(%dma_start3A_644 : memref<1x64xf32, #tpu.memory_space<vmem>>) target_semaphore(%arg11 : memref<!tpu.dma_semaphore, #tpu.memory_space<semaphore_mem>>)
      %slice3A_647 = vector.extract_strided_slice %get3A_452 {offsets = [14], sizes = [1], strides = [1]} : vector<16xi32> to vector<1xi32>
      %squeeze3A_648 = vector.extract %slice3A_647[0] : i32 from vector<1xi32>
      %mul3A_649 = arith.constant 16 : i32
      %mul3A_650 = arith.muli %scan3A_446, %mul3A_649 : i32
      %add3A_651 = arith.constant 14 : i32
      %add3A_652 = arith.addi %mul3A_650, %add3A_651 : i32
      %dma_start3A_653 = arith.constant 0 : i32
      %dma_start3A_654 = tpu.memref_slice %arg7[%add3A_652, %dma_start3A_653] : memref<128x64xf32, #tpu.memory_space<vmem>> -> memref<1x64xf32, #tpu.memory_space<vmem>>
      %dma_start3A_655 = arith.constant 0 : i32
      %dma_start3A_656 = tpu.memref_slice %arg3[%squeeze3A_648, %dma_start3A_655] : memref<1000000x64xf32, #tpu.memory_space<hbm>> -> memref<1x64xf32, #tpu.memory_space<hbm>>
      %dma_start3A_657 = arith.constant 0 : i32
      %dma_start3A_658 = tpu.memref_slice %arg7[%add3A_652, %dma_start3A_657] : memref<128x64xf32, #tpu.memory_space<vmem>> -> memref<1x64xf32, #tpu.memory_space<vmem>>
      %dma_start3A_659 = arith.constant 0 : i32
      %dma_start3A_660 = tpu.memref_slice %arg3[%squeeze3A_648, %dma_start3A_659] : memref<1000000x64xf32, #tpu.memory_space<hbm>> -> memref<1x64xf32, #tpu.memory_space<hbm>>
      tpu.enqueue_dma source(%dma_start3A_660 : memref<1x64xf32, #tpu.memory_space<hbm>>) target(%dma_start3A_658 : memref<1x64xf32, #tpu.memory_space<vmem>>) target_semaphore(%arg11 : memref<!tpu.dma_semaphore, #tpu.memory_space<semaphore_mem>>)
      %slice3A_661 = vector.extract_strided_slice %get3A_452 {offsets = [15], sizes = [1], strides = [1]} : vector<16xi32> to vector<1xi32>
      %squeeze3A_662 = vector.extract %slice3A_661[0] : i32 from vector<1xi32>
      %mul3A_663 = arith.constant 16 : i32
      %mul3A_664 = arith.muli %scan3A_446, %mul3A_663 : i32
      %add3A_665 = arith.constant 15 : i32
      %add3A_666 = arith.addi %mul3A_664, %add3A_665 : i32
      %dma_start3A_667 = arith.constant 0 : i32
      %dma_start3A_668 = tpu.memref_slice %arg7[%add3A_666, %dma_start3A_667] : memref<128x64xf32, #tpu.memory_space<vmem>> -> memref<1x64xf32, #tpu.memory_space<vmem>>
      %dma_start3A_669 = arith.constant 0 : i32
      %dma_start3A_670 = tpu.memref_slice %arg3[%squeeze3A_662, %dma_start3A_669] : memref<1000000x64xf32, #tpu.memory_space<hbm>> -> memref<1x64xf32, #tpu.memory_space<hbm>>
      %dma_start3A_671 = arith.constant 0 : i32
      %dma_start3A_672 = tpu.memref_slice %arg7[%add3A_666, %dma_start3A_671] : memref<128x64xf32, #tpu.memory_space<vmem>> -> memref<1x64xf32, #tpu.memory_space<vmem>>
      %dma_start3A_673 = arith.constant 0 : i32
      %dma_start3A_674 = tpu.memref_slice %arg3[%squeeze3A_662, %dma_start3A_673] : memref<1000000x64xf32, #tpu.memory_space<hbm>> -> memref<1x64xf32, #tpu.memory_space<hbm>>
      tpu.enqueue_dma source(%dma_start3A_674 : memref<1x64xf32, #tpu.memory_space<hbm>>) target(%dma_start3A_672 : memref<1x64xf32, #tpu.memory_space<vmem>>) target_semaphore(%arg11 : memref<!tpu.dma_semaphore, #tpu.memory_space<semaphore_mem>>)
      %scan3A_675 = arith.constant 0 : i32
      scf.yield %scan3A_675 : i32
    }
    %scan3A_113 = arith.constant 8 : i32
    %dma_wait3A_114 = arith.constant 0 : i32
    %dma_wait3A_115 = arith.constant 0 : i32
    %dma_wait3A_116 = tpu.memref_slice %arg3[%dma_wait3A_114, %dma_wait3A_115] : memref<1000000x64xf32, #tpu.memory_space<hbm>> -> memref<128x64xf32, #tpu.memory_space<hbm>>
    %dma_wait3A_117 = arith.constant 0 : i32
    %dma_wait3A_118 = arith.constant 0 : i32
    %dma_wait3A_119 = tpu.memref_slice %arg3[%dma_wait3A_117, %dma_wait3A_118] : memref<1000000x64xf32, #tpu.memory_space<hbm>> -> memref<128x64xf32, #tpu.memory_space<hbm>>
    tpu.wait_dma2 semaphore(%arg12 : memref<!tpu.dma_semaphore, #tpu.memory_space<semaphore_mem>>) src(%dma_wait3A_119 : memref<128x64xf32, #tpu.memory_space<hbm>>) dst(%arg8 : memref<128x64xf32, #tpu.memory_space<vmem>>)
    %dma_wait3A_120 = arith.constant 0 : i32
    %dma_wait3A_121 = arith.constant 0 : i32
    %dma_wait3A_122 = arith.constant 0 : i32
    %dma_wait3A_123 = tpu.memref_slice %arg4[%dma_wait3A_120, %dma_wait3A_121, %dma_wait3A_122] : memref<1x2048x64xf32, #tpu.memory_space<hbm>> -> memref<1x128x64xf32, #tpu.memory_space<hbm>>
    %dma_wait3A_124 = tpu.memref_squeeze %dma_wait3A_123 : memref<1x128x64xf32, #tpu.memory_space<hbm>> -> memref<128x64xf32, #tpu.memory_space<hbm>>
    %dma_wait3A_125 = arith.constant 0 : i32
    %dma_wait3A_126 = arith.constant 0 : i32
    %dma_wait3A_127 = tpu.memref_slice %arg4[%dma_wait3A_120, %dma_wait3A_125, %dma_wait3A_126] : memref<1x2048x64xf32, #tpu.memory_space<hbm>> -> memref<1x128x64xf32, #tpu.memory_space<hbm>>
    %dma_wait3A_128 = tpu.memref_squeeze %dma_wait3A_127 : memref<1x128x64xf32, #tpu.memory_space<hbm>> -> memref<128x64xf32, #tpu.memory_space<hbm>>
    tpu.wait_dma2 semaphore(%arg16 : memref<!tpu.dma_semaphore, #tpu.memory_space<semaphore_mem>>) src(%dma_wait3A_128 : memref<128x64xf32, #tpu.memory_space<hbm>>) dst(%arg10 : memref<128x64xf32, #tpu.memory_space<vmem>>)
    %scan3A_129 = arith.constant 0 : i32
    %scan3A_130 = arith.constant 0 : i32
    %scan3A_131 = arith.constant 128 : i32
    %scan3A_132 = arith.addi %scan3A_130, %scan3A_131 : i32
    %scan3A_133 = arith.constant 1 : i32
    %scan3A_134 = scf.for %scan3A_446 = %scan3A_130 to %scan3A_132 step %scan3A_133 iter_args(%scan3A_447 = %scan3A_129) -> (i32)  : i32 {
      %get3A = arith.index_cast %scan3A_446 : i32 to index
      %get3A_448 = arith.constant 0 : index
      %get3A_449 = tpu.vector_load %arg8[%get3A, %get3A_448] {strides = array<i32>} : memref<128x64xf32, #tpu.memory_space<vmem>>, vector<16xf32>,
      %mul3A_450 = arith.constant 8.000000e+00 : f32
      %mul3A_451 = vector.broadcast %mul3A_450 : f32 to vector<16xf32>
      %mul3A_452 = arith.mulf %get3A_449, %mul3A_451 : vector<16xf32>
      %get3A_453 = arith.index_cast %scan3A_446 : i32 to index
      %get3A_454 = arith.constant 0 : index
      %get3A_455 = tpu.vector_load %arg10[%get3A_453, %get3A_454] {strides = array<i32>} : memref<128x64xf32, #tpu.memory_space<vmem>>, vector<16xf32>,
      %add3A_456 = arith.addf %mul3A_452, %get3A_455 : vector<16xf32>
      %swap3A = arith.index_cast %scan3A_446 : i32 to index
      %swap3A_457 = arith.constant 0 : index
      %swap3A_458 = tpu.vector_load %arg8[%swap3A, %swap3A_457] {strides = array<i32>} : memref<128x64xf32, #tpu.memory_space<vmem>>, vector<16xf32>,
      tpu.vector_store %arg8[%swap3A, %swap3A_457], %add3A_456 {strides = array<i32>} : memref<128x64xf32, #tpu.memory_space<vmem>>, vector<16xf32>,
      %get3A_459 = arith.index_cast %scan3A_446 : i32 to index
      %get3A_460 = arith.constant 16 : index
      %get3A_461 = tpu.vector_load %arg8[%get3A_459, %get3A_460] {strides = array<i32>} : memref<128x64xf32, #tpu.memory_space<vmem>>, vector<16xf32>,
      %mul3A_462 = arith.constant 8.000000e+00 : f32
      %mul3A_463 = vector.broadcast %mul3A_462 : f32 to vector<16xf32>
      %mul3A_464 = arith.mulf %get3A_461, %mul3A_463 : vector<16xf32>
      %get3A_465 = arith.index_cast %scan3A_446 : i32 to index
      %get3A_466 = arith.constant 16 : index
      %get3A_467 = tpu.vector_load %arg10[%get3A_465, %get3A_466] {strides = array<i32>} : memref<128x64xf32, #tpu.memory_space<vmem>>, vector<16xf32>,
      %add3A_468 = arith.addf %mul3A_464, %get3A_467 : vector<16xf32>
      %swap3A_469 = arith.index_cast %scan3A_446 : i32 to index
      %swap3A_470 = arith.constant 16 : index
      %swap3A_471 = tpu.vector_load %arg8[%swap3A_469, %swap3A_470] {strides = array<i32>} : memref<128x64xf32, #tpu.memory_space<vmem>>, vector<16xf32>,
      tpu.vector_store %arg8[%swap3A_469, %swap3A_470], %add3A_468 {strides = array<i32>} : memref<128x64xf32, #tpu.memory_space<vmem>>, vector<16xf32>,
      %get3A_472 = arith.index_cast %scan3A_446 : i32 to index
      %get3A_473 = arith.constant 32 : index
      %get3A_474 = tpu.vector_load %arg8[%get3A_472, %get3A_473] {strides = array<i32>} : memref<128x64xf32, #tpu.memory_space<vmem>>, vector<16xf32>,
      %mul3A_475 = arith.constant 8.000000e+00 : f32
      %mul3A_476 = vector.broadcast %mul3A_475 : f32 to vector<16xf32>
      %mul3A_477 = arith.mulf %get3A_474, %mul3A_476 : vector<16xf32>
      %get3A_478 = arith.index_cast %scan3A_446 : i32 to index
      %get3A_479 = arith.constant 32 : index
      %get3A_480 = tpu.vector_load %arg10[%get3A_478, %get3A_479] {strides = array<i32>} : memref<128x64xf32, #tpu.memory_space<vmem>>, vector<16xf32>,
      %add3A_481 = arith.addf %mul3A_477, %get3A_480 : vector<16xf32>
      %swap3A_482 = arith.index_cast %scan3A_446 : i32 to index
      %swap3A_483 = arith.constant 32 : index
      %swap3A_484 = tpu.vector_load %arg8[%swap3A_482, %swap3A_483] {strides = array<i32>} : memref<128x64xf32, #tpu.memory_space<vmem>>, vector<16xf32>,
      tpu.vector_store %arg8[%swap3A_482, %swap3A_483], %add3A_481 {strides = array<i32>} : memref<128x64xf32, #tpu.memory_space<vmem>>, vector<16xf32>,
      %get3A_485 = arith.index_cast %scan3A_446 : i32 to index
      %get3A_486 = arith.constant 48 : index
      %get3A_487 = tpu.vector_load %arg8[%get3A_485, %get3A_486] {strides = array<i32>} : memref<128x64xf32, #tpu.memory_space<vmem>>, vector<16xf32>,
      %mul3A_488 = arith.constant 8.000000e+00 : f32
      %mul3A_489 = vector.broadcast %mul3A_488 : f32 to vector<16xf32>
      %mul3A_490 = arith.mulf %get3A_487, %mul3A_489 : vector<16xf32>
      %get3A_491 = arith.index_cast %scan3A_446 : i32 to index
      %get3A_492 = arith.constant 48 : index
      %get3A_493 = tpu.vector_load %arg10[%get3A_491, %get3A_492] {strides = array<i32>} : memref<128x64xf32, #tpu.memory_space<vmem>>, vector<16xf32>,
      %add3A_494 = arith.addf %mul3A_490, %get3A_493 : vector<16xf32>
      %swap3A_495 = arith.index_cast %scan3A_446 : i32 to index
      %swap3A_496 = arith.constant 48 : index
      %swap3A_497 = tpu.vector_load %arg8[%swap3A_495, %swap3A_496] {strides = array<i32>} : memref<128x64xf32, #tpu.memory_space<vmem>>, vector<16xf32>,
      tpu.vector_store %arg8[%swap3A_495, %swap3A_496], %add3A_494 {strides = array<i32>} : memref<128x64xf32, #tpu.memory_space<vmem>>, vector<16xf32>,
      %scan3A_498 = arith.constant 0 : i32
      scf.yield %scan3A_498 : i32
    }
    %scan3A_135 = arith.constant 128 : i32
    %add3A_136 = arith.constant 128 : i32
    %add3A_137 = arith.addi %mul3A_32, %add3A_136 : i32
    %dma_start3A_138 = arith.constant 0 : i32
    %dma_start3A_139 = tpu.memref_slice %arg5[%select_n3A, %add3A_137, %dma_start3A_138] : memref<16x2048x64xf32, #tpu.memory_space<hbm>> -> memref<1x128x64xf32, #tpu.memory_space<hbm>>
    %dma_start3A_140 = tpu.memref_squeeze %dma_start3A_139 : memref<1x128x64xf32, #tpu.memory_space<hbm>> -> memref<128x64xf32, #tpu.memory_space<hbm>>
    %dma_start3A_141 = arith.constant 0 : i32
    %dma_start3A_142 = tpu.memref_slice %arg5[%select_n3A, %add3A_137, %dma_start3A_141] : memref<16x2048x64xf32, #tpu.memory_space<hbm>> -> memref<1x128x64xf32, #tpu.memory_space<hbm>>
    %dma_start3A_143 = tpu.memref_squeeze %dma_start3A_142 : memref<1x128x64xf32, #tpu.memory_space<hbm>> -> memref<128x64xf32, #tpu.memory_space<hbm>>
    tpu.enqueue_dma source(%arg8 : memref<128x64xf32, #tpu.memory_space<vmem>>) target(%dma_start3A_143 : memref<128x64xf32, #tpu.memory_space<hbm>>) target_semaphore(%arg14 : memref<!tpu.dma_semaphore, #tpu.memory_space<semaphore_mem>>)
    %dma_wait3A_144 = arith.constant 0 : i32
    %dma_wait3A_145 = tpu.memref_slice %arg5[%select_n3A, %add3A_137, %dma_wait3A_144] : memref<16x2048x64xf32, #tpu.memory_space<hbm>> -> memref<1x128x64xf32, #tpu.memory_space<hbm>>
    %dma_wait3A_146 = tpu.memref_squeeze %dma_wait3A_145 : memref<1x128x64xf32, #tpu.memory_space<hbm>> -> memref<128x64xf32, #tpu.memory_space<hbm>>
    %dma_wait3A_147 = arith.constant 0 : i32
    %dma_wait3A_148 = tpu.memref_slice %arg5[%select_n3A, %add3A_137, %dma_wait3A_147] : memref<16x2048x64xf32, #tpu.memory_space<hbm>> -> memref<1x128x64xf32, #tpu.memory_space<hbm>>
    %dma_wait3A_149 = tpu.memref_squeeze %dma_wait3A_148 : memref<1x128x64xf32, #tpu.memory_space<hbm>> -> memref<128x64xf32, #tpu.memory_space<hbm>>
    tpu.wait_dma2 semaphore(%arg14 : memref<!tpu.dma_semaphore, #tpu.memory_space<semaphore_mem>>) src(%arg8 : memref<128x64xf32, #tpu.memory_space<vmem>>) dst(%dma_wait3A_149 : memref<128x64xf32, #tpu.memory_space<hbm>>)
    %add3A_150 = arith.constant 384 : i32
    %add3A_151 = arith.addi %mul3A_32, %add3A_150 : i32
    %dma_start3A_152 = arith.constant 0 : i32
    %dma_start3A_153 = arith.constant 0 : i32
    %dma_start3A_154 = tpu.memref_slice %arg4[%dma_start3A_152, %add3A_151, %dma_start3A_153] : memref<1x2048x64xf32, #tpu.memory_space<hbm>> -> memref<1x128x64xf32, #tpu.memory_space<hbm>>
    %dma_start3A_155 = tpu.memref_squeeze %dma_start3A_154 : memref<1x128x64xf32, #tpu.memory_space<hbm>> -> memref<128x64xf32, #tpu.memory_space<hbm>>
    %dma_start3A_156 = arith.constant 0 : i32
    %dma_start3A_157 = tpu.memref_slice %arg4[%dma_start3A_152, %add3A_151, %dma_start3A_156] : memref<1x2048x64xf32, #tpu.memory_space<hbm>> -> memref<1x128x64xf32, #tpu.memory_space<hbm>>
    %dma_start3A_158 = tpu.memref_squeeze %dma_start3A_157 : memref<1x128x64xf32, #tpu.memory_space<hbm>> -> memref<128x64xf32, #tpu.memory_space<hbm>>
    tpu.enqueue_dma source(%dma_start3A_158 : memref<128x64xf32, #tpu.memory_space<hbm>>) target(%arg10 : memref<128x64xf32, #tpu.memory_space<vmem>>) target_semaphore(%arg16 : memref<!tpu.dma_semaphore, #tpu.memory_space<semaphore_mem>>)
    %scan3A_159 = arith.constant 0 : i32
    %scan3A_160 = arith.constant 0 : i32
    %scan3A_161 = arith.constant 8 : i32
    %scan3A_162 = arith.addi %scan3A_160, %scan3A_161 : i32
    %scan3A_163 = arith.constant 1 : i32
    %scan3A_164 = scf.for %scan3A_446 = %scan3A_160 to %scan3A_162 step %scan3A_163 iter_args(%scan3A_447 = %scan3A_159) -> (i32)  : i32 {
      %mul3A_448 = arith.constant 16 : i32
      %mul3A_449 = arith.muli %scan3A_446, %mul3A_448 : i32
      %add3A_450 = arith.constant 384 : i32
      %add3A_451 = arith.addi %add3A_450, %mul3A_449 : i32
      %get3A = arith.index_cast %add3A_451 : i32 to index
      %get3A_452 = tpu.vector_load %arg6[%get3A] {strides = array<i32>} : memref<1024xi32, #tpu.memory_space<vmem>>, vector<16xi32>,
      %slice3A = vector.extract_strided_slice %get3A_452 {offsets = [0], sizes = [1], strides = [1]} : vector<16xi32> to vector<1xi32>
      %squeeze3A = vector.extract %slice3A[0] : i32 from vector<1xi32>
      %mul3A_453 = arith.constant 16 : i32
      %mul3A_454 = arith.muli %scan3A_446, %mul3A_453 : i32
      %add3A_455 = arith.constant 0 : i32
      %add3A_456 = arith.addi %mul3A_454, %add3A_455 : i32
      %dma_start3A_457 = arith.constant 0 : i32
      %dma_start3A_458 = tpu.memref_slice %arg8[%add3A_456, %dma_start3A_457] : memref<128x64xf32, #tpu.memory_space<vmem>> -> memref<1x64xf32, #tpu.memory_space<vmem>>
      %dma_start3A_459 = arith.constant 0 : i32
      %dma_start3A_460 = tpu.memref_slice %arg3[%squeeze3A, %dma_start3A_459] : memref<1000000x64xf32, #tpu.memory_space<hbm>> -> memref<1x64xf32, #tpu.memory_space<hbm>>
      %dma_start3A_461 = arith.constant 0 : i32
      %dma_start3A_462 = tpu.memref_slice %arg8[%add3A_456, %dma_start3A_461] : memref<128x64xf32, #tpu.memory_space<vmem>> -> memref<1x64xf32, #tpu.memory_space<vmem>>
      %dma_start3A_463 = arith.constant 0 : i32
      %dma_start3A_464 = tpu.memref_slice %arg3[%squeeze3A, %dma_start3A_463] : memref<1000000x64xf32, #tpu.memory_space<hbm>> -> memref<1x64xf32, #tpu.memory_space<hbm>>
      tpu.enqueue_dma source(%dma_start3A_464 : memref<1x64xf32, #tpu.memory_space<hbm>>) target(%dma_start3A_462 : memref<1x64xf32, #tpu.memory_space<vmem>>) target_semaphore(%arg12 : memref<!tpu.dma_semaphore, #tpu.memory_space<semaphore_mem>>)
      %slice3A_465 = vector.extract_strided_slice %get3A_452 {offsets = [1], sizes = [1], strides = [1]} : vector<16xi32> to vector<1xi32>
      %squeeze3A_466 = vector.extract %slice3A_465[0] : i32 from vector<1xi32>
      %mul3A_467 = arith.constant 16 : i32
      %mul3A_468 = arith.muli %scan3A_446, %mul3A_467 : i32
      %add3A_469 = arith.constant 1 : i32
      %add3A_470 = arith.addi %mul3A_468, %add3A_469 : i32
      %dma_start3A_471 = arith.constant 0 : i32
      %dma_start3A_472 = tpu.memref_slice %arg8[%add3A_470, %dma_start3A_471] : memref<128x64xf32, #tpu.memory_space<vmem>> -> memref<1x64xf32, #tpu.memory_space<vmem>>
      %dma_start3A_473 = arith.constant 0 : i32
      %dma_start3A_474 = tpu.memref_slice %arg3[%squeeze3A_466, %dma_start3A_473] : memref<1000000x64xf32, #tpu.memory_space<hbm>> -> memref<1x64xf32, #tpu.memory_space<hbm>>
      %dma_start3A_475 = arith.constant 0 : i32
      %dma_start3A_476 = tpu.memref_slice %arg8[%add3A_470, %dma_start3A_475] : memref<128x64xf32, #tpu.memory_space<vmem>> -> memref<1x64xf32, #tpu.memory_space<vmem>>
      %dma_start3A_477 = arith.constant 0 : i32
      %dma_start3A_478 = tpu.memref_slice %arg3[%squeeze3A_466, %dma_start3A_477] : memref<1000000x64xf32, #tpu.memory_space<hbm>> -> memref<1x64xf32, #tpu.memory_space<hbm>>
      tpu.enqueue_dma source(%dma_start3A_478 : memref<1x64xf32, #tpu.memory_space<hbm>>) target(%dma_start3A_476 : memref<1x64xf32, #tpu.memory_space<vmem>>) target_semaphore(%arg12 : memref<!tpu.dma_semaphore, #tpu.memory_space<semaphore_mem>>)
      %slice3A_479 = vector.extract_strided_slice %get3A_452 {offsets = [2], sizes = [1], strides = [1]} : vector<16xi32> to vector<1xi32>
      %squeeze3A_480 = vector.extract %slice3A_479[0] : i32 from vector<1xi32>
      %mul3A_481 = arith.constant 16 : i32
      %mul3A_482 = arith.muli %scan3A_446, %mul3A_481 : i32
      %add3A_483 = arith.constant 2 : i32
      %add3A_484 = arith.addi %mul3A_482, %add3A_483 : i32
      %dma_start3A_485 = arith.constant 0 : i32
      %dma_start3A_486 = tpu.memref_slice %arg8[%add3A_484, %dma_start3A_485] : memref<128x64xf32, #tpu.memory_space<vmem>> -> memref<1x64xf32, #tpu.memory_space<vmem>>
      %dma_start3A_487 = arith.constant 0 : i32
      %dma_start3A_488 = tpu.memref_slice %arg3[%squeeze3A_480, %dma_start3A_487] : memref<1000000x64xf32, #tpu.memory_space<hbm>> -> memref<1x64xf32, #tpu.memory_space<hbm>>
      %dma_start3A_489 = arith.constant 0 : i32
      %dma_start3A_490 = tpu.memref_slice %arg8[%add3A_484, %dma_start3A_489] : memref<128x64xf32, #tpu.memory_space<vmem>> -> memref<1x64xf32, #tpu.memory_space<vmem>>
      %dma_start3A_491 = arith.constant 0 : i32
      %dma_start3A_492 = tpu.memref_slice %arg3[%squeeze3A_480, %dma_start3A_491] : memref<1000000x64xf32, #tpu.memory_space<hbm>> -> memref<1x64xf32, #tpu.memory_space<hbm>>
      tpu.enqueue_dma source(%dma_start3A_492 : memref<1x64xf32, #tpu.memory_space<hbm>>) target(%dma_start3A_490 : memref<1x64xf32, #tpu.memory_space<vmem>>) target_semaphore(%arg12 : memref<!tpu.dma_semaphore, #tpu.memory_space<semaphore_mem>>)
      %slice3A_493 = vector.extract_strided_slice %get3A_452 {offsets = [3], sizes = [1], strides = [1]} : vector<16xi32> to vector<1xi32>
      %squeeze3A_494 = vector.extract %slice3A_493[0] : i32 from vector<1xi32>
      %mul3A_495 = arith.constant 16 : i32
      %mul3A_496 = arith.muli %scan3A_446, %mul3A_495 : i32
      %add3A_497 = arith.constant 3 : i32
      %add3A_498 = arith.addi %mul3A_496, %add3A_497 : i32
      %dma_start3A_499 = arith.constant 0 : i32
      %dma_start3A_500 = tpu.memref_slice %arg8[%add3A_498, %dma_start3A_499] : memref<128x64xf32, #tpu.memory_space<vmem>> -> memref<1x64xf32, #tpu.memory_space<vmem>>
      %dma_start3A_501 = arith.constant 0 : i32
      %dma_start3A_502 = tpu.memref_slice %arg3[%squeeze3A_494, %dma_start3A_501] : memref<1000000x64xf32, #tpu.memory_space<hbm>> -> memref<1x64xf32, #tpu.memory_space<hbm>>
      %dma_start3A_503 = arith.constant 0 : i32
      %dma_start3A_504 = tpu.memref_slice %arg8[%add3A_498, %dma_start3A_503] : memref<128x64xf32, #tpu.memory_space<vmem>> -> memref<1x64xf32, #tpu.memory_space<vmem>>
      %dma_start3A_505 = arith.constant 0 : i32
      %dma_start3A_506 = tpu.memref_slice %arg3[%squeeze3A_494, %dma_start3A_505] : memref<1000000x64xf32, #tpu.memory_space<hbm>> -> memref<1x64xf32, #tpu.memory_space<hbm>>
      tpu.enqueue_dma source(%dma_start3A_506 : memref<1x64xf32, #tpu.memory_space<hbm>>) target(%dma_start3A_504 : memref<1x64xf32, #tpu.memory_space<vmem>>) target_semaphore(%arg12 : memref<!tpu.dma_semaphore, #tpu.memory_space<semaphore_mem>>)
      %slice3A_507 = vector.extract_strided_slice %get3A_452 {offsets = [4], sizes = [1], strides = [1]} : vector<16xi32> to vector<1xi32>
      %squeeze3A_508 = vector.extract %slice3A_507[0] : i32 from vector<1xi32>
      %mul3A_509 = arith.constant 16 : i32
      %mul3A_510 = arith.muli %scan3A_446, %mul3A_509 : i32
      %add3A_511 = arith.constant 4 : i32
      %add3A_512 = arith.addi %mul3A_510, %add3A_511 : i32
      %dma_start3A_513 = arith.constant 0 : i32
      %dma_start3A_514 = tpu.memref_slice %arg8[%add3A_512, %dma_start3A_513] : memref<128x64xf32, #tpu.memory_space<vmem>> -> memref<1x64xf32, #tpu.memory_space<vmem>>
      %dma_start3A_515 = arith.constant 0 : i32
      %dma_start3A_516 = tpu.memref_slice %arg3[%squeeze3A_508, %dma_start3A_515] : memref<1000000x64xf32, #tpu.memory_space<hbm>> -> memref<1x64xf32, #tpu.memory_space<hbm>>
      %dma_start3A_517 = arith.constant 0 : i32
      %dma_start3A_518 = tpu.memref_slice %arg8[%add3A_512, %dma_start3A_517] : memref<128x64xf32, #tpu.memory_space<vmem>> -> memref<1x64xf32, #tpu.memory_space<vmem>>
      %dma_start3A_519 = arith.constant 0 : i32
      %dma_start3A_520 = tpu.memref_slice %arg3[%squeeze3A_508, %dma_start3A_519] : memref<1000000x64xf32, #tpu.memory_space<hbm>> -> memref<1x64xf32, #tpu.memory_space<hbm>>
      tpu.enqueue_dma source(%dma_start3A_520 : memref<1x64xf32, #tpu.memory_space<hbm>>) target(%dma_start3A_518 : memref<1x64xf32, #tpu.memory_space<vmem>>) target_semaphore(%arg12 : memref<!tpu.dma_semaphore, #tpu.memory_space<semaphore_mem>>)
      %slice3A_521 = vector.extract_strided_slice %get3A_452 {offsets = [5], sizes = [1], strides = [1]} : vector<16xi32> to vector<1xi32>
      %squeeze3A_522 = vector.extract %slice3A_521[0] : i32 from vector<1xi32>
      %mul3A_523 = arith.constant 16 : i32
      %mul3A_524 = arith.muli %scan3A_446, %mul3A_523 : i32
      %add3A_525 = arith.constant 5 : i32
      %add3A_526 = arith.addi %mul3A_524, %add3A_525 : i32
      %dma_start3A_527 = arith.constant 0 : i32
      %dma_start3A_528 = tpu.memref_slice %arg8[%add3A_526, %dma_start3A_527] : memref<128x64xf32, #tpu.memory_space<vmem>> -> memref<1x64xf32, #tpu.memory_space<vmem>>
      %dma_start3A_529 = arith.constant 0 : i32
      %dma_start3A_530 = tpu.memref_slice %arg3[%squeeze3A_522, %dma_start3A_529] : memref<1000000x64xf32, #tpu.memory_space<hbm>> -> memref<1x64xf32, #tpu.memory_space<hbm>>
      %dma_start3A_531 = arith.constant 0 : i32
      %dma_start3A_532 = tpu.memref_slice %arg8[%add3A_526, %dma_start3A_531] : memref<128x64xf32, #tpu.memory_space<vmem>> -> memref<1x64xf32, #tpu.memory_space<vmem>>
      %dma_start3A_533 = arith.constant 0 : i32
      %dma_start3A_534 = tpu.memref_slice %arg3[%squeeze3A_522, %dma_start3A_533] : memref<1000000x64xf32, #tpu.memory_space<hbm>> -> memref<1x64xf32, #tpu.memory_space<hbm>>
      tpu.enqueue_dma source(%dma_start3A_534 : memref<1x64xf32, #tpu.memory_space<hbm>>) target(%dma_start3A_532 : memref<1x64xf32, #tpu.memory_space<vmem>>) target_semaphore(%arg12 : memref<!tpu.dma_semaphore, #tpu.memory_space<semaphore_mem>>)
      %slice3A_535 = vector.extract_strided_slice %get3A_452 {offsets = [6], sizes = [1], strides = [1]} : vector<16xi32> to vector<1xi32>
      %squeeze3A_536 = vector.extract %slice3A_535[0] : i32 from vector<1xi32>
      %mul3A_537 = arith.constant 16 : i32
      %mul3A_538 = arith.muli %scan3A_446, %mul3A_537 : i32
      %add3A_539 = arith.constant 6 : i32
      %add3A_540 = arith.addi %mul3A_538, %add3A_539 : i32
      %dma_start3A_541 = arith.constant 0 : i32
      %dma_start3A_542 = tpu.memref_slice %arg8[%add3A_540, %dma_start3A_541] : memref<128x64xf32, #tpu.memory_space<vmem>> -> memref<1x64xf32, #tpu.memory_space<vmem>>
      %dma_start3A_543 = arith.constant 0 : i32
      %dma_start3A_544 = tpu.memref_slice %arg3[%squeeze3A_536, %dma_start3A_543] : memref<1000000x64xf32, #tpu.memory_space<hbm>> -> memref<1x64xf32, #tpu.memory_space<hbm>>
      %dma_start3A_545 = arith.constant 0 : i32
      %dma_start3A_546 = tpu.memref_slice %arg8[%add3A_540, %dma_start3A_545] : memref<128x64xf32, #tpu.memory_space<vmem>> -> memref<1x64xf32, #tpu.memory_space<vmem>>
      %dma_start3A_547 = arith.constant 0 : i32
      %dma_start3A_548 = tpu.memref_slice %arg3[%squeeze3A_536, %dma_start3A_547] : memref<1000000x64xf32, #tpu.memory_space<hbm>> -> memref<1x64xf32, #tpu.memory_space<hbm>>
      tpu.enqueue_dma source(%dma_start3A_548 : memref<1x64xf32, #tpu.memory_space<hbm>>) target(%dma_start3A_546 : memref<1x64xf32, #tpu.memory_space<vmem>>) target_semaphore(%arg12 : memref<!tpu.dma_semaphore, #tpu.memory_space<semaphore_mem>>)
      %slice3A_549 = vector.extract_strided_slice %get3A_452 {offsets = [7], sizes = [1], strides = [1]} : vector<16xi32> to vector<1xi32>
      %squeeze3A_550 = vector.extract %slice3A_549[0] : i32 from vector<1xi32>
      %mul3A_551 = arith.constant 16 : i32
      %mul3A_552 = arith.muli %scan3A_446, %mul3A_551 : i32
      %add3A_553 = arith.constant 7 : i32
      %add3A_554 = arith.addi %mul3A_552, %add3A_553 : i32
      %dma_start3A_555 = arith.constant 0 : i32
      %dma_start3A_556 = tpu.memref_slice %arg8[%add3A_554, %dma_start3A_555] : memref<128x64xf32, #tpu.memory_space<vmem>> -> memref<1x64xf32, #tpu.memory_space<vmem>>
      %dma_start3A_557 = arith.constant 0 : i32
      %dma_start3A_558 = tpu.memref_slice %arg3[%squeeze3A_550, %dma_start3A_557] : memref<1000000x64xf32, #tpu.memory_space<hbm>> -> memref<1x64xf32, #tpu.memory_space<hbm>>
      %dma_start3A_559 = arith.constant 0 : i32
      %dma_start3A_560 = tpu.memref_slice %arg8[%add3A_554, %dma_start3A_559] : memref<128x64xf32, #tpu.memory_space<vmem>> -> memref<1x64xf32, #tpu.memory_space<vmem>>
      %dma_start3A_561 = arith.constant 0 : i32
      %dma_start3A_562 = tpu.memref_slice %arg3[%squeeze3A_550, %dma_start3A_561] : memref<1000000x64xf32, #tpu.memory_space<hbm>> -> memref<1x64xf32, #tpu.memory_space<hbm>>
      tpu.enqueue_dma source(%dma_start3A_562 : memref<1x64xf32, #tpu.memory_space<hbm>>) target(%dma_start3A_560 : memref<1x64xf32, #tpu.memory_space<vmem>>) target_semaphore(%arg12 : memref<!tpu.dma_semaphore, #tpu.memory_space<semaphore_mem>>)
      %slice3A_563 = vector.extract_strided_slice %get3A_452 {offsets = [8], sizes = [1], strides = [1]} : vector<16xi32> to vector<1xi32>
      %squeeze3A_564 = vector.extract %slice3A_563[0] : i32 from vector<1xi32>
      %mul3A_565 = arith.constant 16 : i32
      %mul3A_566 = arith.muli %scan3A_446, %mul3A_565 : i32
      %add3A_567 = arith.constant 8 : i32
      %add3A_568 = arith.addi %mul3A_566, %add3A_567 : i32
      %dma_start3A_569 = arith.constant 0 : i32
      %dma_start3A_570 = tpu.memref_slice %arg8[%add3A_568, %dma_start3A_569] : memref<128x64xf32, #tpu.memory_space<vmem>> -> memref<1x64xf32, #tpu.memory_space<vmem>>
      %dma_start3A_571 = arith.constant 0 : i32
      %dma_start3A_572 = tpu.memref_slice %arg3[%squeeze3A_564, %dma_start3A_571] : memref<1000000x64xf32, #tpu.memory_space<hbm>> -> memref<1x64xf32, #tpu.memory_space<hbm>>
      %dma_start3A_573 = arith.constant 0 : i32
      %dma_start3A_574 = tpu.memref_slice %arg8[%add3A_568, %dma_start3A_573] : memref<128x64xf32, #tpu.memory_space<vmem>> -> memref<1x64xf32, #tpu.memory_space<vmem>>
      %dma_start3A_575 = arith.constant 0 : i32
      %dma_start3A_576 = tpu.memref_slice %arg3[%squeeze3A_564, %dma_start3A_575] : memref<1000000x64xf32, #tpu.memory_space<hbm>> -> memref<1x64xf32, #tpu.memory_space<hbm>>
      tpu.enqueue_dma source(%dma_start3A_576 : memref<1x64xf32, #tpu.memory_space<hbm>>) target(%dma_start3A_574 : memref<1x64xf32, #tpu.memory_space<vmem>>) target_semaphore(%arg12 : memref<!tpu.dma_semaphore, #tpu.memory_space<semaphore_mem>>)
      %slice3A_577 = vector.extract_strided_slice %get3A_452 {offsets = [9], sizes = [1], strides = [1]} : vector<16xi32> to vector<1xi32>
      %squeeze3A_578 = vector.extract %slice3A_577[0] : i32 from vector<1xi32>
      %mul3A_579 = arith.constant 16 : i32
      %mul3A_580 = arith.muli %scan3A_446, %mul3A_579 : i32
      %add3A_581 = arith.constant 9 : i32
      %add3A_582 = arith.addi %mul3A_580, %add3A_581 : i32
      %dma_start3A_583 = arith.constant 0 : i32
      %dma_start3A_584 = tpu.memref_slice %arg8[%add3A_582, %dma_start3A_583] : memref<128x64xf32, #tpu.memory_space<vmem>> -> memref<1x64xf32, #tpu.memory_space<vmem>>
      %dma_start3A_585 = arith.constant 0 : i32
      %dma_start3A_586 = tpu.memref_slice %arg3[%squeeze3A_578, %dma_start3A_585] : memref<1000000x64xf32, #tpu.memory_space<hbm>> -> memref<1x64xf32, #tpu.memory_space<hbm>>
      %dma_start3A_587 = arith.constant 0 : i32
      %dma_start3A_588 = tpu.memref_slice %arg8[%add3A_582, %dma_start3A_587] : memref<128x64xf32, #tpu.memory_space<vmem>> -> memref<1x64xf32, #tpu.memory_space<vmem>>
      %dma_start3A_589 = arith.constant 0 : i32
      %dma_start3A_590 = tpu.memref_slice %arg3[%squeeze3A_578, %dma_start3A_589] : memref<1000000x64xf32, #tpu.memory_space<hbm>> -> memref<1x64xf32, #tpu.memory_space<hbm>>
      tpu.enqueue_dma source(%dma_start3A_590 : memref<1x64xf32, #tpu.memory_space<hbm>>) target(%dma_start3A_588 : memref<1x64xf32, #tpu.memory_space<vmem>>) target_semaphore(%arg12 : memref<!tpu.dma_semaphore, #tpu.memory_space<semaphore_mem>>)
      %slice3A_591 = vector.extract_strided_slice %get3A_452 {offsets = [10], sizes = [1], strides = [1]} : vector<16xi32> to vector<1xi32>
      %squeeze3A_592 = vector.extract %slice3A_591[0] : i32 from vector<1xi32>
      %mul3A_593 = arith.constant 16 : i32
      %mul3A_594 = arith.muli %scan3A_446, %mul3A_593 : i32
      %add3A_595 = arith.constant 10 : i32
      %add3A_596 = arith.addi %mul3A_594, %add3A_595 : i32
      %dma_start3A_597 = arith.constant 0 : i32
      %dma_start3A_598 = tpu.memref_slice %arg8[%add3A_596, %dma_start3A_597] : memref<128x64xf32, #tpu.memory_space<vmem>> -> memref<1x64xf32, #tpu.memory_space<vmem>>
      %dma_start3A_599 = arith.constant 0 : i32
      %dma_start3A_600 = tpu.memref_slice %arg3[%squeeze3A_592, %dma_start3A_599] : memref<1000000x64xf32, #tpu.memory_space<hbm>> -> memref<1x64xf32, #tpu.memory_space<hbm>>
      %dma_start3A_601 = arith.constant 0 : i32
      %dma_start3A_602 = tpu.memref_slice %arg8[%add3A_596, %dma_start3A_601] : memref<128x64xf32, #tpu.memory_space<vmem>> -> memref<1x64xf32, #tpu.memory_space<vmem>>
      %dma_start3A_603 = arith.constant 0 : i32
      %dma_start3A_604 = tpu.memref_slice %arg3[%squeeze3A_592, %dma_start3A_603] : memref<1000000x64xf32, #tpu.memory_space<hbm>> -> memref<1x64xf32, #tpu.memory_space<hbm>>
      tpu.enqueue_dma source(%dma_start3A_604 : memref<1x64xf32, #tpu.memory_space<hbm>>) target(%dma_start3A_602 : memref<1x64xf32, #tpu.memory_space<vmem>>) target_semaphore(%arg12 : memref<!tpu.dma_semaphore, #tpu.memory_space<semaphore_mem>>)
      %slice3A_605 = vector.extract_strided_slice %get3A_452 {offsets = [11], sizes = [1], strides = [1]} : vector<16xi32> to vector<1xi32>
      %squeeze3A_606 = vector.extract %slice3A_605[0] : i32 from vector<1xi32>
      %mul3A_607 = arith.constant 16 : i32
      %mul3A_608 = arith.muli %scan3A_446, %mul3A_607 : i32
      %add3A_609 = arith.constant 11 : i32
      %add3A_610 = arith.addi %mul3A_608, %add3A_609 : i32
      %dma_start3A_611 = arith.constant 0 : i32
      %dma_start3A_612 = tpu.memref_slice %arg8[%add3A_610, %dma_start3A_611] : memref<128x64xf32, #tpu.memory_space<vmem>> -> memref<1x64xf32, #tpu.memory_space<vmem>>
      %dma_start3A_613 = arith.constant 0 : i32
      %dma_start3A_614 = tpu.memref_slice %arg3[%squeeze3A_606, %dma_start3A_613] : memref<1000000x64xf32, #tpu.memory_space<hbm>> -> memref<1x64xf32, #tpu.memory_space<hbm>>
      %dma_start3A_615 = arith.constant 0 : i32
      %dma_start3A_616 = tpu.memref_slice %arg8[%add3A_610, %dma_start3A_615] : memref<128x64xf32, #tpu.memory_space<vmem>> -> memref<1x64xf32, #tpu.memory_space<vmem>>
      %dma_start3A_617 = arith.constant 0 : i32
      %dma_start3A_618 = tpu.memref_slice %arg3[%squeeze3A_606, %dma_start3A_617] : memref<1000000x64xf32, #tpu.memory_space<hbm>> -> memref<1x64xf32, #tpu.memory_space<hbm>>
      tpu.enqueue_dma source(%dma_start3A_618 : memref<1x64xf32, #tpu.memory_space<hbm>>) target(%dma_start3A_616 : memref<1x64xf32, #tpu.memory_space<vmem>>) target_semaphore(%arg12 : memref<!tpu.dma_semaphore, #tpu.memory_space<semaphore_mem>>)
      %slice3A_619 = vector.extract_strided_slice %get3A_452 {offsets = [12], sizes = [1], strides = [1]} : vector<16xi32> to vector<1xi32>
      %squeeze3A_620 = vector.extract %slice3A_619[0] : i32 from vector<1xi32>
      %mul3A_621 = arith.constant 16 : i32
      %mul3A_622 = arith.muli %scan3A_446, %mul3A_621 : i32
      %add3A_623 = arith.constant 12 : i32
      %add3A_624 = arith.addi %mul3A_622, %add3A_623 : i32
      %dma_start3A_625 = arith.constant 0 : i32
      %dma_start3A_626 = tpu.memref_slice %arg8[%add3A_624, %dma_start3A_625] : memref<128x64xf32, #tpu.memory_space<vmem>> -> memref<1x64xf32, #tpu.memory_space<vmem>>
      %dma_start3A_627 = arith.constant 0 : i32
      %dma_start3A_628 = tpu.memref_slice %arg3[%squeeze3A_620, %dma_start3A_627] : memref<1000000x64xf32, #tpu.memory_space<hbm>> -> memref<1x64xf32, #tpu.memory_space<hbm>>
      %dma_start3A_629 = arith.constant 0 : i32
      %dma_start3A_630 = tpu.memref_slice %arg8[%add3A_624, %dma_start3A_629] : memref<128x64xf32, #tpu.memory_space<vmem>> -> memref<1x64xf32, #tpu.memory_space<vmem>>
      %dma_start3A_631 = arith.constant 0 : i32
      %dma_start3A_632 = tpu.memref_slice %arg3[%squeeze3A_620, %dma_start3A_631] : memref<1000000x64xf32, #tpu.memory_space<hbm>> -> memref<1x64xf32, #tpu.memory_space<hbm>>
      tpu.enqueue_dma source(%dma_start3A_632 : memref<1x64xf32, #tpu.memory_space<hbm>>) target(%dma_start3A_630 : memref<1x64xf32, #tpu.memory_space<vmem>>) target_semaphore(%arg12 : memref<!tpu.dma_semaphore, #tpu.memory_space<semaphore_mem>>)
      %slice3A_633 = vector.extract_strided_slice %get3A_452 {offsets = [13], sizes = [1], strides = [1]} : vector<16xi32> to vector<1xi32>
      %squeeze3A_634 = vector.extract %slice3A_633[0] : i32 from vector<1xi32>
      %mul3A_635 = arith.constant 16 : i32
      %mul3A_636 = arith.muli %scan3A_446, %mul3A_635 : i32
      %add3A_637 = arith.constant 13 : i32
      %add3A_638 = arith.addi %mul3A_636, %add3A_637 : i32
      %dma_start3A_639 = arith.constant 0 : i32
      %dma_start3A_640 = tpu.memref_slice %arg8[%add3A_638, %dma_start3A_639] : memref<128x64xf32, #tpu.memory_space<vmem>> -> memref<1x64xf32, #tpu.memory_space<vmem>>
      %dma_start3A_641 = arith.constant 0 : i32
      %dma_start3A_642 = tpu.memref_slice %arg3[%squeeze3A_634, %dma_start3A_641] : memref<1000000x64xf32, #tpu.memory_space<hbm>> -> memref<1x64xf32, #tpu.memory_space<hbm>>
      %dma_start3A_643 = arith.constant 0 : i32
      %dma_start3A_644 = tpu.memref_slice %arg8[%add3A_638, %dma_start3A_643] : memref<128x64xf32, #tpu.memory_space<vmem>> -> memref<1x64xf32, #tpu.memory_space<vmem>>
      %dma_start3A_645 = arith.constant 0 : i32
      %dma_start3A_646 = tpu.memref_slice %arg3[%squeeze3A_634, %dma_start3A_645] : memref<1000000x64xf32, #tpu.memory_space<hbm>> -> memref<1x64xf32, #tpu.memory_space<hbm>>
      tpu.enqueue_dma source(%dma_start3A_646 : memref<1x64xf32, #tpu.memory_space<hbm>>) target(%dma_start3A_644 : memref<1x64xf32, #tpu.memory_space<vmem>>) target_semaphore(%arg12 : memref<!tpu.dma_semaphore, #tpu.memory_space<semaphore_mem>>)
      %slice3A_647 = vector.extract_strided_slice %get3A_452 {offsets = [14], sizes = [1], strides = [1]} : vector<16xi32> to vector<1xi32>
      %squeeze3A_648 = vector.extract %slice3A_647[0] : i32 from vector<1xi32>
      %mul3A_649 = arith.constant 16 : i32
      %mul3A_650 = arith.muli %scan3A_446, %mul3A_649 : i32
      %add3A_651 = arith.constant 14 : i32
      %add3A_652 = arith.addi %mul3A_650, %add3A_651 : i32
      %dma_start3A_653 = arith.constant 0 : i32
      %dma_start3A_654 = tpu.memref_slice %arg8[%add3A_652, %dma_start3A_653] : memref<128x64xf32, #tpu.memory_space<vmem>> -> memref<1x64xf32, #tpu.memory_space<vmem>>
      %dma_start3A_655 = arith.constant 0 : i32
      %dma_start3A_656 = tpu.memref_slice %arg3[%squeeze3A_648, %dma_start3A_655] : memref<1000000x64xf32, #tpu.memory_space<hbm>> -> memref<1x64xf32, #tpu.memory_space<hbm>>
      %dma_start3A_657 = arith.constant 0 : i32
      %dma_start3A_658 = tpu.memref_slice %arg8[%add3A_652, %dma_start3A_657] : memref<128x64xf32, #tpu.memory_space<vmem>> -> memref<1x64xf32, #tpu.memory_space<vmem>>
      %dma_start3A_659 = arith.constant 0 : i32
      %dma_start3A_660 = tpu.memref_slice %arg3[%squeeze3A_648, %dma_start3A_659] : memref<1000000x64xf32, #tpu.memory_space<hbm>> -> memref<1x64xf32, #tpu.memory_space<hbm>>
      tpu.enqueue_dma source(%dma_start3A_660 : memref<1x64xf32, #tpu.memory_space<hbm>>) target(%dma_start3A_658 : memref<1x64xf32, #tpu.memory_space<vmem>>) target_semaphore(%arg12 : memref<!tpu.dma_semaphore, #tpu.memory_space<semaphore_mem>>)
      %slice3A_661 = vector.extract_strided_slice %get3A_452 {offsets = [15], sizes = [1], strides = [1]} : vector<16xi32> to vector<1xi32>
      %squeeze3A_662 = vector.extract %slice3A_661[0] : i32 from vector<1xi32>
      %mul3A_663 = arith.constant 16 : i32
      %mul3A_664 = arith.muli %scan3A_446, %mul3A_663 : i32
      %add3A_665 = arith.constant 15 : i32
      %add3A_666 = arith.addi %mul3A_664, %add3A_665 : i32
      %dma_start3A_667 = arith.constant 0 : i32
      %dma_start3A_668 = tpu.memref_slice %arg8[%add3A_666, %dma_start3A_667] : memref<128x64xf32, #tpu.memory_space<vmem>> -> memref<1x64xf32, #tpu.memory_space<vmem>>
      %dma_start3A_669 = arith.constant 0 : i32
      %dma_start3A_670 = tpu.memref_slice %arg3[%squeeze3A_662, %dma_start3A_669] : memref<1000000x64xf32, #tpu.memory_space<hbm>> -> memref<1x64xf32, #tpu.memory_space<hbm>>
      %dma_start3A_671 = arith.constant 0 : i32
      %dma_start3A_672 = tpu.memref_slice %arg8[%add3A_666, %dma_start3A_671] : memref<128x64xf32, #tpu.memory_space<vmem>> -> memref<1x64xf32, #tpu.memory_space<vmem>>
      %dma_start3A_673 = arith.constant 0 : i32
      %dma_start3A_674 = tpu.memref_slice %arg3[%squeeze3A_662, %dma_start3A_673] : memref<1000000x64xf32, #tpu.memory_space<hbm>> -> memref<1x64xf32, #tpu.memory_space<hbm>>
      tpu.enqueue_dma source(%dma_start3A_674 : memref<1x64xf32, #tpu.memory_space<hbm>>) target(%dma_start3A_672 : memref<1x64xf32, #tpu.memory_space<vmem>>) target_semaphore(%arg12 : memref<!tpu.dma_semaphore, #tpu.memory_space<semaphore_mem>>)
      %scan3A_675 = arith.constant 0 : i32
      scf.yield %scan3A_675 : i32
    }
    %scan3A_165 = arith.constant 8 : i32
    %dma_wait3A_166 = arith.constant 0 : i32
    %dma_wait3A_167 = arith.constant 0 : i32
    %dma_wait3A_168 = tpu.memref_slice %arg3[%dma_wait3A_166, %dma_wait3A_167] : memref<1000000x64xf32, #tpu.memory_space<hbm>> -> memref<128x64xf32, #tpu.memory_space<hbm>>
    %dma_wait3A_169 = arith.constant 0 : i32
    %dma_wait3A_170 = arith.constant 0 : i32
    %dma_wait3A_171 = tpu.memref_slice %arg3[%dma_wait3A_169, %dma_wait3A_170] : memref<1000000x64xf32, #tpu.memory_space<hbm>> -> memref<128x64xf32, #tpu.memory_space<hbm>>
    tpu.wait_dma2 semaphore(%arg11 : memref<!tpu.dma_semaphore, #tpu.memory_space<semaphore_mem>>) src(%dma_wait3A_171 : memref<128x64xf32, #tpu.memory_space<hbm>>) dst(%arg7 : memref<128x64xf32, #tpu.memory_space<vmem>>)
    %dma_wait3A_172 = arith.constant 0 : i32
    %dma_wait3A_173 = arith.constant 0 : i32
    %dma_wait3A_174 = arith.constant 0 : i32
    %dma_wait3A_175 = tpu.memref_slice %arg4[%dma_wait3A_172, %dma_wait3A_173, %dma_wait3A_174] : memref<1x2048x64xf32, #tpu.memory_space<hbm>> -> memref<1x128x64xf32, #tpu.memory_space<hbm>>
    %dma_wait3A_176 = tpu.memref_squeeze %dma_wait3A_175 : memref<1x128x64xf32, #tpu.memory_space<hbm>> -> memref<128x64xf32, #tpu.memory_space<hbm>>
    %dma_wait3A_177 = arith.constant 0 : i32
    %dma_wait3A_178 = arith.constant 0 : i32
    %dma_wait3A_179 = tpu.memref_slice %arg4[%dma_wait3A_172, %dma_wait3A_177, %dma_wait3A_178] : memref<1x2048x64xf32, #tpu.memory_space<hbm>> -> memref<1x128x64xf32, #tpu.memory_space<hbm>>
    %dma_wait3A_180 = tpu.memref_squeeze %dma_wait3A_179 : memref<1x128x64xf32, #tpu.memory_space<hbm>> -> memref<128x64xf32, #tpu.memory_space<hbm>>
    tpu.wait_dma2 semaphore(%arg15 : memref<!tpu.dma_semaphore, #tpu.memory_space<semaphore_mem>>) src(%dma_wait3A_180 : memref<128x64xf32, #tpu.memory_space<hbm>>) dst(%arg9 : memref<128x64xf32, #tpu.memory_space<vmem>>)
    %scan3A_181 = arith.constant 0 : i32
    %scan3A_182 = arith.constant 0 : i32
    %scan3A_183 = arith.constant 128 : i32
    %scan3A_184 = arith.addi %scan3A_182, %scan3A_183 : i32
    %scan3A_185 = arith.constant 1 : i32
    %scan3A_186 = scf.for %scan3A_446 = %scan3A_182 to %scan3A_184 step %scan3A_185 iter_args(%scan3A_447 = %scan3A_181) -> (i32)  : i32 {
      %get3A = arith.index_cast %scan3A_446 : i32 to index
      %get3A_448 = arith.constant 0 : index
      %get3A_449 = tpu.vector_load %arg7[%get3A, %get3A_448] {strides = array<i32>} : memref<128x64xf32, #tpu.memory_space<vmem>>, vector<16xf32>,
      %mul3A_450 = arith.constant 8.000000e+00 : f32
      %mul3A_451 = vector.broadcast %mul3A_450 : f32 to vector<16xf32>
      %mul3A_452 = arith.mulf %get3A_449, %mul3A_451 : vector<16xf32>
      %get3A_453 = arith.index_cast %scan3A_446 : i32 to index
      %get3A_454 = arith.constant 0 : index
      %get3A_455 = tpu.vector_load %arg9[%get3A_453, %get3A_454] {strides = array<i32>} : memref<128x64xf32, #tpu.memory_space<vmem>>, vector<16xf32>,
      %add3A_456 = arith.addf %mul3A_452, %get3A_455 : vector<16xf32>
      %swap3A = arith.index_cast %scan3A_446 : i32 to index
      %swap3A_457 = arith.constant 0 : index
      %swap3A_458 = tpu.vector_load %arg7[%swap3A, %swap3A_457] {strides = array<i32>} : memref<128x64xf32, #tpu.memory_space<vmem>>, vector<16xf32>,
      tpu.vector_store %arg7[%swap3A, %swap3A_457], %add3A_456 {strides = array<i32>} : memref<128x64xf32, #tpu.memory_space<vmem>>, vector<16xf32>,
      %get3A_459 = arith.index_cast %scan3A_446 : i32 to index
      %get3A_460 = arith.constant 16 : index
      %get3A_461 = tpu.vector_load %arg7[%get3A_459, %get3A_460] {strides = array<i32>} : memref<128x64xf32, #tpu.memory_space<vmem>>, vector<16xf32>,
      %mul3A_462 = arith.constant 8.000000e+00 : f32
      %mul3A_463 = vector.broadcast %mul3A_462 : f32 to vector<16xf32>
      %mul3A_464 = arith.mulf %get3A_461, %mul3A_463 : vector<16xf32>
      %get3A_465 = arith.index_cast %scan3A_446 : i32 to index
      %get3A_466 = arith.constant 16 : index
      %get3A_467 = tpu.vector_load %arg9[%get3A_465, %get3A_466] {strides = array<i32>} : memref<128x64xf32, #tpu.memory_space<vmem>>, vector<16xf32>,
      %add3A_468 = arith.addf %mul3A_464, %get3A_467 : vector<16xf32>
      %swap3A_469 = arith.index_cast %scan3A_446 : i32 to index
      %swap3A_470 = arith.constant 16 : index
      %swap3A_471 = tpu.vector_load %arg7[%swap3A_469, %swap3A_470] {strides = array<i32>} : memref<128x64xf32, #tpu.memory_space<vmem>>, vector<16xf32>,
      tpu.vector_store %arg7[%swap3A_469, %swap3A_470], %add3A_468 {strides = array<i32>} : memref<128x64xf32, #tpu.memory_space<vmem>>, vector<16xf32>,
      %get3A_472 = arith.index_cast %scan3A_446 : i32 to index
      %get3A_473 = arith.constant 32 : index
      %get3A_474 = tpu.vector_load %arg7[%get3A_472, %get3A_473] {strides = array<i32>} : memref<128x64xf32, #tpu.memory_space<vmem>>, vector<16xf32>,
      %mul3A_475 = arith.constant 8.000000e+00 : f32
      %mul3A_476 = vector.broadcast %mul3A_475 : f32 to vector<16xf32>
      %mul3A_477 = arith.mulf %get3A_474, %mul3A_476 : vector<16xf32>
      %get3A_478 = arith.index_cast %scan3A_446 : i32 to index
      %get3A_479 = arith.constant 32 : index
      %get3A_480 = tpu.vector_load %arg9[%get3A_478, %get3A_479] {strides = array<i32>} : memref<128x64xf32, #tpu.memory_space<vmem>>, vector<16xf32>,
      %add3A_481 = arith.addf %mul3A_477, %get3A_480 : vector<16xf32>
      %swap3A_482 = arith.index_cast %scan3A_446 : i32 to index
      %swap3A_483 = arith.constant 32 : index
      %swap3A_484 = tpu.vector_load %arg7[%swap3A_482, %swap3A_483] {strides = array<i32>} : memref<128x64xf32, #tpu.memory_space<vmem>>, vector<16xf32>,
      tpu.vector_store %arg7[%swap3A_482, %swap3A_483], %add3A_481 {strides = array<i32>} : memref<128x64xf32, #tpu.memory_space<vmem>>, vector<16xf32>,
      %get3A_485 = arith.index_cast %scan3A_446 : i32 to index
      %get3A_486 = arith.constant 48 : index
      %get3A_487 = tpu.vector_load %arg7[%get3A_485, %get3A_486] {strides = array<i32>} : memref<128x64xf32, #tpu.memory_space<vmem>>, vector<16xf32>,
      %mul3A_488 = arith.constant 8.000000e+00 : f32
      %mul3A_489 = vector.broadcast %mul3A_488 : f32 to vector<16xf32>
      %mul3A_490 = arith.mulf %get3A_487, %mul3A_489 : vector<16xf32>
      %get3A_491 = arith.index_cast %scan3A_446 : i32 to index
      %get3A_492 = arith.constant 48 : index
      %get3A_493 = tpu.vector_load %arg9[%get3A_491, %get3A_492] {strides = array<i32>} : memref<128x64xf32, #tpu.memory_space<vmem>>, vector<16xf32>,
      %add3A_494 = arith.addf %mul3A_490, %get3A_493 : vector<16xf32>
      %swap3A_495 = arith.index_cast %scan3A_446 : i32 to index
      %swap3A_496 = arith.constant 48 : index
      %swap3A_497 = tpu.vector_load %arg7[%swap3A_495, %swap3A_496] {strides = array<i32>} : memref<128x64xf32, #tpu.memory_space<vmem>>, vector<16xf32>,
      tpu.vector_store %arg7[%swap3A_495, %swap3A_496], %add3A_494 {strides = array<i32>} : memref<128x64xf32, #tpu.memory_space<vmem>>, vector<16xf32>,
      %scan3A_498 = arith.constant 0 : i32
      scf.yield %scan3A_498 : i32
    }
    %scan3A_187 = arith.constant 128 : i32
    %add3A_188 = arith.constant 256 : i32
    %add3A_189 = arith.addi %mul3A_32, %add3A_188 : i32
    %dma_start3A_190 = arith.constant 0 : i32
    %dma_start3A_191 = tpu.memref_slice %arg5[%select_n3A, %add3A_189, %dma_start3A_190] : memref<16x2048x64xf32, #tpu.memory_space<hbm>> -> memref<1x128x64xf32, #tpu.memory_space<hbm>>
    %dma_start3A_192 = tpu.memref_squeeze %dma_start3A_191 : memref<1x128x64xf32, #tpu.memory_space<hbm>> -> memref<128x64xf32, #tpu.memory_space<hbm>>
    %dma_start3A_193 = arith.constant 0 : i32
    %dma_start3A_194 = tpu.memref_slice %arg5[%select_n3A, %add3A_189, %dma_start3A_193] : memref<16x2048x64xf32, #tpu.memory_space<hbm>> -> memref<1x128x64xf32, #tpu.memory_space<hbm>>
    %dma_start3A_195 = tpu.memref_squeeze %dma_start3A_194 : memref<1x128x64xf32, #tpu.memory_space<hbm>> -> memref<128x64xf32, #tpu.memory_space<hbm>>
    tpu.enqueue_dma source(%arg7 : memref<128x64xf32, #tpu.memory_space<vmem>>) target(%dma_start3A_195 : memref<128x64xf32, #tpu.memory_space<hbm>>) target_semaphore(%arg13 : memref<!tpu.dma_semaphore, #tpu.memory_space<semaphore_mem>>)
    %dma_wait3A_196 = arith.constant 0 : i32
    %dma_wait3A_197 = tpu.memref_slice %arg5[%select_n3A, %add3A_189, %dma_wait3A_196] : memref<16x2048x64xf32, #tpu.memory_space<hbm>> -> memref<1x128x64xf32, #tpu.memory_space<hbm>>
    %dma_wait3A_198 = tpu.memref_squeeze %dma_wait3A_197 : memref<1x128x64xf32, #tpu.memory_space<hbm>> -> memref<128x64xf32, #tpu.memory_space<hbm>>
    %dma_wait3A_199 = arith.constant 0 : i32
    %dma_wait3A_200 = tpu.memref_slice %arg5[%select_n3A, %add3A_189, %dma_wait3A_199] : memref<16x2048x64xf32, #tpu.memory_space<hbm>> -> memref<1x128x64xf32, #tpu.memory_space<hbm>>
    %dma_wait3A_201 = tpu.memref_squeeze %dma_wait3A_200 : memref<1x128x64xf32, #tpu.memory_space<hbm>> -> memref<128x64xf32, #tpu.memory_space<hbm>>
    tpu.wait_dma2 semaphore(%arg13 : memref<!tpu.dma_semaphore, #tpu.memory_space<semaphore_mem>>) src(%arg7 : memref<128x64xf32, #tpu.memory_space<vmem>>) dst(%dma_wait3A_201 : memref<128x64xf32, #tpu.memory_space<hbm>>)
    %add3A_202 = arith.constant 512 : i32
    %add3A_203 = arith.addi %mul3A_32, %add3A_202 : i32
    %dma_start3A_204 = arith.constant 0 : i32
    %dma_start3A_205 = arith.constant 0 : i32
    %dma_start3A_206 = tpu.memref_slice %arg4[%dma_start3A_204, %add3A_203, %dma_start3A_205] : memref<1x2048x64xf32, #tpu.memory_space<hbm>> -> memref<1x128x64xf32, #tpu.memory_space<hbm>>
    %dma_start3A_207 = tpu.memref_squeeze %dma_start3A_206 : memref<1x128x64xf32, #tpu.memory_space<hbm>> -> memref<128x64xf32, #tpu.memory_space<hbm>>
    %dma_start3A_208 = arith.constant 0 : i32
    %dma_start3A_209 = tpu.memref_slice %arg4[%dma_start3A_204, %add3A_203, %dma_start3A_208] : memref<1x2048x64xf32, #tpu.memory_space<hbm>> -> memref<1x128x64xf32, #tpu.memory_space<hbm>>
    %dma_start3A_210 = tpu.memref_squeeze %dma_start3A_209 : memref<1x128x64xf32, #tpu.memory_space<hbm>> -> memref<128x64xf32, #tpu.memory_space<hbm>>
    tpu.enqueue_dma source(%dma_start3A_210 : memref<128x64xf32, #tpu.memory_space<hbm>>) target(%arg9 : memref<128x64xf32, #tpu.memory_space<vmem>>) target_semaphore(%arg15 : memref<!tpu.dma_semaphore, #tpu.memory_space<semaphore_mem>>)
    %scan3A_211 = arith.constant 0 : i32
    %scan3A_212 = arith.constant 0 : i32
    %scan3A_213 = arith.constant 8 : i32
    %scan3A_214 = arith.addi %scan3A_212, %scan3A_213 : i32
    %scan3A_215 = arith.constant 1 : i32
    %scan3A_216 = scf.for %scan3A_446 = %scan3A_212 to %scan3A_214 step %scan3A_215 iter_args(%scan3A_447 = %scan3A_211) -> (i32)  : i32 {
      %mul3A_448 = arith.constant 16 : i32
      %mul3A_449 = arith.muli %scan3A_446, %mul3A_448 : i32
      %add3A_450 = arith.constant 512 : i32
      %add3A_451 = arith.addi %add3A_450, %mul3A_449 : i32
      %get3A = arith.index_cast %add3A_451 : i32 to index
      %get3A_452 = tpu.vector_load %arg6[%get3A] {strides = array<i32>} : memref<1024xi32, #tpu.memory_space<vmem>>, vector<16xi32>,
      %slice3A = vector.extract_strided_slice %get3A_452 {offsets = [0], sizes = [1], strides = [1]} : vector<16xi32> to vector<1xi32>
      %squeeze3A = vector.extract %slice3A[0] : i32 from vector<1xi32>
      %mul3A_453 = arith.constant 16 : i32
      %mul3A_454 = arith.muli %scan3A_446, %mul3A_453 : i32
      %add3A_455 = arith.constant 0 : i32
      %add3A_456 = arith.addi %mul3A_454, %add3A_455 : i32
      %dma_start3A_457 = arith.constant 0 : i32
      %dma_start3A_458 = tpu.memref_slice %arg7[%add3A_456, %dma_start3A_457] : memref<128x64xf32, #tpu.memory_space<vmem>> -> memref<1x64xf32, #tpu.memory_space<vmem>>
      %dma_start3A_459 = arith.constant 0 : i32
      %dma_start3A_460 = tpu.memref_slice %arg3[%squeeze3A, %dma_start3A_459] : memref<1000000x64xf32, #tpu.memory_space<hbm>> -> memref<1x64xf32, #tpu.memory_space<hbm>>
      %dma_start3A_461 = arith.constant 0 : i32
      %dma_start3A_462 = tpu.memref_slice %arg7[%add3A_456, %dma_start3A_461] : memref<128x64xf32, #tpu.memory_space<vmem>> -> memref<1x64xf32, #tpu.memory_space<vmem>>
      %dma_start3A_463 = arith.constant 0 : i32
      %dma_start3A_464 = tpu.memref_slice %arg3[%squeeze3A, %dma_start3A_463] : memref<1000000x64xf32, #tpu.memory_space<hbm>> -> memref<1x64xf32, #tpu.memory_space<hbm>>
      tpu.enqueue_dma source(%dma_start3A_464 : memref<1x64xf32, #tpu.memory_space<hbm>>) target(%dma_start3A_462 : memref<1x64xf32, #tpu.memory_space<vmem>>) target_semaphore(%arg11 : memref<!tpu.dma_semaphore, #tpu.memory_space<semaphore_mem>>)
      %slice3A_465 = vector.extract_strided_slice %get3A_452 {offsets = [1], sizes = [1], strides = [1]} : vector<16xi32> to vector<1xi32>
      %squeeze3A_466 = vector.extract %slice3A_465[0] : i32 from vector<1xi32>
      %mul3A_467 = arith.constant 16 : i32
      %mul3A_468 = arith.muli %scan3A_446, %mul3A_467 : i32
      %add3A_469 = arith.constant 1 : i32
      %add3A_470 = arith.addi %mul3A_468, %add3A_469 : i32
      %dma_start3A_471 = arith.constant 0 : i32
      %dma_start3A_472 = tpu.memref_slice %arg7[%add3A_470, %dma_start3A_471] : memref<128x64xf32, #tpu.memory_space<vmem>> -> memref<1x64xf32, #tpu.memory_space<vmem>>
      %dma_start3A_473 = arith.constant 0 : i32
      %dma_start3A_474 = tpu.memref_slice %arg3[%squeeze3A_466, %dma_start3A_473] : memref<1000000x64xf32, #tpu.memory_space<hbm>> -> memref<1x64xf32, #tpu.memory_space<hbm>>
      %dma_start3A_475 = arith.constant 0 : i32
      %dma_start3A_476 = tpu.memref_slice %arg7[%add3A_470, %dma_start3A_475] : memref<128x64xf32, #tpu.memory_space<vmem>> -> memref<1x64xf32, #tpu.memory_space<vmem>>
      %dma_start3A_477 = arith.constant 0 : i32
      %dma_start3A_478 = tpu.memref_slice %arg3[%squeeze3A_466, %dma_start3A_477] : memref<1000000x64xf32, #tpu.memory_space<hbm>> -> memref<1x64xf32, #tpu.memory_space<hbm>>
      tpu.enqueue_dma source(%dma_start3A_478 : memref<1x64xf32, #tpu.memory_space<hbm>>) target(%dma_start3A_476 : memref<1x64xf32, #tpu.memory_space<vmem>>) target_semaphore(%arg11 : memref<!tpu.dma_semaphore, #tpu.memory_space<semaphore_mem>>)
      %slice3A_479 = vector.extract_strided_slice %get3A_452 {offsets = [2], sizes = [1], strides = [1]} : vector<16xi32> to vector<1xi32>
      %squeeze3A_480 = vector.extract %slice3A_479[0] : i32 from vector<1xi32>
      %mul3A_481 = arith.constant 16 : i32
      %mul3A_482 = arith.muli %scan3A_446, %mul3A_481 : i32
      %add3A_483 = arith.constant 2 : i32
      %add3A_484 = arith.addi %mul3A_482, %add3A_483 : i32
      %dma_start3A_485 = arith.constant 0 : i32
      %dma_start3A_486 = tpu.memref_slice %arg7[%add3A_484, %dma_start3A_485] : memref<128x64xf32, #tpu.memory_space<vmem>> -> memref<1x64xf32, #tpu.memory_space<vmem>>
      %dma_start3A_487 = arith.constant 0 : i32
      %dma_start3A_488 = tpu.memref_slice %arg3[%squeeze3A_480, %dma_start3A_487] : memref<1000000x64xf32, #tpu.memory_space<hbm>> -> memref<1x64xf32, #tpu.memory_space<hbm>>
      %dma_start3A_489 = arith.constant 0 : i32
      %dma_start3A_490 = tpu.memref_slice %arg7[%add3A_484, %dma_start3A_489] : memref<128x64xf32, #tpu.memory_space<vmem>> -> memref<1x64xf32, #tpu.memory_space<vmem>>
      %dma_start3A_491 = arith.constant 0 : i32
      %dma_start3A_492 = tpu.memref_slice %arg3[%squeeze3A_480, %dma_start3A_491] : memref<1000000x64xf32, #tpu.memory_space<hbm>> -> memref<1x64xf32, #tpu.memory_space<hbm>>
      tpu.enqueue_dma source(%dma_start3A_492 : memref<1x64xf32, #tpu.memory_space<hbm>>) target(%dma_start3A_490 : memref<1x64xf32, #tpu.memory_space<vmem>>) target_semaphore(%arg11 : memref<!tpu.dma_semaphore, #tpu.memory_space<semaphore_mem>>)
      %slice3A_493 = vector.extract_strided_slice %get3A_452 {offsets = [3], sizes = [1], strides = [1]} : vector<16xi32> to vector<1xi32>
      %squeeze3A_494 = vector.extract %slice3A_493[0] : i32 from vector<1xi32>
      %mul3A_495 = arith.constant 16 : i32
      %mul3A_496 = arith.muli %scan3A_446, %mul3A_495 : i32
      %add3A_497 = arith.constant 3 : i32
      %add3A_498 = arith.addi %mul3A_496, %add3A_497 : i32
      %dma_start3A_499 = arith.constant 0 : i32
      %dma_start3A_500 = tpu.memref_slice %arg7[%add3A_498, %dma_start3A_499] : memref<128x64xf32, #tpu.memory_space<vmem>> -> memref<1x64xf32, #tpu.memory_space<vmem>>
      %dma_start3A_501 = arith.constant 0 : i32
      %dma_start3A_502 = tpu.memref_slice %arg3[%squeeze3A_494, %dma_start3A_501] : memref<1000000x64xf32, #tpu.memory_space<hbm>> -> memref<1x64xf32, #tpu.memory_space<hbm>>
      %dma_start3A_503 = arith.constant 0 : i32
      %dma_start3A_504 = tpu.memref_slice %arg7[%add3A_498, %dma_start3A_503] : memref<128x64xf32, #tpu.memory_space<vmem>> -> memref<1x64xf32, #tpu.memory_space<vmem>>
      %dma_start3A_505 = arith.constant 0 : i32
      %dma_start3A_506 = tpu.memref_slice %arg3[%squeeze3A_494, %dma_start3A_505] : memref<1000000x64xf32, #tpu.memory_space<hbm>> -> memref<1x64xf32, #tpu.memory_space<hbm>>
      tpu.enqueue_dma source(%dma_start3A_506 : memref<1x64xf32, #tpu.memory_space<hbm>>) target(%dma_start3A_504 : memref<1x64xf32, #tpu.memory_space<vmem>>) target_semaphore(%arg11 : memref<!tpu.dma_semaphore, #tpu.memory_space<semaphore_mem>>)
      %slice3A_507 = vector.extract_strided_slice %get3A_452 {offsets = [4], sizes = [1], strides = [1]} : vector<16xi32> to vector<1xi32>
      %squeeze3A_508 = vector.extract %slice3A_507[0] : i32 from vector<1xi32>
      %mul3A_509 = arith.constant 16 : i32
      %mul3A_510 = arith.muli %scan3A_446, %mul3A_509 : i32
      %add3A_511 = arith.constant 4 : i32
      %add3A_512 = arith.addi %mul3A_510, %add3A_511 : i32
      %dma_start3A_513 = arith.constant 0 : i32
      %dma_start3A_514 = tpu.memref_slice %arg7[%add3A_512, %dma_start3A_513] : memref<128x64xf32, #tpu.memory_space<vmem>> -> memref<1x64xf32, #tpu.memory_space<vmem>>
      %dma_start3A_515 = arith.constant 0 : i32
      %dma_start3A_516 = tpu.memref_slice %arg3[%squeeze3A_508, %dma_start3A_515] : memref<1000000x64xf32, #tpu.memory_space<hbm>> -> memref<1x64xf32, #tpu.memory_space<hbm>>
      %dma_start3A_517 = arith.constant 0 : i32
      %dma_start3A_518 = tpu.memref_slice %arg7[%add3A_512, %dma_start3A_517] : memref<128x64xf32, #tpu.memory_space<vmem>> -> memref<1x64xf32, #tpu.memory_space<vmem>>
      %dma_start3A_519 = arith.constant 0 : i32
      %dma_start3A_520 = tpu.memref_slice %arg3[%squeeze3A_508, %dma_start3A_519] : memref<1000000x64xf32, #tpu.memory_space<hbm>> -> memref<1x64xf32, #tpu.memory_space<hbm>>
      tpu.enqueue_dma source(%dma_start3A_520 : memref<1x64xf32, #tpu.memory_space<hbm>>) target(%dma_start3A_518 : memref<1x64xf32, #tpu.memory_space<vmem>>) target_semaphore(%arg11 : memref<!tpu.dma_semaphore, #tpu.memory_space<semaphore_mem>>)
      %slice3A_521 = vector.extract_strided_slice %get3A_452 {offsets = [5], sizes = [1], strides = [1]} : vector<16xi32> to vector<1xi32>
      %squeeze3A_522 = vector.extract %slice3A_521[0] : i32 from vector<1xi32>
      %mul3A_523 = arith.constant 16 : i32
      %mul3A_524 = arith.muli %scan3A_446, %mul3A_523 : i32
      %add3A_525 = arith.constant 5 : i32
      %add3A_526 = arith.addi %mul3A_524, %add3A_525 : i32
      %dma_start3A_527 = arith.constant 0 : i32
      %dma_start3A_528 = tpu.memref_slice %arg7[%add3A_526, %dma_start3A_527] : memref<128x64xf32, #tpu.memory_space<vmem>> -> memref<1x64xf32, #tpu.memory_space<vmem>>
      %dma_start3A_529 = arith.constant 0 : i32
      %dma_start3A_530 = tpu.memref_slice %arg3[%squeeze3A_522, %dma_start3A_529] : memref<1000000x64xf32, #tpu.memory_space<hbm>> -> memref<1x64xf32, #tpu.memory_space<hbm>>
      %dma_start3A_531 = arith.constant 0 : i32
      %dma_start3A_532 = tpu.memref_slice %arg7[%add3A_526, %dma_start3A_531] : memref<128x64xf32, #tpu.memory_space<vmem>> -> memref<1x64xf32, #tpu.memory_space<vmem>>
      %dma_start3A_533 = arith.constant 0 : i32
      %dma_start3A_534 = tpu.memref_slice %arg3[%squeeze3A_522, %dma_start3A_533] : memref<1000000x64xf32, #tpu.memory_space<hbm>> -> memref<1x64xf32, #tpu.memory_space<hbm>>
      tpu.enqueue_dma source(%dma_start3A_534 : memref<1x64xf32, #tpu.memory_space<hbm>>) target(%dma_start3A_532 : memref<1x64xf32, #tpu.memory_space<vmem>>) target_semaphore(%arg11 : memref<!tpu.dma_semaphore, #tpu.memory_space<semaphore_mem>>)
      %slice3A_535 = vector.extract_strided_slice %get3A_452 {offsets = [6], sizes = [1], strides = [1]} : vector<16xi32> to vector<1xi32>
      %squeeze3A_536 = vector.extract %slice3A_535[0] : i32 from vector<1xi32>
      %mul3A_537 = arith.constant 16 : i32
      %mul3A_538 = arith.muli %scan3A_446, %mul3A_537 : i32
      %add3A_539 = arith.constant 6 : i32
      %add3A_540 = arith.addi %mul3A_538, %add3A_539 : i32
      %dma_start3A_541 = arith.constant 0 : i32
      %dma_start3A_542 = tpu.memref_slice %arg7[%add3A_540, %dma_start3A_541] : memref<128x64xf32, #tpu.memory_space<vmem>> -> memref<1x64xf32, #tpu.memory_space<vmem>>
      %dma_start3A_543 = arith.constant 0 : i32
      %dma_start3A_544 = tpu.memref_slice %arg3[%squeeze3A_536, %dma_start3A_543] : memref<1000000x64xf32, #tpu.memory_space<hbm>> -> memref<1x64xf32, #tpu.memory_space<hbm>>
      %dma_start3A_545 = arith.constant 0 : i32
      %dma_start3A_546 = tpu.memref_slice %arg7[%add3A_540, %dma_start3A_545] : memref<128x64xf32, #tpu.memory_space<vmem>> -> memref<1x64xf32, #tpu.memory_space<vmem>>
      %dma_start3A_547 = arith.constant 0 : i32
      %dma_start3A_548 = tpu.memref_slice %arg3[%squeeze3A_536, %dma_start3A_547] : memref<1000000x64xf32, #tpu.memory_space<hbm>> -> memref<1x64xf32, #tpu.memory_space<hbm>>
      tpu.enqueue_dma source(%dma_start3A_548 : memref<1x64xf32, #tpu.memory_space<hbm>>) target(%dma_start3A_546 : memref<1x64xf32, #tpu.memory_space<vmem>>) target_semaphore(%arg11 : memref<!tpu.dma_semaphore, #tpu.memory_space<semaphore_mem>>)
      %slice3A_549 = vector.extract_strided_slice %get3A_452 {offsets = [7], sizes = [1], strides = [1]} : vector<16xi32> to vector<1xi32>
      %squeeze3A_550 = vector.extract %slice3A_549[0] : i32 from vector<1xi32>
      %mul3A_551 = arith.constant 16 : i32
      %mul3A_552 = arith.muli %scan3A_446, %mul3A_551 : i32
      %add3A_553 = arith.constant 7 : i32
      %add3A_554 = arith.addi %mul3A_552, %add3A_553 : i32
      %dma_start3A_555 = arith.constant 0 : i32
      %dma_start3A_556 = tpu.memref_slice %arg7[%add3A_554, %dma_start3A_555] : memref<128x64xf32, #tpu.memory_space<vmem>> -> memref<1x64xf32, #tpu.memory_space<vmem>>
      %dma_start3A_557 = arith.constant 0 : i32
      %dma_start3A_558 = tpu.memref_slice %arg3[%squeeze3A_550, %dma_start3A_557] : memref<1000000x64xf32, #tpu.memory_space<hbm>> -> memref<1x64xf32, #tpu.memory_space<hbm>>
      %dma_start3A_559 = arith.constant 0 : i32
      %dma_start3A_560 = tpu.memref_slice %arg7[%add3A_554, %dma_start3A_559] : memref<128x64xf32, #tpu.memory_space<vmem>> -> memref<1x64xf32, #tpu.memory_space<vmem>>
      %dma_start3A_561 = arith.constant 0 : i32
      %dma_start3A_562 = tpu.memref_slice %arg3[%squeeze3A_550, %dma_start3A_561] : memref<1000000x64xf32, #tpu.memory_space<hbm>> -> memref<1x64xf32, #tpu.memory_space<hbm>>
      tpu.enqueue_dma source(%dma_start3A_562 : memref<1x64xf32, #tpu.memory_space<hbm>>) target(%dma_start3A_560 : memref<1x64xf32, #tpu.memory_space<vmem>>) target_semaphore(%arg11 : memref<!tpu.dma_semaphore, #tpu.memory_space<semaphore_mem>>)
      %slice3A_563 = vector.extract_strided_slice %get3A_452 {offsets = [8], sizes = [1], strides = [1]} : vector<16xi32> to vector<1xi32>
      %squeeze3A_564 = vector.extract %slice3A_563[0] : i32 from vector<1xi32>
      %mul3A_565 = arith.constant 16 : i32
      %mul3A_566 = arith.muli %scan3A_446, %mul3A_565 : i32
      %add3A_567 = arith.constant 8 : i32
      %add3A_568 = arith.addi %mul3A_566, %add3A_567 : i32
      %dma_start3A_569 = arith.constant 0 : i32
      %dma_start3A_570 = tpu.memref_slice %arg7[%add3A_568, %dma_start3A_569] : memref<128x64xf32, #tpu.memory_space<vmem>> -> memref<1x64xf32, #tpu.memory_space<vmem>>
      %dma_start3A_571 = arith.constant 0 : i32
      %dma_start3A_572 = tpu.memref_slice %arg3[%squeeze3A_564, %dma_start3A_571] : memref<1000000x64xf32, #tpu.memory_space<hbm>> -> memref<1x64xf32, #tpu.memory_space<hbm>>
      %dma_start3A_573 = arith.constant 0 : i32
      %dma_start3A_574 = tpu.memref_slice %arg7[%add3A_568, %dma_start3A_573] : memref<128x64xf32, #tpu.memory_space<vmem>> -> memref<1x64xf32, #tpu.memory_space<vmem>>
      %dma_start3A_575 = arith.constant 0 : i32
      %dma_start3A_576 = tpu.memref_slice %arg3[%squeeze3A_564, %dma_start3A_575] : memref<1000000x64xf32, #tpu.memory_space<hbm>> -> memref<1x64xf32, #tpu.memory_space<hbm>>
      tpu.enqueue_dma source(%dma_start3A_576 : memref<1x64xf32, #tpu.memory_space<hbm>>) target(%dma_start3A_574 : memref<1x64xf32, #tpu.memory_space<vmem>>) target_semaphore(%arg11 : memref<!tpu.dma_semaphore, #tpu.memory_space<semaphore_mem>>)
      %slice3A_577 = vector.extract_strided_slice %get3A_452 {offsets = [9], sizes = [1], strides = [1]} : vector<16xi32> to vector<1xi32>
      %squeeze3A_578 = vector.extract %slice3A_577[0] : i32 from vector<1xi32>
      %mul3A_579 = arith.constant 16 : i32
      %mul3A_580 = arith.muli %scan3A_446, %mul3A_579 : i32
      %add3A_581 = arith.constant 9 : i32
      %add3A_582 = arith.addi %mul3A_580, %add3A_581 : i32
      %dma_start3A_583 = arith.constant 0 : i32
      %dma_start3A_584 = tpu.memref_slice %arg7[%add3A_582, %dma_start3A_583] : memref<128x64xf32, #tpu.memory_space<vmem>> -> memref<1x64xf32, #tpu.memory_space<vmem>>
      %dma_start3A_585 = arith.constant 0 : i32
      %dma_start3A_586 = tpu.memref_slice %arg3[%squeeze3A_578, %dma_start3A_585] : memref<1000000x64xf32, #tpu.memory_space<hbm>> -> memref<1x64xf32, #tpu.memory_space<hbm>>
      %dma_start3A_587 = arith.constant 0 : i32
      %dma_start3A_588 = tpu.memref_slice %arg7[%add3A_582, %dma_start3A_587] : memref<128x64xf32, #tpu.memory_space<vmem>> -> memref<1x64xf32, #tpu.memory_space<vmem>>
      %dma_start3A_589 = arith.constant 0 : i32
      %dma_start3A_590 = tpu.memref_slice %arg3[%squeeze3A_578, %dma_start3A_589] : memref<1000000x64xf32, #tpu.memory_space<hbm>> -> memref<1x64xf32, #tpu.memory_space<hbm>>
      tpu.enqueue_dma source(%dma_start3A_590 : memref<1x64xf32, #tpu.memory_space<hbm>>) target(%dma_start3A_588 : memref<1x64xf32, #tpu.memory_space<vmem>>) target_semaphore(%arg11 : memref<!tpu.dma_semaphore, #tpu.memory_space<semaphore_mem>>)
      %slice3A_591 = vector.extract_strided_slice %get3A_452 {offsets = [10], sizes = [1], strides = [1]} : vector<16xi32> to vector<1xi32>
      %squeeze3A_592 = vector.extract %slice3A_591[0] : i32 from vector<1xi32>
      %mul3A_593 = arith.constant 16 : i32
      %mul3A_594 = arith.muli %scan3A_446, %mul3A_593 : i32
      %add3A_595 = arith.constant 10 : i32
      %add3A_596 = arith.addi %mul3A_594, %add3A_595 : i32
      %dma_start3A_597 = arith.constant 0 : i32
      %dma_start3A_598 = tpu.memref_slice %arg7[%add3A_596, %dma_start3A_597] : memref<128x64xf32, #tpu.memory_space<vmem>> -> memref<1x64xf32, #tpu.memory_space<vmem>>
      %dma_start3A_599 = arith.constant 0 : i32
      %dma_start3A_600 = tpu.memref_slice %arg3[%squeeze3A_592, %dma_start3A_599] : memref<1000000x64xf32, #tpu.memory_space<hbm>> -> memref<1x64xf32, #tpu.memory_space<hbm>>
      %dma_start3A_601 = arith.constant 0 : i32
      %dma_start3A_602 = tpu.memref_slice %arg7[%add3A_596, %dma_start3A_601] : memref<128x64xf32, #tpu.memory_space<vmem>> -> memref<1x64xf32, #tpu.memory_space<vmem>>
      %dma_start3A_603 = arith.constant 0 : i32
      %dma_start3A_604 = tpu.memref_slice %arg3[%squeeze3A_592, %dma_start3A_603] : memref<1000000x64xf32, #tpu.memory_space<hbm>> -> memref<1x64xf32, #tpu.memory_space<hbm>>
      tpu.enqueue_dma source(%dma_start3A_604 : memref<1x64xf32, #tpu.memory_space<hbm>>) target(%dma_start3A_602 : memref<1x64xf32, #tpu.memory_space<vmem>>) target_semaphore(%arg11 : memref<!tpu.dma_semaphore, #tpu.memory_space<semaphore_mem>>)
      %slice3A_605 = vector.extract_strided_slice %get3A_452 {offsets = [11], sizes = [1], strides = [1]} : vector<16xi32> to vector<1xi32>
      %squeeze3A_606 = vector.extract %slice3A_605[0] : i32 from vector<1xi32>
      %mul3A_607 = arith.constant 16 : i32
      %mul3A_608 = arith.muli %scan3A_446, %mul3A_607 : i32
      %add3A_609 = arith.constant 11 : i32
      %add3A_610 = arith.addi %mul3A_608, %add3A_609 : i32
      %dma_start3A_611 = arith.constant 0 : i32
      %dma_start3A_612 = tpu.memref_slice %arg7[%add3A_610, %dma_start3A_611] : memref<128x64xf32, #tpu.memory_space<vmem>> -> memref<1x64xf32, #tpu.memory_space<vmem>>
      %dma_start3A_613 = arith.constant 0 : i32
      %dma_start3A_614 = tpu.memref_slice %arg3[%squeeze3A_606, %dma_start3A_613] : memref<1000000x64xf32, #tpu.memory_space<hbm>> -> memref<1x64xf32, #tpu.memory_space<hbm>>
      %dma_start3A_615 = arith.constant 0 : i32
      %dma_start3A_616 = tpu.memref_slice %arg7[%add3A_610, %dma_start3A_615] : memref<128x64xf32, #tpu.memory_space<vmem>> -> memref<1x64xf32, #tpu.memory_space<vmem>>
      %dma_start3A_617 = arith.constant 0 : i32
      %dma_start3A_618 = tpu.memref_slice %arg3[%squeeze3A_606, %dma_start3A_617] : memref<1000000x64xf32, #tpu.memory_space<hbm>> -> memref<1x64xf32, #tpu.memory_space<hbm>>
      tpu.enqueue_dma source(%dma_start3A_618 : memref<1x64xf32, #tpu.memory_space<hbm>>) target(%dma_start3A_616 : memref<1x64xf32, #tpu.memory_space<vmem>>) target_semaphore(%arg11 : memref<!tpu.dma_semaphore, #tpu.memory_space<semaphore_mem>>)
      %slice3A_619 = vector.extract_strided_slice %get3A_452 {offsets = [12], sizes = [1], strides = [1]} : vector<16xi32> to vector<1xi32>
      %squeeze3A_620 = vector.extract %slice3A_619[0] : i32 from vector<1xi32>
      %mul3A_621 = arith.constant 16 : i32
      %mul3A_622 = arith.muli %scan3A_446, %mul3A_621 : i32
      %add3A_623 = arith.constant 12 : i32
      %add3A_624 = arith.addi %mul3A_622, %add3A_623 : i32
      %dma_start3A_625 = arith.constant 0 : i32
      %dma_start3A_626 = tpu.memref_slice %arg7[%add3A_624, %dma_start3A_625] : memref<128x64xf32, #tpu.memory_space<vmem>> -> memref<1x64xf32, #tpu.memory_space<vmem>>
      %dma_start3A_627 = arith.constant 0 : i32
      %dma_start3A_628 = tpu.memref_slice %arg3[%squeeze3A_620, %dma_start3A_627] : memref<1000000x64xf32, #tpu.memory_space<hbm>> -> memref<1x64xf32, #tpu.memory_space<hbm>>
      %dma_start3A_629 = arith.constant 0 : i32
      %dma_start3A_630 = tpu.memref_slice %arg7[%add3A_624, %dma_start3A_629] : memref<128x64xf32, #tpu.memory_space<vmem>> -> memref<1x64xf32, #tpu.memory_space<vmem>>
      %dma_start3A_631 = arith.constant 0 : i32
      %dma_start3A_632 = tpu.memref_slice %arg3[%squeeze3A_620, %dma_start3A_631] : memref<1000000x64xf32, #tpu.memory_space<hbm>> -> memref<1x64xf32, #tpu.memory_space<hbm>>
      tpu.enqueue_dma source(%dma_start3A_632 : memref<1x64xf32, #tpu.memory_space<hbm>>) target(%dma_start3A_630 : memref<1x64xf32, #tpu.memory_space<vmem>>) target_semaphore(%arg11 : memref<!tpu.dma_semaphore, #tpu.memory_space<semaphore_mem>>)
      %slice3A_633 = vector.extract_strided_slice %get3A_452 {offsets = [13], sizes = [1], strides = [1]} : vector<16xi32> to vector<1xi32>
      %squeeze3A_634 = vector.extract %slice3A_633[0] : i32 from vector<1xi32>
      %mul3A_635 = arith.constant 16 : i32
      %mul3A_636 = arith.muli %scan3A_446, %mul3A_635 : i32
      %add3A_637 = arith.constant 13 : i32
      %add3A_638 = arith.addi %mul3A_636, %add3A_637 : i32
      %dma_start3A_639 = arith.constant 0 : i32
      %dma_start3A_640 = tpu.memref_slice %arg7[%add3A_638, %dma_start3A_639] : memref<128x64xf32, #tpu.memory_space<vmem>> -> memref<1x64xf32, #tpu.memory_space<vmem>>
      %dma_start3A_641 = arith.constant 0 : i32
      %dma_start3A_642 = tpu.memref_slice %arg3[%squeeze3A_634, %dma_start3A_641] : memref<1000000x64xf32, #tpu.memory_space<hbm>> -> memref<1x64xf32, #tpu.memory_space<hbm>>
      %dma_start3A_643 = arith.constant 0 : i32
      %dma_start3A_644 = tpu.memref_slice %arg7[%add3A_638, %dma_start3A_643] : memref<128x64xf32, #tpu.memory_space<vmem>> -> memref<1x64xf32, #tpu.memory_space<vmem>>
      %dma_start3A_645 = arith.constant 0 : i32
      %dma_start3A_646 = tpu.memref_slice %arg3[%squeeze3A_634, %dma_start3A_645] : memref<1000000x64xf32, #tpu.memory_space<hbm>> -> memref<1x64xf32, #tpu.memory_space<hbm>>
      tpu.enqueue_dma source(%dma_start3A_646 : memref<1x64xf32, #tpu.memory_space<hbm>>) target(%dma_start3A_644 : memref<1x64xf32, #tpu.memory_space<vmem>>) target_semaphore(%arg11 : memref<!tpu.dma_semaphore, #tpu.memory_space<semaphore_mem>>)
      %slice3A_647 = vector.extract_strided_slice %get3A_452 {offsets = [14], sizes = [1], strides = [1]} : vector<16xi32> to vector<1xi32>
      %squeeze3A_648 = vector.extract %slice3A_647[0] : i32 from vector<1xi32>
      %mul3A_649 = arith.constant 16 : i32
      %mul3A_650 = arith.muli %scan3A_446, %mul3A_649 : i32
      %add3A_651 = arith.constant 14 : i32
      %add3A_652 = arith.addi %mul3A_650, %add3A_651 : i32
      %dma_start3A_653 = arith.constant 0 : i32
      %dma_start3A_654 = tpu.memref_slice %arg7[%add3A_652, %dma_start3A_653] : memref<128x64xf32, #tpu.memory_space<vmem>> -> memref<1x64xf32, #tpu.memory_space<vmem>>
      %dma_start3A_655 = arith.constant 0 : i32
      %dma_start3A_656 = tpu.memref_slice %arg3[%squeeze3A_648, %dma_start3A_655] : memref<1000000x64xf32, #tpu.memory_space<hbm>> -> memref<1x64xf32, #tpu.memory_space<hbm>>
      %dma_start3A_657 = arith.constant 0 : i32
      %dma_start3A_658 = tpu.memref_slice %arg7[%add3A_652, %dma_start3A_657] : memref<128x64xf32, #tpu.memory_space<vmem>> -> memref<1x64xf32, #tpu.memory_space<vmem>>
      %dma_start3A_659 = arith.constant 0 : i32
      %dma_start3A_660 = tpu.memref_slice %arg3[%squeeze3A_648, %dma_start3A_659] : memref<1000000x64xf32, #tpu.memory_space<hbm>> -> memref<1x64xf32, #tpu.memory_space<hbm>>
      tpu.enqueue_dma source(%dma_start3A_660 : memref<1x64xf32, #tpu.memory_space<hbm>>) target(%dma_start3A_658 : memref<1x64xf32, #tpu.memory_space<vmem>>) target_semaphore(%arg11 : memref<!tpu.dma_semaphore, #tpu.memory_space<semaphore_mem>>)
      %slice3A_661 = vector.extract_strided_slice %get3A_452 {offsets = [15], sizes = [1], strides = [1]} : vector<16xi32> to vector<1xi32>
      %squeeze3A_662 = vector.extract %slice3A_661[0] : i32 from vector<1xi32>
      %mul3A_663 = arith.constant 16 : i32
      %mul3A_664 = arith.muli %scan3A_446, %mul3A_663 : i32
      %add3A_665 = arith.constant 15 : i32
      %add3A_666 = arith.addi %mul3A_664, %add3A_665 : i32
      %dma_start3A_667 = arith.constant 0 : i32
      %dma_start3A_668 = tpu.memref_slice %arg7[%add3A_666, %dma_start3A_667] : memref<128x64xf32, #tpu.memory_space<vmem>> -> memref<1x64xf32, #tpu.memory_space<vmem>>
      %dma_start3A_669 = arith.constant 0 : i32
      %dma_start3A_670 = tpu.memref_slice %arg3[%squeeze3A_662, %dma_start3A_669] : memref<1000000x64xf32, #tpu.memory_space<hbm>> -> memref<1x64xf32, #tpu.memory_space<hbm>>
      %dma_start3A_671 = arith.constant 0 : i32
      %dma_start3A_672 = tpu.memref_slice %arg7[%add3A_666, %dma_start3A_671] : memref<128x64xf32, #tpu.memory_space<vmem>> -> memref<1x64xf32, #tpu.memory_space<vmem>>
      %dma_start3A_673 = arith.constant 0 : i32
      %dma_start3A_674 = tpu.memref_slice %arg3[%squeeze3A_662, %dma_start3A_673] : memref<1000000x64xf32, #tpu.memory_space<hbm>> -> memref<1x64xf32, #tpu.memory_space<hbm>>
      tpu.enqueue_dma source(%dma_start3A_674 : memref<1x64xf32, #tpu.memory_space<hbm>>) target(%dma_start3A_672 : memref<1x64xf32, #tpu.memory_space<vmem>>) target_semaphore(%arg11 : memref<!tpu.dma_semaphore, #tpu.memory_space<semaphore_mem>>)
      %scan3A_675 = arith.constant 0 : i32
      scf.yield %scan3A_675 : i32
    }
    %scan3A_217 = arith.constant 8 : i32
    %dma_wait3A_218 = arith.constant 0 : i32
    %dma_wait3A_219 = arith.constant 0 : i32
    %dma_wait3A_220 = tpu.memref_slice %arg3[%dma_wait3A_218, %dma_wait3A_219] : memref<1000000x64xf32, #tpu.memory_space<hbm>> -> memref<128x64xf32, #tpu.memory_space<hbm>>
    %dma_wait3A_221 = arith.constant 0 : i32
    %dma_wait3A_222 = arith.constant 0 : i32
    %dma_wait3A_223 = tpu.memref_slice %arg3[%dma_wait3A_221, %dma_wait3A_222] : memref<1000000x64xf32, #tpu.memory_space<hbm>> -> memref<128x64xf32, #tpu.memory_space<hbm>>
    tpu.wait_dma2 semaphore(%arg12 : memref<!tpu.dma_semaphore, #tpu.memory_space<semaphore_mem>>) src(%dma_wait3A_223 : memref<128x64xf32, #tpu.memory_space<hbm>>) dst(%arg8 : memref<128x64xf32, #tpu.memory_space<vmem>>)
    %dma_wait3A_224 = arith.constant 0 : i32
    %dma_wait3A_225 = arith.constant 0 : i32
    %dma_wait3A_226 = arith.constant 0 : i32
    %dma_wait3A_227 = tpu.memref_slice %arg4[%dma_wait3A_224, %dma_wait3A_225, %dma_wait3A_226] : memref<1x2048x64xf32, #tpu.memory_space<hbm>> -> memref<1x128x64xf32, #tpu.memory_space<hbm>>
    %dma_wait3A_228 = tpu.memref_squeeze %dma_wait3A_227 : memref<1x128x64xf32, #tpu.memory_space<hbm>> -> memref<128x64xf32, #tpu.memory_space<hbm>>
    %dma_wait3A_229 = arith.constant 0 : i32
    %dma_wait3A_230 = arith.constant 0 : i32
    %dma_wait3A_231 = tpu.memref_slice %arg4[%dma_wait3A_224, %dma_wait3A_229, %dma_wait3A_230] : memref<1x2048x64xf32, #tpu.memory_space<hbm>> -> memref<1x128x64xf32, #tpu.memory_space<hbm>>
    %dma_wait3A_232 = tpu.memref_squeeze %dma_wait3A_231 : memref<1x128x64xf32, #tpu.memory_space<hbm>> -> memref<128x64xf32, #tpu.memory_space<hbm>>
    tpu.wait_dma2 semaphore(%arg16 : memref<!tpu.dma_semaphore, #tpu.memory_space<semaphore_mem>>) src(%dma_wait3A_232 : memref<128x64xf32, #tpu.memory_space<hbm>>) dst(%arg10 : memref<128x64xf32, #tpu.memory_space<vmem>>)
    %scan3A_233 = arith.constant 0 : i32
    %scan3A_234 = arith.constant 0 : i32
    %scan3A_235 = arith.constant 128 : i32
    %scan3A_236 = arith.addi %scan3A_234, %scan3A_235 : i32
    %scan3A_237 = arith.constant 1 : i32
    %scan3A_238 = scf.for %scan3A_446 = %scan3A_234 to %scan3A_236 step %scan3A_237 iter_args(%scan3A_447 = %scan3A_233) -> (i32)  : i32 {
      %get3A = arith.index_cast %scan3A_446 : i32 to index
      %get3A_448 = arith.constant 0 : index
      %get3A_449 = tpu.vector_load %arg8[%get3A, %get3A_448] {strides = array<i32>} : memref<128x64xf32, #tpu.memory_space<vmem>>, vector<16xf32>,
      %mul3A_450 = arith.constant 8.000000e+00 : f32
      %mul3A_451 = vector.broadcast %mul3A_450 : f32 to vector<16xf32>
      %mul3A_452 = arith.mulf %get3A_449, %mul3A_451 : vector<16xf32>
      %get3A_453 = arith.index_cast %scan3A_446 : i32 to index
      %get3A_454 = arith.constant 0 : index
      %get3A_455 = tpu.vector_load %arg10[%get3A_453, %get3A_454] {strides = array<i32>} : memref<128x64xf32, #tpu.memory_space<vmem>>, vector<16xf32>,
      %add3A_456 = arith.addf %mul3A_452, %get3A_455 : vector<16xf32>
      %swap3A = arith.index_cast %scan3A_446 : i32 to index
      %swap3A_457 = arith.constant 0 : index
      %swap3A_458 = tpu.vector_load %arg8[%swap3A, %swap3A_457] {strides = array<i32>} : memref<128x64xf32, #tpu.memory_space<vmem>>, vector<16xf32>,
      tpu.vector_store %arg8[%swap3A, %swap3A_457], %add3A_456 {strides = array<i32>} : memref<128x64xf32, #tpu.memory_space<vmem>>, vector<16xf32>,
      %get3A_459 = arith.index_cast %scan3A_446 : i32 to index
      %get3A_460 = arith.constant 16 : index
      %get3A_461 = tpu.vector_load %arg8[%get3A_459, %get3A_460] {strides = array<i32>} : memref<128x64xf32, #tpu.memory_space<vmem>>, vector<16xf32>,
      %mul3A_462 = arith.constant 8.000000e+00 : f32
      %mul3A_463 = vector.broadcast %mul3A_462 : f32 to vector<16xf32>
      %mul3A_464 = arith.mulf %get3A_461, %mul3A_463 : vector<16xf32>
      %get3A_465 = arith.index_cast %scan3A_446 : i32 to index
      %get3A_466 = arith.constant 16 : index
      %get3A_467 = tpu.vector_load %arg10[%get3A_465, %get3A_466] {strides = array<i32>} : memref<128x64xf32, #tpu.memory_space<vmem>>, vector<16xf32>,
      %add3A_468 = arith.addf %mul3A_464, %get3A_467 : vector<16xf32>
      %swap3A_469 = arith.index_cast %scan3A_446 : i32 to index
      %swap3A_470 = arith.constant 16 : index
      %swap3A_471 = tpu.vector_load %arg8[%swap3A_469, %swap3A_470] {strides = array<i32>} : memref<128x64xf32, #tpu.memory_space<vmem>>, vector<16xf32>,
      tpu.vector_store %arg8[%swap3A_469, %swap3A_470], %add3A_468 {strides = array<i32>} : memref<128x64xf32, #tpu.memory_space<vmem>>, vector<16xf32>,
      %get3A_472 = arith.index_cast %scan3A_446 : i32 to index
      %get3A_473 = arith.constant 32 : index
      %get3A_474 = tpu.vector_load %arg8[%get3A_472, %get3A_473] {strides = array<i32>} : memref<128x64xf32, #tpu.memory_space<vmem>>, vector<16xf32>,
      %mul3A_475 = arith.constant 8.000000e+00 : f32
      %mul3A_476 = vector.broadcast %mul3A_475 : f32 to vector<16xf32>
      %mul3A_477 = arith.mulf %get3A_474, %mul3A_476 : vector<16xf32>
      %get3A_478 = arith.index_cast %scan3A_446 : i32 to index
      %get3A_479 = arith.constant 32 : index
      %get3A_480 = tpu.vector_load %arg10[%get3A_478, %get3A_479] {strides = array<i32>} : memref<128x64xf32, #tpu.memory_space<vmem>>, vector<16xf32>,
      %add3A_481 = arith.addf %mul3A_477, %get3A_480 : vector<16xf32>
      %swap3A_482 = arith.index_cast %scan3A_446 : i32 to index
      %swap3A_483 = arith.constant 32 : index
      %swap3A_484 = tpu.vector_load %arg8[%swap3A_482, %swap3A_483] {strides = array<i32>} : memref<128x64xf32, #tpu.memory_space<vmem>>, vector<16xf32>,
      tpu.vector_store %arg8[%swap3A_482, %swap3A_483], %add3A_481 {strides = array<i32>} : memref<128x64xf32, #tpu.memory_space<vmem>>, vector<16xf32>,
      %get3A_485 = arith.index_cast %scan3A_446 : i32 to index
      %get3A_486 = arith.constant 48 : index
      %get3A_487 = tpu.vector_load %arg8[%get3A_485, %get3A_486] {strides = array<i32>} : memref<128x64xf32, #tpu.memory_space<vmem>>, vector<16xf32>,
      %mul3A_488 = arith.constant 8.000000e+00 : f32
      %mul3A_489 = vector.broadcast %mul3A_488 : f32 to vector<16xf32>
      %mul3A_490 = arith.mulf %get3A_487, %mul3A_489 : vector<16xf32>
      %get3A_491 = arith.index_cast %scan3A_446 : i32 to index
      %get3A_492 = arith.constant 48 : index
      %get3A_493 = tpu.vector_load %arg10[%get3A_491, %get3A_492] {strides = array<i32>} : memref<128x64xf32, #tpu.memory_space<vmem>>, vector<16xf32>,
      %add3A_494 = arith.addf %mul3A_490, %get3A_493 : vector<16xf32>
      %swap3A_495 = arith.index_cast %scan3A_446 : i32 to index
      %swap3A_496 = arith.constant 48 : index
      %swap3A_497 = tpu.vector_load %arg8[%swap3A_495, %swap3A_496] {strides = array<i32>} : memref<128x64xf32, #tpu.memory_space<vmem>>, vector<16xf32>,
      tpu.vector_store %arg8[%swap3A_495, %swap3A_496], %add3A_494 {strides = array<i32>} : memref<128x64xf32, #tpu.memory_space<vmem>>, vector<16xf32>,
      %scan3A_498 = arith.constant 0 : i32
      scf.yield %scan3A_498 : i32
    }
    %scan3A_239 = arith.constant 128 : i32
    %add3A_240 = arith.constant 384 : i32
    %add3A_241 = arith.addi %mul3A_32, %add3A_240 : i32
    %dma_start3A_242 = arith.constant 0 : i32
    %dma_start3A_243 = tpu.memref_slice %arg5[%select_n3A, %add3A_241, %dma_start3A_242] : memref<16x2048x64xf32, #tpu.memory_space<hbm>> -> memref<1x128x64xf32, #tpu.memory_space<hbm>>
    %dma_start3A_244 = tpu.memref_squeeze %dma_start3A_243 : memref<1x128x64xf32, #tpu.memory_space<hbm>> -> memref<128x64xf32, #tpu.memory_space<hbm>>
    %dma_start3A_245 = arith.constant 0 : i32
    %dma_start3A_246 = tpu.memref_slice %arg5[%select_n3A, %add3A_241, %dma_start3A_245] : memref<16x2048x64xf32, #tpu.memory_space<hbm>> -> memref<1x128x64xf32, #tpu.memory_space<hbm>>
    %dma_start3A_247 = tpu.memref_squeeze %dma_start3A_246 : memref<1x128x64xf32, #tpu.memory_space<hbm>> -> memref<128x64xf32, #tpu.memory_space<hbm>>
    tpu.enqueue_dma source(%arg8 : memref<128x64xf32, #tpu.memory_space<vmem>>) target(%dma_start3A_247 : memref<128x64xf32, #tpu.memory_space<hbm>>) target_semaphore(%arg14 : memref<!tpu.dma_semaphore, #tpu.memory_space<semaphore_mem>>)
    %dma_wait3A_248 = arith.constant 0 : i32
    %dma_wait3A_249 = tpu.memref_slice %arg5[%select_n3A, %add3A_241, %dma_wait3A_248] : memref<16x2048x64xf32, #tpu.memory_space<hbm>> -> memref<1x128x64xf32, #tpu.memory_space<hbm>>
    %dma_wait3A_250 = tpu.memref_squeeze %dma_wait3A_249 : memref<1x128x64xf32, #tpu.memory_space<hbm>> -> memref<128x64xf32, #tpu.memory_space<hbm>>
    %dma_wait3A_251 = arith.constant 0 : i32
    %dma_wait3A_252 = tpu.memref_slice %arg5[%select_n3A, %add3A_241, %dma_wait3A_251] : memref<16x2048x64xf32, #tpu.memory_space<hbm>> -> memref<1x128x64xf32, #tpu.memory_space<hbm>>
    %dma_wait3A_253 = tpu.memref_squeeze %dma_wait3A_252 : memref<1x128x64xf32, #tpu.memory_space<hbm>> -> memref<128x64xf32, #tpu.memory_space<hbm>>
    tpu.wait_dma2 semaphore(%arg14 : memref<!tpu.dma_semaphore, #tpu.memory_space<semaphore_mem>>) src(%arg8 : memref<128x64xf32, #tpu.memory_space<vmem>>) dst(%dma_wait3A_253 : memref<128x64xf32, #tpu.memory_space<hbm>>)
    %add3A_254 = arith.constant 640 : i32
    %add3A_255 = arith.addi %mul3A_32, %add3A_254 : i32
    %dma_start3A_256 = arith.constant 0 : i32
    %dma_start3A_257 = arith.constant 0 : i32
    %dma_start3A_258 = tpu.memref_slice %arg4[%dma_start3A_256, %add3A_255, %dma_start3A_257] : memref<1x2048x64xf32, #tpu.memory_space<hbm>> -> memref<1x128x64xf32, #tpu.memory_space<hbm>>
    %dma_start3A_259 = tpu.memref_squeeze %dma_start3A_258 : memref<1x128x64xf32, #tpu.memory_space<hbm>> -> memref<128x64xf32, #tpu.memory_space<hbm>>
    %dma_start3A_260 = arith.constant 0 : i32
    %dma_start3A_261 = tpu.memref_slice %arg4[%dma_start3A_256, %add3A_255, %dma_start3A_260] : memref<1x2048x64xf32, #tpu.memory_space<hbm>> -> memref<1x128x64xf32, #tpu.memory_space<hbm>>
    %dma_start3A_262 = tpu.memref_squeeze %dma_start3A_261 : memref<1x128x64xf32, #tpu.memory_space<hbm>> -> memref<128x64xf32, #tpu.memory_space<hbm>>
    tpu.enqueue_dma source(%dma_start3A_262 : memref<128x64xf32, #tpu.memory_space<hbm>>) target(%arg10 : memref<128x64xf32, #tpu.memory_space<vmem>>) target_semaphore(%arg16 : memref<!tpu.dma_semaphore, #tpu.memory_space<semaphore_mem>>)
    %scan3A_263 = arith.constant 0 : i32
    %scan3A_264 = arith.constant 0 : i32
    %scan3A_265 = arith.constant 8 : i32
    %scan3A_266 = arith.addi %scan3A_264, %scan3A_265 : i32
    %scan3A_267 = arith.constant 1 : i32
    %scan3A_268 = scf.for %scan3A_446 = %scan3A_264 to %scan3A_266 step %scan3A_267 iter_args(%scan3A_447 = %scan3A_263) -> (i32)  : i32 {
      %mul3A_448 = arith.constant 16 : i32
      %mul3A_449 = arith.muli %scan3A_446, %mul3A_448 : i32
      %add3A_450 = arith.constant 640 : i32
      %add3A_451 = arith.addi %add3A_450, %mul3A_449 : i32
      %get3A = arith.index_cast %add3A_451 : i32 to index
      %get3A_452 = tpu.vector_load %arg6[%get3A] {strides = array<i32>} : memref<1024xi32, #tpu.memory_space<vmem>>, vector<16xi32>,
      %slice3A = vector.extract_strided_slice %get3A_452 {offsets = [0], sizes = [1], strides = [1]} : vector<16xi32> to vector<1xi32>
      %squeeze3A = vector.extract %slice3A[0] : i32 from vector<1xi32>
      %mul3A_453 = arith.constant 16 : i32
      %mul3A_454 = arith.muli %scan3A_446, %mul3A_453 : i32
      %add3A_455 = arith.constant 0 : i32
      %add3A_456 = arith.addi %mul3A_454, %add3A_455 : i32
      %dma_start3A_457 = arith.constant 0 : i32
      %dma_start3A_458 = tpu.memref_slice %arg8[%add3A_456, %dma_start3A_457] : memref<128x64xf32, #tpu.memory_space<vmem>> -> memref<1x64xf32, #tpu.memory_space<vmem>>
      %dma_start3A_459 = arith.constant 0 : i32
      %dma_start3A_460 = tpu.memref_slice %arg3[%squeeze3A, %dma_start3A_459] : memref<1000000x64xf32, #tpu.memory_space<hbm>> -> memref<1x64xf32, #tpu.memory_space<hbm>>
      %dma_start3A_461 = arith.constant 0 : i32
      %dma_start3A_462 = tpu.memref_slice %arg8[%add3A_456, %dma_start3A_461] : memref<128x64xf32, #tpu.memory_space<vmem>> -> memref<1x64xf32, #tpu.memory_space<vmem>>
      %dma_start3A_463 = arith.constant 0 : i32
      %dma_start3A_464 = tpu.memref_slice %arg3[%squeeze3A, %dma_start3A_463] : memref<1000000x64xf32, #tpu.memory_space<hbm>> -> memref<1x64xf32, #tpu.memory_space<hbm>>
      tpu.enqueue_dma source(%dma_start3A_464 : memref<1x64xf32, #tpu.memory_space<hbm>>) target(%dma_start3A_462 : memref<1x64xf32, #tpu.memory_space<vmem>>) target_semaphore(%arg12 : memref<!tpu.dma_semaphore, #tpu.memory_space<semaphore_mem>>)
      %slice3A_465 = vector.extract_strided_slice %get3A_452 {offsets = [1], sizes = [1], strides = [1]} : vector<16xi32> to vector<1xi32>
      %squeeze3A_466 = vector.extract %slice3A_465[0] : i32 from vector<1xi32>
      %mul3A_467 = arith.constant 16 : i32
      %mul3A_468 = arith.muli %scan3A_446, %mul3A_467 : i32
      %add3A_469 = arith.constant 1 : i32
      %add3A_470 = arith.addi %mul3A_468, %add3A_469 : i32
      %dma_start3A_471 = arith.constant 0 : i32
      %dma_start3A_472 = tpu.memref_slice %arg8[%add3A_470, %dma_start3A_471] : memref<128x64xf32, #tpu.memory_space<vmem>> -> memref<1x64xf32, #tpu.memory_space<vmem>>
      %dma_start3A_473 = arith.constant 0 : i32
      %dma_start3A_474 = tpu.memref_slice %arg3[%squeeze3A_466, %dma_start3A_473] : memref<1000000x64xf32, #tpu.memory_space<hbm>> -> memref<1x64xf32, #tpu.memory_space<hbm>>
      %dma_start3A_475 = arith.constant 0 : i32
      %dma_start3A_476 = tpu.memref_slice %arg8[%add3A_470, %dma_start3A_475] : memref<128x64xf32, #tpu.memory_space<vmem>> -> memref<1x64xf32, #tpu.memory_space<vmem>>
      %dma_start3A_477 = arith.constant 0 : i32
      %dma_start3A_478 = tpu.memref_slice %arg3[%squeeze3A_466, %dma_start3A_477] : memref<1000000x64xf32, #tpu.memory_space<hbm>> -> memref<1x64xf32, #tpu.memory_space<hbm>>
      tpu.enqueue_dma source(%dma_start3A_478 : memref<1x64xf32, #tpu.memory_space<hbm>>) target(%dma_start3A_476 : memref<1x64xf32, #tpu.memory_space<vmem>>) target_semaphore(%arg12 : memref<!tpu.dma_semaphore, #tpu.memory_space<semaphore_mem>>)
      %slice3A_479 = vector.extract_strided_slice %get3A_452 {offsets = [2], sizes = [1], strides = [1]} : vector<16xi32> to vector<1xi32>
      %squeeze3A_480 = vector.extract %slice3A_479[0] : i32 from vector<1xi32>
      %mul3A_481 = arith.constant 16 : i32
      %mul3A_482 = arith.muli %scan3A_446, %mul3A_481 : i32
      %add3A_483 = arith.constant 2 : i32
      %add3A_484 = arith.addi %mul3A_482, %add3A_483 : i32
      %dma_start3A_485 = arith.constant 0 : i32
      %dma_start3A_486 = tpu.memref_slice %arg8[%add3A_484, %dma_start3A_485] : memref<128x64xf32, #tpu.memory_space<vmem>> -> memref<1x64xf32, #tpu.memory_space<vmem>>
      %dma_start3A_487 = arith.constant 0 : i32
      %dma_start3A_488 = tpu.memref_slice %arg3[%squeeze3A_480, %dma_start3A_487] : memref<1000000x64xf32, #tpu.memory_space<hbm>> -> memref<1x64xf32, #tpu.memory_space<hbm>>
      %dma_start3A_489 = arith.constant 0 : i32
      %dma_start3A_490 = tpu.memref_slice %arg8[%add3A_484, %dma_start3A_489] : memref<128x64xf32, #tpu.memory_space<vmem>> -> memref<1x64xf32, #tpu.memory_space<vmem>>
      %dma_start3A_491 = arith.constant 0 : i32
      %dma_start3A_492 = tpu.memref_slice %arg3[%squeeze3A_480, %dma_start3A_491] : memref<1000000x64xf32, #tpu.memory_space<hbm>> -> memref<1x64xf32, #tpu.memory_space<hbm>>
      tpu.enqueue_dma source(%dma_start3A_492 : memref<1x64xf32, #tpu.memory_space<hbm>>) target(%dma_start3A_490 : memref<1x64xf32, #tpu.memory_space<vmem>>) target_semaphore(%arg12 : memref<!tpu.dma_semaphore, #tpu.memory_space<semaphore_mem>>)
      %slice3A_493 = vector.extract_strided_slice %get3A_452 {offsets = [3], sizes = [1], strides = [1]} : vector<16xi32> to vector<1xi32>
      %squeeze3A_494 = vector.extract %slice3A_493[0] : i32 from vector<1xi32>
      %mul3A_495 = arith.constant 16 : i32
      %mul3A_496 = arith.muli %scan3A_446, %mul3A_495 : i32
      %add3A_497 = arith.constant 3 : i32
      %add3A_498 = arith.addi %mul3A_496, %add3A_497 : i32
      %dma_start3A_499 = arith.constant 0 : i32
      %dma_start3A_500 = tpu.memref_slice %arg8[%add3A_498, %dma_start3A_499] : memref<128x64xf32, #tpu.memory_space<vmem>> -> memref<1x64xf32, #tpu.memory_space<vmem>>
      %dma_start3A_501 = arith.constant 0 : i32
      %dma_start3A_502 = tpu.memref_slice %arg3[%squeeze3A_494, %dma_start3A_501] : memref<1000000x64xf32, #tpu.memory_space<hbm>> -> memref<1x64xf32, #tpu.memory_space<hbm>>
      %dma_start3A_503 = arith.constant 0 : i32
      %dma_start3A_504 = tpu.memref_slice %arg8[%add3A_498, %dma_start3A_503] : memref<128x64xf32, #tpu.memory_space<vmem>> -> memref<1x64xf32, #tpu.memory_space<vmem>>
      %dma_start3A_505 = arith.constant 0 : i32
      %dma_start3A_506 = tpu.memref_slice %arg3[%squeeze3A_494, %dma_start3A_505] : memref<1000000x64xf32, #tpu.memory_space<hbm>> -> memref<1x64xf32, #tpu.memory_space<hbm>>
      tpu.enqueue_dma source(%dma_start3A_506 : memref<1x64xf32, #tpu.memory_space<hbm>>) target(%dma_start3A_504 : memref<1x64xf32, #tpu.memory_space<vmem>>) target_semaphore(%arg12 : memref<!tpu.dma_semaphore, #tpu.memory_space<semaphore_mem>>)
      %slice3A_507 = vector.extract_strided_slice %get3A_452 {offsets = [4], sizes = [1], strides = [1]} : vector<16xi32> to vector<1xi32>
      %squeeze3A_508 = vector.extract %slice3A_507[0] : i32 from vector<1xi32>
      %mul3A_509 = arith.constant 16 : i32
      %mul3A_510 = arith.muli %scan3A_446, %mul3A_509 : i32
      %add3A_511 = arith.constant 4 : i32
      %add3A_512 = arith.addi %mul3A_510, %add3A_511 : i32
      %dma_start3A_513 = arith.constant 0 : i32
      %dma_start3A_514 = tpu.memref_slice %arg8[%add3A_512, %dma_start3A_513] : memref<128x64xf32, #tpu.memory_space<vmem>> -> memref<1x64xf32, #tpu.memory_space<vmem>>
      %dma_start3A_515 = arith.constant 0 : i32
      %dma_start3A_516 = tpu.memref_slice %arg3[%squeeze3A_508, %dma_start3A_515] : memref<1000000x64xf32, #tpu.memory_space<hbm>> -> memref<1x64xf32, #tpu.memory_space<hbm>>
      %dma_start3A_517 = arith.constant 0 : i32
      %dma_start3A_518 = tpu.memref_slice %arg8[%add3A_512, %dma_start3A_517] : memref<128x64xf32, #tpu.memory_space<vmem>> -> memref<1x64xf32, #tpu.memory_space<vmem>>
      %dma_start3A_519 = arith.constant 0 : i32
      %dma_start3A_520 = tpu.memref_slice %arg3[%squeeze3A_508, %dma_start3A_519] : memref<1000000x64xf32, #tpu.memory_space<hbm>> -> memref<1x64xf32, #tpu.memory_space<hbm>>
      tpu.enqueue_dma source(%dma_start3A_520 : memref<1x64xf32, #tpu.memory_space<hbm>>) target(%dma_start3A_518 : memref<1x64xf32, #tpu.memory_space<vmem>>) target_semaphore(%arg12 : memref<!tpu.dma_semaphore, #tpu.memory_space<semaphore_mem>>)
      %slice3A_521 = vector.extract_strided_slice %get3A_452 {offsets = [5], sizes = [1], strides = [1]} : vector<16xi32> to vector<1xi32>
      %squeeze3A_522 = vector.extract %slice3A_521[0] : i32 from vector<1xi32>
      %mul3A_523 = arith.constant 16 : i32
      %mul3A_524 = arith.muli %scan3A_446, %mul3A_523 : i32
      %add3A_525 = arith.constant 5 : i32
      %add3A_526 = arith.addi %mul3A_524, %add3A_525 : i32
      %dma_start3A_527 = arith.constant 0 : i32
      %dma_start3A_528 = tpu.memref_slice %arg8[%add3A_526, %dma_start3A_527] : memref<128x64xf32, #tpu.memory_space<vmem>> -> memref<1x64xf32, #tpu.memory_space<vmem>>
      %dma_start3A_529 = arith.constant 0 : i32
      %dma_start3A_530 = tpu.memref_slice %arg3[%squeeze3A_522, %dma_start3A_529] : memref<1000000x64xf32, #tpu.memory_space<hbm>> -> memref<1x64xf32, #tpu.memory_space<hbm>>
      %dma_start3A_531 = arith.constant 0 : i32
      %dma_start3A_532 = tpu.memref_slice %arg8[%add3A_526, %dma_start3A_531] : memref<128x64xf32, #tpu.memory_space<vmem>> -> memref<1x64xf32, #tpu.memory_space<vmem>>
      %dma_start3A_533 = arith.constant 0 : i32
      %dma_start3A_534 = tpu.memref_slice %arg3[%squeeze3A_522, %dma_start3A_533] : memref<1000000x64xf32, #tpu.memory_space<hbm>> -> memref<1x64xf32, #tpu.memory_space<hbm>>
      tpu.enqueue_dma source(%dma_start3A_534 : memref<1x64xf32, #tpu.memory_space<hbm>>) target(%dma_start3A_532 : memref<1x64xf32, #tpu.memory_space<vmem>>) target_semaphore(%arg12 : memref<!tpu.dma_semaphore, #tpu.memory_space<semaphore_mem>>)
      %slice3A_535 = vector.extract_strided_slice %get3A_452 {offsets = [6], sizes = [1], strides = [1]} : vector<16xi32> to vector<1xi32>
      %squeeze3A_536 = vector.extract %slice3A_535[0] : i32 from vector<1xi32>
      %mul3A_537 = arith.constant 16 : i32
      %mul3A_538 = arith.muli %scan3A_446, %mul3A_537 : i32
      %add3A_539 = arith.constant 6 : i32
      %add3A_540 = arith.addi %mul3A_538, %add3A_539 : i32
      %dma_start3A_541 = arith.constant 0 : i32
      %dma_start3A_542 = tpu.memref_slice %arg8[%add3A_540, %dma_start3A_541] : memref<128x64xf32, #tpu.memory_space<vmem>> -> memref<1x64xf32, #tpu.memory_space<vmem>>
      %dma_start3A_543 = arith.constant 0 : i32
      %dma_start3A_544 = tpu.memref_slice %arg3[%squeeze3A_536, %dma_start3A_543] : memref<1000000x64xf32, #tpu.memory_space<hbm>> -> memref<1x64xf32, #tpu.memory_space<hbm>>
      %dma_start3A_545 = arith.constant 0 : i32
      %dma_start3A_546 = tpu.memref_slice %arg8[%add3A_540, %dma_start3A_545] : memref<128x64xf32, #tpu.memory_space<vmem>> -> memref<1x64xf32, #tpu.memory_space<vmem>>
      %dma_start3A_547 = arith.constant 0 : i32
      %dma_start3A_548 = tpu.memref_slice %arg3[%squeeze3A_536, %dma_start3A_547] : memref<1000000x64xf32, #tpu.memory_space<hbm>> -> memref<1x64xf32, #tpu.memory_space<hbm>>
      tpu.enqueue_dma source(%dma_start3A_548 : memref<1x64xf32, #tpu.memory_space<hbm>>) target(%dma_start3A_546 : memref<1x64xf32, #tpu.memory_space<vmem>>) target_semaphore(%arg12 : memref<!tpu.dma_semaphore, #tpu.memory_space<semaphore_mem>>)
      %slice3A_549 = vector.extract_strided_slice %get3A_452 {offsets = [7], sizes = [1], strides = [1]} : vector<16xi32> to vector<1xi32>
      %squeeze3A_550 = vector.extract %slice3A_549[0] : i32 from vector<1xi32>
      %mul3A_551 = arith.constant 16 : i32
      %mul3A_552 = arith.muli %scan3A_446, %mul3A_551 : i32
      %add3A_553 = arith.constant 7 : i32
      %add3A_554 = arith.addi %mul3A_552, %add3A_553 : i32
      %dma_start3A_555 = arith.constant 0 : i32
      %dma_start3A_556 = tpu.memref_slice %arg8[%add3A_554, %dma_start3A_555] : memref<128x64xf32, #tpu.memory_space<vmem>> -> memref<1x64xf32, #tpu.memory_space<vmem>>
      %dma_start3A_557 = arith.constant 0 : i32
      %dma_start3A_558 = tpu.memref_slice %arg3[%squeeze3A_550, %dma_start3A_557] : memref<1000000x64xf32, #tpu.memory_space<hbm>> -> memref<1x64xf32, #tpu.memory_space<hbm>>
      %dma_start3A_559 = arith.constant 0 : i32
      %dma_start3A_560 = tpu.memref_slice %arg8[%add3A_554, %dma_start3A_559] : memref<128x64xf32, #tpu.memory_space<vmem>> -> memref<1x64xf32, #tpu.memory_space<vmem>>
      %dma_start3A_561 = arith.constant 0 : i32
      %dma_start3A_562 = tpu.memref_slice %arg3[%squeeze3A_550, %dma_start3A_561] : memref<1000000x64xf32, #tpu.memory_space<hbm>> -> memref<1x64xf32, #tpu.memory_space<hbm>>
      tpu.enqueue_dma source(%dma_start3A_562 : memref<1x64xf32, #tpu.memory_space<hbm>>) target(%dma_start3A_560 : memref<1x64xf32, #tpu.memory_space<vmem>>) target_semaphore(%arg12 : memref<!tpu.dma_semaphore, #tpu.memory_space<semaphore_mem>>)
      %slice3A_563 = vector.extract_strided_slice %get3A_452 {offsets = [8], sizes = [1], strides = [1]} : vector<16xi32> to vector<1xi32>
      %squeeze3A_564 = vector.extract %slice3A_563[0] : i32 from vector<1xi32>
      %mul3A_565 = arith.constant 16 : i32
      %mul3A_566 = arith.muli %scan3A_446, %mul3A_565 : i32
      %add3A_567 = arith.constant 8 : i32
      %add3A_568 = arith.addi %mul3A_566, %add3A_567 : i32
      %dma_start3A_569 = arith.constant 0 : i32
      %dma_start3A_570 = tpu.memref_slice %arg8[%add3A_568, %dma_start3A_569] : memref<128x64xf32, #tpu.memory_space<vmem>> -> memref<1x64xf32, #tpu.memory_space<vmem>>
      %dma_start3A_571 = arith.constant 0 : i32
      %dma_start3A_572 = tpu.memref_slice %arg3[%squeeze3A_564, %dma_start3A_571] : memref<1000000x64xf32, #tpu.memory_space<hbm>> -> memref<1x64xf32, #tpu.memory_space<hbm>>
      %dma_start3A_573 = arith.constant 0 : i32
      %dma_start3A_574 = tpu.memref_slice %arg8[%add3A_568, %dma_start3A_573] : memref<128x64xf32, #tpu.memory_space<vmem>> -> memref<1x64xf32, #tpu.memory_space<vmem>>
      %dma_start3A_575 = arith.constant 0 : i32
      %dma_start3A_576 = tpu.memref_slice %arg3[%squeeze3A_564, %dma_start3A_575] : memref<1000000x64xf32, #tpu.memory_space<hbm>> -> memref<1x64xf32, #tpu.memory_space<hbm>>
      tpu.enqueue_dma source(%dma_start3A_576 : memref<1x64xf32, #tpu.memory_space<hbm>>) target(%dma_start3A_574 : memref<1x64xf32, #tpu.memory_space<vmem>>) target_semaphore(%arg12 : memref<!tpu.dma_semaphore, #tpu.memory_space<semaphore_mem>>)
      %slice3A_577 = vector.extract_strided_slice %get3A_452 {offsets = [9], sizes = [1], strides = [1]} : vector<16xi32> to vector<1xi32>
      %squeeze3A_578 = vector.extract %slice3A_577[0] : i32 from vector<1xi32>
      %mul3A_579 = arith.constant 16 : i32
      %mul3A_580 = arith.muli %scan3A_446, %mul3A_579 : i32
      %add3A_581 = arith.constant 9 : i32
      %add3A_582 = arith.addi %mul3A_580, %add3A_581 : i32
      %dma_start3A_583 = arith.constant 0 : i32
      %dma_start3A_584 = tpu.memref_slice %arg8[%add3A_582, %dma_start3A_583] : memref<128x64xf32, #tpu.memory_space<vmem>> -> memref<1x64xf32, #tpu.memory_space<vmem>>
      %dma_start3A_585 = arith.constant 0 : i32
      %dma_start3A_586 = tpu.memref_slice %arg3[%squeeze3A_578, %dma_start3A_585] : memref<1000000x64xf32, #tpu.memory_space<hbm>> -> memref<1x64xf32, #tpu.memory_space<hbm>>
      %dma_start3A_587 = arith.constant 0 : i32
      %dma_start3A_588 = tpu.memref_slice %arg8[%add3A_582, %dma_start3A_587] : memref<128x64xf32, #tpu.memory_space<vmem>> -> memref<1x64xf32, #tpu.memory_space<vmem>>
      %dma_start3A_589 = arith.constant 0 : i32
      %dma_start3A_590 = tpu.memref_slice %arg3[%squeeze3A_578, %dma_start3A_589] : memref<1000000x64xf32, #tpu.memory_space<hbm>> -> memref<1x64xf32, #tpu.memory_space<hbm>>
      tpu.enqueue_dma source(%dma_start3A_590 : memref<1x64xf32, #tpu.memory_space<hbm>>) target(%dma_start3A_588 : memref<1x64xf32, #tpu.memory_space<vmem>>) target_semaphore(%arg12 : memref<!tpu.dma_semaphore, #tpu.memory_space<semaphore_mem>>)
      %slice3A_591 = vector.extract_strided_slice %get3A_452 {offsets = [10], sizes = [1], strides = [1]} : vector<16xi32> to vector<1xi32>
      %squeeze3A_592 = vector.extract %slice3A_591[0] : i32 from vector<1xi32>
      %mul3A_593 = arith.constant 16 : i32
      %mul3A_594 = arith.muli %scan3A_446, %mul3A_593 : i32
      %add3A_595 = arith.constant 10 : i32
      %add3A_596 = arith.addi %mul3A_594, %add3A_595 : i32
      %dma_start3A_597 = arith.constant 0 : i32
      %dma_start3A_598 = tpu.memref_slice %arg8[%add3A_596, %dma_start3A_597] : memref<128x64xf32, #tpu.memory_space<vmem>> -> memref<1x64xf32, #tpu.memory_space<vmem>>
      %dma_start3A_599 = arith.constant 0 : i32
      %dma_start3A_600 = tpu.memref_slice %arg3[%squeeze3A_592, %dma_start3A_599] : memref<1000000x64xf32, #tpu.memory_space<hbm>> -> memref<1x64xf32, #tpu.memory_space<hbm>>
      %dma_start3A_601 = arith.constant 0 : i32
      %dma_start3A_602 = tpu.memref_slice %arg8[%add3A_596, %dma_start3A_601] : memref<128x64xf32, #tpu.memory_space<vmem>> -> memref<1x64xf32, #tpu.memory_space<vmem>>
      %dma_start3A_603 = arith.constant 0 : i32
      %dma_start3A_604 = tpu.memref_slice %arg3[%squeeze3A_592, %dma_start3A_603] : memref<1000000x64xf32, #tpu.memory_space<hbm>> -> memref<1x64xf32, #tpu.memory_space<hbm>>
      tpu.enqueue_dma source(%dma_start3A_604 : memref<1x64xf32, #tpu.memory_space<hbm>>) target(%dma_start3A_602 : memref<1x64xf32, #tpu.memory_space<vmem>>) target_semaphore(%arg12 : memref<!tpu.dma_semaphore, #tpu.memory_space<semaphore_mem>>)
      %slice3A_605 = vector.extract_strided_slice %get3A_452 {offsets = [11], sizes = [1], strides = [1]} : vector<16xi32> to vector<1xi32>
      %squeeze3A_606 = vector.extract %slice3A_605[0] : i32 from vector<1xi32>
      %mul3A_607 = arith.constant 16 : i32
      %mul3A_608 = arith.muli %scan3A_446, %mul3A_607 : i32
      %add3A_609 = arith.constant 11 : i32
      %add3A_610 = arith.addi %mul3A_608, %add3A_609 : i32
      %dma_start3A_611 = arith.constant 0 : i32
      %dma_start3A_612 = tpu.memref_slice %arg8[%add3A_610, %dma_start3A_611] : memref<128x64xf32, #tpu.memory_space<vmem>> -> memref<1x64xf32, #tpu.memory_space<vmem>>
      %dma_start3A_613 = arith.constant 0 : i32
      %dma_start3A_614 = tpu.memref_slice %arg3[%squeeze3A_606, %dma_start3A_613] : memref<1000000x64xf32, #tpu.memory_space<hbm>> -> memref<1x64xf32, #tpu.memory_space<hbm>>
      %dma_start3A_615 = arith.constant 0 : i32
      %dma_start3A_616 = tpu.memref_slice %arg8[%add3A_610, %dma_start3A_615] : memref<128x64xf32, #tpu.memory_space<vmem>> -> memref<1x64xf32, #tpu.memory_space<vmem>>
      %dma_start3A_617 = arith.constant 0 : i32
      %dma_start3A_618 = tpu.memref_slice %arg3[%squeeze3A_606, %dma_start3A_617] : memref<1000000x64xf32, #tpu.memory_space<hbm>> -> memref<1x64xf32, #tpu.memory_space<hbm>>
      tpu.enqueue_dma source(%dma_start3A_618 : memref<1x64xf32, #tpu.memory_space<hbm>>) target(%dma_start3A_616 : memref<1x64xf32, #tpu.memory_space<vmem>>) target_semaphore(%arg12 : memref<!tpu.dma_semaphore, #tpu.memory_space<semaphore_mem>>)
      %slice3A_619 = vector.extract_strided_slice %get3A_452 {offsets = [12], sizes = [1], strides = [1]} : vector<16xi32> to vector<1xi32>
      %squeeze3A_620 = vector.extract %slice3A_619[0] : i32 from vector<1xi32>
      %mul3A_621 = arith.constant 16 : i32
      %mul3A_622 = arith.muli %scan3A_446, %mul3A_621 : i32
      %add3A_623 = arith.constant 12 : i32
      %add3A_624 = arith.addi %mul3A_622, %add3A_623 : i32
      %dma_start3A_625 = arith.constant 0 : i32
      %dma_start3A_626 = tpu.memref_slice %arg8[%add3A_624, %dma_start3A_625] : memref<128x64xf32, #tpu.memory_space<vmem>> -> memref<1x64xf32, #tpu.memory_space<vmem>>
      %dma_start3A_627 = arith.constant 0 : i32
      %dma_start3A_628 = tpu.memref_slice %arg3[%squeeze3A_620, %dma_start3A_627] : memref<1000000x64xf32, #tpu.memory_space<hbm>> -> memref<1x64xf32, #tpu.memory_space<hbm>>
      %dma_start3A_629 = arith.constant 0 : i32
      %dma_start3A_630 = tpu.memref_slice %arg8[%add3A_624, %dma_start3A_629] : memref<128x64xf32, #tpu.memory_space<vmem>> -> memref<1x64xf32, #tpu.memory_space<vmem>>
      %dma_start3A_631 = arith.constant 0 : i32
      %dma_start3A_632 = tpu.memref_slice %arg3[%squeeze3A_620, %dma_start3A_631] : memref<1000000x64xf32, #tpu.memory_space<hbm>> -> memref<1x64xf32, #tpu.memory_space<hbm>>
      tpu.enqueue_dma source(%dma_start3A_632 : memref<1x64xf32, #tpu.memory_space<hbm>>) target(%dma_start3A_630 : memref<1x64xf32, #tpu.memory_space<vmem>>) target_semaphore(%arg12 : memref<!tpu.dma_semaphore, #tpu.memory_space<semaphore_mem>>)
      %slice3A_633 = vector.extract_strided_slice %get3A_452 {offsets = [13], sizes = [1], strides = [1]} : vector<16xi32> to vector<1xi32>
      %squeeze3A_634 = vector.extract %slice3A_633[0] : i32 from vector<1xi32>
      %mul3A_635 = arith.constant 16 : i32
      %mul3A_636 = arith.muli %scan3A_446, %mul3A_635 : i32
      %add3A_637 = arith.constant 13 : i32
      %add3A_638 = arith.addi %mul3A_636, %add3A_637 : i32
      %dma_start3A_639 = arith.constant 0 : i32
      %dma_start3A_640 = tpu.memref_slice %arg8[%add3A_638, %dma_start3A_639] : memref<128x64xf32, #tpu.memory_space<vmem>> -> memref<1x64xf32, #tpu.memory_space<vmem>>
      %dma_start3A_641 = arith.constant 0 : i32
      %dma_start3A_642 = tpu.memref_slice %arg3[%squeeze3A_634, %dma_start3A_641] : memref<1000000x64xf32, #tpu.memory_space<hbm>> -> memref<1x64xf32, #tpu.memory_space<hbm>>
      %dma_start3A_643 = arith.constant 0 : i32
      %dma_start3A_644 = tpu.memref_slice %arg8[%add3A_638, %dma_start3A_643] : memref<128x64xf32, #tpu.memory_space<vmem>> -> memref<1x64xf32, #tpu.memory_space<vmem>>
      %dma_start3A_645 = arith.constant 0 : i32
      %dma_start3A_646 = tpu.memref_slice %arg3[%squeeze3A_634, %dma_start3A_645] : memref<1000000x64xf32, #tpu.memory_space<hbm>> -> memref<1x64xf32, #tpu.memory_space<hbm>>
      tpu.enqueue_dma source(%dma_start3A_646 : memref<1x64xf32, #tpu.memory_space<hbm>>) target(%dma_start3A_644 : memref<1x64xf32, #tpu.memory_space<vmem>>) target_semaphore(%arg12 : memref<!tpu.dma_semaphore, #tpu.memory_space<semaphore_mem>>)
      %slice3A_647 = vector.extract_strided_slice %get3A_452 {offsets = [14], sizes = [1], strides = [1]} : vector<16xi32> to vector<1xi32>
      %squeeze3A_648 = vector.extract %slice3A_647[0] : i32 from vector<1xi32>
      %mul3A_649 = arith.constant 16 : i32
      %mul3A_650 = arith.muli %scan3A_446, %mul3A_649 : i32
      %add3A_651 = arith.constant 14 : i32
      %add3A_652 = arith.addi %mul3A_650, %add3A_651 : i32
      %dma_start3A_653 = arith.constant 0 : i32
      %dma_start3A_654 = tpu.memref_slice %arg8[%add3A_652, %dma_start3A_653] : memref<128x64xf32, #tpu.memory_space<vmem>> -> memref<1x64xf32, #tpu.memory_space<vmem>>
      %dma_start3A_655 = arith.constant 0 : i32
      %dma_start3A_656 = tpu.memref_slice %arg3[%squeeze3A_648, %dma_start3A_655] : memref<1000000x64xf32, #tpu.memory_space<hbm>> -> memref<1x64xf32, #tpu.memory_space<hbm>>
      %dma_start3A_657 = arith.constant 0 : i32
      %dma_start3A_658 = tpu.memref_slice %arg8[%add3A_652, %dma_start3A_657] : memref<128x64xf32, #tpu.memory_space<vmem>> -> memref<1x64xf32, #tpu.memory_space<vmem>>
      %dma_start3A_659 = arith.constant 0 : i32
      %dma_start3A_660 = tpu.memref_slice %arg3[%squeeze3A_648, %dma_start3A_659] : memref<1000000x64xf32, #tpu.memory_space<hbm>> -> memref<1x64xf32, #tpu.memory_space<hbm>>
      tpu.enqueue_dma source(%dma_start3A_660 : memref<1x64xf32, #tpu.memory_space<hbm>>) target(%dma_start3A_658 : memref<1x64xf32, #tpu.memory_space<vmem>>) target_semaphore(%arg12 : memref<!tpu.dma_semaphore, #tpu.memory_space<semaphore_mem>>)
      %slice3A_661 = vector.extract_strided_slice %get3A_452 {offsets = [15], sizes = [1], strides = [1]} : vector<16xi32> to vector<1xi32>
      %squeeze3A_662 = vector.extract %slice3A_661[0] : i32 from vector<1xi32>
      %mul3A_663 = arith.constant 16 : i32
      %mul3A_664 = arith.muli %scan3A_446, %mul3A_663 : i32
      %add3A_665 = arith.constant 15 : i32
      %add3A_666 = arith.addi %mul3A_664, %add3A_665 : i32
      %dma_start3A_667 = arith.constant 0 : i32
      %dma_start3A_668 = tpu.memref_slice %arg8[%add3A_666, %dma_start3A_667] : memref<128x64xf32, #tpu.memory_space<vmem>> -> memref<1x64xf32, #tpu.memory_space<vmem>>
      %dma_start3A_669 = arith.constant 0 : i32
      %dma_start3A_670 = tpu.memref_slice %arg3[%squeeze3A_662, %dma_start3A_669] : memref<1000000x64xf32, #tpu.memory_space<hbm>> -> memref<1x64xf32, #tpu.memory_space<hbm>>
      %dma_start3A_671 = arith.constant 0 : i32
      %dma_start3A_672 = tpu.memref_slice %arg8[%add3A_666, %dma_start3A_671] : memref<128x64xf32, #tpu.memory_space<vmem>> -> memref<1x64xf32, #tpu.memory_space<vmem>>
      %dma_start3A_673 = arith.constant 0 : i32
      %dma_start3A_674 = tpu.memref_slice %arg3[%squeeze3A_662, %dma_start3A_673] : memref<1000000x64xf32, #tpu.memory_space<hbm>> -> memref<1x64xf32, #tpu.memory_space<hbm>>
      tpu.enqueue_dma source(%dma_start3A_674 : memref<1x64xf32, #tpu.memory_space<hbm>>) target(%dma_start3A_672 : memref<1x64xf32, #tpu.memory_space<vmem>>) target_semaphore(%arg12 : memref<!tpu.dma_semaphore, #tpu.memory_space<semaphore_mem>>)
      %scan3A_675 = arith.constant 0 : i32
      scf.yield %scan3A_675 : i32
    }
    %scan3A_269 = arith.constant 8 : i32
    %dma_wait3A_270 = arith.constant 0 : i32
    %dma_wait3A_271 = arith.constant 0 : i32
    %dma_wait3A_272 = tpu.memref_slice %arg3[%dma_wait3A_270, %dma_wait3A_271] : memref<1000000x64xf32, #tpu.memory_space<hbm>> -> memref<128x64xf32, #tpu.memory_space<hbm>>
    %dma_wait3A_273 = arith.constant 0 : i32
    %dma_wait3A_274 = arith.constant 0 : i32
    %dma_wait3A_275 = tpu.memref_slice %arg3[%dma_wait3A_273, %dma_wait3A_274] : memref<1000000x64xf32, #tpu.memory_space<hbm>> -> memref<128x64xf32, #tpu.memory_space<hbm>>
    tpu.wait_dma2 semaphore(%arg11 : memref<!tpu.dma_semaphore, #tpu.memory_space<semaphore_mem>>) src(%dma_wait3A_275 : memref<128x64xf32, #tpu.memory_space<hbm>>) dst(%arg7 : memref<128x64xf32, #tpu.memory_space<vmem>>)
    %dma_wait3A_276 = arith.constant 0 : i32
    %dma_wait3A_277 = arith.constant 0 : i32
    %dma_wait3A_278 = arith.constant 0 : i32
    %dma_wait3A_279 = tpu.memref_slice %arg4[%dma_wait3A_276, %dma_wait3A_277, %dma_wait3A_278] : memref<1x2048x64xf32, #tpu.memory_space<hbm>> -> memref<1x128x64xf32, #tpu.memory_space<hbm>>
    %dma_wait3A_280 = tpu.memref_squeeze %dma_wait3A_279 : memref<1x128x64xf32, #tpu.memory_space<hbm>> -> memref<128x64xf32, #tpu.memory_space<hbm>>
    %dma_wait3A_281 = arith.constant 0 : i32
    %dma_wait3A_282 = arith.constant 0 : i32
    %dma_wait3A_283 = tpu.memref_slice %arg4[%dma_wait3A_276, %dma_wait3A_281, %dma_wait3A_282] : memref<1x2048x64xf32, #tpu.memory_space<hbm>> -> memref<1x128x64xf32, #tpu.memory_space<hbm>>
    %dma_wait3A_284 = tpu.memref_squeeze %dma_wait3A_283 : memref<1x128x64xf32, #tpu.memory_space<hbm>> -> memref<128x64xf32, #tpu.memory_space<hbm>>
    tpu.wait_dma2 semaphore(%arg15 : memref<!tpu.dma_semaphore, #tpu.memory_space<semaphore_mem>>) src(%dma_wait3A_284 : memref<128x64xf32, #tpu.memory_space<hbm>>) dst(%arg9 : memref<128x64xf32, #tpu.memory_space<vmem>>)
    %scan3A_285 = arith.constant 0 : i32
    %scan3A_286 = arith.constant 0 : i32
    %scan3A_287 = arith.constant 128 : i32
    %scan3A_288 = arith.addi %scan3A_286, %scan3A_287 : i32
    %scan3A_289 = arith.constant 1 : i32
    %scan3A_290 = scf.for %scan3A_446 = %scan3A_286 to %scan3A_288 step %scan3A_289 iter_args(%scan3A_447 = %scan3A_285) -> (i32)  : i32 {
      %get3A = arith.index_cast %scan3A_446 : i32 to index
      %get3A_448 = arith.constant 0 : index
      %get3A_449 = tpu.vector_load %arg7[%get3A, %get3A_448] {strides = array<i32>} : memref<128x64xf32, #tpu.memory_space<vmem>>, vector<16xf32>,
      %mul3A_450 = arith.constant 8.000000e+00 : f32
      %mul3A_451 = vector.broadcast %mul3A_450 : f32 to vector<16xf32>
      %mul3A_452 = arith.mulf %get3A_449, %mul3A_451 : vector<16xf32>
      %get3A_453 = arith.index_cast %scan3A_446 : i32 to index
      %get3A_454 = arith.constant 0 : index
      %get3A_455 = tpu.vector_load %arg9[%get3A_453, %get3A_454] {strides = array<i32>} : memref<128x64xf32, #tpu.memory_space<vmem>>, vector<16xf32>,
      %add3A_456 = arith.addf %mul3A_452, %get3A_455 : vector<16xf32>
      %swap3A = arith.index_cast %scan3A_446 : i32 to index
      %swap3A_457 = arith.constant 0 : index
      %swap3A_458 = tpu.vector_load %arg7[%swap3A, %swap3A_457] {strides = array<i32>} : memref<128x64xf32, #tpu.memory_space<vmem>>, vector<16xf32>,
      tpu.vector_store %arg7[%swap3A, %swap3A_457], %add3A_456 {strides = array<i32>} : memref<128x64xf32, #tpu.memory_space<vmem>>, vector<16xf32>,
      %get3A_459 = arith.index_cast %scan3A_446 : i32 to index
      %get3A_460 = arith.constant 16 : index
      %get3A_461 = tpu.vector_load %arg7[%get3A_459, %get3A_460] {strides = array<i32>} : memref<128x64xf32, #tpu.memory_space<vmem>>, vector<16xf32>,
      %mul3A_462 = arith.constant 8.000000e+00 : f32
      %mul3A_463 = vector.broadcast %mul3A_462 : f32 to vector<16xf32>
      %mul3A_464 = arith.mulf %get3A_461, %mul3A_463 : vector<16xf32>
      %get3A_465 = arith.index_cast %scan3A_446 : i32 to index
      %get3A_466 = arith.constant 16 : index
      %get3A_467 = tpu.vector_load %arg9[%get3A_465, %get3A_466] {strides = array<i32>} : memref<128x64xf32, #tpu.memory_space<vmem>>, vector<16xf32>,
      %add3A_468 = arith.addf %mul3A_464, %get3A_467 : vector<16xf32>
      %swap3A_469 = arith.index_cast %scan3A_446 : i32 to index
      %swap3A_470 = arith.constant 16 : index
      %swap3A_471 = tpu.vector_load %arg7[%swap3A_469, %swap3A_470] {strides = array<i32>} : memref<128x64xf32, #tpu.memory_space<vmem>>, vector<16xf32>,
      tpu.vector_store %arg7[%swap3A_469, %swap3A_470], %add3A_468 {strides = array<i32>} : memref<128x64xf32, #tpu.memory_space<vmem>>, vector<16xf32>,
      %get3A_472 = arith.index_cast %scan3A_446 : i32 to index
      %get3A_473 = arith.constant 32 : index
      %get3A_474 = tpu.vector_load %arg7[%get3A_472, %get3A_473] {strides = array<i32>} : memref<128x64xf32, #tpu.memory_space<vmem>>, vector<16xf32>,
      %mul3A_475 = arith.constant 8.000000e+00 : f32
      %mul3A_476 = vector.broadcast %mul3A_475 : f32 to vector<16xf32>
      %mul3A_477 = arith.mulf %get3A_474, %mul3A_476 : vector<16xf32>
      %get3A_478 = arith.index_cast %scan3A_446 : i32 to index
      %get3A_479 = arith.constant 32 : index
      %get3A_480 = tpu.vector_load %arg9[%get3A_478, %get3A_479] {strides = array<i32>} : memref<128x64xf32, #tpu.memory_space<vmem>>, vector<16xf32>,
      %add3A_481 = arith.addf %mul3A_477, %get3A_480 : vector<16xf32>
      %swap3A_482 = arith.index_cast %scan3A_446 : i32 to index
      %swap3A_483 = arith.constant 32 : index
      %swap3A_484 = tpu.vector_load %arg7[%swap3A_482, %swap3A_483] {strides = array<i32>} : memref<128x64xf32, #tpu.memory_space<vmem>>, vector<16xf32>,
      tpu.vector_store %arg7[%swap3A_482, %swap3A_483], %add3A_481 {strides = array<i32>} : memref<128x64xf32, #tpu.memory_space<vmem>>, vector<16xf32>,
      %get3A_485 = arith.index_cast %scan3A_446 : i32 to index
      %get3A_486 = arith.constant 48 : index
      %get3A_487 = tpu.vector_load %arg7[%get3A_485, %get3A_486] {strides = array<i32>} : memref<128x64xf32, #tpu.memory_space<vmem>>, vector<16xf32>,
      %mul3A_488 = arith.constant 8.000000e+00 : f32
      %mul3A_489 = vector.broadcast %mul3A_488 : f32 to vector<16xf32>
      %mul3A_490 = arith.mulf %get3A_487, %mul3A_489 : vector<16xf32>
      %get3A_491 = arith.index_cast %scan3A_446 : i32 to index
      %get3A_492 = arith.constant 48 : index
      %get3A_493 = tpu.vector_load %arg9[%get3A_491, %get3A_492] {strides = array<i32>} : memref<128x64xf32, #tpu.memory_space<vmem>>, vector<16xf32>,
      %add3A_494 = arith.addf %mul3A_490, %get3A_493 : vector<16xf32>
      %swap3A_495 = arith.index_cast %scan3A_446 : i32 to index
      %swap3A_496 = arith.constant 48 : index
      %swap3A_497 = tpu.vector_load %arg7[%swap3A_495, %swap3A_496] {strides = array<i32>} : memref<128x64xf32, #tpu.memory_space<vmem>>, vector<16xf32>,
      tpu.vector_store %arg7[%swap3A_495, %swap3A_496], %add3A_494 {strides = array<i32>} : memref<128x64xf32, #tpu.memory_space<vmem>>, vector<16xf32>,
      %scan3A_498 = arith.constant 0 : i32
      scf.yield %scan3A_498 : i32
    }
    %scan3A_291 = arith.constant 128 : i32
    %add3A_292 = arith.constant 512 : i32
    %add3A_293 = arith.addi %mul3A_32, %add3A_292 : i32
    %dma_start3A_294 = arith.constant 0 : i32
    %dma_start3A_295 = tpu.memref_slice %arg5[%select_n3A, %add3A_293, %dma_start3A_294] : memref<16x2048x64xf32, #tpu.memory_space<hbm>> -> memref<1x128x64xf32, #tpu.memory_space<hbm>>
    %dma_start3A_296 = tpu.memref_squeeze %dma_start3A_295 : memref<1x128x64xf32, #tpu.memory_space<hbm>> -> memref<128x64xf32, #tpu.memory_space<hbm>>
    %dma_start3A_297 = arith.constant 0 : i32
    %dma_start3A_298 = tpu.memref_slice %arg5[%select_n3A, %add3A_293, %dma_start3A_297] : memref<16x2048x64xf32, #tpu.memory_space<hbm>> -> memref<1x128x64xf32, #tpu.memory_space<hbm>>
    %dma_start3A_299 = tpu.memref_squeeze %dma_start3A_298 : memref<1x128x64xf32, #tpu.memory_space<hbm>> -> memref<128x64xf32, #tpu.memory_space<hbm>>
    tpu.enqueue_dma source(%arg7 : memref<128x64xf32, #tpu.memory_space<vmem>>) target(%dma_start3A_299 : memref<128x64xf32, #tpu.memory_space<hbm>>) target_semaphore(%arg13 : memref<!tpu.dma_semaphore, #tpu.memory_space<semaphore_mem>>)
    %dma_wait3A_300 = arith.constant 0 : i32
    %dma_wait3A_301 = tpu.memref_slice %arg5[%select_n3A, %add3A_293, %dma_wait3A_300] : memref<16x2048x64xf32, #tpu.memory_space<hbm>> -> memref<1x128x64xf32, #tpu.memory_space<hbm>>
    %dma_wait3A_302 = tpu.memref_squeeze %dma_wait3A_301 : memref<1x128x64xf32, #tpu.memory_space<hbm>> -> memref<128x64xf32, #tpu.memory_space<hbm>>
    %dma_wait3A_303 = arith.constant 0 : i32
    %dma_wait3A_304 = tpu.memref_slice %arg5[%select_n3A, %add3A_293, %dma_wait3A_303] : memref<16x2048x64xf32, #tpu.memory_space<hbm>> -> memref<1x128x64xf32, #tpu.memory_space<hbm>>
    %dma_wait3A_305 = tpu.memref_squeeze %dma_wait3A_304 : memref<1x128x64xf32, #tpu.memory_space<hbm>> -> memref<128x64xf32, #tpu.memory_space<hbm>>
    tpu.wait_dma2 semaphore(%arg13 : memref<!tpu.dma_semaphore, #tpu.memory_space<semaphore_mem>>) src(%arg7 : memref<128x64xf32, #tpu.memory_space<vmem>>) dst(%dma_wait3A_305 : memref<128x64xf32, #tpu.memory_space<hbm>>)
    %add3A_306 = arith.constant 768 : i32
    %add3A_307 = arith.addi %mul3A_32, %add3A_306 : i32
    %dma_start3A_308 = arith.constant 0 : i32
    %dma_start3A_309 = arith.constant 0 : i32
    %dma_start3A_310 = tpu.memref_slice %arg4[%dma_start3A_308, %add3A_307, %dma_start3A_309] : memref<1x2048x64xf32, #tpu.memory_space<hbm>> -> memref<1x128x64xf32, #tpu.memory_space<hbm>>
    %dma_start3A_311 = tpu.memref_squeeze %dma_start3A_310 : memref<1x128x64xf32, #tpu.memory_space<hbm>> -> memref<128x64xf32, #tpu.memory_space<hbm>>
    %dma_start3A_312 = arith.constant 0 : i32
    %dma_start3A_313 = tpu.memref_slice %arg4[%dma_start3A_308, %add3A_307, %dma_start3A_312] : memref<1x2048x64xf32, #tpu.memory_space<hbm>> -> memref<1x128x64xf32, #tpu.memory_space<hbm>>
    %dma_start3A_314 = tpu.memref_squeeze %dma_start3A_313 : memref<1x128x64xf32, #tpu.memory_space<hbm>> -> memref<128x64xf32, #tpu.memory_space<hbm>>
    tpu.enqueue_dma source(%dma_start3A_314 : memref<128x64xf32, #tpu.memory_space<hbm>>) target(%arg9 : memref<128x64xf32, #tpu.memory_space<vmem>>) target_semaphore(%arg15 : memref<!tpu.dma_semaphore, #tpu.memory_space<semaphore_mem>>)
    %scan3A_315 = arith.constant 0 : i32
    %scan3A_316 = arith.constant 0 : i32
    %scan3A_317 = arith.constant 8 : i32
    %scan3A_318 = arith.addi %scan3A_316, %scan3A_317 : i32
    %scan3A_319 = arith.constant 1 : i32
    %scan3A_320 = scf.for %scan3A_446 = %scan3A_316 to %scan3A_318 step %scan3A_319 iter_args(%scan3A_447 = %scan3A_315) -> (i32)  : i32 {
      %mul3A_448 = arith.constant 16 : i32
      %mul3A_449 = arith.muli %scan3A_446, %mul3A_448 : i32
      %add3A_450 = arith.constant 768 : i32
      %add3A_451 = arith.addi %add3A_450, %mul3A_449 : i32
      %get3A = arith.index_cast %add3A_451 : i32 to index
      %get3A_452 = tpu.vector_load %arg6[%get3A] {strides = array<i32>} : memref<1024xi32, #tpu.memory_space<vmem>>, vector<16xi32>,
      %slice3A = vector.extract_strided_slice %get3A_452 {offsets = [0], sizes = [1], strides = [1]} : vector<16xi32> to vector<1xi32>
      %squeeze3A = vector.extract %slice3A[0] : i32 from vector<1xi32>
      %mul3A_453 = arith.constant 16 : i32
      %mul3A_454 = arith.muli %scan3A_446, %mul3A_453 : i32
      %add3A_455 = arith.constant 0 : i32
      %add3A_456 = arith.addi %mul3A_454, %add3A_455 : i32
      %dma_start3A_457 = arith.constant 0 : i32
      %dma_start3A_458 = tpu.memref_slice %arg7[%add3A_456, %dma_start3A_457] : memref<128x64xf32, #tpu.memory_space<vmem>> -> memref<1x64xf32, #tpu.memory_space<vmem>>
      %dma_start3A_459 = arith.constant 0 : i32
      %dma_start3A_460 = tpu.memref_slice %arg3[%squeeze3A, %dma_start3A_459] : memref<1000000x64xf32, #tpu.memory_space<hbm>> -> memref<1x64xf32, #tpu.memory_space<hbm>>
      %dma_start3A_461 = arith.constant 0 : i32
      %dma_start3A_462 = tpu.memref_slice %arg7[%add3A_456, %dma_start3A_461] : memref<128x64xf32, #tpu.memory_space<vmem>> -> memref<1x64xf32, #tpu.memory_space<vmem>>
      %dma_start3A_463 = arith.constant 0 : i32
      %dma_start3A_464 = tpu.memref_slice %arg3[%squeeze3A, %dma_start3A_463] : memref<1000000x64xf32, #tpu.memory_space<hbm>> -> memref<1x64xf32, #tpu.memory_space<hbm>>
      tpu.enqueue_dma source(%dma_start3A_464 : memref<1x64xf32, #tpu.memory_space<hbm>>) target(%dma_start3A_462 : memref<1x64xf32, #tpu.memory_space<vmem>>) target_semaphore(%arg11 : memref<!tpu.dma_semaphore, #tpu.memory_space<semaphore_mem>>)
      %slice3A_465 = vector.extract_strided_slice %get3A_452 {offsets = [1], sizes = [1], strides = [1]} : vector<16xi32> to vector<1xi32>
      %squeeze3A_466 = vector.extract %slice3A_465[0] : i32 from vector<1xi32>
      %mul3A_467 = arith.constant 16 : i32
      %mul3A_468 = arith.muli %scan3A_446, %mul3A_467 : i32
      %add3A_469 = arith.constant 1 : i32
      %add3A_470 = arith.addi %mul3A_468, %add3A_469 : i32
      %dma_start3A_471 = arith.constant 0 : i32
      %dma_start3A_472 = tpu.memref_slice %arg7[%add3A_470, %dma_start3A_471] : memref<128x64xf32, #tpu.memory_space<vmem>> -> memref<1x64xf32, #tpu.memory_space<vmem>>
      %dma_start3A_473 = arith.constant 0 : i32
      %dma_start3A_474 = tpu.memref_slice %arg3[%squeeze3A_466, %dma_start3A_473] : memref<1000000x64xf32, #tpu.memory_space<hbm>> -> memref<1x64xf32, #tpu.memory_space<hbm>>
      %dma_start3A_475 = arith.constant 0 : i32
      %dma_start3A_476 = tpu.memref_slice %arg7[%add3A_470, %dma_start3A_475] : memref<128x64xf32, #tpu.memory_space<vmem>> -> memref<1x64xf32, #tpu.memory_space<vmem>>
      %dma_start3A_477 = arith.constant 0 : i32
      %dma_start3A_478 = tpu.memref_slice %arg3[%squeeze3A_466, %dma_start3A_477] : memref<1000000x64xf32, #tpu.memory_space<hbm>> -> memref<1x64xf32, #tpu.memory_space<hbm>>
      tpu.enqueue_dma source(%dma_start3A_478 : memref<1x64xf32, #tpu.memory_space<hbm>>) target(%dma_start3A_476 : memref<1x64xf32, #tpu.memory_space<vmem>>) target_semaphore(%arg11 : memref<!tpu.dma_semaphore, #tpu.memory_space<semaphore_mem>>)
      %slice3A_479 = vector.extract_strided_slice %get3A_452 {offsets = [2], sizes = [1], strides = [1]} : vector<16xi32> to vector<1xi32>
      %squeeze3A_480 = vector.extract %slice3A_479[0] : i32 from vector<1xi32>
      %mul3A_481 = arith.constant 16 : i32
      %mul3A_482 = arith.muli %scan3A_446, %mul3A_481 : i32
      %add3A_483 = arith.constant 2 : i32
      %add3A_484 = arith.addi %mul3A_482, %add3A_483 : i32
      %dma_start3A_485 = arith.constant 0 : i32
      %dma_start3A_486 = tpu.memref_slice %arg7[%add3A_484, %dma_start3A_485] : memref<128x64xf32, #tpu.memory_space<vmem>> -> memref<1x64xf32, #tpu.memory_space<vmem>>
      %dma_start3A_487 = arith.constant 0 : i32
      %dma_start3A_488 = tpu.memref_slice %arg3[%squeeze3A_480, %dma_start3A_487] : memref<1000000x64xf32, #tpu.memory_space<hbm>> -> memref<1x64xf32, #tpu.memory_space<hbm>>
      %dma_start3A_489 = arith.constant 0 : i32
      %dma_start3A_490 = tpu.memref_slice %arg7[%add3A_484, %dma_start3A_489] : memref<128x64xf32, #tpu.memory_space<vmem>> -> memref<1x64xf32, #tpu.memory_space<vmem>>
      %dma_start3A_491 = arith.constant 0 : i32
      %dma_start3A_492 = tpu.memref_slice %arg3[%squeeze3A_480, %dma_start3A_491] : memref<1000000x64xf32, #tpu.memory_space<hbm>> -> memref<1x64xf32, #tpu.memory_space<hbm>>
      tpu.enqueue_dma source(%dma_start3A_492 : memref<1x64xf32, #tpu.memory_space<hbm>>) target(%dma_start3A_490 : memref<1x64xf32, #tpu.memory_space<vmem>>) target_semaphore(%arg11 : memref<!tpu.dma_semaphore, #tpu.memory_space<semaphore_mem>>)
      %slice3A_493 = vector.extract_strided_slice %get3A_452 {offsets = [3], sizes = [1], strides = [1]} : vector<16xi32> to vector<1xi32>
      %squeeze3A_494 = vector.extract %slice3A_493[0] : i32 from vector<1xi32>
      %mul3A_495 = arith.constant 16 : i32
      %mul3A_496 = arith.muli %scan3A_446, %mul3A_495 : i32
      %add3A_497 = arith.constant 3 : i32
      %add3A_498 = arith.addi %mul3A_496, %add3A_497 : i32
      %dma_start3A_499 = arith.constant 0 : i32
      %dma_start3A_500 = tpu.memref_slice %arg7[%add3A_498, %dma_start3A_499] : memref<128x64xf32, #tpu.memory_space<vmem>> -> memref<1x64xf32, #tpu.memory_space<vmem>>
      %dma_start3A_501 = arith.constant 0 : i32
      %dma_start3A_502 = tpu.memref_slice %arg3[%squeeze3A_494, %dma_start3A_501] : memref<1000000x64xf32, #tpu.memory_space<hbm>> -> memref<1x64xf32, #tpu.memory_space<hbm>>
      %dma_start3A_503 = arith.constant 0 : i32
      %dma_start3A_504 = tpu.memref_slice %arg7[%add3A_498, %dma_start3A_503] : memref<128x64xf32, #tpu.memory_space<vmem>> -> memref<1x64xf32, #tpu.memory_space<vmem>>
      %dma_start3A_505 = arith.constant 0 : i32
      %dma_start3A_506 = tpu.memref_slice %arg3[%squeeze3A_494, %dma_start3A_505] : memref<1000000x64xf32, #tpu.memory_space<hbm>> -> memref<1x64xf32, #tpu.memory_space<hbm>>
      tpu.enqueue_dma source(%dma_start3A_506 : memref<1x64xf32, #tpu.memory_space<hbm>>) target(%dma_start3A_504 : memref<1x64xf32, #tpu.memory_space<vmem>>) target_semaphore(%arg11 : memref<!tpu.dma_semaphore, #tpu.memory_space<semaphore_mem>>)
      %slice3A_507 = vector.extract_strided_slice %get3A_452 {offsets = [4], sizes = [1], strides = [1]} : vector<16xi32> to vector<1xi32>
      %squeeze3A_508 = vector.extract %slice3A_507[0] : i32 from vector<1xi32>
      %mul3A_509 = arith.constant 16 : i32
      %mul3A_510 = arith.muli %scan3A_446, %mul3A_509 : i32
      %add3A_511 = arith.constant 4 : i32
      %add3A_512 = arith.addi %mul3A_510, %add3A_511 : i32
      %dma_start3A_513 = arith.constant 0 : i32
      %dma_start3A_514 = tpu.memref_slice %arg7[%add3A_512, %dma_start3A_513] : memref<128x64xf32, #tpu.memory_space<vmem>> -> memref<1x64xf32, #tpu.memory_space<vmem>>
      %dma_start3A_515 = arith.constant 0 : i32
      %dma_start3A_516 = tpu.memref_slice %arg3[%squeeze3A_508, %dma_start3A_515] : memref<1000000x64xf32, #tpu.memory_space<hbm>> -> memref<1x64xf32, #tpu.memory_space<hbm>>
      %dma_start3A_517 = arith.constant 0 : i32
      %dma_start3A_518 = tpu.memref_slice %arg7[%add3A_512, %dma_start3A_517] : memref<128x64xf32, #tpu.memory_space<vmem>> -> memref<1x64xf32, #tpu.memory_space<vmem>>
      %dma_start3A_519 = arith.constant 0 : i32
      %dma_start3A_520 = tpu.memref_slice %arg3[%squeeze3A_508, %dma_start3A_519] : memref<1000000x64xf32, #tpu.memory_space<hbm>> -> memref<1x64xf32, #tpu.memory_space<hbm>>
      tpu.enqueue_dma source(%dma_start3A_520 : memref<1x64xf32, #tpu.memory_space<hbm>>) target(%dma_start3A_518 : memref<1x64xf32, #tpu.memory_space<vmem>>) target_semaphore(%arg11 : memref<!tpu.dma_semaphore, #tpu.memory_space<semaphore_mem>>)
      %slice3A_521 = vector.extract_strided_slice %get3A_452 {offsets = [5], sizes = [1], strides = [1]} : vector<16xi32> to vector<1xi32>
      %squeeze3A_522 = vector.extract %slice3A_521[0] : i32 from vector<1xi32>
      %mul3A_523 = arith.constant 16 : i32
      %mul3A_524 = arith.muli %scan3A_446, %mul3A_523 : i32
      %add3A_525 = arith.constant 5 : i32
      %add3A_526 = arith.addi %mul3A_524, %add3A_525 : i32
      %dma_start3A_527 = arith.constant 0 : i32
      %dma_start3A_528 = tpu.memref_slice %arg7[%add3A_526, %dma_start3A_527] : memref<128x64xf32, #tpu.memory_space<vmem>> -> memref<1x64xf32, #tpu.memory_space<vmem>>
      %dma_start3A_529 = arith.constant 0 : i32
      %dma_start3A_530 = tpu.memref_slice %arg3[%squeeze3A_522, %dma_start3A_529] : memref<1000000x64xf32, #tpu.memory_space<hbm>> -> memref<1x64xf32, #tpu.memory_space<hbm>>
      %dma_start3A_531 = arith.constant 0 : i32
      %dma_start3A_532 = tpu.memref_slice %arg7[%add3A_526, %dma_start3A_531] : memref<128x64xf32, #tpu.memory_space<vmem>> -> memref<1x64xf32, #tpu.memory_space<vmem>>
      %dma_start3A_533 = arith.constant 0 : i32
      %dma_start3A_534 = tpu.memref_slice %arg3[%squeeze3A_522, %dma_start3A_533] : memref<1000000x64xf32, #tpu.memory_space<hbm>> -> memref<1x64xf32, #tpu.memory_space<hbm>>
      tpu.enqueue_dma source(%dma_start3A_534 : memref<1x64xf32, #tpu.memory_space<hbm>>) target(%dma_start3A_532 : memref<1x64xf32, #tpu.memory_space<vmem>>) target_semaphore(%arg11 : memref<!tpu.dma_semaphore, #tpu.memory_space<semaphore_mem>>)
      %slice3A_535 = vector.extract_strided_slice %get3A_452 {offsets = [6], sizes = [1], strides = [1]} : vector<16xi32> to vector<1xi32>
      %squeeze3A_536 = vector.extract %slice3A_535[0] : i32 from vector<1xi32>
      %mul3A_537 = arith.constant 16 : i32
      %mul3A_538 = arith.muli %scan3A_446, %mul3A_537 : i32
      %add3A_539 = arith.constant 6 : i32
      %add3A_540 = arith.addi %mul3A_538, %add3A_539 : i32
      %dma_start3A_541 = arith.constant 0 : i32
      %dma_start3A_542 = tpu.memref_slice %arg7[%add3A_540, %dma_start3A_541] : memref<128x64xf32, #tpu.memory_space<vmem>> -> memref<1x64xf32, #tpu.memory_space<vmem>>
      %dma_start3A_543 = arith.constant 0 : i32
      %dma_start3A_544 = tpu.memref_slice %arg3[%squeeze3A_536, %dma_start3A_543] : memref<1000000x64xf32, #tpu.memory_space<hbm>> -> memref<1x64xf32, #tpu.memory_space<hbm>>
      %dma_start3A_545 = arith.constant 0 : i32
      %dma_start3A_546 = tpu.memref_slice %arg7[%add3A_540, %dma_start3A_545] : memref<128x64xf32, #tpu.memory_space<vmem>> -> memref<1x64xf32, #tpu.memory_space<vmem>>
      %dma_start3A_547 = arith.constant 0 : i32
      %dma_start3A_548 = tpu.memref_slice %arg3[%squeeze3A_536, %dma_start3A_547] : memref<1000000x64xf32, #tpu.memory_space<hbm>> -> memref<1x64xf32, #tpu.memory_space<hbm>>
      tpu.enqueue_dma source(%dma_start3A_548 : memref<1x64xf32, #tpu.memory_space<hbm>>) target(%dma_start3A_546 : memref<1x64xf32, #tpu.memory_space<vmem>>) target_semaphore(%arg11 : memref<!tpu.dma_semaphore, #tpu.memory_space<semaphore_mem>>)
      %slice3A_549 = vector.extract_strided_slice %get3A_452 {offsets = [7], sizes = [1], strides = [1]} : vector<16xi32> to vector<1xi32>
      %squeeze3A_550 = vector.extract %slice3A_549[0] : i32 from vector<1xi32>
      %mul3A_551 = arith.constant 16 : i32
      %mul3A_552 = arith.muli %scan3A_446, %mul3A_551 : i32
      %add3A_553 = arith.constant 7 : i32
      %add3A_554 = arith.addi %mul3A_552, %add3A_553 : i32
      %dma_start3A_555 = arith.constant 0 : i32
      %dma_start3A_556 = tpu.memref_slice %arg7[%add3A_554, %dma_start3A_555] : memref<128x64xf32, #tpu.memory_space<vmem>> -> memref<1x64xf32, #tpu.memory_space<vmem>>
      %dma_start3A_557 = arith.constant 0 : i32
      %dma_start3A_558 = tpu.memref_slice %arg3[%squeeze3A_550, %dma_start3A_557] : memref<1000000x64xf32, #tpu.memory_space<hbm>> -> memref<1x64xf32, #tpu.memory_space<hbm>>
      %dma_start3A_559 = arith.constant 0 : i32
      %dma_start3A_560 = tpu.memref_slice %arg7[%add3A_554, %dma_start3A_559] : memref<128x64xf32, #tpu.memory_space<vmem>> -> memref<1x64xf32, #tpu.memory_space<vmem>>
      %dma_start3A_561 = arith.constant 0 : i32
      %dma_start3A_562 = tpu.memref_slice %arg3[%squeeze3A_550, %dma_start3A_561] : memref<1000000x64xf32, #tpu.memory_space<hbm>> -> memref<1x64xf32, #tpu.memory_space<hbm>>
      tpu.enqueue_dma source(%dma_start3A_562 : memref<1x64xf32, #tpu.memory_space<hbm>>) target(%dma_start3A_560 : memref<1x64xf32, #tpu.memory_space<vmem>>) target_semaphore(%arg11 : memref<!tpu.dma_semaphore, #tpu.memory_space<semaphore_mem>>)
      %slice3A_563 = vector.extract_strided_slice %get3A_452 {offsets = [8], sizes = [1], strides = [1]} : vector<16xi32> to vector<1xi32>
      %squeeze3A_564 = vector.extract %slice3A_563[0] : i32 from vector<1xi32>
      %mul3A_565 = arith.constant 16 : i32
      %mul3A_566 = arith.muli %scan3A_446, %mul3A_565 : i32
      %add3A_567 = arith.constant 8 : i32
      %add3A_568 = arith.addi %mul3A_566, %add3A_567 : i32
      %dma_start3A_569 = arith.constant 0 : i32
      %dma_start3A_570 = tpu.memref_slice %arg7[%add3A_568, %dma_start3A_569] : memref<128x64xf32, #tpu.memory_space<vmem>> -> memref<1x64xf32, #tpu.memory_space<vmem>>
      %dma_start3A_571 = arith.constant 0 : i32
      %dma_start3A_572 = tpu.memref_slice %arg3[%squeeze3A_564, %dma_start3A_571] : memref<1000000x64xf32, #tpu.memory_space<hbm>> -> memref<1x64xf32, #tpu.memory_space<hbm>>
      %dma_start3A_573 = arith.constant 0 : i32
      %dma_start3A_574 = tpu.memref_slice %arg7[%add3A_568, %dma_start3A_573] : memref<128x64xf32, #tpu.memory_space<vmem>> -> memref<1x64xf32, #tpu.memory_space<vmem>>
      %dma_start3A_575 = arith.constant 0 : i32
      %dma_start3A_576 = tpu.memref_slice %arg3[%squeeze3A_564, %dma_start3A_575] : memref<1000000x64xf32, #tpu.memory_space<hbm>> -> memref<1x64xf32, #tpu.memory_space<hbm>>
      tpu.enqueue_dma source(%dma_start3A_576 : memref<1x64xf32, #tpu.memory_space<hbm>>) target(%dma_start3A_574 : memref<1x64xf32, #tpu.memory_space<vmem>>) target_semaphore(%arg11 : memref<!tpu.dma_semaphore, #tpu.memory_space<semaphore_mem>>)
      %slice3A_577 = vector.extract_strided_slice %get3A_452 {offsets = [9], sizes = [1], strides = [1]} : vector<16xi32> to vector<1xi32>
      %squeeze3A_578 = vector.extract %slice3A_577[0] : i32 from vector<1xi32>
      %mul3A_579 = arith.constant 16 : i32
      %mul3A_580 = arith.muli %scan3A_446, %mul3A_579 : i32
      %add3A_581 = arith.constant 9 : i32
      %add3A_582 = arith.addi %mul3A_580, %add3A_581 : i32
      %dma_start3A_583 = arith.constant 0 : i32
      %dma_start3A_584 = tpu.memref_slice %arg7[%add3A_582, %dma_start3A_583] : memref<128x64xf32, #tpu.memory_space<vmem>> -> memref<1x64xf32, #tpu.memory_space<vmem>>
      %dma_start3A_585 = arith.constant 0 : i32
      %dma_start3A_586 = tpu.memref_slice %arg3[%squeeze3A_578, %dma_start3A_585] : memref<1000000x64xf32, #tpu.memory_space<hbm>> -> memref<1x64xf32, #tpu.memory_space<hbm>>
      %dma_start3A_587 = arith.constant 0 : i32
      %dma_start3A_588 = tpu.memref_slice %arg7[%add3A_582, %dma_start3A_587] : memref<128x64xf32, #tpu.memory_space<vmem>> -> memref<1x64xf32, #tpu.memory_space<vmem>>
      %dma_start3A_589 = arith.constant 0 : i32
      %dma_start3A_590 = tpu.memref_slice %arg3[%squeeze3A_578, %dma_start3A_589] : memref<1000000x64xf32, #tpu.memory_space<hbm>> -> memref<1x64xf32, #tpu.memory_space<hbm>>
      tpu.enqueue_dma source(%dma_start3A_590 : memref<1x64xf32, #tpu.memory_space<hbm>>) target(%dma_start3A_588 : memref<1x64xf32, #tpu.memory_space<vmem>>) target_semaphore(%arg11 : memref<!tpu.dma_semaphore, #tpu.memory_space<semaphore_mem>>)
      %slice3A_591 = vector.extract_strided_slice %get3A_452 {offsets = [10], sizes = [1], strides = [1]} : vector<16xi32> to vector<1xi32>
      %squeeze3A_592 = vector.extract %slice3A_591[0] : i32 from vector<1xi32>
      %mul3A_593 = arith.constant 16 : i32
      %mul3A_594 = arith.muli %scan3A_446, %mul3A_593 : i32
      %add3A_595 = arith.constant 10 : i32
      %add3A_596 = arith.addi %mul3A_594, %add3A_595 : i32
      %dma_start3A_597 = arith.constant 0 : i32
      %dma_start3A_598 = tpu.memref_slice %arg7[%add3A_596, %dma_start3A_597] : memref<128x64xf32, #tpu.memory_space<vmem>> -> memref<1x64xf32, #tpu.memory_space<vmem>>
      %dma_start3A_599 = arith.constant 0 : i32
      %dma_start3A_600 = tpu.memref_slice %arg3[%squeeze3A_592, %dma_start3A_599] : memref<1000000x64xf32, #tpu.memory_space<hbm>> -> memref<1x64xf32, #tpu.memory_space<hbm>>
      %dma_start3A_601 = arith.constant 0 : i32
      %dma_start3A_602 = tpu.memref_slice %arg7[%add3A_596, %dma_start3A_601] : memref<128x64xf32, #tpu.memory_space<vmem>> -> memref<1x64xf32, #tpu.memory_space<vmem>>
      %dma_start3A_603 = arith.constant 0 : i32
      %dma_start3A_604 = tpu.memref_slice %arg3[%squeeze3A_592, %dma_start3A_603] : memref<1000000x64xf32, #tpu.memory_space<hbm>> -> memref<1x64xf32, #tpu.memory_space<hbm>>
      tpu.enqueue_dma source(%dma_start3A_604 : memref<1x64xf32, #tpu.memory_space<hbm>>) target(%dma_start3A_602 : memref<1x64xf32, #tpu.memory_space<vmem>>) target_semaphore(%arg11 : memref<!tpu.dma_semaphore, #tpu.memory_space<semaphore_mem>>)
      %slice3A_605 = vector.extract_strided_slice %get3A_452 {offsets = [11], sizes = [1], strides = [1]} : vector<16xi32> to vector<1xi32>
      %squeeze3A_606 = vector.extract %slice3A_605[0] : i32 from vector<1xi32>
      %mul3A_607 = arith.constant 16 : i32
      %mul3A_608 = arith.muli %scan3A_446, %mul3A_607 : i32
      %add3A_609 = arith.constant 11 : i32
      %add3A_610 = arith.addi %mul3A_608, %add3A_609 : i32
      %dma_start3A_611 = arith.constant 0 : i32
      %dma_start3A_612 = tpu.memref_slice %arg7[%add3A_610, %dma_start3A_611] : memref<128x64xf32, #tpu.memory_space<vmem>> -> memref<1x64xf32, #tpu.memory_space<vmem>>
      %dma_start3A_613 = arith.constant 0 : i32
      %dma_start3A_614 = tpu.memref_slice %arg3[%squeeze3A_606, %dma_start3A_613] : memref<1000000x64xf32, #tpu.memory_space<hbm>> -> memref<1x64xf32, #tpu.memory_space<hbm>>
      %dma_start3A_615 = arith.constant 0 : i32
      %dma_start3A_616 = tpu.memref_slice %arg7[%add3A_610, %dma_start3A_615] : memref<128x64xf32, #tpu.memory_space<vmem>> -> memref<1x64xf32, #tpu.memory_space<vmem>>
      %dma_start3A_617 = arith.constant 0 : i32
      %dma_start3A_618 = tpu.memref_slice %arg3[%squeeze3A_606, %dma_start3A_617] : memref<1000000x64xf32, #tpu.memory_space<hbm>> -> memref<1x64xf32, #tpu.memory_space<hbm>>
      tpu.enqueue_dma source(%dma_start3A_618 : memref<1x64xf32, #tpu.memory_space<hbm>>) target(%dma_start3A_616 : memref<1x64xf32, #tpu.memory_space<vmem>>) target_semaphore(%arg11 : memref<!tpu.dma_semaphore, #tpu.memory_space<semaphore_mem>>)
      %slice3A_619 = vector.extract_strided_slice %get3A_452 {offsets = [12], sizes = [1], strides = [1]} : vector<16xi32> to vector<1xi32>
      %squeeze3A_620 = vector.extract %slice3A_619[0] : i32 from vector<1xi32>
      %mul3A_621 = arith.constant 16 : i32
      %mul3A_622 = arith.muli %scan3A_446, %mul3A_621 : i32
      %add3A_623 = arith.constant 12 : i32
      %add3A_624 = arith.addi %mul3A_622, %add3A_623 : i32
      %dma_start3A_625 = arith.constant 0 : i32
      %dma_start3A_626 = tpu.memref_slice %arg7[%add3A_624, %dma_start3A_625] : memref<128x64xf32, #tpu.memory_space<vmem>> -> memref<1x64xf32, #tpu.memory_space<vmem>>
      %dma_start3A_627 = arith.constant 0 : i32
      %dma_start3A_628 = tpu.memref_slice %arg3[%squeeze3A_620, %dma_start3A_627] : memref<1000000x64xf32, #tpu.memory_space<hbm>> -> memref<1x64xf32, #tpu.memory_space<hbm>>
      %dma_start3A_629 = arith.constant 0 : i32
      %dma_start3A_630 = tpu.memref_slice %arg7[%add3A_624, %dma_start3A_629] : memref<128x64xf32, #tpu.memory_space<vmem>> -> memref<1x64xf32, #tpu.memory_space<vmem>>
      %dma_start3A_631 = arith.constant 0 : i32
      %dma_start3A_632 = tpu.memref_slice %arg3[%squeeze3A_620, %dma_start3A_631] : memref<1000000x64xf32, #tpu.memory_space<hbm>> -> memref<1x64xf32, #tpu.memory_space<hbm>>
      tpu.enqueue_dma source(%dma_start3A_632 : memref<1x64xf32, #tpu.memory_space<hbm>>) target(%dma_start3A_630 : memref<1x64xf32, #tpu.memory_space<vmem>>) target_semaphore(%arg11 : memref<!tpu.dma_semaphore, #tpu.memory_space<semaphore_mem>>)
      %slice3A_633 = vector.extract_strided_slice %get3A_452 {offsets = [13], sizes = [1], strides = [1]} : vector<16xi32> to vector<1xi32>
      %squeeze3A_634 = vector.extract %slice3A_633[0] : i32 from vector<1xi32>
      %mul3A_635 = arith.constant 16 : i32
      %mul3A_636 = arith.muli %scan3A_446, %mul3A_635 : i32
      %add3A_637 = arith.constant 13 : i32
      %add3A_638 = arith.addi %mul3A_636, %add3A_637 : i32
      %dma_start3A_639 = arith.constant 0 : i32
      %dma_start3A_640 = tpu.memref_slice %arg7[%add3A_638, %dma_start3A_639] : memref<128x64xf32, #tpu.memory_space<vmem>> -> memref<1x64xf32, #tpu.memory_space<vmem>>
      %dma_start3A_641 = arith.constant 0 : i32
      %dma_start3A_642 = tpu.memref_slice %arg3[%squeeze3A_634, %dma_start3A_641] : memref<1000000x64xf32, #tpu.memory_space<hbm>> -> memref<1x64xf32, #tpu.memory_space<hbm>>
      %dma_start3A_643 = arith.constant 0 : i32
      %dma_start3A_644 = tpu.memref_slice %arg7[%add3A_638, %dma_start3A_643] : memref<128x64xf32, #tpu.memory_space<vmem>> -> memref<1x64xf32, #tpu.memory_space<vmem>>
      %dma_start3A_645 = arith.constant 0 : i32
      %dma_start3A_646 = tpu.memref_slice %arg3[%squeeze3A_634, %dma_start3A_645] : memref<1000000x64xf32, #tpu.memory_space<hbm>> -> memref<1x64xf32, #tpu.memory_space<hbm>>
      tpu.enqueue_dma source(%dma_start3A_646 : memref<1x64xf32, #tpu.memory_space<hbm>>) target(%dma_start3A_644 : memref<1x64xf32, #tpu.memory_space<vmem>>) target_semaphore(%arg11 : memref<!tpu.dma_semaphore, #tpu.memory_space<semaphore_mem>>)
      %slice3A_647 = vector.extract_strided_slice %get3A_452 {offsets = [14], sizes = [1], strides = [1]} : vector<16xi32> to vector<1xi32>
      %squeeze3A_648 = vector.extract %slice3A_647[0] : i32 from vector<1xi32>
      %mul3A_649 = arith.constant 16 : i32
      %mul3A_650 = arith.muli %scan3A_446, %mul3A_649 : i32
      %add3A_651 = arith.constant 14 : i32
      %add3A_652 = arith.addi %mul3A_650, %add3A_651 : i32
      %dma_start3A_653 = arith.constant 0 : i32
      %dma_start3A_654 = tpu.memref_slice %arg7[%add3A_652, %dma_start3A_653] : memref<128x64xf32, #tpu.memory_space<vmem>> -> memref<1x64xf32, #tpu.memory_space<vmem>>
      %dma_start3A_655 = arith.constant 0 : i32
      %dma_start3A_656 = tpu.memref_slice %arg3[%squeeze3A_648, %dma_start3A_655] : memref<1000000x64xf32, #tpu.memory_space<hbm>> -> memref<1x64xf32, #tpu.memory_space<hbm>>
      %dma_start3A_657 = arith.constant 0 : i32
      %dma_start3A_658 = tpu.memref_slice %arg7[%add3A_652, %dma_start3A_657] : memref<128x64xf32, #tpu.memory_space<vmem>> -> memref<1x64xf32, #tpu.memory_space<vmem>>
      %dma_start3A_659 = arith.constant 0 : i32
      %dma_start3A_660 = tpu.memref_slice %arg3[%squeeze3A_648, %dma_start3A_659] : memref<1000000x64xf32, #tpu.memory_space<hbm>> -> memref<1x64xf32, #tpu.memory_space<hbm>>
      tpu.enqueue_dma source(%dma_start3A_660 : memref<1x64xf32, #tpu.memory_space<hbm>>) target(%dma_start3A_658 : memref<1x64xf32, #tpu.memory_space<vmem>>) target_semaphore(%arg11 : memref<!tpu.dma_semaphore, #tpu.memory_space<semaphore_mem>>)
      %slice3A_661 = vector.extract_strided_slice %get3A_452 {offsets = [15], sizes = [1], strides = [1]} : vector<16xi32> to vector<1xi32>
      %squeeze3A_662 = vector.extract %slice3A_661[0] : i32 from vector<1xi32>
      %mul3A_663 = arith.constant 16 : i32
      %mul3A_664 = arith.muli %scan3A_446, %mul3A_663 : i32
      %add3A_665 = arith.constant 15 : i32
      %add3A_666 = arith.addi %mul3A_664, %add3A_665 : i32
      %dma_start3A_667 = arith.constant 0 : i32
      %dma_start3A_668 = tpu.memref_slice %arg7[%add3A_666, %dma_start3A_667] : memref<128x64xf32, #tpu.memory_space<vmem>> -> memref<1x64xf32, #tpu.memory_space<vmem>>
      %dma_start3A_669 = arith.constant 0 : i32
      %dma_start3A_670 = tpu.memref_slice %arg3[%squeeze3A_662, %dma_start3A_669] : memref<1000000x64xf32, #tpu.memory_space<hbm>> -> memref<1x64xf32, #tpu.memory_space<hbm>>
      %dma_start3A_671 = arith.constant 0 : i32
      %dma_start3A_672 = tpu.memref_slice %arg7[%add3A_666, %dma_start3A_671] : memref<128x64xf32, #tpu.memory_space<vmem>> -> memref<1x64xf32, #tpu.memory_space<vmem>>
      %dma_start3A_673 = arith.constant 0 : i32
      %dma_start3A_674 = tpu.memref_slice %arg3[%squeeze3A_662, %dma_start3A_673] : memref<1000000x64xf32, #tpu.memory_space<hbm>> -> memref<1x64xf32, #tpu.memory_space<hbm>>
      tpu.enqueue_dma source(%dma_start3A_674 : memref<1x64xf32, #tpu.memory_space<hbm>>) target(%dma_start3A_672 : memref<1x64xf32, #tpu.memory_space<vmem>>) target_semaphore(%arg11 : memref<!tpu.dma_semaphore, #tpu.memory_space<semaphore_mem>>)
      %scan3A_675 = arith.constant 0 : i32
      scf.yield %scan3A_675 : i32
    }
    %scan3A_321 = arith.constant 8 : i32
    %dma_wait3A_322 = arith.constant 0 : i32
    %dma_wait3A_323 = arith.constant 0 : i32
    %dma_wait3A_324 = tpu.memref_slice %arg3[%dma_wait3A_322, %dma_wait3A_323] : memref<1000000x64xf32, #tpu.memory_space<hbm>> -> memref<128x64xf32, #tpu.memory_space<hbm>>
    %dma_wait3A_325 = arith.constant 0 : i32
    %dma_wait3A_326 = arith.constant 0 : i32
    %dma_wait3A_327 = tpu.memref_slice %arg3[%dma_wait3A_325, %dma_wait3A_326] : memref<1000000x64xf32, #tpu.memory_space<hbm>> -> memref<128x64xf32, #tpu.memory_space<hbm>>
    tpu.wait_dma2 semaphore(%arg12 : memref<!tpu.dma_semaphore, #tpu.memory_space<semaphore_mem>>) src(%dma_wait3A_327 : memref<128x64xf32, #tpu.memory_space<hbm>>) dst(%arg8 : memref<128x64xf32, #tpu.memory_space<vmem>>)
    %dma_wait3A_328 = arith.constant 0 : i32
    %dma_wait3A_329 = arith.constant 0 : i32
    %dma_wait3A_330 = arith.constant 0 : i32
    %dma_wait3A_331 = tpu.memref_slice %arg4[%dma_wait3A_328, %dma_wait3A_329, %dma_wait3A_330] : memref<1x2048x64xf32, #tpu.memory_space<hbm>> -> memref<1x128x64xf32, #tpu.memory_space<hbm>>
    %dma_wait3A_332 = tpu.memref_squeeze %dma_wait3A_331 : memref<1x128x64xf32, #tpu.memory_space<hbm>> -> memref<128x64xf32, #tpu.memory_space<hbm>>
    %dma_wait3A_333 = arith.constant 0 : i32
    %dma_wait3A_334 = arith.constant 0 : i32
    %dma_wait3A_335 = tpu.memref_slice %arg4[%dma_wait3A_328, %dma_wait3A_333, %dma_wait3A_334] : memref<1x2048x64xf32, #tpu.memory_space<hbm>> -> memref<1x128x64xf32, #tpu.memory_space<hbm>>
    %dma_wait3A_336 = tpu.memref_squeeze %dma_wait3A_335 : memref<1x128x64xf32, #tpu.memory_space<hbm>> -> memref<128x64xf32, #tpu.memory_space<hbm>>
    tpu.wait_dma2 semaphore(%arg16 : memref<!tpu.dma_semaphore, #tpu.memory_space<semaphore_mem>>) src(%dma_wait3A_336 : memref<128x64xf32, #tpu.memory_space<hbm>>) dst(%arg10 : memref<128x64xf32, #tpu.memory_space<vmem>>)
    %scan3A_337 = arith.constant 0 : i32
    %scan3A_338 = arith.constant 0 : i32
    %scan3A_339 = arith.constant 128 : i32
    %scan3A_340 = arith.addi %scan3A_338, %scan3A_339 : i32
    %scan3A_341 = arith.constant 1 : i32
    %scan3A_342 = scf.for %scan3A_446 = %scan3A_338 to %scan3A_340 step %scan3A_341 iter_args(%scan3A_447 = %scan3A_337) -> (i32)  : i32 {
      %get3A = arith.index_cast %scan3A_446 : i32 to index
      %get3A_448 = arith.constant 0 : index
      %get3A_449 = tpu.vector_load %arg8[%get3A, %get3A_448] {strides = array<i32>} : memref<128x64xf32, #tpu.memory_space<vmem>>, vector<16xf32>,
      %mul3A_450 = arith.constant 8.000000e+00 : f32
      %mul3A_451 = vector.broadcast %mul3A_450 : f32 to vector<16xf32>
      %mul3A_452 = arith.mulf %get3A_449, %mul3A_451 : vector<16xf32>
      %get3A_453 = arith.index_cast %scan3A_446 : i32 to index
      %get3A_454 = arith.constant 0 : index
      %get3A_455 = tpu.vector_load %arg10[%get3A_453, %get3A_454] {strides = array<i32>} : memref<128x64xf32, #tpu.memory_space<vmem>>, vector<16xf32>,
      %add3A_456 = arith.addf %mul3A_452, %get3A_455 : vector<16xf32>
      %swap3A = arith.index_cast %scan3A_446 : i32 to index
      %swap3A_457 = arith.constant 0 : index
      %swap3A_458 = tpu.vector_load %arg8[%swap3A, %swap3A_457] {strides = array<i32>} : memref<128x64xf32, #tpu.memory_space<vmem>>, vector<16xf32>,
      tpu.vector_store %arg8[%swap3A, %swap3A_457], %add3A_456 {strides = array<i32>} : memref<128x64xf32, #tpu.memory_space<vmem>>, vector<16xf32>,
      %get3A_459 = arith.index_cast %scan3A_446 : i32 to index
      %get3A_460 = arith.constant 16 : index
      %get3A_461 = tpu.vector_load %arg8[%get3A_459, %get3A_460] {strides = array<i32>} : memref<128x64xf32, #tpu.memory_space<vmem>>, vector<16xf32>,
      %mul3A_462 = arith.constant 8.000000e+00 : f32
      %mul3A_463 = vector.broadcast %mul3A_462 : f32 to vector<16xf32>
      %mul3A_464 = arith.mulf %get3A_461, %mul3A_463 : vector<16xf32>
      %get3A_465 = arith.index_cast %scan3A_446 : i32 to index
      %get3A_466 = arith.constant 16 : index
      %get3A_467 = tpu.vector_load %arg10[%get3A_465, %get3A_466] {strides = array<i32>} : memref<128x64xf32, #tpu.memory_space<vmem>>, vector<16xf32>,
      %add3A_468 = arith.addf %mul3A_464, %get3A_467 : vector<16xf32>
      %swap3A_469 = arith.index_cast %scan3A_446 : i32 to index
      %swap3A_470 = arith.constant 16 : index
      %swap3A_471 = tpu.vector_load %arg8[%swap3A_469, %swap3A_470] {strides = array<i32>} : memref<128x64xf32, #tpu.memory_space<vmem>>, vector<16xf32>,
      tpu.vector_store %arg8[%swap3A_469, %swap3A_470], %add3A_468 {strides = array<i32>} : memref<128x64xf32, #tpu.memory_space<vmem>>, vector<16xf32>,
      %get3A_472 = arith.index_cast %scan3A_446 : i32 to index
      %get3A_473 = arith.constant 32 : index
      %get3A_474 = tpu.vector_load %arg8[%get3A_472, %get3A_473] {strides = array<i32>} : memref<128x64xf32, #tpu.memory_space<vmem>>, vector<16xf32>,
      %mul3A_475 = arith.constant 8.000000e+00 : f32
      %mul3A_476 = vector.broadcast %mul3A_475 : f32 to vector<16xf32>
      %mul3A_477 = arith.mulf %get3A_474, %mul3A_476 : vector<16xf32>
      %get3A_478 = arith.index_cast %scan3A_446 : i32 to index
      %get3A_479 = arith.constant 32 : index
      %get3A_480 = tpu.vector_load %arg10[%get3A_478, %get3A_479] {strides = array<i32>} : memref<128x64xf32, #tpu.memory_space<vmem>>, vector<16xf32>,
      %add3A_481 = arith.addf %mul3A_477, %get3A_480 : vector<16xf32>
      %swap3A_482 = arith.index_cast %scan3A_446 : i32 to index
      %swap3A_483 = arith.constant 32 : index
      %swap3A_484 = tpu.vector_load %arg8[%swap3A_482, %swap3A_483] {strides = array<i32>} : memref<128x64xf32, #tpu.memory_space<vmem>>, vector<16xf32>,
      tpu.vector_store %arg8[%swap3A_482, %swap3A_483], %add3A_481 {strides = array<i32>} : memref<128x64xf32, #tpu.memory_space<vmem>>, vector<16xf32>,
      %get3A_485 = arith.index_cast %scan3A_446 : i32 to index
      %get3A_486 = arith.constant 48 : index
      %get3A_487 = tpu.vector_load %arg8[%get3A_485, %get3A_486] {strides = array<i32>} : memref<128x64xf32, #tpu.memory_space<vmem>>, vector<16xf32>,
      %mul3A_488 = arith.constant 8.000000e+00 : f32
      %mul3A_489 = vector.broadcast %mul3A_488 : f32 to vector<16xf32>
      %mul3A_490 = arith.mulf %get3A_487, %mul3A_489 : vector<16xf32>
      %get3A_491 = arith.index_cast %scan3A_446 : i32 to index
      %get3A_492 = arith.constant 48 : index
      %get3A_493 = tpu.vector_load %arg10[%get3A_491, %get3A_492] {strides = array<i32>} : memref<128x64xf32, #tpu.memory_space<vmem>>, vector<16xf32>,
      %add3A_494 = arith.addf %mul3A_490, %get3A_493 : vector<16xf32>
      %swap3A_495 = arith.index_cast %scan3A_446 : i32 to index
      %swap3A_496 = arith.constant 48 : index
      %swap3A_497 = tpu.vector_load %arg8[%swap3A_495, %swap3A_496] {strides = array<i32>} : memref<128x64xf32, #tpu.memory_space<vmem>>, vector<16xf32>,
      tpu.vector_store %arg8[%swap3A_495, %swap3A_496], %add3A_494 {strides = array<i32>} : memref<128x64xf32, #tpu.memory_space<vmem>>, vector<16xf32>,
      %scan3A_498 = arith.constant 0 : i32
      scf.yield %scan3A_498 : i32
    }
    %scan3A_343 = arith.constant 128 : i32
    %add3A_344 = arith.constant 640 : i32
    %add3A_345 = arith.addi %mul3A_32, %add3A_344 : i32
    %dma_start3A_346 = arith.constant 0 : i32
    %dma_start3A_347 = tpu.memref_slice %arg5[%select_n3A, %add3A_345, %dma_start3A_346] : memref<16x2048x64xf32, #tpu.memory_space<hbm>> -> memref<1x128x64xf32, #tpu.memory_space<hbm>>
    %dma_start3A_348 = tpu.memref_squeeze %dma_start3A_347 : memref<1x128x64xf32, #tpu.memory_space<hbm>> -> memref<128x64xf32, #tpu.memory_space<hbm>>
    %dma_start3A_349 = arith.constant 0 : i32
    %dma_start3A_350 = tpu.memref_slice %arg5[%select_n3A, %add3A_345, %dma_start3A_349] : memref<16x2048x64xf32, #tpu.memory_space<hbm>> -> memref<1x128x64xf32, #tpu.memory_space<hbm>>
    %dma_start3A_351 = tpu.memref_squeeze %dma_start3A_350 : memref<1x128x64xf32, #tpu.memory_space<hbm>> -> memref<128x64xf32, #tpu.memory_space<hbm>>
    tpu.enqueue_dma source(%arg8 : memref<128x64xf32, #tpu.memory_space<vmem>>) target(%dma_start3A_351 : memref<128x64xf32, #tpu.memory_space<hbm>>) target_semaphore(%arg14 : memref<!tpu.dma_semaphore, #tpu.memory_space<semaphore_mem>>)
    %dma_wait3A_352 = arith.constant 0 : i32
    %dma_wait3A_353 = tpu.memref_slice %arg5[%select_n3A, %add3A_345, %dma_wait3A_352] : memref<16x2048x64xf32, #tpu.memory_space<hbm>> -> memref<1x128x64xf32, #tpu.memory_space<hbm>>
    %dma_wait3A_354 = tpu.memref_squeeze %dma_wait3A_353 : memref<1x128x64xf32, #tpu.memory_space<hbm>> -> memref<128x64xf32, #tpu.memory_space<hbm>>
    %dma_wait3A_355 = arith.constant 0 : i32
    %dma_wait3A_356 = tpu.memref_slice %arg5[%select_n3A, %add3A_345, %dma_wait3A_355] : memref<16x2048x64xf32, #tpu.memory_space<hbm>> -> memref<1x128x64xf32, #tpu.memory_space<hbm>>
    %dma_wait3A_357 = tpu.memref_squeeze %dma_wait3A_356 : memref<1x128x64xf32, #tpu.memory_space<hbm>> -> memref<128x64xf32, #tpu.memory_space<hbm>>
    tpu.wait_dma2 semaphore(%arg14 : memref<!tpu.dma_semaphore, #tpu.memory_space<semaphore_mem>>) src(%arg8 : memref<128x64xf32, #tpu.memory_space<vmem>>) dst(%dma_wait3A_357 : memref<128x64xf32, #tpu.memory_space<hbm>>)
    %add3A_358 = arith.constant 896 : i32
    %add3A_359 = arith.addi %mul3A_32, %add3A_358 : i32
    %dma_start3A_360 = arith.constant 0 : i32
    %dma_start3A_361 = arith.constant 0 : i32
    %dma_start3A_362 = tpu.memref_slice %arg4[%dma_start3A_360, %add3A_359, %dma_start3A_361] : memref<1x2048x64xf32, #tpu.memory_space<hbm>> -> memref<1x128x64xf32, #tpu.memory_space<hbm>>
    %dma_start3A_363 = tpu.memref_squeeze %dma_start3A_362 : memref<1x128x64xf32, #tpu.memory_space<hbm>> -> memref<128x64xf32, #tpu.memory_space<hbm>>
    %dma_start3A_364 = arith.constant 0 : i32
    %dma_start3A_365 = tpu.memref_slice %arg4[%dma_start3A_360, %add3A_359, %dma_start3A_364] : memref<1x2048x64xf32, #tpu.memory_space<hbm>> -> memref<1x128x64xf32, #tpu.memory_space<hbm>>
    %dma_start3A_366 = tpu.memref_squeeze %dma_start3A_365 : memref<1x128x64xf32, #tpu.memory_space<hbm>> -> memref<128x64xf32, #tpu.memory_space<hbm>>
    tpu.enqueue_dma source(%dma_start3A_366 : memref<128x64xf32, #tpu.memory_space<hbm>>) target(%arg10 : memref<128x64xf32, #tpu.memory_space<vmem>>) target_semaphore(%arg16 : memref<!tpu.dma_semaphore, #tpu.memory_space<semaphore_mem>>)
    %scan3A_367 = arith.constant 0 : i32
    %scan3A_368 = arith.constant 0 : i32
    %scan3A_369 = arith.constant 8 : i32
    %scan3A_370 = arith.addi %scan3A_368, %scan3A_369 : i32
    %scan3A_371 = arith.constant 1 : i32
    %scan3A_372 = scf.for %scan3A_446 = %scan3A_368 to %scan3A_370 step %scan3A_371 iter_args(%scan3A_447 = %scan3A_367) -> (i32)  : i32 {
      %mul3A_448 = arith.constant 16 : i32
      %mul3A_449 = arith.muli %scan3A_446, %mul3A_448 : i32
      %add3A_450 = arith.constant 896 : i32
      %add3A_451 = arith.addi %add3A_450, %mul3A_449 : i32
      %get3A = arith.index_cast %add3A_451 : i32 to index
      %get3A_452 = tpu.vector_load %arg6[%get3A] {strides = array<i32>} : memref<1024xi32, #tpu.memory_space<vmem>>, vector<16xi32>,
      %slice3A = vector.extract_strided_slice %get3A_452 {offsets = [0], sizes = [1], strides = [1]} : vector<16xi32> to vector<1xi32>
      %squeeze3A = vector.extract %slice3A[0] : i32 from vector<1xi32>
      %mul3A_453 = arith.constant 16 : i32
      %mul3A_454 = arith.muli %scan3A_446, %mul3A_453 : i32
      %add3A_455 = arith.constant 0 : i32
      %add3A_456 = arith.addi %mul3A_454, %add3A_455 : i32
      %dma_start3A_457 = arith.constant 0 : i32
      %dma_start3A_458 = tpu.memref_slice %arg8[%add3A_456, %dma_start3A_457] : memref<128x64xf32, #tpu.memory_space<vmem>> -> memref<1x64xf32, #tpu.memory_space<vmem>>
      %dma_start3A_459 = arith.constant 0 : i32
      %dma_start3A_460 = tpu.memref_slice %arg3[%squeeze3A, %dma_start3A_459] : memref<1000000x64xf32, #tpu.memory_space<hbm>> -> memref<1x64xf32, #tpu.memory_space<hbm>>
      %dma_start3A_461 = arith.constant 0 : i32
      %dma_start3A_462 = tpu.memref_slice %arg8[%add3A_456, %dma_start3A_461] : memref<128x64xf32, #tpu.memory_space<vmem>> -> memref<1x64xf32, #tpu.memory_space<vmem>>
      %dma_start3A_463 = arith.constant 0 : i32
      %dma_start3A_464 = tpu.memref_slice %arg3[%squeeze3A, %dma_start3A_463] : memref<1000000x64xf32, #tpu.memory_space<hbm>> -> memref<1x64xf32, #tpu.memory_space<hbm>>
      tpu.enqueue_dma source(%dma_start3A_464 : memref<1x64xf32, #tpu.memory_space<hbm>>) target(%dma_start3A_462 : memref<1x64xf32, #tpu.memory_space<vmem>>) target_semaphore(%arg12 : memref<!tpu.dma_semaphore, #tpu.memory_space<semaphore_mem>>)
      %slice3A_465 = vector.extract_strided_slice %get3A_452 {offsets = [1], sizes = [1], strides = [1]} : vector<16xi32> to vector<1xi32>
      %squeeze3A_466 = vector.extract %slice3A_465[0] : i32 from vector<1xi32>
      %mul3A_467 = arith.constant 16 : i32
      %mul3A_468 = arith.muli %scan3A_446, %mul3A_467 : i32
      %add3A_469 = arith.constant 1 : i32
      %add3A_470 = arith.addi %mul3A_468, %add3A_469 : i32
      %dma_start3A_471 = arith.constant 0 : i32
      %dma_start3A_472 = tpu.memref_slice %arg8[%add3A_470, %dma_start3A_471] : memref<128x64xf32, #tpu.memory_space<vmem>> -> memref<1x64xf32, #tpu.memory_space<vmem>>
      %dma_start3A_473 = arith.constant 0 : i32
      %dma_start3A_474 = tpu.memref_slice %arg3[%squeeze3A_466, %dma_start3A_473] : memref<1000000x64xf32, #tpu.memory_space<hbm>> -> memref<1x64xf32, #tpu.memory_space<hbm>>
      %dma_start3A_475 = arith.constant 0 : i32
      %dma_start3A_476 = tpu.memref_slice %arg8[%add3A_470, %dma_start3A_475] : memref<128x64xf32, #tpu.memory_space<vmem>> -> memref<1x64xf32, #tpu.memory_space<vmem>>
      %dma_start3A_477 = arith.constant 0 : i32
      %dma_start3A_478 = tpu.memref_slice %arg3[%squeeze3A_466, %dma_start3A_477] : memref<1000000x64xf32, #tpu.memory_space<hbm>> -> memref<1x64xf32, #tpu.memory_space<hbm>>
      tpu.enqueue_dma source(%dma_start3A_478 : memref<1x64xf32, #tpu.memory_space<hbm>>) target(%dma_start3A_476 : memref<1x64xf32, #tpu.memory_space<vmem>>) target_semaphore(%arg12 : memref<!tpu.dma_semaphore, #tpu.memory_space<semaphore_mem>>)
      %slice3A_479 = vector.extract_strided_slice %get3A_452 {offsets = [2], sizes = [1], strides = [1]} : vector<16xi32> to vector<1xi32>
      %squeeze3A_480 = vector.extract %slice3A_479[0] : i32 from vector<1xi32>
      %mul3A_481 = arith.constant 16 : i32
      %mul3A_482 = arith.muli %scan3A_446, %mul3A_481 : i32
      %add3A_483 = arith.constant 2 : i32
      %add3A_484 = arith.addi %mul3A_482, %add3A_483 : i32
      %dma_start3A_485 = arith.constant 0 : i32
      %dma_start3A_486 = tpu.memref_slice %arg8[%add3A_484, %dma_start3A_485] : memref<128x64xf32, #tpu.memory_space<vmem>> -> memref<1x64xf32, #tpu.memory_space<vmem>>
      %dma_start3A_487 = arith.constant 0 : i32
      %dma_start3A_488 = tpu.memref_slice %arg3[%squeeze3A_480, %dma_start3A_487] : memref<1000000x64xf32, #tpu.memory_space<hbm>> -> memref<1x64xf32, #tpu.memory_space<hbm>>
      %dma_start3A_489 = arith.constant 0 : i32
      %dma_start3A_490 = tpu.memref_slice %arg8[%add3A_484, %dma_start3A_489] : memref<128x64xf32, #tpu.memory_space<vmem>> -> memref<1x64xf32, #tpu.memory_space<vmem>>
      %dma_start3A_491 = arith.constant 0 : i32
      %dma_start3A_492 = tpu.memref_slice %arg3[%squeeze3A_480, %dma_start3A_491] : memref<1000000x64xf32, #tpu.memory_space<hbm>> -> memref<1x64xf32, #tpu.memory_space<hbm>>
      tpu.enqueue_dma source(%dma_start3A_492 : memref<1x64xf32, #tpu.memory_space<hbm>>) target(%dma_start3A_490 : memref<1x64xf32, #tpu.memory_space<vmem>>) target_semaphore(%arg12 : memref<!tpu.dma_semaphore, #tpu.memory_space<semaphore_mem>>)
      %slice3A_493 = vector.extract_strided_slice %get3A_452 {offsets = [3], sizes = [1], strides = [1]} : vector<16xi32> to vector<1xi32>
      %squeeze3A_494 = vector.extract %slice3A_493[0] : i32 from vector<1xi32>
      %mul3A_495 = arith.constant 16 : i32
      %mul3A_496 = arith.muli %scan3A_446, %mul3A_495 : i32
      %add3A_497 = arith.constant 3 : i32
      %add3A_498 = arith.addi %mul3A_496, %add3A_497 : i32
      %dma_start3A_499 = arith.constant 0 : i32
      %dma_start3A_500 = tpu.memref_slice %arg8[%add3A_498, %dma_start3A_499] : memref<128x64xf32, #tpu.memory_space<vmem>> -> memref<1x64xf32, #tpu.memory_space<vmem>>
      %dma_start3A_501 = arith.constant 0 : i32
      %dma_start3A_502 = tpu.memref_slice %arg3[%squeeze3A_494, %dma_start3A_501] : memref<1000000x64xf32, #tpu.memory_space<hbm>> -> memref<1x64xf32, #tpu.memory_space<hbm>>
      %dma_start3A_503 = arith.constant 0 : i32
      %dma_start3A_504 = tpu.memref_slice %arg8[%add3A_498, %dma_start3A_503] : memref<128x64xf32, #tpu.memory_space<vmem>> -> memref<1x64xf32, #tpu.memory_space<vmem>>
      %dma_start3A_505 = arith.constant 0 : i32
      %dma_start3A_506 = tpu.memref_slice %arg3[%squeeze3A_494, %dma_start3A_505] : memref<1000000x64xf32, #tpu.memory_space<hbm>> -> memref<1x64xf32, #tpu.memory_space<hbm>>
      tpu.enqueue_dma source(%dma_start3A_506 : memref<1x64xf32, #tpu.memory_space<hbm>>) target(%dma_start3A_504 : memref<1x64xf32, #tpu.memory_space<vmem>>) target_semaphore(%arg12 : memref<!tpu.dma_semaphore, #tpu.memory_space<semaphore_mem>>)
      %slice3A_507 = vector.extract_strided_slice %get3A_452 {offsets = [4], sizes = [1], strides = [1]} : vector<16xi32> to vector<1xi32>
      %squeeze3A_508 = vector.extract %slice3A_507[0] : i32 from vector<1xi32>
      %mul3A_509 = arith.constant 16 : i32
      %mul3A_510 = arith.muli %scan3A_446, %mul3A_509 : i32
      %add3A_511 = arith.constant 4 : i32
      %add3A_512 = arith.addi %mul3A_510, %add3A_511 : i32
      %dma_start3A_513 = arith.constant 0 : i32
      %dma_start3A_514 = tpu.memref_slice %arg8[%add3A_512, %dma_start3A_513] : memref<128x64xf32, #tpu.memory_space<vmem>> -> memref<1x64xf32, #tpu.memory_space<vmem>>
      %dma_start3A_515 = arith.constant 0 : i32
      %dma_start3A_516 = tpu.memref_slice %arg3[%squeeze3A_508, %dma_start3A_515] : memref<1000000x64xf32, #tpu.memory_space<hbm>> -> memref<1x64xf32, #tpu.memory_space<hbm>>
      %dma_start3A_517 = arith.constant 0 : i32
      %dma_start3A_518 = tpu.memref_slice %arg8[%add3A_512, %dma_start3A_517] : memref<128x64xf32, #tpu.memory_space<vmem>> -> memref<1x64xf32, #tpu.memory_space<vmem>>
      %dma_start3A_519 = arith.constant 0 : i32
      %dma_start3A_520 = tpu.memref_slice %arg3[%squeeze3A_508, %dma_start3A_519] : memref<1000000x64xf32, #tpu.memory_space<hbm>> -> memref<1x64xf32, #tpu.memory_space<hbm>>
      tpu.enqueue_dma source(%dma_start3A_520 : memref<1x64xf32, #tpu.memory_space<hbm>>) target(%dma_start3A_518 : memref<1x64xf32, #tpu.memory_space<vmem>>) target_semaphore(%arg12 : memref<!tpu.dma_semaphore, #tpu.memory_space<semaphore_mem>>)
      %slice3A_521 = vector.extract_strided_slice %get3A_452 {offsets = [5], sizes = [1], strides = [1]} : vector<16xi32> to vector<1xi32>
      %squeeze3A_522 = vector.extract %slice3A_521[0] : i32 from vector<1xi32>
      %mul3A_523 = arith.constant 16 : i32
      %mul3A_524 = arith.muli %scan3A_446, %mul3A_523 : i32
      %add3A_525 = arith.constant 5 : i32
      %add3A_526 = arith.addi %mul3A_524, %add3A_525 : i32
      %dma_start3A_527 = arith.constant 0 : i32
      %dma_start3A_528 = tpu.memref_slice %arg8[%add3A_526, %dma_start3A_527] : memref<128x64xf32, #tpu.memory_space<vmem>> -> memref<1x64xf32, #tpu.memory_space<vmem>>
      %dma_start3A_529 = arith.constant 0 : i32
      %dma_start3A_530 = tpu.memref_slice %arg3[%squeeze3A_522, %dma_start3A_529] : memref<1000000x64xf32, #tpu.memory_space<hbm>> -> memref<1x64xf32, #tpu.memory_space<hbm>>
      %dma_start3A_531 = arith.constant 0 : i32
      %dma_start3A_532 = tpu.memref_slice %arg8[%add3A_526, %dma_start3A_531] : memref<128x64xf32, #tpu.memory_space<vmem>> -> memref<1x64xf32, #tpu.memory_space<vmem>>
      %dma_start3A_533 = arith.constant 0 : i32
      %dma_start3A_534 = tpu.memref_slice %arg3[%squeeze3A_522, %dma_start3A_533] : memref<1000000x64xf32, #tpu.memory_space<hbm>> -> memref<1x64xf32, #tpu.memory_space<hbm>>
      tpu.enqueue_dma source(%dma_start3A_534 : memref<1x64xf32, #tpu.memory_space<hbm>>) target(%dma_start3A_532 : memref<1x64xf32, #tpu.memory_space<vmem>>) target_semaphore(%arg12 : memref<!tpu.dma_semaphore, #tpu.memory_space<semaphore_mem>>)
      %slice3A_535 = vector.extract_strided_slice %get3A_452 {offsets = [6], sizes = [1], strides = [1]} : vector<16xi32> to vector<1xi32>
      %squeeze3A_536 = vector.extract %slice3A_535[0] : i32 from vector<1xi32>
      %mul3A_537 = arith.constant 16 : i32
      %mul3A_538 = arith.muli %scan3A_446, %mul3A_537 : i32
      %add3A_539 = arith.constant 6 : i32
      %add3A_540 = arith.addi %mul3A_538, %add3A_539 : i32
      %dma_start3A_541 = arith.constant 0 : i32
      %dma_start3A_542 = tpu.memref_slice %arg8[%add3A_540, %dma_start3A_541] : memref<128x64xf32, #tpu.memory_space<vmem>> -> memref<1x64xf32, #tpu.memory_space<vmem>>
      %dma_start3A_543 = arith.constant 0 : i32
      %dma_start3A_544 = tpu.memref_slice %arg3[%squeeze3A_536, %dma_start3A_543] : memref<1000000x64xf32, #tpu.memory_space<hbm>> -> memref<1x64xf32, #tpu.memory_space<hbm>>
      %dma_start3A_545 = arith.constant 0 : i32
      %dma_start3A_546 = tpu.memref_slice %arg8[%add3A_540, %dma_start3A_545] : memref<128x64xf32, #tpu.memory_space<vmem>> -> memref<1x64xf32, #tpu.memory_space<vmem>>
      %dma_start3A_547 = arith.constant 0 : i32
      %dma_start3A_548 = tpu.memref_slice %arg3[%squeeze3A_536, %dma_start3A_547] : memref<1000000x64xf32, #tpu.memory_space<hbm>> -> memref<1x64xf32, #tpu.memory_space<hbm>>
      tpu.enqueue_dma source(%dma_start3A_548 : memref<1x64xf32, #tpu.memory_space<hbm>>) target(%dma_start3A_546 : memref<1x64xf32, #tpu.memory_space<vmem>>) target_semaphore(%arg12 : memref<!tpu.dma_semaphore, #tpu.memory_space<semaphore_mem>>)
      %slice3A_549 = vector.extract_strided_slice %get3A_452 {offsets = [7], sizes = [1], strides = [1]} : vector<16xi32> to vector<1xi32>
      %squeeze3A_550 = vector.extract %slice3A_549[0] : i32 from vector<1xi32>
      %mul3A_551 = arith.constant 16 : i32
      %mul3A_552 = arith.muli %scan3A_446, %mul3A_551 : i32
      %add3A_553 = arith.constant 7 : i32
      %add3A_554 = arith.addi %mul3A_552, %add3A_553 : i32
      %dma_start3A_555 = arith.constant 0 : i32
      %dma_start3A_556 = tpu.memref_slice %arg8[%add3A_554, %dma_start3A_555] : memref<128x64xf32, #tpu.memory_space<vmem>> -> memref<1x64xf32, #tpu.memory_space<vmem>>
      %dma_start3A_557 = arith.constant 0 : i32
      %dma_start3A_558 = tpu.memref_slice %arg3[%squeeze3A_550, %dma_start3A_557] : memref<1000000x64xf32, #tpu.memory_space<hbm>> -> memref<1x64xf32, #tpu.memory_space<hbm>>
      %dma_start3A_559 = arith.constant 0 : i32
      %dma_start3A_560 = tpu.memref_slice %arg8[%add3A_554, %dma_start3A_559] : memref<128x64xf32, #tpu.memory_space<vmem>> -> memref<1x64xf32, #tpu.memory_space<vmem>>
      %dma_start3A_561 = arith.constant 0 : i32
      %dma_start3A_562 = tpu.memref_slice %arg3[%squeeze3A_550, %dma_start3A_561] : memref<1000000x64xf32, #tpu.memory_space<hbm>> -> memref<1x64xf32, #tpu.memory_space<hbm>>
      tpu.enqueue_dma source(%dma_start3A_562 : memref<1x64xf32, #tpu.memory_space<hbm>>) target(%dma_start3A_560 : memref<1x64xf32, #tpu.memory_space<vmem>>) target_semaphore(%arg12 : memref<!tpu.dma_semaphore, #tpu.memory_space<semaphore_mem>>)
      %slice3A_563 = vector.extract_strided_slice %get3A_452 {offsets = [8], sizes = [1], strides = [1]} : vector<16xi32> to vector<1xi32>
      %squeeze3A_564 = vector.extract %slice3A_563[0] : i32 from vector<1xi32>
      %mul3A_565 = arith.constant 16 : i32
      %mul3A_566 = arith.muli %scan3A_446, %mul3A_565 : i32
      %add3A_567 = arith.constant 8 : i32
      %add3A_568 = arith.addi %mul3A_566, %add3A_567 : i32
      %dma_start3A_569 = arith.constant 0 : i32
      %dma_start3A_570 = tpu.memref_slice %arg8[%add3A_568, %dma_start3A_569] : memref<128x64xf32, #tpu.memory_space<vmem>> -> memref<1x64xf32, #tpu.memory_space<vmem>>
      %dma_start3A_571 = arith.constant 0 : i32
      %dma_start3A_572 = tpu.memref_slice %arg3[%squeeze3A_564, %dma_start3A_571] : memref<1000000x64xf32, #tpu.memory_space<hbm>> -> memref<1x64xf32, #tpu.memory_space<hbm>>
      %dma_start3A_573 = arith.constant 0 : i32
      %dma_start3A_574 = tpu.memref_slice %arg8[%add3A_568, %dma_start3A_573] : memref<128x64xf32, #tpu.memory_space<vmem>> -> memref<1x64xf32, #tpu.memory_space<vmem>>
      %dma_start3A_575 = arith.constant 0 : i32
      %dma_start3A_576 = tpu.memref_slice %arg3[%squeeze3A_564, %dma_start3A_575] : memref<1000000x64xf32, #tpu.memory_space<hbm>> -> memref<1x64xf32, #tpu.memory_space<hbm>>
      tpu.enqueue_dma source(%dma_start3A_576 : memref<1x64xf32, #tpu.memory_space<hbm>>) target(%dma_start3A_574 : memref<1x64xf32, #tpu.memory_space<vmem>>) target_semaphore(%arg12 : memref<!tpu.dma_semaphore, #tpu.memory_space<semaphore_mem>>)
      %slice3A_577 = vector.extract_strided_slice %get3A_452 {offsets = [9], sizes = [1], strides = [1]} : vector<16xi32> to vector<1xi32>
      %squeeze3A_578 = vector.extract %slice3A_577[0] : i32 from vector<1xi32>
      %mul3A_579 = arith.constant 16 : i32
      %mul3A_580 = arith.muli %scan3A_446, %mul3A_579 : i32
      %add3A_581 = arith.constant 9 : i32
      %add3A_582 = arith.addi %mul3A_580, %add3A_581 : i32
      %dma_start3A_583 = arith.constant 0 : i32
      %dma_start3A_584 = tpu.memref_slice %arg8[%add3A_582, %dma_start3A_583] : memref<128x64xf32, #tpu.memory_space<vmem>> -> memref<1x64xf32, #tpu.memory_space<vmem>>
      %dma_start3A_585 = arith.constant 0 : i32
      %dma_start3A_586 = tpu.memref_slice %arg3[%squeeze3A_578, %dma_start3A_585] : memref<1000000x64xf32, #tpu.memory_space<hbm>> -> memref<1x64xf32, #tpu.memory_space<hbm>>
      %dma_start3A_587 = arith.constant 0 : i32
      %dma_start3A_588 = tpu.memref_slice %arg8[%add3A_582, %dma_start3A_587] : memref<128x64xf32, #tpu.memory_space<vmem>> -> memref<1x64xf32, #tpu.memory_space<vmem>>
      %dma_start3A_589 = arith.constant 0 : i32
      %dma_start3A_590 = tpu.memref_slice %arg3[%squeeze3A_578, %dma_start3A_589] : memref<1000000x64xf32, #tpu.memory_space<hbm>> -> memref<1x64xf32, #tpu.memory_space<hbm>>
      tpu.enqueue_dma source(%dma_start3A_590 : memref<1x64xf32, #tpu.memory_space<hbm>>) target(%dma_start3A_588 : memref<1x64xf32, #tpu.memory_space<vmem>>) target_semaphore(%arg12 : memref<!tpu.dma_semaphore, #tpu.memory_space<semaphore_mem>>)
      %slice3A_591 = vector.extract_strided_slice %get3A_452 {offsets = [10], sizes = [1], strides = [1]} : vector<16xi32> to vector<1xi32>
      %squeeze3A_592 = vector.extract %slice3A_591[0] : i32 from vector<1xi32>
      %mul3A_593 = arith.constant 16 : i32
      %mul3A_594 = arith.muli %scan3A_446, %mul3A_593 : i32
      %add3A_595 = arith.constant 10 : i32
      %add3A_596 = arith.addi %mul3A_594, %add3A_595 : i32
      %dma_start3A_597 = arith.constant 0 : i32
      %dma_start3A_598 = tpu.memref_slice %arg8[%add3A_596, %dma_start3A_597] : memref<128x64xf32, #tpu.memory_space<vmem>> -> memref<1x64xf32, #tpu.memory_space<vmem>>
      %dma_start3A_599 = arith.constant 0 : i32
      %dma_start3A_600 = tpu.memref_slice %arg3[%squeeze3A_592, %dma_start3A_599] : memref<1000000x64xf32, #tpu.memory_space<hbm>> -> memref<1x64xf32, #tpu.memory_space<hbm>>
      %dma_start3A_601 = arith.constant 0 : i32
      %dma_start3A_602 = tpu.memref_slice %arg8[%add3A_596, %dma_start3A_601] : memref<128x64xf32, #tpu.memory_space<vmem>> -> memref<1x64xf32, #tpu.memory_space<vmem>>
      %dma_start3A_603 = arith.constant 0 : i32
      %dma_start3A_604 = tpu.memref_slice %arg3[%squeeze3A_592, %dma_start3A_603] : memref<1000000x64xf32, #tpu.memory_space<hbm>> -> memref<1x64xf32, #tpu.memory_space<hbm>>
      tpu.enqueue_dma source(%dma_start3A_604 : memref<1x64xf32, #tpu.memory_space<hbm>>) target(%dma_start3A_602 : memref<1x64xf32, #tpu.memory_space<vmem>>) target_semaphore(%arg12 : memref<!tpu.dma_semaphore, #tpu.memory_space<semaphore_mem>>)
      %slice3A_605 = vector.extract_strided_slice %get3A_452 {offsets = [11], sizes = [1], strides = [1]} : vector<16xi32> to vector<1xi32>
      %squeeze3A_606 = vector.extract %slice3A_605[0] : i32 from vector<1xi32>
      %mul3A_607 = arith.constant 16 : i32
      %mul3A_608 = arith.muli %scan3A_446, %mul3A_607 : i32
      %add3A_609 = arith.constant 11 : i32
      %add3A_610 = arith.addi %mul3A_608, %add3A_609 : i32
      %dma_start3A_611 = arith.constant 0 : i32
      %dma_start3A_612 = tpu.memref_slice %arg8[%add3A_610, %dma_start3A_611] : memref<128x64xf32, #tpu.memory_space<vmem>> -> memref<1x64xf32, #tpu.memory_space<vmem>>
      %dma_start3A_613 = arith.constant 0 : i32
      %dma_start3A_614 = tpu.memref_slice %arg3[%squeeze3A_606, %dma_start3A_613] : memref<1000000x64xf32, #tpu.memory_space<hbm>> -> memref<1x64xf32, #tpu.memory_space<hbm>>
      %dma_start3A_615 = arith.constant 0 : i32
      %dma_start3A_616 = tpu.memref_slice %arg8[%add3A_610, %dma_start3A_615] : memref<128x64xf32, #tpu.memory_space<vmem>> -> memref<1x64xf32, #tpu.memory_space<vmem>>
      %dma_start3A_617 = arith.constant 0 : i32
      %dma_start3A_618 = tpu.memref_slice %arg3[%squeeze3A_606, %dma_start3A_617] : memref<1000000x64xf32, #tpu.memory_space<hbm>> -> memref<1x64xf32, #tpu.memory_space<hbm>>
      tpu.enqueue_dma source(%dma_start3A_618 : memref<1x64xf32, #tpu.memory_space<hbm>>) target(%dma_start3A_616 : memref<1x64xf32, #tpu.memory_space<vmem>>) target_semaphore(%arg12 : memref<!tpu.dma_semaphore, #tpu.memory_space<semaphore_mem>>)
      %slice3A_619 = vector.extract_strided_slice %get3A_452 {offsets = [12], sizes = [1], strides = [1]} : vector<16xi32> to vector<1xi32>
      %squeeze3A_620 = vector.extract %slice3A_619[0] : i32 from vector<1xi32>
      %mul3A_621 = arith.constant 16 : i32
      %mul3A_622 = arith.muli %scan3A_446, %mul3A_621 : i32
      %add3A_623 = arith.constant 12 : i32
      %add3A_624 = arith.addi %mul3A_622, %add3A_623 : i32
      %dma_start3A_625 = arith.constant 0 : i32
      %dma_start3A_626 = tpu.memref_slice %arg8[%add3A_624, %dma_start3A_625] : memref<128x64xf32, #tpu.memory_space<vmem>> -> memref<1x64xf32, #tpu.memory_space<vmem>>
      %dma_start3A_627 = arith.constant 0 : i32
      %dma_start3A_628 = tpu.memref_slice %arg3[%squeeze3A_620, %dma_start3A_627] : memref<1000000x64xf32, #tpu.memory_space<hbm>> -> memref<1x64xf32, #tpu.memory_space<hbm>>
      %dma_start3A_629 = arith.constant 0 : i32
      %dma_start3A_630 = tpu.memref_slice %arg8[%add3A_624, %dma_start3A_629] : memref<128x64xf32, #tpu.memory_space<vmem>> -> memref<1x64xf32, #tpu.memory_space<vmem>>
      %dma_start3A_631 = arith.constant 0 : i32
      %dma_start3A_632 = tpu.memref_slice %arg3[%squeeze3A_620, %dma_start3A_631] : memref<1000000x64xf32, #tpu.memory_space<hbm>> -> memref<1x64xf32, #tpu.memory_space<hbm>>
      tpu.enqueue_dma source(%dma_start3A_632 : memref<1x64xf32, #tpu.memory_space<hbm>>) target(%dma_start3A_630 : memref<1x64xf32, #tpu.memory_space<vmem>>) target_semaphore(%arg12 : memref<!tpu.dma_semaphore, #tpu.memory_space<semaphore_mem>>)
      %slice3A_633 = vector.extract_strided_slice %get3A_452 {offsets = [13], sizes = [1], strides = [1]} : vector<16xi32> to vector<1xi32>
      %squeeze3A_634 = vector.extract %slice3A_633[0] : i32 from vector<1xi32>
      %mul3A_635 = arith.constant 16 : i32
      %mul3A_636 = arith.muli %scan3A_446, %mul3A_635 : i32
      %add3A_637 = arith.constant 13 : i32
      %add3A_638 = arith.addi %mul3A_636, %add3A_637 : i32
      %dma_start3A_639 = arith.constant 0 : i32
      %dma_start3A_640 = tpu.memref_slice %arg8[%add3A_638, %dma_start3A_639] : memref<128x64xf32, #tpu.memory_space<vmem>> -> memref<1x64xf32, #tpu.memory_space<vmem>>
      %dma_start3A_641 = arith.constant 0 : i32
      %dma_start3A_642 = tpu.memref_slice %arg3[%squeeze3A_634, %dma_start3A_641] : memref<1000000x64xf32, #tpu.memory_space<hbm>> -> memref<1x64xf32, #tpu.memory_space<hbm>>
      %dma_start3A_643 = arith.constant 0 : i32
      %dma_start3A_644 = tpu.memref_slice %arg8[%add3A_638, %dma_start3A_643] : memref<128x64xf32, #tpu.memory_space<vmem>> -> memref<1x64xf32, #tpu.memory_space<vmem>>
      %dma_start3A_645 = arith.constant 0 : i32
      %dma_start3A_646 = tpu.memref_slice %arg3[%squeeze3A_634, %dma_start3A_645] : memref<1000000x64xf32, #tpu.memory_space<hbm>> -> memref<1x64xf32, #tpu.memory_space<hbm>>
      tpu.enqueue_dma source(%dma_start3A_646 : memref<1x64xf32, #tpu.memory_space<hbm>>) target(%dma_start3A_644 : memref<1x64xf32, #tpu.memory_space<vmem>>) target_semaphore(%arg12 : memref<!tpu.dma_semaphore, #tpu.memory_space<semaphore_mem>>)
      %slice3A_647 = vector.extract_strided_slice %get3A_452 {offsets = [14], sizes = [1], strides = [1]} : vector<16xi32> to vector<1xi32>
      %squeeze3A_648 = vector.extract %slice3A_647[0] : i32 from vector<1xi32>
      %mul3A_649 = arith.constant 16 : i32
      %mul3A_650 = arith.muli %scan3A_446, %mul3A_649 : i32
      %add3A_651 = arith.constant 14 : i32
      %add3A_652 = arith.addi %mul3A_650, %add3A_651 : i32
      %dma_start3A_653 = arith.constant 0 : i32
      %dma_start3A_654 = tpu.memref_slice %arg8[%add3A_652, %dma_start3A_653] : memref<128x64xf32, #tpu.memory_space<vmem>> -> memref<1x64xf32, #tpu.memory_space<vmem>>
      %dma_start3A_655 = arith.constant 0 : i32
      %dma_start3A_656 = tpu.memref_slice %arg3[%squeeze3A_648, %dma_start3A_655] : memref<1000000x64xf32, #tpu.memory_space<hbm>> -> memref<1x64xf32, #tpu.memory_space<hbm>>
      %dma_start3A_657 = arith.constant 0 : i32
      %dma_start3A_658 = tpu.memref_slice %arg8[%add3A_652, %dma_start3A_657] : memref<128x64xf32, #tpu.memory_space<vmem>> -> memref<1x64xf32, #tpu.memory_space<vmem>>
      %dma_start3A_659 = arith.constant 0 : i32
      %dma_start3A_660 = tpu.memref_slice %arg3[%squeeze3A_648, %dma_start3A_659] : memref<1000000x64xf32, #tpu.memory_space<hbm>> -> memref<1x64xf32, #tpu.memory_space<hbm>>
      tpu.enqueue_dma source(%dma_start3A_660 : memref<1x64xf32, #tpu.memory_space<hbm>>) target(%dma_start3A_658 : memref<1x64xf32, #tpu.memory_space<vmem>>) target_semaphore(%arg12 : memref<!tpu.dma_semaphore, #tpu.memory_space<semaphore_mem>>)
      %slice3A_661 = vector.extract_strided_slice %get3A_452 {offsets = [15], sizes = [1], strides = [1]} : vector<16xi32> to vector<1xi32>
      %squeeze3A_662 = vector.extract %slice3A_661[0] : i32 from vector<1xi32>
      %mul3A_663 = arith.constant 16 : i32
      %mul3A_664 = arith.muli %scan3A_446, %mul3A_663 : i32
      %add3A_665 = arith.constant 15 : i32
      %add3A_666 = arith.addi %mul3A_664, %add3A_665 : i32
      %dma_start3A_667 = arith.constant 0 : i32
      %dma_start3A_668 = tpu.memref_slice %arg8[%add3A_666, %dma_start3A_667] : memref<128x64xf32, #tpu.memory_space<vmem>> -> memref<1x64xf32, #tpu.memory_space<vmem>>
      %dma_start3A_669 = arith.constant 0 : i32
      %dma_start3A_670 = tpu.memref_slice %arg3[%squeeze3A_662, %dma_start3A_669] : memref<1000000x64xf32, #tpu.memory_space<hbm>> -> memref<1x64xf32, #tpu.memory_space<hbm>>
      %dma_start3A_671 = arith.constant 0 : i32
      %dma_start3A_672 = tpu.memref_slice %arg8[%add3A_666, %dma_start3A_671] : memref<128x64xf32, #tpu.memory_space<vmem>> -> memref<1x64xf32, #tpu.memory_space<vmem>>
      %dma_start3A_673 = arith.constant 0 : i32
      %dma_start3A_674 = tpu.memref_slice %arg3[%squeeze3A_662, %dma_start3A_673] : memref<1000000x64xf32, #tpu.memory_space<hbm>> -> memref<1x64xf32, #tpu.memory_space<hbm>>
      tpu.enqueue_dma source(%dma_start3A_674 : memref<1x64xf32, #tpu.memory_space<hbm>>) target(%dma_start3A_672 : memref<1x64xf32, #tpu.memory_space<vmem>>) target_semaphore(%arg12 : memref<!tpu.dma_semaphore, #tpu.memory_space<semaphore_mem>>)
      %scan3A_675 = arith.constant 0 : i32
      scf.yield %scan3A_675 : i32
    }
    %scan3A_373 = arith.constant 8 : i32
    %dma_wait3A_374 = arith.constant 0 : i32
    %dma_wait3A_375 = arith.constant 0 : i32
    %dma_wait3A_376 = tpu.memref_slice %arg3[%dma_wait3A_374, %dma_wait3A_375] : memref<1000000x64xf32, #tpu.memory_space<hbm>> -> memref<128x64xf32, #tpu.memory_space<hbm>>
    %dma_wait3A_377 = arith.constant 0 : i32
    %dma_wait3A_378 = arith.constant 0 : i32
    %dma_wait3A_379 = tpu.memref_slice %arg3[%dma_wait3A_377, %dma_wait3A_378] : memref<1000000x64xf32, #tpu.memory_space<hbm>> -> memref<128x64xf32, #tpu.memory_space<hbm>>
    tpu.wait_dma2 semaphore(%arg11 : memref<!tpu.dma_semaphore, #tpu.memory_space<semaphore_mem>>) src(%dma_wait3A_379 : memref<128x64xf32, #tpu.memory_space<hbm>>) dst(%arg7 : memref<128x64xf32, #tpu.memory_space<vmem>>)
    %dma_wait3A_380 = arith.constant 0 : i32
    %dma_wait3A_381 = arith.constant 0 : i32
    %dma_wait3A_382 = arith.constant 0 : i32
    %dma_wait3A_383 = tpu.memref_slice %arg4[%dma_wait3A_380, %dma_wait3A_381, %dma_wait3A_382] : memref<1x2048x64xf32, #tpu.memory_space<hbm>> -> memref<1x128x64xf32, #tpu.memory_space<hbm>>
    %dma_wait3A_384 = tpu.memref_squeeze %dma_wait3A_383 : memref<1x128x64xf32, #tpu.memory_space<hbm>> -> memref<128x64xf32, #tpu.memory_space<hbm>>
    %dma_wait3A_385 = arith.constant 0 : i32
    %dma_wait3A_386 = arith.constant 0 : i32
    %dma_wait3A_387 = tpu.memref_slice %arg4[%dma_wait3A_380, %dma_wait3A_385, %dma_wait3A_386] : memref<1x2048x64xf32, #tpu.memory_space<hbm>> -> memref<1x128x64xf32, #tpu.memory_space<hbm>>
    %dma_wait3A_388 = tpu.memref_squeeze %dma_wait3A_387 : memref<1x128x64xf32, #tpu.memory_space<hbm>> -> memref<128x64xf32, #tpu.memory_space<hbm>>
    tpu.wait_dma2 semaphore(%arg15 : memref<!tpu.dma_semaphore, #tpu.memory_space<semaphore_mem>>) src(%dma_wait3A_388 : memref<128x64xf32, #tpu.memory_space<hbm>>) dst(%arg9 : memref<128x64xf32, #tpu.memory_space<vmem>>)
    %scan3A_389 = arith.constant 0 : i32
    %scan3A_390 = arith.constant 0 : i32
    %scan3A_391 = arith.constant 128 : i32
    %scan3A_392 = arith.addi %scan3A_390, %scan3A_391 : i32
    %scan3A_393 = arith.constant 1 : i32
    %scan3A_394 = scf.for %scan3A_446 = %scan3A_390 to %scan3A_392 step %scan3A_393 iter_args(%scan3A_447 = %scan3A_389) -> (i32)  : i32 {
      %get3A = arith.index_cast %scan3A_446 : i32 to index
      %get3A_448 = arith.constant 0 : index
      %get3A_449 = tpu.vector_load %arg7[%get3A, %get3A_448] {strides = array<i32>} : memref<128x64xf32, #tpu.memory_space<vmem>>, vector<16xf32>,
      %mul3A_450 = arith.constant 8.000000e+00 : f32
      %mul3A_451 = vector.broadcast %mul3A_450 : f32 to vector<16xf32>
      %mul3A_452 = arith.mulf %get3A_449, %mul3A_451 : vector<16xf32>
      %get3A_453 = arith.index_cast %scan3A_446 : i32 to index
      %get3A_454 = arith.constant 0 : index
      %get3A_455 = tpu.vector_load %arg9[%get3A_453, %get3A_454] {strides = array<i32>} : memref<128x64xf32, #tpu.memory_space<vmem>>, vector<16xf32>,
      %add3A_456 = arith.addf %mul3A_452, %get3A_455 : vector<16xf32>
      %swap3A = arith.index_cast %scan3A_446 : i32 to index
      %swap3A_457 = arith.constant 0 : index
      %swap3A_458 = tpu.vector_load %arg7[%swap3A, %swap3A_457] {strides = array<i32>} : memref<128x64xf32, #tpu.memory_space<vmem>>, vector<16xf32>,
      tpu.vector_store %arg7[%swap3A, %swap3A_457], %add3A_456 {strides = array<i32>} : memref<128x64xf32, #tpu.memory_space<vmem>>, vector<16xf32>,
      %get3A_459 = arith.index_cast %scan3A_446 : i32 to index
      %get3A_460 = arith.constant 16 : index
      %get3A_461 = tpu.vector_load %arg7[%get3A_459, %get3A_460] {strides = array<i32>} : memref<128x64xf32, #tpu.memory_space<vmem>>, vector<16xf32>,
      %mul3A_462 = arith.constant 8.000000e+00 : f32
      %mul3A_463 = vector.broadcast %mul3A_462 : f32 to vector<16xf32>
      %mul3A_464 = arith.mulf %get3A_461, %mul3A_463 : vector<16xf32>
      %get3A_465 = arith.index_cast %scan3A_446 : i32 to index
      %get3A_466 = arith.constant 16 : index
      %get3A_467 = tpu.vector_load %arg9[%get3A_465, %get3A_466] {strides = array<i32>} : memref<128x64xf32, #tpu.memory_space<vmem>>, vector<16xf32>,
      %add3A_468 = arith.addf %mul3A_464, %get3A_467 : vector<16xf32>
      %swap3A_469 = arith.index_cast %scan3A_446 : i32 to index
      %swap3A_470 = arith.constant 16 : index
      %swap3A_471 = tpu.vector_load %arg7[%swap3A_469, %swap3A_470] {strides = array<i32>} : memref<128x64xf32, #tpu.memory_space<vmem>>, vector<16xf32>,
      tpu.vector_store %arg7[%swap3A_469, %swap3A_470], %add3A_468 {strides = array<i32>} : memref<128x64xf32, #tpu.memory_space<vmem>>, vector<16xf32>,
      %get3A_472 = arith.index_cast %scan3A_446 : i32 to index
      %get3A_473 = arith.constant 32 : index
      %get3A_474 = tpu.vector_load %arg7[%get3A_472, %get3A_473] {strides = array<i32>} : memref<128x64xf32, #tpu.memory_space<vmem>>, vector<16xf32>,
      %mul3A_475 = arith.constant 8.000000e+00 : f32
      %mul3A_476 = vector.broadcast %mul3A_475 : f32 to vector<16xf32>
      %mul3A_477 = arith.mulf %get3A_474, %mul3A_476 : vector<16xf32>
      %get3A_478 = arith.index_cast %scan3A_446 : i32 to index
      %get3A_479 = arith.constant 32 : index
      %get3A_480 = tpu.vector_load %arg9[%get3A_478, %get3A_479] {strides = array<i32>} : memref<128x64xf32, #tpu.memory_space<vmem>>, vector<16xf32>,
      %add3A_481 = arith.addf %mul3A_477, %get3A_480 : vector<16xf32>
      %swap3A_482 = arith.index_cast %scan3A_446 : i32 to index
      %swap3A_483 = arith.constant 32 : index
      %swap3A_484 = tpu.vector_load %arg7[%swap3A_482, %swap3A_483] {strides = array<i32>} : memref<128x64xf32, #tpu.memory_space<vmem>>, vector<16xf32>,
      tpu.vector_store %arg7[%swap3A_482, %swap3A_483], %add3A_481 {strides = array<i32>} : memref<128x64xf32, #tpu.memory_space<vmem>>, vector<16xf32>,
      %get3A_485 = arith.index_cast %scan3A_446 : i32 to index
      %get3A_486 = arith.constant 48 : index
      %get3A_487 = tpu.vector_load %arg7[%get3A_485, %get3A_486] {strides = array<i32>} : memref<128x64xf32, #tpu.memory_space<vmem>>, vector<16xf32>,
      %mul3A_488 = arith.constant 8.000000e+00 : f32
      %mul3A_489 = vector.broadcast %mul3A_488 : f32 to vector<16xf32>
      %mul3A_490 = arith.mulf %get3A_487, %mul3A_489 : vector<16xf32>
      %get3A_491 = arith.index_cast %scan3A_446 : i32 to index
      %get3A_492 = arith.constant 48 : index
      %get3A_493 = tpu.vector_load %arg9[%get3A_491, %get3A_492] {strides = array<i32>} : memref<128x64xf32, #tpu.memory_space<vmem>>, vector<16xf32>,
      %add3A_494 = arith.addf %mul3A_490, %get3A_493 : vector<16xf32>
      %swap3A_495 = arith.index_cast %scan3A_446 : i32 to index
      %swap3A_496 = arith.constant 48 : index
      %swap3A_497 = tpu.vector_load %arg7[%swap3A_495, %swap3A_496] {strides = array<i32>} : memref<128x64xf32, #tpu.memory_space<vmem>>, vector<16xf32>,
      tpu.vector_store %arg7[%swap3A_495, %swap3A_496], %add3A_494 {strides = array<i32>} : memref<128x64xf32, #tpu.memory_space<vmem>>, vector<16xf32>,
      %scan3A_498 = arith.constant 0 : i32
      scf.yield %scan3A_498 : i32
    }
    %scan3A_395 = arith.constant 128 : i32
    %add3A_396 = arith.constant 768 : i32
    %add3A_397 = arith.addi %mul3A_32, %add3A_396 : i32
    %dma_start3A_398 = arith.constant 0 : i32
    %dma_start3A_399 = tpu.memref_slice %arg5[%select_n3A, %add3A_397, %dma_start3A_398] : memref<16x2048x64xf32, #tpu.memory_space<hbm>> -> memref<1x128x64xf32, #tpu.memory_space<hbm>>
    %dma_start3A_400 = tpu.memref_squeeze %dma_start3A_399 : memref<1x128x64xf32, #tpu.memory_space<hbm>> -> memref<128x64xf32, #tpu.memory_space<hbm>>
    %dma_start3A_401 = arith.constant 0 : i32
    %dma_start3A_402 = tpu.memref_slice %arg5[%select_n3A, %add3A_397, %dma_start3A_401] : memref<16x2048x64xf32, #tpu.memory_space<hbm>> -> memref<1x128x64xf32, #tpu.memory_space<hbm>>
    %dma_start3A_403 = tpu.memref_squeeze %dma_start3A_402 : memref<1x128x64xf32, #tpu.memory_space<hbm>> -> memref<128x64xf32, #tpu.memory_space<hbm>>
    tpu.enqueue_dma source(%arg7 : memref<128x64xf32, #tpu.memory_space<vmem>>) target(%dma_start3A_403 : memref<128x64xf32, #tpu.memory_space<hbm>>) target_semaphore(%arg13 : memref<!tpu.dma_semaphore, #tpu.memory_space<semaphore_mem>>)
    %dma_wait3A_404 = arith.constant 0 : i32
    %dma_wait3A_405 = arith.constant 0 : i32
    %dma_wait3A_406 = tpu.memref_slice %arg3[%dma_wait3A_404, %dma_wait3A_405] : memref<1000000x64xf32, #tpu.memory_space<hbm>> -> memref<128x64xf32, #tpu.memory_space<hbm>>
    %dma_wait3A_407 = arith.constant 0 : i32
    %dma_wait3A_408 = arith.constant 0 : i32
    %dma_wait3A_409 = tpu.memref_slice %arg3[%dma_wait3A_407, %dma_wait3A_408] : memref<1000000x64xf32, #tpu.memory_space<hbm>> -> memref<128x64xf32, #tpu.memory_space<hbm>>
    tpu.wait_dma2 semaphore(%arg12 : memref<!tpu.dma_semaphore, #tpu.memory_space<semaphore_mem>>) src(%dma_wait3A_409 : memref<128x64xf32, #tpu.memory_space<hbm>>) dst(%arg8 : memref<128x64xf32, #tpu.memory_space<vmem>>)
    %dma_wait3A_410 = arith.constant 0 : i32
    %dma_wait3A_411 = arith.constant 0 : i32
    %dma_wait3A_412 = arith.constant 0 : i32
    %dma_wait3A_413 = tpu.memref_slice %arg4[%dma_wait3A_410, %dma_wait3A_411, %dma_wait3A_412] : memref<1x2048x64xf32, #tpu.memory_space<hbm>> -> memref<1x128x64xf32, #tpu.memory_space<hbm>>
    %dma_wait3A_414 = tpu.memref_squeeze %dma_wait3A_413 : memref<1x128x64xf32, #tpu.memory_space<hbm>> -> memref<128x64xf32, #tpu.memory_space<hbm>>
    %dma_wait3A_415 = arith.constant 0 : i32
    %dma_wait3A_416 = arith.constant 0 : i32
    %dma_wait3A_417 = tpu.memref_slice %arg4[%dma_wait3A_410, %dma_wait3A_415, %dma_wait3A_416] : memref<1x2048x64xf32, #tpu.memory_space<hbm>> -> memref<1x128x64xf32, #tpu.memory_space<hbm>>
    %dma_wait3A_418 = tpu.memref_squeeze %dma_wait3A_417 : memref<1x128x64xf32, #tpu.memory_space<hbm>> -> memref<128x64xf32, #tpu.memory_space<hbm>>
    tpu.wait_dma2 semaphore(%arg16 : memref<!tpu.dma_semaphore, #tpu.memory_space<semaphore_mem>>) src(%dma_wait3A_418 : memref<128x64xf32, #tpu.memory_space<hbm>>) dst(%arg10 : memref<128x64xf32, #tpu.memory_space<vmem>>)
    %scan3A_419 = arith.constant 0 : i32
    %scan3A_420 = arith.constant 0 : i32
    %scan3A_421 = arith.constant 128 : i32
    %scan3A_422 = arith.addi %scan3A_420, %scan3A_421 : i32
    %scan3A_423 = arith.constant 1 : i32
    %scan3A_424 = scf.for %scan3A_446 = %scan3A_420 to %scan3A_422 step %scan3A_423 iter_args(%scan3A_447 = %scan3A_419) -> (i32)  : i32 {
      %get3A = arith.index_cast %scan3A_446 : i32 to index
      %get3A_448 = arith.constant 0 : index
      %get3A_449 = tpu.vector_load %arg8[%get3A, %get3A_448] {strides = array<i32>} : memref<128x64xf32, #tpu.memory_space<vmem>>, vector<16xf32>,
      %mul3A_450 = arith.constant 8.000000e+00 : f32
      %mul3A_451 = vector.broadcast %mul3A_450 : f32 to vector<16xf32>
      %mul3A_452 = arith.mulf %get3A_449, %mul3A_451 : vector<16xf32>
      %get3A_453 = arith.index_cast %scan3A_446 : i32 to index
      %get3A_454 = arith.constant 0 : index
      %get3A_455 = tpu.vector_load %arg10[%get3A_453, %get3A_454] {strides = array<i32>} : memref<128x64xf32, #tpu.memory_space<vmem>>, vector<16xf32>,
      %add3A_456 = arith.addf %mul3A_452, %get3A_455 : vector<16xf32>
      %swap3A = arith.index_cast %scan3A_446 : i32 to index
      %swap3A_457 = arith.constant 0 : index
      %swap3A_458 = tpu.vector_load %arg8[%swap3A, %swap3A_457] {strides = array<i32>} : memref<128x64xf32, #tpu.memory_space<vmem>>, vector<16xf32>,
      tpu.vector_store %arg8[%swap3A, %swap3A_457], %add3A_456 {strides = array<i32>} : memref<128x64xf32, #tpu.memory_space<vmem>>, vector<16xf32>,
      %get3A_459 = arith.index_cast %scan3A_446 : i32 to index
      %get3A_460 = arith.constant 16 : index
      %get3A_461 = tpu.vector_load %arg8[%get3A_459, %get3A_460] {strides = array<i32>} : memref<128x64xf32, #tpu.memory_space<vmem>>, vector<16xf32>,
      %mul3A_462 = arith.constant 8.000000e+00 : f32
      %mul3A_463 = vector.broadcast %mul3A_462 : f32 to vector<16xf32>
      %mul3A_464 = arith.mulf %get3A_461, %mul3A_463 : vector<16xf32>
      %get3A_465 = arith.index_cast %scan3A_446 : i32 to index
      %get3A_466 = arith.constant 16 : index
      %get3A_467 = tpu.vector_load %arg10[%get3A_465, %get3A_466] {strides = array<i32>} : memref<128x64xf32, #tpu.memory_space<vmem>>, vector<16xf32>,
      %add3A_468 = arith.addf %mul3A_464, %get3A_467 : vector<16xf32>
      %swap3A_469 = arith.index_cast %scan3A_446 : i32 to index
      %swap3A_470 = arith.constant 16 : index
      %swap3A_471 = tpu.vector_load %arg8[%swap3A_469, %swap3A_470] {strides = array<i32>} : memref<128x64xf32, #tpu.memory_space<vmem>>, vector<16xf32>,
      tpu.vector_store %arg8[%swap3A_469, %swap3A_470], %add3A_468 {strides = array<i32>} : memref<128x64xf32, #tpu.memory_space<vmem>>, vector<16xf32>,
      %get3A_472 = arith.index_cast %scan3A_446 : i32 to index
      %get3A_473 = arith.constant 32 : index
      %get3A_474 = tpu.vector_load %arg8[%get3A_472, %get3A_473] {strides = array<i32>} : memref<128x64xf32, #tpu.memory_space<vmem>>, vector<16xf32>,
      %mul3A_475 = arith.constant 8.000000e+00 : f32
      %mul3A_476 = vector.broadcast %mul3A_475 : f32 to vector<16xf32>
      %mul3A_477 = arith.mulf %get3A_474, %mul3A_476 : vector<16xf32>
      %get3A_478 = arith.index_cast %scan3A_446 : i32 to index
      %get3A_479 = arith.constant 32 : index
      %get3A_480 = tpu.vector_load %arg10[%get3A_478, %get3A_479] {strides = array<i32>} : memref<128x64xf32, #tpu.memory_space<vmem>>, vector<16xf32>,
      %add3A_481 = arith.addf %mul3A_477, %get3A_480 : vector<16xf32>
      %swap3A_482 = arith.index_cast %scan3A_446 : i32 to index
      %swap3A_483 = arith.constant 32 : index
      %swap3A_484 = tpu.vector_load %arg8[%swap3A_482, %swap3A_483] {strides = array<i32>} : memref<128x64xf32, #tpu.memory_space<vmem>>, vector<16xf32>,
      tpu.vector_store %arg8[%swap3A_482, %swap3A_483], %add3A_481 {strides = array<i32>} : memref<128x64xf32, #tpu.memory_space<vmem>>, vector<16xf32>,
      %get3A_485 = arith.index_cast %scan3A_446 : i32 to index
      %get3A_486 = arith.constant 48 : index
      %get3A_487 = tpu.vector_load %arg8[%get3A_485, %get3A_486] {strides = array<i32>} : memref<128x64xf32, #tpu.memory_space<vmem>>, vector<16xf32>,
      %mul3A_488 = arith.constant 8.000000e+00 : f32
      %mul3A_489 = vector.broadcast %mul3A_488 : f32 to vector<16xf32>
      %mul3A_490 = arith.mulf %get3A_487, %mul3A_489 : vector<16xf32>
      %get3A_491 = arith.index_cast %scan3A_446 : i32 to index
      %get3A_492 = arith.constant 48 : index
      %get3A_493 = tpu.vector_load %arg10[%get3A_491, %get3A_492] {strides = array<i32>} : memref<128x64xf32, #tpu.memory_space<vmem>>, vector<16xf32>,
      %add3A_494 = arith.addf %mul3A_490, %get3A_493 : vector<16xf32>
      %swap3A_495 = arith.index_cast %scan3A_446 : i32 to index
      %swap3A_496 = arith.constant 48 : index
      %swap3A_497 = tpu.vector_load %arg8[%swap3A_495, %swap3A_496] {strides = array<i32>} : memref<128x64xf32, #tpu.memory_space<vmem>>, vector<16xf32>,
      tpu.vector_store %arg8[%swap3A_495, %swap3A_496], %add3A_494 {strides = array<i32>} : memref<128x64xf32, #tpu.memory_space<vmem>>, vector<16xf32>,
      %scan3A_498 = arith.constant 0 : i32
      scf.yield %scan3A_498 : i32
    }
    %scan3A_425 = arith.constant 128 : i32
    %add3A_426 = arith.constant 896 : i32
    %add3A_427 = arith.addi %mul3A_32, %add3A_426 : i32
    %dma_start3A_428 = arith.constant 0 : i32
    %dma_start3A_429 = tpu.memref_slice %arg5[%select_n3A, %add3A_427, %dma_start3A_428] : memref<16x2048x64xf32, #tpu.memory_space<hbm>> -> memref<1x128x64xf32, #tpu.memory_space<hbm>>
    %dma_start3A_430 = tpu.memref_squeeze %dma_start3A_429 : memref<1x128x64xf32, #tpu.memory_space<hbm>> -> memref<128x64xf32, #tpu.memory_space<hbm>>
    %dma_start3A_431 = arith.constant 0 : i32
    %dma_start3A_432 = tpu.memref_slice %arg5[%select_n3A, %add3A_427, %dma_start3A_431] : memref<16x2048x64xf32, #tpu.memory_space<hbm>> -> memref<1x128x64xf32, #tpu.memory_space<hbm>>
    %dma_start3A_433 = tpu.memref_squeeze %dma_start3A_432 : memref<1x128x64xf32, #tpu.memory_space<hbm>> -> memref<128x64xf32, #tpu.memory_space<hbm>>
    tpu.enqueue_dma source(%arg8 : memref<128x64xf32, #tpu.memory_space<vmem>>) target(%dma_start3A_433 : memref<128x64xf32, #tpu.memory_space<hbm>>) target_semaphore(%arg14 : memref<!tpu.dma_semaphore, #tpu.memory_space<semaphore_mem>>)
    %dma_wait3A_434 = arith.constant 0 : i32
    %dma_wait3A_435 = tpu.memref_slice %arg5[%select_n3A, %add3A_397, %dma_wait3A_434] : memref<16x2048x64xf32, #tpu.memory_space<hbm>> -> memref<1x128x64xf32, #tpu.memory_space<hbm>>
    %dma_wait3A_436 = tpu.memref_squeeze %dma_wait3A_435 : memref<1x128x64xf32, #tpu.memory_space<hbm>> -> memref<128x64xf32, #tpu.memory_space<hbm>>
    %dma_wait3A_437 = arith.constant 0 : i32
    %dma_wait3A_438 = tpu.memref_slice %arg5[%select_n3A, %add3A_397, %dma_wait3A_437] : memref<16x2048x64xf32, #tpu.memory_space<hbm>> -> memref<1x128x64xf32, #tpu.memory_space<hbm>>
    %dma_wait3A_439 = tpu.memref_squeeze %dma_wait3A_438 : memref<1x128x64xf32, #tpu.memory_space<hbm>> -> memref<128x64xf32, #tpu.memory_space<hbm>>
    tpu.wait_dma2 semaphore(%arg13 : memref<!tpu.dma_semaphore, #tpu.memory_space<semaphore_mem>>) src(%arg7 : memref<128x64xf32, #tpu.memory_space<vmem>>) dst(%dma_wait3A_439 : memref<128x64xf32, #tpu.memory_space<hbm>>)
    %dma_wait3A_440 = arith.constant 0 : i32
    %dma_wait3A_441 = tpu.memref_slice %arg5[%select_n3A, %add3A_427, %dma_wait3A_440] : memref<16x2048x64xf32, #tpu.memory_space<hbm>> -> memref<1x128x64xf32, #tpu.memory_space<hbm>>
    %dma_wait3A_442 = tpu.memref_squeeze %dma_wait3A_441 : memref<1x128x64xf32, #tpu.memory_space<hbm>> -> memref<128x64xf32, #tpu.memory_space<hbm>>
    %dma_wait3A_443 = arith.constant 0 : i32
    %dma_wait3A_444 = tpu.memref_slice %arg5[%select_n3A, %add3A_427, %dma_wait3A_443] : memref<16x2048x64xf32, #tpu.memory_space<hbm>> -> memref<1x128x64xf32, #tpu.memory_space<hbm>>
    %dma_wait3A_445 = tpu.memref_squeeze %dma_wait3A_444 : memref<1x128x64xf32, #tpu.memory_space<hbm>> -> memref<128x64xf32, #tpu.memory_space<hbm>>
    tpu.wait_dma2 semaphore(%arg14 : memref<!tpu.dma_semaphore, #tpu.memory_space<semaphore_mem>>) src(%arg8 : memref<128x64xf32, #tpu.memory_space<vmem>>) dst(%dma_wait3A_445 : memref<128x64xf32, #tpu.memory_space<hbm>>)
    return
  }
}

</mosaic_0001>

<sc_bundles>
// kernel: kernel.3.cloned.1.call-start
scs
__scs_entry_jumppad:
0x0: {  	(pc) =	sbr.rel $0x88, $3  }
0x1: {  	(tag) =	ssettag $0x0;
	lr =	simm.s32 $0x1  }
0x2: {  	[smem:$0x3F9E] =	sst lr;
	_ =	strace $0xD0000000  }
0x3: {  	_ = 	snop  }
0x4: {  	_ = 	snop  }
0x5: {  	_ = 	snop  }
0x6: {  	_ = 	snop  }
0x7: {  	_ = 	snop  }
__scs_overlays_trampoline_lowered:
0x8: {  	[smem:$0x3FAD] =	sst s0  }
0x9: {  	[smem:$0x3FAE] =	sst s1  }
0xa: {  	[smem:$0x3FAF] =	sst s2  }
0xb: {  	[smem:$0x3FB0] =	sst s3  }
0xc: {  	[smem:$0x3FB1] =	sst s4  }
0xd: {  	[smem:$0x3FB2] =	sst s5  }
0xe: {  	[smem:$0x3FB3] =	sst s6  }
0xf: {  	[smem:$0x3FB4] =	sst s7  }
0x10: {  	[smem:$0x3FB5] =	sst s8  }
0x11: {  	[smem:$0x3FB6] =	sst s9;
	s0 =	simm.s32 @!p0 $0x0  }
0x12: {  	s1 =	sld [smem:$0x3F9C];
	s0 =	simm.s32 @p0 $0x1  }
0x13: {  	[smem:$0x3FB7] =	sst s0;
	s0 =	simm.s32 @!p1 $0x0  }
0x14: {  	s2 =	sld [smem:$0x3F9B];
	s0 =	simm.s32 @p1 $0x1  }
0x15: {  	[smem:$0x3FB8] =	sst s0;
	s0 =	simm.s32 @!p2 $0x0  }
0x16: {  	s3 =	sld [smem:$0x3FDB];
	s0 =	simm.s32 @p2 $0x1  }
0x17: {  	s4 =	simm.s32 $0x1BF5;
	[smem:$0x3FBA] =	sst s0  }
0x18: {  	s0 =	sld [smem:$0x3F9D];
	_ =	swait.ge [sflag:s4], $0x0  }
0x19: {  	s7 =	sld [smem:$0x3F9E]  }
0x1a: {  	s8 =	sadd.s32 $0xFFFFE003, lr  }
0x1b: {  	s9 =	sadd.s32 $0xFFFFFEF7, lr;
	s5 =	simm.s32 $0xFFFFFFFF;
	p2 =	slt.u32 s8, $0xFFFFF086  }
0x1c: {  	p1 =	slt.u32 s9, $0xF7A;
	s5 =	simm.s32 @!p2 $0x0  }
0x1d: {  	s5 =	simm.s32 @p1 $0x1;
	p0 =	seq.s32 s7, s2  }
0x1e: {  	s7 =	smul.u32 @!p0 $0xF7A, s2;
	p2 =	seq.s32 @!p0 s5, $0x0  }
0x1f: {  	s9 =	smul.u32 $0xF7A, s1;
	s8 =	simm.s32 @!p0 $0x1BF5;
	p2 =	por !p2, p0  }
0x20: {  	[sflag:s8] =	ssyncset.s32 @!p0 $0xFFFFF086;
	s6 =	sadd.s32 @!p0 s3, s7;
	s7 =	simm.s32 @!p0 $0x108  }
0x21: {  	s3 =	sadd.s32 s3, s9;
	s6 =	sadd.s32 @!p0 $0x88, s6;
	s7 =	simm.s32 @p2 $0x1082  }
0x22: {  	[simem:s7], [sflag:s8] =	dma.local @!p0 [hbm:s6], $0xF7A  }
0x23: {  	s9 =	sor.u32 $0xD0000000, s2;
	s6 =	simm.s32 $0x108;
	_ =	swait.ge @!p0 [sflag:s8], $0x0  }
0x24: {  	s3 =	sadd.s32 $0x88, s3;
	s6 =	simm.s32 @!p1 $0x1082;
	[sflag:s4] =	ssyncset.s32 $0xFFFFF086  }
0x25: {  	[simem:s6], [sflag:s4] =	dma.local [hbm:s3], $0xF7A  }
0x26: {  	[smem:$0x3F9E] =	sst s1;
	(tag) =	ssettag s2;
	_ =	strace s9  }
0x27: {  	s1 =	sld [smem:$0x3FAE]  }
0x28: {  	s2 =	sld [smem:$0x3FAF]  }
0x29: {  	s4 =	sld [smem:$0x3FB1]  }
0x2a: {  	p0 =	seq.s32 s5, $0x0;
	s5 =	sld [smem:$0x3FB2]  }
0x2b: {  	s6 =	sld [smem:$0x3FB3]  }
0x2c: {  	s7 =	sld [smem:$0x3FB4]  }
0x2d: {  	s3 =	simm.s32 $0x108;
	s8 =	sld [smem:$0x3FB5]  }
0x2e: {  	s3 =	simm.s32 @!p0 $0x1082;
	s9 =	sld [smem:$0x3FB6]  }
0x2f: {  	lr =	sadd.s32 s0, s3;
	s0 =	sld [smem:$0x3FAD]  }
0x30: {  	s3 =	sld [smem:$0x3FB0]  }
0x31: {  	[smem:$0x3FB9] =	sst s10  }
0x32: {  	s10 =	sld [smem:$0x3FB7];
	_ =	sdelay $0x3  }
0x33: {  	p0 =	seq.s32 s10, $0x1;
	s10 =	sld [smem:$0x3FB9];
	_ =	sdelay $0x3  }
0x34: {  	[smem:$0x3FB9] =	sst s10  }
0x35: {  	s10 =	sld [smem:$0x3FB8];
	_ =	sdelay $0x3  }
0x36: {  	p1 =	seq.s32 s10, $0x1;
	s10 =	sld [smem:$0x3FB9];
	_ =	sdelay $0x3  }
0x37: {  	[smem:$0x3FB9] =	sst s10  }
0x38: {  	s10 =	sld [smem:$0x3FBA]  }
0x39: {  	_ = 	snop;
	(pc) =	sbr.ind lr, $3  }
0x3a: {  	_ = 	snop  }
0x3b: {  	_ = 	snop  }
0x3c: {  	p2 =	seq.s32 s10, $0x1;
	s10 =	sld [smem:$0x3FB9]  }
0x3d: {  	_ =	shalt  }
0x3e: {  	_ =	shalt  }
0x3f: {  	_ =	shalt  }
0x40: {  	_ =	shalt  }
0x41: {  	_ =	shalt  }
0x42: {  	_ =	shalt  }
0x43: {  	_ =	shalt  }
0x44: {  	_ =	shalt  }
0x45: {  	_ =	shalt  }
0x46: {  	_ =	shalt  }
0x47: {  	_ =	shalt  }
0x48: {  	_ =	shalt  }
0x49: {  	_ =	shalt  }
0x4a: {  	_ =	shalt  }
0x4b: {  	_ =	shalt  }
0x4c: {  	_ =	shalt  }
0x4d: {  	_ =	shalt  }
0x4e: {  	_ =	shalt  }
0x4f: {  	_ =	shalt  }
0x50: {  	_ =	shalt  }
0x51: {  	_ =	shalt  }
0x52: {  	_ =	shalt  }
0x53: {  	_ =	shalt  }
0x54: {  	_ =	shalt  }
0x55: {  	_ =	shalt  }
0x56: {  	_ =	shalt  }
0x57: {  	_ =	shalt  }
0x58: {  	_ =	shalt  }
0x59: {  	_ =	shalt  }
0x5a: {  	_ =	shalt  }
0x5b: {  	_ =	shalt  }
0x5c: {  	_ =	shalt  }
0x5d: {  	_ =	shalt  }
0x5e: {  	_ =	shalt  }
0x5f: {  	_ =	shalt  }
0x60: {  	_ =	shalt  }
0x61: {  	_ =	shalt  }
0x62: {  	_ =	shalt  }
0x63: {  	_ =	shalt  }
0x64: {  	_ =	shalt  }
0x65: {  	_ =	shalt  }
0x66: {  	_ =	shalt  }
0x67: {  	_ =	shalt  }
0x68: {  	_ =	shalt  }
0x69: {  	_ =	shalt  }
0x6a: {  	_ =	shalt  }
0x6b: {  	_ =	shalt  }
0x6c: {  	_ =	shalt  }
0x6d: {  	_ =	shalt  }
0x6e: {  	_ =	shalt  }
0x6f: {  	_ =	shalt  }
0x70: {  	_ =	shalt  }
0x71: {  	_ =	shalt  }
0x72: {  	_ =	shalt  }
0x73: {  	_ =	shalt  }
0x74: {  	_ =	shalt  }
0x75: {  	_ =	shalt  }
0x76: {  	_ =	shalt  }
0x77: {  	_ =	shalt  }
0x78: {  	_ =	shalt  }
0x79: {  	_ =	shalt  }
0x7a: {  	_ =	shalt  }
0x7b: {  	_ =	shalt  }
0x7c: {  	_ =	shalt  }
0x7d: {  	_ =	shalt  }
0x7e: {  	_ =	shalt  }
0x7f: {  	_ =	shalt  }
0x80: {  	_ =	shalt  }
0x81: {  	_ =	shalt  }
0x82: {  	_ =	shalt  }
0x83: {  	_ =	shalt  }
0x84: {  	_ =	shalt  }
0x85: {  	_ =	shalt  }
0x86: {  	_ =	shalt  }
0x87: {  	_ =	shalt  }
.Lfunc_end0:
.L_simem_size_0:
called_computation_lowered:
.L_overlay_start_0:
0x88: {  	s2 =	sld [smem:$0x3FD9]  }
0x89: {  	s3 =	sld [smem:$0x3FFE];
	_ =	sdelay $0x1  }
0x8a: {  	s1 =	srdreg.scid  }
0x8b: {  	s0 =	sand.u32 $0x1, s1  }
0x8c: {  	s17 =	sshll.u32 s0, $0xA;
	s2 =	sadd.s32 s3, s2  }
0x8d: {  	s2 =	sadd.s32 s2, s17  }
0x8e: {  	[smem:$0x3FC5] =	sst s2  }
0x8f: {  	_ = 	snop  }
0x90: {  	s2 =	sld [smem:$0x3FC9]  }
0x91: {  	s18 =	sld [smem:$0x3FD0];
	(tm) =	ssettm $0x1  }
0x92: {  	s4 =	sld [smem:$0x3FFB];
	_ =	sdelay $0x3  }
0x93: {  	_ =	strace s4  }
0x94: {  	s4 =	sld [smem:$0x3FFC];
	_ =	sdelay $0x3  }
0x95: {  	_ =	strace s4  }
0x96: {  	s4 =	sld [smem:$0x3FFD];
	_ =	sdelay $0x3  }
0x97: {  	_ =	strace s4  }
0x98: {  	_ =	strace $0x8FFFFFFF  }
0x99: {  	s19 =	sld [smem:$0x3FDB];
	_ =	sdelay $0x1  }
0x9a: {  	s5 =	simm.s32 $_scs_section_size  }
0x9b: {  	s6 =	simm.s32 $_size__tile_overlayer_lowered;
	s7 =	simm.s32 $_tile_overlayer_lowered  }
0x9c: {  	s22 =	simm.s32 $0x1BFF;
	s21 =	sshll.u32 s7, $0x1;
	s4 =	sadd.s32 s5, s19  }
0x9d: {  	s8 =	simm.s32 $0x0;
	s20 =	sshll.u32 s6, $0x1;
	s6 =	sadd.s32 s21, s4  }
0x9e: {  	[timem:s8], [sflag:s22] =	dma.local [hbm:s6], s20  }
0x9f: {  	_ =	swait.ge [sflag:s22], s20  }
0xa0: {  	s5 =	ssub.s32 $0x0, s20;
	[sflag:s22] =	ssyncset.done $0x0  }
0xa1: {  	[sflag:s22] =	ssyncadd.s32 s5;
	_ =	sdelay $0x1  }
0xa2: {  	s23 =	simm.s32 $0x1B8B  }
0xa3: {  	_ =	swait.ge [sflag:s23], $0x1  }
0xa4: {  	[sflag:s23] =	ssyncset.done $0x0  }
0xa5: {  	s25 =	simm.s32 $0x1B8E;
	s24 =	sld [smem:$0x3FFE];
	[sflag:s23] =	ssyncadd.s32 $0xFFFFFFFF  }
0xa6: {  	s26 =	simm.s32 $execute0_lowered;
	[smem:$0x3FD2] =	sst s25  }
0xa7: {  	s6 =	sshll.u32 s26, $0x1;
	_ =	strace $0x80000046;
	[dreg:$0x1] =	wrdreg $0xFFFFFFFF  }
0xa8: {  	s28 =	simm.s32 $_size_execute0_lowered;
	s4 =	sadd.s32 s4, s6;
	[dreg:$0x0] =	wrdreg $0x0  }
0xa9: {  	s6 =	sshll.u32 s28, $0x1;
	[dreg:$0x2] =	wrdreg s4  }
0xaa: {  	[dreg:$0x3] =	wrdreg s6  }
0xab: {  	[dreg:$0x4] =	wrdreg $0xC0  }
0xac: {  	_ =	task [dreg:s8], $0x5FFFF  }
0xad: {  	[dreg:$0x1] =	wrdreg $0xFFFFFFFF  }
0xae: {  	[dreg:$0x0] =	wrdreg $0x60  }
0xaf: {  	[dreg:$0x2] =	wrdreg s2  }
0xb0: {  	[dreg:$0x3] =	wrdreg s24  }
0xb1: {  	[dreg:$0x4] =	wrdreg s18  }
0xb2: {  	[dreg:$0x5] =	wrdreg $0x9  }
0xb3: {  	_ =	task.clear_ibuf [dreg:s8], $0x6FFFF;
	_ =	strace $0x90000046  }
0xb4: {  	s29 =	simm.s32 $0x9;
	_ =	strace $0x80000048  }
0xb5: {  	_ =	swait.ge [sflag:s29], $0x1  }
0xb6: {  	[sflag:s29] =	ssyncadd.s32 $0xFFFFFFFF  }
0xb7: {  	_ =	strace $0x90000048  }
0xb8: {  	_ =	sfence  }
0xb9: {  	s30 =	sld [smem:$0x0];
	_ =	sdelay $0x2  }
0xba: {  	s31 =	sshll.u32 s1, $0xD;
	s1 =	sshrl.u32 s1, $0x2  }
0xbb: {  	s3 =	sand.u32 $0x4000, s31;
	s1 =	sadd.s32 s1, s30  }
0xbc: {  	s0 =	sor.u32 s3, s0;
	s1 =	sshll.u32 s1, $0x11  }
0xbd: {  	s0 =	sor.u32 s1, s0  }
0xbe: {  	s0 =	sadd.s32 $0x8F2B, s0  }
0xbf: {  	[sflag:s0] =	ssyncadd.remote.s32 $0x1  }
0xc0: {  	_ =	sfence.sel $0xFFFF  }
0xc1: {  	[dreg:$0x0] =	wrdreg $0xFFFFFFFF;
	(pc) =	sbr.abs _section_cstart, $3  }
0xc2: {  	[dreg:$0x1] =	wrdreg $0xFFFFFFFF  }
0xc3: {  	_ =	task.clear_ibuf [dreg:s8], $0x2FFFF;
	_ =	strace $0x9FFFFFFF  }
0xc4: {  	(tm) =	ssettm $0x7FFFFFFF  }
0xc5: {  	_ =	shalt  }
tec
execute0_lowered:
.L_overlay_start_1:
0x0: {  	(tag) =	ssettag $0x1  }
0x1: {  	s0 =	srdreg.scid  }
0x2: {  	s6 =	stileid.u32;
	s1 =	sand.u32 $0x1, s0  }
0x3: {  	s0 =	sor.u32 s1, s6  }
0x4: {  	s5 =	rddreg [dreg:$0x0];
	p1 =	seq.s32 s1, $0x1;
	p0 =	seq.s32 s0, $0x0  }
0x5: {  	s4 =	rddreg [dreg:$0x1];
	p0 =	por !p0, !p1  }
0x6: {  	s3 =	simm.s32 $0x1;
	s2 =	simm.s32 $0x0;
	p0 =	por !p0, !p0  }
0x7: {  	s29 =	simm.s32 $0x5;
	s30 =	simm.s32 $0x3;
	s3 =	simm.s32 @!p0 $0x0  }
0x8: {  	s31 =	simm.s32 $0x2;
	[smem:$0x7FF] =	sst s2;
	s6 =	ssub.s32 s6, s3  }
0x9: {  	s8 =	sshll.u32 s1, $0xD;
	s10 =	ssub.s32 $0x2, s1;
	s7 =	sshll.u32 s6, $0xB  }
0xa: {  	s0 =	rddreg [dreg:$0x2];
	s9 =	sshll.u32 s6, $0x7;
	s7 =	sand.u32 $0xFFFFC000, s7  }
0xb: {  	_ =	strace $0x80000047;
	s19 =	sand.u32 $0x380, s9;
	s7 =	sor.u32 s8, s7  }
0xc: {  	s20 =	sshrl.u32 s10, $0x1;
	s3 =	sadd.s32 $0x400, s4;
	s7 =	sor.u32 s19, s7  }
0xd: {  	s6 =	sshll.u32 s6, $0x12;
	s9 =	sadd.s32 $0xF42800, s4;
	s7 =	sshrl.u32 s7, $0x3  }
0xe: {  	s4 =	simm.s32 $0x1;
	s8 =	ssub.s32 s10, s20;
	s5 =	sadd.s32 s5, s7  }
0xf: {  	[dreg:$0x4] =	wrdreg s5;
	s5 =	sshll.u32 s1, $0x11;
	s1 =	sshll.u32 s1, $0xE  }
0x10: {  	s1 =	sadd.s32 s0, s1;
	s21 =	sor.u32 $0x4000, s5;
	s23 =	sor.u32 s5, s6  }
0x11: {  	s11 =	sor.u32 $0x8000, s5;
	s28 =	sor.u32 $0xC000, s5;
	s15 =	sor.u32 $0x10000, s5  }
0x12: {  	s17 =	sor.u32 $0x14000, s5;
	s20 =	sor.u32 $0x18000, s5;
	[dreg:$0x5] =	wrdreg s1  }
0x13: {  	s22 =	sshrl.u32 s21, $0x3;
	s24 =	sshrl.u32 s23, $0x3;
	s25 =	sshrl.u32 s11, $0x3  }
0x14: {  	s1 =	sor.u32 s21, s6;
	s12 =	sor.u32 s11, s6;
	s13 =	sshrl.u32 s28, $0x3  }
0x15: {  	s16 =	sshrl.u32 s15, $0x3;
	s18 =	sshrl.u32 s17, $0x3;
	s7 =	sadd.s32 s0, s22  }
0x16: {  	s21 =	sor.u32 s17, s6;
	s26 =	sadd.s32 s0, s25;
	[dreg:$0x6] =	wrdreg s7  }
0x17: {  	s1 =	sshrl.u32 s1, $0x3;
	s19 =	sadd.s32 s0, s18;
	[dreg:$0x8] =	wrdreg s26  }
0x18: {  	s10 =	sshrl.u32 s12, $0x3;
	s7 =	sadd.s32 s9, s24;
	[dreg:$0xe] =	wrdreg s19  }
0x19: {  	s22 =	sshrl.u32 s20, $0x3;
	s1 =	sadd.s32 s9, s1;
	[dreg:$0x7] =	wrdreg s7  }
0x1a: {  	s14 =	sadd.s32 s9, s10;
	s10 =	sadd.s32 s0, s16;
	[dreg:$0x9] =	wrdreg s1  }
0x1b: {  	s24 =	sor.u32 $0x1C000, s5;
	s1 =	sadd.s32 s0, s13;
	[dreg:$0xb] =	wrdreg s14  }
0x1c: {  	s7 =	sor.u32 s28, s6;
	[dreg:$0xc] =	wrdreg s10;
	s10 =	sshrl.u32 s21, $0x3  }
0x1d: {  	s28 =	smax.u32 s8, $0x1;
	[dreg:$0xa] =	wrdreg s1;
	s7 =	sshrl.u32 s7, $0x3  }
0x1e: {  	s1 =	sor.u32 s15, s6;
	s23 =	sadd.s32 s9, s10;
	[dreg:$0x15] =	wrdreg s28  }
0x1f: {  	s7 =	sadd.s32 s9, s7;
	s1 =	sshrl.u32 s1, $0x3;
	[dreg:$0x11] =	wrdreg s23  }
0x20: {  	s5 =	sshrl.u32 s24, $0x3;
	[dreg:$0xd] =	wrdreg s7;
	s1 =	sadd.s32 s9, s1  }
0x21: {  	s23 =	simm.s32 $0x4;
	s7 =	sor.u32 s20, s6;
	[dreg:$0xf] =	wrdreg s1  }
0x22: {  	s1 =	sadd.s32 s0, s22;
	s0 =	sadd.s32 s0, s5;
	s25 =	sshrl.u32 s7, $0x3  }
0x23: {  	s5 =	simm.s32 $0x0;
	[dreg:$0x10] =	wrdreg s1;
	s1 =	sor.u32 s24, s6  }
0x24: {  	[dreg:$0x12] =	wrdreg s0;
	s0 =	sadd.s32 s9, s25;
	s1 =	sshrl.u32 s1, $0x3  }
0x25: {  	s24 =	simm.s32 $0x400;
	[dreg:$0x13] =	wrdreg s0;
	s26 =	sadd.s32 s9, s1  }
0x26: {  	s0 =	simm.s32 $0x4400;
	s1 =	simm.s32 $0x6;
	[dreg:$0x14] =	wrdreg s26  }
.LBB2_1:
0x27: {  	s6 =	rddreg [dreg:$0x4];
	s7 =	simm.s32 $0x80;
	s25 =	simm.s32 $0x7  }
0x28: {  	[tilespmem:s2], [sflag:$0x7] =	stream.strided.gather [hbm4b:s6+s7], $0x400, s24, s7, $0x38;
	[tilespmem:$0x10400] =	vst v63  }
0x29: {  	_ =	swait.ge [sflag:s25], $0x400  }
0x2a: {  	[sflag:s25] =	ssyncset.done $0x0  }
0x2b: {  	s28 =	simm.s32 $0x8400;
	s26 =	rddreg [dreg:$0x5];
	[sflag:s25] =	ssyncadd.s32 $0xFFFFFC00  }
0x2c: {  	[tilespmem:s28], [sflag:$0x5] =	stream.linear.gather [hbm4b:s26+s2], $0x4000, $0x38;
	[tilespmem:$0x10400] =	vst v63  }
0x2d: {  	v0 =	vld [tilespmem:s2+$0x0];
	_ =	sdelay $0x4  }
0x2e: {  	v0 =	vshll.u32 v0, $0x4  }
0x2f: {  	(v2sf) =	vpush v0, $0x0  }
0x30: {  	(v2sf) =	vpush v0, $0x1  }
0x31: {  	(v2sf) =	vpush v0, $0x2;
	_ =	sdelay $0x1  }
0x32: {  	(v2sf) =	vpush v0, $0x4;
	_ =	sdelay $0x1  }
0x33: {  	(v2sf) =	vpush v0, $0x3  }
0x34: {  	(v2sf) =	vpush v0, $0x5  }
0x35: {  	s8 =	simm.s32 $0x0;
	s7 =	simm.s32 $0x2000;
	s6 =	simm.s32 $0x0;
	(v2sf) =	vpush v0, $0x6  }
.LBB2_2:
0x36: {  	p0 =	sne.s32 s7, $0xE000  }
0x37: {  	s18 =	sadd.s32 $0x480, s6;
	s12 =	sadd.s32 $0x980, s6;
	s9 =	smov.u32 s7  }
0x38: {  	s7 =	sadd.s32 $0x2000, s7;
	s15 =	sadd.s32 $0x780, s6;
	s10 =	sadd.s32 $0xA00, s6;
	(v2sf) =	vpush v0, $0x7  }
0x39: {  	s17 =	sadd.s32 $0x680, s6;
	s14 =	sadd.s32 $0x800, s6;
	s11 =	sadd.s32 $0xA80, s6  }
0x3a: {  	s19 =	sadd.s32 $0x400, s6;
	s20 =	sadd.s32 $0x600, s6;
	(v2sf) =	vpush v0, $0x8  }
0x3b: {  	s21 =	sadd.s32 $0x700, s6;
	s8 =	sadd.s32 $0x10, s8  }
0x3c: {  	s22 =	sadd.s32 $0x500, s6;
	s13 =	sadd.s32 $0x900, s6;
	s16 =	spop (v2sf);
	(v2sf) =	vpush v0, $0x9  }
0x3d: {  	s25 =	sand.u32 $0x1FFFFFF0, s16;
	s16 =	sadd.s32 $0x880, s6;
	s26 =	spop (v2sf)  }
0x3e: {  	s25 =	sadd.s32 s3, s25;
	s26 =	sand.u32 $0x1FFFFFF0, s26;
	s28 =	spop (v2sf);
	(v2sf) =	vpush v0, $0xA  }
0x3f: {  	[tilespmem:s19], [sflag:$0x1] =	stream.linear.gather [hbm4b:s25+s2], $0x80, $0x38;
	[tilespmem:$0x10400] =	vst v63  }
0x40: {  	s19 =	sadd.s32 s3, s26;
	s25 =	sadd.s32 $0x580, s6;
	s26 =	spop (v2sf);
	(v2sf) =	vpush v0, $0xB  }
0x41: {  	[tilespmem:s18], [sflag:$0x1] =	stream.linear.gather [hbm4b:s19+s2], $0x80, $0x38;
	[tilespmem:$0x10400] =	vst v63  }
0x42: {  	s18 =	sand.u32 $0x1FFFFFF0, s28;
	s19 =	sand.u32 $0x1FFFFFF0, s26;
	s26 =	spop (v2sf);
	(v2sf) =	vpush v0, $0xC  }
0x43: {  	s18 =	sadd.s32 s3, s18;
	s26 =	sand.u32 $0x1FFFFFF0, s26;
	s28 =	spop (v2sf)  }
0x44: {  	[tilespmem:s22], [sflag:$0x1] =	stream.linear.gather [hbm4b:s18+s2], $0x80, $0x38;
	(v2sf) =	vpush v0, $0xD;
	[tilespmem:$0x10400] =	vst v63  }
0x45: {  	s18 =	sadd.s32 s3, s26;
	s22 =	sand.u32 $0x1FFFFFF0, s28;
	s26 =	spop (v2sf)  }
0x46: {  	[tilespmem:s25], [sflag:$0x1] =	stream.linear.gather [hbm4b:s18+s2], $0x80, $0x38;
	(v2sf) =	vpush v0, $0xE;
	[tilespmem:$0x10400] =	vst v63  }
0x47: {  	s18 =	sadd.s32 s3, s19;
	s19 =	sand.u32 $0x1FFFFFF0, s26;
	s25 =	spop (v2sf)  }
0x48: {  	[tilespmem:s20], [sflag:$0x1] =	stream.linear.gather [hbm4b:s18+s2], $0x80, $0x38;
	(v2sf) =	vpush v0, $0xF;
	[tilespmem:$0x10400] =	vst v63  }
0x49: {  	s18 =	sadd.s32 s3, s22;
	s20 =	sand.u32 $0x1FFFFFF0, s25;
	s22 =	spop (v2sf)  }
0x4a: {  	[tilespmem:s17], [sflag:$0x1] =	stream.linear.gather [hbm4b:s18+s2], $0x80, $0x38;
	[tilespmem:$0x10400] =	vst v63  }
0x4b: {  	s17 =	sadd.s32 s3, s19;
	s18 =	sand.u32 $0x1FFFFFF0, s22;
	s19 =	spop (v2sf)  }
0x4c: {  	[tilespmem:s21], [sflag:$0x1] =	stream.linear.gather [hbm4b:s17+s2], $0x80, $0x38;
	[tilespmem:$0x10400] =	vst v63  }
0x4d: {  	s17 =	sadd.s32 s3, s20;
	s19 =	sand.u32 $0x1FFFFFF0, s19;
	s20 =	spop (v2sf)  }
0x4e: {  	[tilespmem:s15], [sflag:$0x1] =	stream.linear.gather [hbm4b:s17+s2], $0x80, $0x38;
	[tilespmem:$0x10400] =	vst v63  }
0x4f: {  	s15 =	sadd.s32 s3, s18;
	s17 =	sand.u32 $0x1FFFFFF0, s20;
	s18 =	spop (v2sf)  }
0x50: {  	[tilespmem:s14], [sflag:$0x1] =	stream.linear.gather [hbm4b:s15+s2], $0x80, $0x38;
	[tilespmem:$0x10400] =	vst v63  }
0x51: {  	s14 =	sadd.s32 s3, s19;
	s15 =	sand.u32 $0x1FFFFFF0, s18;
	s18 =	spop (v2sf)  }
0x52: {  	[tilespmem:s16], [sflag:$0x1] =	stream.linear.gather [hbm4b:s14+s2], $0x80, $0x38;
	[tilespmem:$0x10400] =	vst v63  }
0x53: {  	s14 =	sadd.s32 s3, s17;
	s16 =	sand.u32 $0x1FFFFFF0, s18;
	s17 =	spop (v2sf)  }
0x54: {  	[tilespmem:s13], [sflag:$0x1] =	stream.linear.gather [hbm4b:s14+s2], $0x80, $0x38;
	[tilespmem:$0x10400] =	vst v63  }
0x55: {  	s13 =	sadd.s32 s3, s15;
	s14 =	sand.u32 $0x1FFFFFF0, s17;
	s15 =	spop (v2sf)  }
0x56: {  	[tilespmem:s12], [sflag:$0x1] =	stream.linear.gather [hbm4b:s13+s2], $0x80, $0x38;
	[tilespmem:$0x10400] =	vst v63  }
0x57: {  	s12 =	sadd.s32 s3, s16;
	s13 =	sand.u32 $0x1FFFFFF0, s15;
	s15 =	spop (v2sf)  }
0x58: {  	[tilespmem:s10], [sflag:$0x1] =	stream.linear.gather [hbm4b:s12+s2], $0x80, $0x38;
	[tilespmem:$0x10400] =	vst v63  }
0x59: {  	s10 =	sadd.s32 s3, s14;
	s12 =	sand.u32 $0x1FFFFFF0, s15  }
0x5a: {  	[tilespmem:s11], [sflag:$0x1] =	stream.linear.gather [hbm4b:s10+s2], $0x80, $0x38;
	[tilespmem:$0x10400] =	vst v63  }
0x5b: {  	s10 =	sadd.s32 $0xB00, s6;
	s11 =	sadd.s32 s3, s13  }
0x5c: {  	[tilespmem:s10], [sflag:$0x1] =	stream.linear.gather [hbm4b:s11+s2], $0x80, $0x38;
	[tilespmem:$0x10400] =	vst v63  }
0x5d: {  	s6 =	sadd.s32 $0xB80, s6;
	s10 =	sadd.s32 s3, s12  }
0x5e: {  	[tilespmem:s6], [sflag:$0x1] =	stream.linear.gather [hbm4b:s10+s2], $0x80, $0x38;
	[tilespmem:$0x10400] =	vst v63  }
0x5f: {  	v0 =	vld [tilespmem:s8+$0x0];
	_ =	sdelay $0x4  }
0x60: {  	v0 =	vshll.u32 v0, $0x4  }
0x61: {  	(v2sf) =	vpush v0, $0x0  }
0x62: {  	(v2sf) =	vpush v0, $0x1  }
0x63: {  	(v2sf) =	vpush v0, $0x2;
	_ =	sdelay $0x1  }
0x64: {  	(v2sf) =	vpush v0, $0x4  }
.Ltmp0:
0x65: {  	(pc) =	sbr.rel @p0 .LBB2_2-.Ltmp0, $3  }
0x66: {  	(v2sf) =	vpush v0, $0x3  }
0x67: {  	(v2sf) =	vpush v0, $0x5;
	_ =	sdelay $0x1  }
0x68: {  	s6 =	sshra.s32 s9, $0x2;
	(v2sf) =	vpush v0, $0x6  }
0x69: {  	_ =	sdelay $0x1  }
0x6a: {  	s10 =	sadd.s32 $0x480, s6;
	s9 =	sadd.s32 $0x980, s6  }
0x6b: {  	s11 =	sadd.s32 $0x780, s6;
	s7 =	sadd.s32 $0xA00, s6;
	(v2sf) =	vpush v0, $0x7;
	s12 =	sadd.s32 $0x680, s6  }
0x6c: {  	s13 =	sadd.s32 $0x800, s6;
	s8 =	sadd.s32 $0xA80, s6;
	s14 =	sadd.s32 $0x400, s6  }
0x6d: {  	s15 =	sadd.s32 $0x600, s6;
	s16 =	sadd.s32 $0x700, s6;
	(v2sf) =	vpush v0, $0x8;
	s17 =	spop (v2sf)  }
0x6e: {  	s18 =	sadd.s32 $0x500, s6;
	s17 =	sand.u32 $0x1FFFFFF0, s17;
	s19 =	spop (v2sf)  }
0x6f: {  	(v2sf) =	vpush v0, $0x9;
	s17 =	sadd.s32 s3, s17;
	s19 =	sand.u32 $0x1FFFFFF0, s19;
	s20 =	spop (v2sf)  }
0x70: {  	[tilespmem:s14], [sflag:$0x1] =	stream.linear.gather [hbm4b:s17+s2], $0x80, $0x38;
	[tilespmem:$0x10400] =	vst v63  }
0x71: {  	s21 =	sadd.s32 $0x580, s6;
	(v2sf) =	vpush v0, $0xA;
	s26 =	sadd.s32 s3, s19;
	s28 =	spop (v2sf)  }
0x72: {  	[tilespmem:s10], [sflag:$0x1] =	stream.linear.gather [hbm4b:s26+s2], $0x80, $0x38;
	[tilespmem:$0x10400] =	vst v63  }
0x73: {  	s14 =	sadd.s32 $0x900, s6;
	s22 =	sand.u32 $0x1FFFFFF0, s20;
	(v2sf) =	vpush v0, $0xB;
	s25 =	spop (v2sf)  }
0x74: {  	s17 =	sadd.s32 s3, s22;
	s10 =	sadd.s32 $0x880, s6;
	s20 =	sand.u32 $0x1FFFFFF0, s25  }
0x75: {  	(v2sf) =	vpush v0, $0xC;
	[tilespmem:s18], [sflag:$0x1] =	stream.linear.gather [hbm4b:s17+s2], $0x80, $0x38;
	[tilespmem:$0x10400] =	vst v63  }
0x76: {  	s26 =	sand.u32 $0x1FFFFFF0, s28;
	s28 =	spop (v2sf);
	s22 =	sadd.s32 s3, s20  }
0x77: {  	(v2sf) =	vpush v0, $0xD;
	[tilespmem:s21], [sflag:$0x1] =	stream.linear.gather [hbm4b:s22+s2], $0x80, $0x38;
	[tilespmem:$0x10400] =	vst v63  }
0x78: {  	s17 =	sadd.s32 s3, s26;
	s18 =	sand.u32 $0x1FFFFFF0, s28;
	s25 =	spop (v2sf)  }
0x79: {  	(v2sf) =	vpush v0, $0xE;
	[tilespmem:s15], [sflag:$0x1] =	stream.linear.gather [hbm4b:s17+s2], $0x80, $0x38;
	[tilespmem:$0x10400] =	vst v63  }
0x7a: {  	s18 =	sadd.s32 s3, s18;
	s26 =	sand.u32 $0x1FFFFFF0, s25;
	s28 =	spop (v2sf)  }
0x7b: {  	(v2sf) =	vpush v0, $0xF;
	[tilespmem:s12], [sflag:$0x1] =	stream.linear.gather [hbm4b:s18+s2], $0x80, $0x38;
	[tilespmem:$0x10400] =	vst v63  }
0x7c: {  	s19 =	spop (v2sf);
	s15 =	sadd.s32 s3, s26;
	s18 =	sand.u32 $0x1FFFFFF0, s28  }
0x7d: {  	[tilespmem:s16], [sflag:$0x1] =	stream.linear.gather [hbm4b:s15+s2], $0x80, $0x38;
	[tilespmem:$0x10400] =	vst v63  }
0x7e: {  	s20 =	sand.u32 $0x1FFFFFF0, s19;
	s12 =	sadd.s32 s3, s18;
	s21 =	spop (v2sf)  }
0x7f: {  	[tilespmem:s11], [sflag:$0x1] =	stream.linear.gather [hbm4b:s12+s2], $0x80, $0x38;
	[tilespmem:$0x10400] =	vst v63  }
0x80: {  	s15 =	sadd.s32 s3, s20;
	s22 =	sand.u32 $0x1FFFFFF0, s21;
	s25 =	spop (v2sf)  }
0x81: {  	[tilespmem:s13], [sflag:$0x1] =	stream.linear.gather [hbm4b:s15+s2], $0x80, $0x38;
	[tilespmem:$0x10400] =	vst v63  }
0x82: {  	s12 =	sand.u32 $0x1FFFFFF0, s25;
	s11 =	sadd.s32 s3, s22;
	s26 =	spop (v2sf)  }
0x83: {  	[tilespmem:s10], [sflag:$0x1] =	stream.linear.gather [hbm4b:s11+s2], $0x80, $0x38;
	[tilespmem:$0x10400] =	vst v63  }
0x84: {  	s12 =	sadd.s32 s3, s12;
	s28 =	sand.u32 $0x1FFFFFF0, s26;
	s13 =	spop (v2sf)  }
0x85: {  	[tilespmem:s14], [sflag:$0x1] =	stream.linear.gather [hbm4b:s12+s2], $0x80, $0x38;
	[tilespmem:$0x10400] =	vst v63  }
0x86: {  	s10 =	sadd.s32 s3, s28;
	s11 =	sand.u32 $0x1FFFFFF0, s13;
	s14 =	spop (v2sf)  }
0x87: {  	[tilespmem:s9], [sflag:$0x1] =	stream.linear.gather [hbm4b:s10+s2], $0x80, $0x38;
	[tilespmem:$0x10400] =	vst v63  }
0x88: {  	s11 =	sadd.s32 s3, s11;
	s15 =	sand.u32 $0x1FFFFFF0, s14;
	s16 =	spop (v2sf)  }
0x89: {  	[tilespmem:s7], [sflag:$0x1] =	stream.linear.gather [hbm4b:s11+s2], $0x80, $0x38;
	[tilespmem:$0x10400] =	vst v63  }
0x8a: {  	s17 =	sand.u32 $0x1FFFFFF0, s16;
	s18 =	spop (v2sf);
	s9 =	sadd.s32 s3, s15  }
0x8b: {  	[tilespmem:s8], [sflag:$0x1] =	stream.linear.gather [hbm4b:s9+s2], $0x80, $0x38;
	[tilespmem:$0x10400] =	vst v63  }
0x8c: {  	s20 =	sadd.s32 $0xB00, s6;
	s19 =	sand.u32 $0x1FFFFFF0, s18;
	s7 =	sadd.s32 s3, s17  }
0x8d: {  	[tilespmem:s20], [sflag:$0x1] =	stream.linear.gather [hbm4b:s7+s2], $0x80, $0x38;
	[tilespmem:$0x10400] =	vst v63  }
0x8e: {  	s21 =	sadd.s32 $0xB80, s6;
	s25 =	simm.s32 $0x0;
	s22 =	sadd.s32 s3, s19  }
0x8f: {  	[tilespmem:s21], [sflag:$0x1] =	stream.linear.gather [hbm4b:s22+s2], $0x80, $0x38;
	[tilespmem:$0x10400] =	vst v63  }
0x90: {  	s26 =	rddreg [dreg:$0x6];
	s28 =	simm.s32 $0xC400;
	s7 =	simm.s32 $0x80  }
0x91: {  	[tilespmem:s28], [sflag:$0x6] =	stream.linear.gather [hbm4b:s26+s25], $0x4000, $0x38;
	[tilespmem:$0x10400] =	vst v63  }
0x92: {  	v0 =	vld [tilespmem:s7+$0x0];
	_ =	sdelay $0x4  }
0x93: {  	v0 =	vshll.u32 v0, $0x4  }
0x94: {  	(v2sf) =	vpush v0, $0x0  }
0x95: {  	(v2sf) =	vpush v0, $0x1  }
0x96: {  	(v2sf) =	vpush v0, $0x2;
	_ =	sdelay $0x1  }
0x97: {  	(v2sf) =	vpush v0, $0x4;
	_ =	sdelay $0x1  }
0x98: {  	(v2sf) =	vpush v0, $0x3  }
0x99: {  	(v2sf) =	vpush v0, $0x5  }
0x9a: {  	s6 =	simm.s32 $0x0;
	s8 =	simm.s32 $0x2000;
	(v2sf) =	vpush v0, $0x6  }
.LBB2_4:
0x9b: {  	p0 =	sne.s32 s8, $0xE000  }
0x9c: {  	s18 =	sadd.s32 $0x4480, s6;
	s12 =	sadd.s32 $0x4980, s6;
	s9 =	smov.u32 s8  }
0x9d: {  	s8 =	sadd.s32 $0x2000, s8;
	s15 =	sadd.s32 $0x4780, s6;
	s10 =	sadd.s32 $0x4A00, s6;
	(v2sf) =	vpush v0, $0x7  }
0x9e: {  	s17 =	sadd.s32 $0x4680, s6;
	s14 =	sadd.s32 $0x4800, s6;
	s11 =	sadd.s32 $0x4A80, s6  }
0x9f: {  	s19 =	sadd.s32 $0x4400, s6;
	s20 =	sadd.s32 $0x4600, s6;
	(v2sf) =	vpush v0, $0x8  }
0xa0: {  	s21 =	sadd.s32 $0x4700, s6;
	s7 =	sadd.s32 $0x10, s7  }
0xa1: {  	s22 =	sadd.s32 $0x4500, s6;
	s13 =	sadd.s32 $0x4900, s6;
	s16 =	spop (v2sf);
	(v2sf) =	vpush v0, $0x9  }
0xa2: {  	s25 =	sand.u32 $0x1FFFFFF0, s16;
	s16 =	sadd.s32 $0x4880, s6;
	s26 =	spop (v2sf)  }
0xa3: {  	s25 =	sadd.s32 s3, s25;
	s26 =	sand.u32 $0x1FFFFFF0, s26;
	s28 =	spop (v2sf);
	(v2sf) =	vpush v0, $0xA  }
0xa4: {  	[tilespmem:s19], [sflag:$0x2] =	stream.linear.gather [hbm4b:s25+s2], $0x80, $0x38;
	[tilespmem:$0x10400] =	vst v63  }
0xa5: {  	s19 =	sadd.s32 s3, s26;
	s25 =	sadd.s32 $0x4580, s6;
	s26 =	spop (v2sf);
	(v2sf) =	vpush v0, $0xB  }
0xa6: {  	[tilespmem:s18], [sflag:$0x2] =	stream.linear.gather [hbm4b:s19+s2], $0x80, $0x38;
	[tilespmem:$0x10400] =	vst v63  }
0xa7: {  	s18 =	sand.u32 $0x1FFFFFF0, s28;
	s19 =	sand.u32 $0x1FFFFFF0, s26;
	s26 =	spop (v2sf);
	(v2sf) =	vpush v0, $0xC  }
0xa8: {  	s18 =	sadd.s32 s3, s18;
	s26 =	sand.u32 $0x1FFFFFF0, s26;
	s28 =	spop (v2sf)  }
0xa9: {  	[tilespmem:s22], [sflag:$0x2] =	stream.linear.gather [hbm4b:s18+s2], $0x80, $0x38;
	(v2sf) =	vpush v0, $0xD;
	[tilespmem:$0x10400] =	vst v63  }
0xaa: {  	s18 =	sadd.s32 s3, s26;
	s22 =	sand.u32 $0x1FFFFFF0, s28;
	s26 =	spop (v2sf)  }
0xab: {  	[tilespmem:s25], [sflag:$0x2] =	stream.linear.gather [hbm4b:s18+s2], $0x80, $0x38;
	(v2sf) =	vpush v0, $0xE;
	[tilespmem:$0x10400] =	vst v63  }
0xac: {  	s18 =	sadd.s32 s3, s19;
	s19 =	sand.u32 $0x1FFFFFF0, s26;
	s25 =	spop (v2sf)  }
0xad: {  	[tilespmem:s20], [sflag:$0x2] =	stream.linear.gather [hbm4b:s18+s2], $0x80, $0x38;
	(v2sf) =	vpush v0, $0xF;
	[tilespmem:$0x10400] =	vst v63  }
0xae: {  	s18 =	sadd.s32 s3, s22;
	s20 =	sand.u32 $0x1FFFFFF0, s25;
	s22 =	spop (v2sf)  }
0xaf: {  	[tilespmem:s17], [sflag:$0x2] =	stream.linear.gather [hbm4b:s18+s2], $0x80, $0x38;
	[tilespmem:$0x10400] =	vst v63  }
0xb0: {  	s17 =	sadd.s32 s3, s19;
	s18 =	sand.u32 $0x1FFFFFF0, s22;
	s19 =	spop (v2sf)  }
0xb1: {  	[tilespmem:s21], [sflag:$0x2] =	stream.linear.gather [hbm4b:s17+s2], $0x80, $0x38;
	[tilespmem:$0x10400] =	vst v63  }
0xb2: {  	s17 =	sadd.s32 s3, s20;
	s19 =	sand.u32 $0x1FFFFFF0, s19;
	s20 =	spop (v2sf)  }
0xb3: {  	[tilespmem:s15], [sflag:$0x2] =	stream.linear.gather [hbm4b:s17+s2], $0x80, $0x38;
	[tilespmem:$0x10400] =	vst v63  }
0xb4: {  	s15 =	sadd.s32 s3, s18;
	s17 =	sand.u32 $0x1FFFFFF0, s20;
	s18 =	spop (v2sf)  }
0xb5: {  	[tilespmem:s14], [sflag:$0x2] =	stream.linear.gather [hbm4b:s15+s2], $0x80, $0x38;
	[tilespmem:$0x10400] =	vst v63  }
0xb6: {  	s14 =	sadd.s32 s3, s19;
	s15 =	sand.u32 $0x1FFFFFF0, s18;
	s18 =	spop (v2sf)  }
0xb7: {  	[tilespmem:s16], [sflag:$0x2] =	stream.linear.gather [hbm4b:s14+s2], $0x80, $0x38;
	[tilespmem:$0x10400] =	vst v63  }
0xb8: {  	s14 =	sadd.s32 s3, s17;
	s16 =	sand.u32 $0x1FFFFFF0, s18;
	s17 =	spop (v2sf)  }
0xb9: {  	[tilespmem:s13], [sflag:$0x2] =	stream.linear.gather [hbm4b:s14+s2], $0x80, $0x38;
	[tilespmem:$0x10400] =	vst v63  }
0xba: {  	s13 =	sadd.s32 s3, s15;
	s14 =	sand.u32 $0x1FFFFFF0, s17;
	s15 =	spop (v2sf)  }
0xbb: {  	[tilespmem:s12], [sflag:$0x2] =	stream.linear.gather [hbm4b:s13+s2], $0x80, $0x38;
	[tilespmem:$0x10400] =	vst v63  }
0xbc: {  	s12 =	sadd.s32 s3, s16;
	s13 =	sand.u32 $0x1FFFFFF0, s15;
	s15 =	spop (v2sf)  }
0xbd: {  	[tilespmem:s10], [sflag:$0x2] =	stream.linear.gather [hbm4b:s12+s2], $0x80, $0x38;
	[tilespmem:$0x10400] =	vst v63  }
0xbe: {  	s10 =	sadd.s32 s3, s14;
	s12 =	sand.u32 $0x1FFFFFF0, s15  }
0xbf: {  	[tilespmem:s11], [sflag:$0x2] =	stream.linear.gather [hbm4b:s10+s2], $0x80, $0x38;
	[tilespmem:$0x10400] =	vst v63  }
0xc0: {  	s10 =	sadd.s32 $0x4B00, s6;
	s11 =	sadd.s32 s3, s13  }
0xc1: {  	[tilespmem:s10], [sflag:$0x2] =	stream.linear.gather [hbm4b:s11+s2], $0x80, $0x38;
	[tilespmem:$0x10400] =	vst v63  }
0xc2: {  	s6 =	sadd.s32 $0x4B80, s6;
	s10 =	sadd.s32 s3, s12  }
0xc3: {  	[tilespmem:s6], [sflag:$0x2] =	stream.linear.gather [hbm4b:s10+s2], $0x80, $0x38;
	[tilespmem:$0x10400] =	vst v63  }
0xc4: {  	v0 =	vld [tilespmem:s7+$0x0];
	_ =	sdelay $0x4  }
0xc5: {  	v0 =	vshll.u32 v0, $0x4  }
0xc6: {  	(v2sf) =	vpush v0, $0x0  }
0xc7: {  	(v2sf) =	vpush v0, $0x1  }
0xc8: {  	(v2sf) =	vpush v0, $0x2;
	_ =	sdelay $0x1  }
0xc9: {  	(v2sf) =	vpush v0, $0x4  }
.Ltmp1:
0xca: {  	(pc) =	sbr.rel @p0 .LBB2_4-.Ltmp1, $3  }
0xcb: {  	(v2sf) =	vpush v0, $0x3  }
0xcc: {  	(v2sf) =	vpush v0, $0x5;
	_ =	sdelay $0x1  }
0xcd: {  	s6 =	sshra.s32 s9, $0x2;
	(v2sf) =	vpush v0, $0x6  }
0xce: {  	_ =	sdelay $0x1  }
0xcf: {  	s10 =	sadd.s32 $0x4480, s6;
	s9 =	sadd.s32 $0x4980, s6  }
0xd0: {  	s11 =	sadd.s32 $0x4780, s6;
	s7 =	sadd.s32 $0x4A00, s6;
	(v2sf) =	vpush v0, $0x7;
	s12 =	sadd.s32 $0x4680, s6  }
0xd1: {  	s13 =	sadd.s32 $0x4800, s6;
	s8 =	sadd.s32 $0x4A80, s6;
	s14 =	sadd.s32 $0x4400, s6  }
0xd2: {  	s15 =	sadd.s32 $0x4600, s6;
	s16 =	sadd.s32 $0x4700, s6;
	(v2sf) =	vpush v0, $0x8;
	s17 =	spop (v2sf)  }
0xd3: {  	s18 =	sadd.s32 $0x4500, s6;
	s17 =	sand.u32 $0x1FFFFFF0, s17;
	s19 =	spop (v2sf)  }
0xd4: {  	(v2sf) =	vpush v0, $0x9;
	s17 =	sadd.s32 s3, s17;
	s19 =	sand.u32 $0x1FFFFFF0, s19;
	s20 =	spop (v2sf)  }
0xd5: {  	[tilespmem:s14], [sflag:$0x2] =	stream.linear.gather [hbm4b:s17+s2], $0x80, $0x38;
	[tilespmem:$0x10400] =	vst v63  }
0xd6: {  	s21 =	sadd.s32 $0x4580, s6;
	(v2sf) =	vpush v0, $0xA;
	s26 =	sadd.s32 s3, s19;
	s28 =	spop (v2sf)  }
0xd7: {  	[tilespmem:s10], [sflag:$0x2] =	stream.linear.gather [hbm4b:s26+s2], $0x80, $0x38;
	[tilespmem:$0x10400] =	vst v63  }
0xd8: {  	s14 =	sadd.s32 $0x4900, s6;
	s22 =	sand.u32 $0x1FFFFFF0, s20;
	(v2sf) =	vpush v0, $0xB;
	s25 =	spop (v2sf)  }
0xd9: {  	s17 =	sadd.s32 s3, s22;
	s10 =	sadd.s32 $0x4880, s6;
	s20 =	sand.u32 $0x1FFFFFF0, s25  }
0xda: {  	(v2sf) =	vpush v0, $0xC;
	[tilespmem:s18], [sflag:$0x2] =	stream.linear.gather [hbm4b:s17+s2], $0x80, $0x38;
	[tilespmem:$0x10400] =	vst v63  }
0xdb: {  	s26 =	sand.u32 $0x1FFFFFF0, s28;
	s28 =	spop (v2sf);
	s22 =	sadd.s32 s3, s20  }
0xdc: {  	(v2sf) =	vpush v0, $0xD;
	[tilespmem:s21], [sflag:$0x2] =	stream.linear.gather [hbm4b:s22+s2], $0x80, $0x38;
	[tilespmem:$0x10400] =	vst v63  }
0xdd: {  	s17 =	sadd.s32 s3, s26;
	s18 =	sand.u32 $0x1FFFFFF0, s28;
	s25 =	spop (v2sf)  }
0xde: {  	(v2sf) =	vpush v0, $0xE;
	[tilespmem:s15], [sflag:$0x2] =	stream.linear.gather [hbm4b:s17+s2], $0x80, $0x38;
	[tilespmem:$0x10400] =	vst v63  }
0xdf: {  	s18 =	sadd.s32 s3, s18;
	s26 =	sand.u32 $0x1FFFFFF0, s25;
	s28 =	spop (v2sf)  }
0xe0: {  	(v2sf) =	vpush v0, $0xF;
	[tilespmem:s12], [sflag:$0x2] =	stream.linear.gather [hbm4b:s18+s2], $0x80, $0x38;
	[tilespmem:$0x10400] =	vst v63  }
0xe1: {  	s19 =	sand.u32 $0x1FFFFFF0, s28;
	s20 =	spop (v2sf);
	s15 =	sadd.s32 s3, s26  }
0xe2: {  	[tilespmem:s16], [sflag:$0x2] =	stream.linear.gather [hbm4b:s15+s2], $0x80, $0x38;
	[tilespmem:$0x10400] =	vst v63  }
0xe3: {  	s21 =	sand.u32 $0x1FFFFFF0, s20;
	s12 =	sadd.s32 s3, s19;
	s22 =	spop (v2sf)  }
0xe4: {  	[tilespmem:s11], [sflag:$0x2] =	stream.linear.gather [hbm4b:s12+s2], $0x80, $0x38;
	[tilespmem:$0x10400] =	vst v63  }
0xe5: {  	s15 =	sadd.s32 s3, s21;
	s25 =	sand.u32 $0x1FFFFFF0, s22;
	s26 =	spop (v2sf)  }
0xe6: {  	[tilespmem:s13], [sflag:$0x2] =	stream.linear.gather [hbm4b:s15+s2], $0x80, $0x38;
	[tilespmem:$0x10400] =	vst v63  }
0xe7: {  	s12 =	sand.u32 $0x1FFFFFF0, s26;
	s11 =	sadd.s32 s3, s25;
	s28 =	spop (v2sf)  }
0xe8: {  	[tilespmem:s10], [sflag:$0x2] =	stream.linear.gather [hbm4b:s11+s2], $0x80, $0x38;
	[tilespmem:$0x10400] =	vst v63  }
0xe9: {  	s12 =	sadd.s32 s3, s12;
	s15 =	sand.u32 $0x1FFFFFF0, s28;
	s16 =	spop (v2sf)  }
0xea: {  	[tilespmem:s14], [sflag:$0x2] =	stream.linear.gather [hbm4b:s12+s2], $0x80, $0x38;
	[tilespmem:$0x10400] =	vst v63  }
0xeb: {  	s10 =	sadd.s32 s3, s15;
	s11 =	sand.u32 $0x1FFFFFF0, s16;
	s17 =	spop (v2sf)  }
0xec: {  	[tilespmem:s9], [sflag:$0x2] =	stream.linear.gather [hbm4b:s10+s2], $0x80, $0x38;
	[tilespmem:$0x10400] =	vst v63  }
0xed: {  	s18 =	sand.u32 $0x1FFFFFF0, s17;
	s11 =	sadd.s32 s3, s11;
	s19 =	spop (v2sf)  }
0xee: {  	[tilespmem:s7], [sflag:$0x2] =	stream.linear.gather [hbm4b:s11+s2], $0x80, $0x38;
	[tilespmem:$0x10400] =	vst v63  }
0xef: {  	s20 =	sand.u32 $0x1FFFFFF0, s19;
	s21 =	spop (v2sf);
	s9 =	sadd.s32 s3, s18  }
0xf0: {  	[tilespmem:s8], [sflag:$0x2] =	stream.linear.gather [hbm4b:s9+s2], $0x80, $0x38;
	[tilespmem:$0x10400] =	vst v63  }
0xf1: {  	s25 =	sadd.s32 $0x4B00, s6;
	s22 =	sand.u32 $0x1FFFFFF0, s21;
	s7 =	sadd.s32 s3, s20  }
0xf2: {  	[tilespmem:s25], [sflag:$0x2] =	stream.linear.gather [hbm4b:s7+s2], $0x80, $0x38;
	[tilespmem:$0x10400] =	vst v63  }
0xf3: {  	s26 =	sadd.s32 $0x4B80, s6;
	s28 =	sadd.s32 s3, s22  }
0xf4: {  	[tilespmem:s26], [sflag:$0x2] =	stream.linear.gather [hbm4b:s28+s2], $0x80, $0x38;
	[tilespmem:$0x10400] =	vst v63  }
0xf5: {  	_ =	swait.ge [sflag:s4], $0x4000  }
0xf6: {  	[sflag:s4] =	ssyncset.done $0x0  }
0xf7: {  	[sflag:s4] =	ssyncadd.s32 $0xFFFFC000  }
0xf8: {  	_ =	swait.ge [sflag:s29], $0x4000  }
0xf9: {  	[sflag:s29] =	ssyncset.done $0x0  }
0xfa: {  	s6 =	simm.s32 $0x0;
	[sflag:s29] =	ssyncadd.s32 $0xFFFFC000  }
0xfb: {  	v1 =	vld [tilespmem:s6+$0x8400]  }
0xfc: {  	v0 =	vld [tilespmem:s6+$0x8410]  }
0xfd: {  	v3 =	vld [tilespmem:s6+$0x400]  }
0xfe: {  	v4 =	vld [tilespmem:s6+$0x410]  }
0xff: {  	s7 =	simm.s32 $0x200;
	v2 =	vld [tilespmem:s6+$0x420]  }
.LBB2_6:
0x100: {  	p0 =	sne.s32 s7, $0xFE00;
	v5 =	vld [tilespmem:s6+$0x430]  }
0x101: {  	v6 =	vld [tilespmem:s6+$0x8420]  }
0x102: {  	v3 =	vmul.f32 $8.000000000e+00, v3;
	v7 =	vld [tilespmem:s6+$0x8430]  }
0x103: {  	v4 =	vmul.f32 $8.000000000e+00, v4  }
0x104: {  	s8 =	sshra.s32 s7, $0x2;
	v3 =	vadd.f32 v1, v3;
	v2 =	vmul.f32 $8.000000000e+00, v2  }
.Ltmp2:
0x105: {  	v1 =	vld [tilespmem:s8+$0x8400];
	v4 =	vadd.f32 v0, v4;
	v5 =	vmul.f32 $8.000000000e+00, v5;
	(pc) =	sbr.rel @p0 .LBB2_6-.Ltmp2, $4  }
0x106: {  	v0 =	vld [tilespmem:s8+$0x8410];
	[tilespmem:s6+$0x400] =	vst v3;
	v2 =	vadd.f32 v6, v2  }
0x107: {  	v3 =	vld [tilespmem:s8+$0x400];
	[tilespmem:s6+$0x410] =	vst v4;
	v5 =	vadd.f32 v7, v5  }
0x108: {  	v4 =	vld [tilespmem:s8+$0x410];
	[tilespmem:s6+$0x420] =	vst v2  }
0x109: {  	s7 =	sadd.s32 $0x200, s7;
	v2 =	vld [tilespmem:s8+$0x420];
	[tilespmem:s6+$0x430] =	vst v5;
	s6 =	smov.u32 s8  }
0x10a: {  	v5 =	vld [tilespmem:s6+$0x430]  }
0x10b: {  	v6 =	vld [tilespmem:s6+$0x8420]  }
0x10c: {  	v7 =	vld [tilespmem:s6+$0x8430];
	v3 =	vmul.f32 $8.000000000e+00, v3  }
0x10d: {  	v4 =	vmul.f32 $8.000000000e+00, v4  }
0x10e: {  	v1 =	vadd.f32 v1, v3;
	v2 =	vmul.f32 $8.000000000e+00, v2  }
0x10f: {  	v0 =	vadd.f32 v0, v4;
	v3 =	vmul.f32 $8.000000000e+00, v5  }
0x110: {  	[tilespmem:s6+$0x400] =	vst v1;
	v1 =	vadd.f32 v6, v2  }
0x111: {  	[tilespmem:s6+$0x410] =	vst v0;
	v0 =	vadd.f32 v7, v3  }
0x112: {  	[tilespmem:s6+$0x420] =	vst v1  }
0x113: {  	s26 =	simm.s32 $0x0;
	s7 =	rddreg [dreg:$0x7];
	[tilespmem:s6+$0x430] =	vst v0  }
0x114: {  	[hbm4b:s7+s26] =	stream.linear.scatter [tilespmem:s24], [sflag:$0x3], $0x4000, $0x38;
	[tilespmem:$0x10400] =	vst v63  }
0x115: {  	_ =	swait.ge [sflag:s30], $0x4000  }
0x116: {  	s8 =	simm.s32 $0x8400;
	[sflag:s30] =	ssyncset.done $0x0  }
0x117: {  	s7 =	simm.s32 $0x100;
	s28 =	rddreg [dreg:$0x8];
	[sflag:s30] =	ssyncadd.s32 $0xFFFFC000  }
0x118: {  	[tilespmem:s8], [sflag:$0x5] =	stream.linear.gather [hbm4b:s28+s26], $0x4000, $0x38;
	[tilespmem:$0x10400] =	vst v63  }
0x119: {  	v0 =	vld [tilespmem:s7+$0x0];
	_ =	sdelay $0x4  }
0x11a: {  	v0 =	vshll.u32 v0, $0x4  }
0x11b: {  	(v2sf) =	vpush v0, $0x0  }
0x11c: {  	(v2sf) =	vpush v0, $0x1  }
0x11d: {  	(v2sf) =	vpush v0, $0x2;
	_ =	sdelay $0x1  }
0x11e: {  	(v2sf) =	vpush v0, $0x4;
	_ =	sdelay $0x1  }
0x11f: {  	(v2sf) =	vpush v0, $0x3  }
0x120: {  	(v2sf) =	vpush v0, $0x5  }
0x121: {  	s6 =	simm.s32 $0x0;
	s8 =	simm.s32 $0x2000;
	(v2sf) =	vpush v0, $0x6  }
.LBB2_8:
0x122: {  	p0 =	sne.s32 s8, $0xE000  }
0x123: {  	s18 =	sadd.s32 $0x480, s6;
	s12 =	sadd.s32 $0x980, s6;
	s9 =	smov.u32 s8  }
0x124: {  	s8 =	sadd.s32 $0x2000, s8;
	s15 =	sadd.s32 $0x780, s6;
	s10 =	sadd.s32 $0xA00, s6;
	(v2sf) =	vpush v0, $0x7  }
0x125: {  	s17 =	sadd.s32 $0x680, s6;
	s14 =	sadd.s32 $0x800, s6;
	s11 =	sadd.s32 $0xA80, s6  }
0x126: {  	s19 =	sadd.s32 $0x400, s6;
	s20 =	sadd.s32 $0x600, s6;
	(v2sf) =	vpush v0, $0x8  }
0x127: {  	s21 =	sadd.s32 $0x700, s6;
	s7 =	sadd.s32 $0x10, s7  }
0x128: {  	s22 =	sadd.s32 $0x500, s6;
	s13 =	sadd.s32 $0x900, s6;
	s16 =	spop (v2sf);
	(v2sf) =	vpush v0, $0x9  }
0x129: {  	s25 =	sand.u32 $0x1FFFFFF0, s16;
	s16 =	sadd.s32 $0x880, s6;
	s26 =	spop (v2sf)  }
0x12a: {  	s25 =	sadd.s32 s3, s25;
	s26 =	sand.u32 $0x1FFFFFF0, s26;
	s28 =	spop (v2sf);
	(v2sf) =	vpush v0, $0xA  }
0x12b: {  	[tilespmem:s19], [sflag:$0x1] =	stream.linear.gather [hbm4b:s25+s2], $0x80, $0x38;
	[tilespmem:$0x10400] =	vst v63  }
0x12c: {  	s19 =	sadd.s32 s3, s26;
	s25 =	sadd.s32 $0x580, s6;
	s26 =	spop (v2sf);
	(v2sf) =	vpush v0, $0xB  }
0x12d: {  	[tilespmem:s18], [sflag:$0x1] =	stream.linear.gather [hbm4b:s19+s2], $0x80, $0x38;
	[tilespmem:$0x10400] =	vst v63  }
0x12e: {  	s18 =	sand.u32 $0x1FFFFFF0, s28;
	s19 =	sand.u32 $0x1FFFFFF0, s26;
	s26 =	spop (v2sf);
	(v2sf) =	vpush v0, $0xC  }
0x12f: {  	s18 =	sadd.s32 s3, s18;
	s26 =	sand.u32 $0x1FFFFFF0, s26;
	s28 =	spop (v2sf)  }
0x130: {  	[tilespmem:s22], [sflag:$0x1] =	stream.linear.gather [hbm4b:s18+s2], $0x80, $0x38;
	(v2sf) =	vpush v0, $0xD;
	[tilespmem:$0x10400] =	vst v63  }
0x131: {  	s18 =	sadd.s32 s3, s26;
	s22 =	sand.u32 $0x1FFFFFF0, s28;
	s26 =	spop (v2sf)  }
0x132: {  	[tilespmem:s25], [sflag:$0x1] =	stream.linear.gather [hbm4b:s18+s2], $0x80, $0x38;
	(v2sf) =	vpush v0, $0xE;
	[tilespmem:$0x10400] =	vst v63  }
0x133: {  	s18 =	sadd.s32 s3, s19;
	s19 =	sand.u32 $0x1FFFFFF0, s26;
	s25 =	spop (v2sf)  }
0x134: {  	[tilespmem:s20], [sflag:$0x1] =	stream.linear.gather [hbm4b:s18+s2], $0x80, $0x38;
	(v2sf) =	vpush v0, $0xF;
	[tilespmem:$0x10400] =	vst v63  }
0x135: {  	s18 =	sadd.s32 s3, s22;
	s20 =	sand.u32 $0x1FFFFFF0, s25;
	s22 =	spop (v2sf)  }
0x136: {  	[tilespmem:s17], [sflag:$0x1] =	stream.linear.gather [hbm4b:s18+s2], $0x80, $0x38;
	[tilespmem:$0x10400] =	vst v63  }
0x137: {  	s17 =	sadd.s32 s3, s19;
	s18 =	sand.u32 $0x1FFFFFF0, s22;
	s19 =	spop (v2sf)  }
0x138: {  	[tilespmem:s21], [sflag:$0x1] =	stream.linear.gather [hbm4b:s17+s2], $0x80, $0x38;
	[tilespmem:$0x10400] =	vst v63  }
0x139: {  	s17 =	sadd.s32 s3, s20;
	s19 =	sand.u32 $0x1FFFFFF0, s19;
	s20 =	spop (v2sf)  }
0x13a: {  	[tilespmem:s15], [sflag:$0x1] =	stream.linear.gather [hbm4b:s17+s2], $0x80, $0x38;
	[tilespmem:$0x10400] =	vst v63  }
0x13b: {  	s15 =	sadd.s32 s3, s18;
	s17 =	sand.u32 $0x1FFFFFF0, s20;
	s18 =	spop (v2sf)  }
0x13c: {  	[tilespmem:s14], [sflag:$0x1] =	stream.linear.gather [hbm4b:s15+s2], $0x80, $0x38;
	[tilespmem:$0x10400] =	vst v63  }
0x13d: {  	s14 =	sadd.s32 s3, s19;
	s15 =	sand.u32 $0x1FFFFFF0, s18;
	s18 =	spop (v2sf)  }
0x13e: {  	[tilespmem:s16], [sflag:$0x1] =	stream.linear.gather [hbm4b:s14+s2], $0x80, $0x38;
	[tilespmem:$0x10400] =	vst v63  }
0x13f: {  	s14 =	sadd.s32 s3, s17;
	s16 =	sand.u32 $0x1FFFFFF0, s18;
	s17 =	spop (v2sf)  }
0x140: {  	[tilespmem:s13], [sflag:$0x1] =	stream.linear.gather [hbm4b:s14+s2], $0x80, $0x38;
	[tilespmem:$0x10400] =	vst v63  }
0x141: {  	s13 =	sadd.s32 s3, s15;
	s14 =	sand.u32 $0x1FFFFFF0, s17;
	s15 =	spop (v2sf)  }
0x142: {  	[tilespmem:s12], [sflag:$0x1] =	stream.linear.gather [hbm4b:s13+s2], $0x80, $0x38;
	[tilespmem:$0x10400] =	vst v63  }
0x143: {  	s12 =	sadd.s32 s3, s16;
	s13 =	sand.u32 $0x1FFFFFF0, s15;
	s15 =	spop (v2sf)  }
0x144: {  	[tilespmem:s10], [sflag:$0x1] =	stream.linear.gather [hbm4b:s12+s2], $0x80, $0x38;
	[tilespmem:$0x10400] =	vst v63  }
0x145: {  	s10 =	sadd.s32 s3, s14;
	s12 =	sand.u32 $0x1FFFFFF0, s15  }
0x146: {  	[tilespmem:s11], [sflag:$0x1] =	stream.linear.gather [hbm4b:s10+s2], $0x80, $0x38;
	[tilespmem:$0x10400] =	vst v63  }
0x147: {  	s10 =	sadd.s32 $0xB00, s6;
	s11 =	sadd.s32 s3, s13  }
0x148: {  	[tilespmem:s10], [sflag:$0x1] =	stream.linear.gather [hbm4b:s11+s2], $0x80, $0x38;
	[tilespmem:$0x10400] =	vst v63  }
0x149: {  	s6 =	sadd.s32 $0xB80, s6;
	s10 =	sadd.s32 s3, s12  }
0x14a: {  	[tilespmem:s6], [sflag:$0x1] =	stream.linear.gather [hbm4b:s10+s2], $0x80, $0x38;
	[tilespmem:$0x10400] =	vst v63  }
0x14b: {  	v0 =	vld [tilespmem:s7+$0x0];
	_ =	sdelay $0x4  }
0x14c: {  	v0 =	vshll.u32 v0, $0x4  }
0x14d: {  	(v2sf) =	vpush v0, $0x0  }
0x14e: {  	(v2sf) =	vpush v0, $0x1  }
0x14f: {  	(v2sf) =	vpush v0, $0x2;
	_ =	sdelay $0x1  }
0x150: {  	(v2sf) =	vpush v0, $0x4  }
.Ltmp3:
0x151: {  	(pc) =	sbr.rel @p0 .LBB2_8-.Ltmp3, $3  }
0x152: {  	(v2sf) =	vpush v0, $0x3  }
0x153: {  	(v2sf) =	vpush v0, $0x5;
	_ =	sdelay $0x1  }
0x154: {  	s6 =	sshra.s32 s9, $0x2;
	(v2sf) =	vpush v0, $0x6  }
0x155: {  	_ =	sdelay $0x1  }
0x156: {  	s10 =	sadd.s32 $0x480, s6;
	s9 =	sadd.s32 $0x980, s6  }
0x157: {  	s11 =	sadd.s32 $0x780, s6;
	s7 =	sadd.s32 $0xA00, s6;
	(v2sf) =	vpush v0, $0x7;
	s12 =	sadd.s32 $0x680, s6  }
0x158: {  	s13 =	sadd.s32 $0x800, s6;
	s8 =	sadd.s32 $0xA80, s6;
	s14 =	sadd.s32 $0x400, s6  }
0x159: {  	s15 =	sadd.s32 $0x600, s6;
	s16 =	sadd.s32 $0x700, s6;
	(v2sf) =	vpush v0, $0x8;
	s17 =	spop (v2sf)  }
0x15a: {  	s18 =	sadd.s32 $0x500, s6;
	s17 =	sand.u32 $0x1FFFFFF0, s17;
	s19 =	spop (v2sf)  }
0x15b: {  	(v2sf) =	vpush v0, $0x9;
	s17 =	sadd.s32 s3, s17;
	s19 =	sand.u32 $0x1FFFFFF0, s19;
	s20 =	spop (v2sf)  }
0x15c: {  	[tilespmem:s14], [sflag:$0x1] =	stream.linear.gather [hbm4b:s17+s2], $0x80, $0x38;
	[tilespmem:$0x10400] =	vst v63  }
0x15d: {  	s21 =	sadd.s32 $0x580, s6;
	(v2sf) =	vpush v0, $0xA;
	s26 =	sadd.s32 s3, s19;
	s28 =	spop (v2sf)  }
0x15e: {  	[tilespmem:s10], [sflag:$0x1] =	stream.linear.gather [hbm4b:s26+s2], $0x80, $0x38;
	[tilespmem:$0x10400] =	vst v63  }
0x15f: {  	s14 =	sadd.s32 $0x900, s6;
	s22 =	sand.u32 $0x1FFFFFF0, s20;
	(v2sf) =	vpush v0, $0xB;
	s25 =	spop (v2sf)  }
0x160: {  	s17 =	sadd.s32 s3, s22;
	s10 =	sadd.s32 $0x880, s6;
	s20 =	sand.u32 $0x1FFFFFF0, s25  }
0x161: {  	(v2sf) =	vpush v0, $0xC;
	[tilespmem:s18], [sflag:$0x1] =	stream.linear.gather [hbm4b:s17+s2], $0x80, $0x38;
	[tilespmem:$0x10400] =	vst v63  }
0x162: {  	s26 =	sand.u32 $0x1FFFFFF0, s28;
	s28 =	spop (v2sf);
	s22 =	sadd.s32 s3, s20  }
0x163: {  	(v2sf) =	vpush v0, $0xD;
	[tilespmem:s21], [sflag:$0x1] =	stream.linear.gather [hbm4b:s22+s2], $0x80, $0x38;
	[tilespmem:$0x10400] =	vst v63  }
0x164: {  	s17 =	sadd.s32 s3, s26;
	s18 =	sand.u32 $0x1FFFFFF0, s28;
	s25 =	spop (v2sf)  }
0x165: {  	(v2sf) =	vpush v0, $0xE;
	[tilespmem:s15], [sflag:$0x1] =	stream.linear.gather [hbm4b:s17+s2], $0x80, $0x38;
	[tilespmem:$0x10400] =	vst v63  }
0x166: {  	s18 =	sadd.s32 s3, s18;
	s26 =	sand.u32 $0x1FFFFFF0, s25;
	s28 =	spop (v2sf)  }
0x167: {  	(v2sf) =	vpush v0, $0xF;
	[tilespmem:s12], [sflag:$0x1] =	stream.linear.gather [hbm4b:s18+s2], $0x80, $0x38;
	[tilespmem:$0x10400] =	vst v63  }
0x168: {  	s19 =	sand.u32 $0x1FFFFFF0, s28;
	s20 =	spop (v2sf);
	s15 =	sadd.s32 s3, s26  }
0x169: {  	[tilespmem:s16], [sflag:$0x1] =	stream.linear.gather [hbm4b:s15+s2], $0x80, $0x38;
	[tilespmem:$0x10400] =	vst v63  }
0x16a: {  	s21 =	sand.u32 $0x1FFFFFF0, s20;
	s12 =	sadd.s32 s3, s19;
	s22 =	spop (v2sf)  }
0x16b: {  	[tilespmem:s11], [sflag:$0x1] =	stream.linear.gather [hbm4b:s12+s2], $0x80, $0x38;
	[tilespmem:$0x10400] =	vst v63  }
0x16c: {  	s15 =	sadd.s32 s3, s21;
	s25 =	sand.u32 $0x1FFFFFF0, s22;
	s26 =	spop (v2sf)  }
0x16d: {  	[tilespmem:s13], [sflag:$0x1] =	stream.linear.gather [hbm4b:s15+s2], $0x80, $0x38;
	[tilespmem:$0x10400] =	vst v63  }
0x16e: {  	s12 =	sand.u32 $0x1FFFFFF0, s26;
	s11 =	sadd.s32 s3, s25;
	s28 =	spop (v2sf)  }
0x16f: {  	[tilespmem:s10], [sflag:$0x1] =	stream.linear.gather [hbm4b:s11+s2], $0x80, $0x38;
	[tilespmem:$0x10400] =	vst v63  }
0x170: {  	s12 =	sadd.s32 s3, s12;
	s15 =	sand.u32 $0x1FFFFFF0, s28;
	s16 =	spop (v2sf)  }
0x171: {  	[tilespmem:s14], [sflag:$0x1] =	stream.linear.gather [hbm4b:s12+s2], $0x80, $0x38;
	[tilespmem:$0x10400] =	vst v63  }
0x172: {  	s10 =	sadd.s32 s3, s15;
	s11 =	sand.u32 $0x1FFFFFF0, s16;
	s17 =	spop (v2sf)  }
0x173: {  	[tilespmem:s9], [sflag:$0x1] =	stream.linear.gather [hbm4b:s10+s2], $0x80, $0x38;
	[tilespmem:$0x10400] =	vst v63  }
0x174: {  	s18 =	sand.u32 $0x1FFFFFF0, s17;
	s11 =	sadd.s32 s3, s11;
	s19 =	spop (v2sf)  }
0x175: {  	[tilespmem:s7], [sflag:$0x1] =	stream.linear.gather [hbm4b:s11+s2], $0x80, $0x38;
	[tilespmem:$0x10400] =	vst v63  }
0x176: {  	s20 =	sand.u32 $0x1FFFFFF0, s19;
	s21 =	spop (v2sf);
	s9 =	sadd.s32 s3, s18  }
0x177: {  	[tilespmem:s8], [sflag:$0x1] =	stream.linear.gather [hbm4b:s9+s2], $0x80, $0x38;
	[tilespmem:$0x10400] =	vst v63  }
0x178: {  	s25 =	sadd.s32 $0xB00, s6;
	s22 =	sand.u32 $0x1FFFFFF0, s21;
	s7 =	sadd.s32 s3, s20  }
0x179: {  	[tilespmem:s25], [sflag:$0x1] =	stream.linear.gather [hbm4b:s7+s2], $0x80, $0x38;
	[tilespmem:$0x10400] =	vst v63  }
0x17a: {  	s26 =	sadd.s32 $0xB80, s6;
	s28 =	sadd.s32 s3, s22  }
0x17b: {  	[tilespmem:s26], [sflag:$0x1] =	stream.linear.gather [hbm4b:s28+s2], $0x80, $0x38;
	[tilespmem:$0x10400] =	vst v63  }
0x17c: {  	_ =	swait.ge [sflag:s31], $0x4000  }
0x17d: {  	[sflag:s31] =	ssyncset.done $0x0  }
0x17e: {  	[sflag:s31] =	ssyncadd.s32 $0xFFFFC000  }
0x17f: {  	_ =	swait.ge [sflag:s1], $0x4000  }
0x180: {  	[sflag:s1] =	ssyncset.done $0x0  }
0x181: {  	s6 =	simm.s32 $0x0;
	[sflag:s1] =	ssyncadd.s32 $0xFFFFC000  }
0x182: {  	v1 =	vld [tilespmem:s6+$0xC400]  }
0x183: {  	v0 =	vld [tilespmem:s6+$0xC410]  }
0x184: {  	v3 =	vld [tilespmem:s6+$0x4400]  }
0x185: {  	v4 =	vld [tilespmem:s6+$0x4410]  }
0x186: {  	s7 =	simm.s32 $0x200;
	v2 =	vld [tilespmem:s6+$0x4420]  }
.LBB2_10:
0x187: {  	p0 =	sne.s32 s7, $0xFE00;
	v5 =	vld [tilespmem:s6+$0x4430]  }
0x188: {  	v6 =	vld [tilespmem:s6+$0xC420]  }
0x189: {  	v3 =	vmul.f32 $8.000000000e+00, v3;
	v7 =	vld [tilespmem:s6+$0xC430]  }
0x18a: {  	v4 =	vmul.f32 $8.000000000e+00, v4  }
0x18b: {  	s8 =	sshra.s32 s7, $0x2;
	v3 =	vadd.f32 v1, v3;
	v2 =	vmul.f32 $8.000000000e+00, v2  }
.Ltmp4:
0x18c: {  	v1 =	vld [tilespmem:s8+$0xC400];
	v4 =	vadd.f32 v0, v4;
	v5 =	vmul.f32 $8.000000000e+00, v5;
	(pc) =	sbr.rel @p0 .LBB2_10-.Ltmp4, $4  }
0x18d: {  	v0 =	vld [tilespmem:s8+$0xC410];
	[tilespmem:s6+$0x4400] =	vst v3;
	v2 =	vadd.f32 v6, v2  }
0x18e: {  	v3 =	vld [tilespmem:s8+$0x4400];
	[tilespmem:s6+$0x4410] =	vst v4;
	v5 =	vadd.f32 v7, v5  }
0x18f: {  	v4 =	vld [tilespmem:s8+$0x4410];
	[tilespmem:s6+$0x4420] =	vst v2  }
0x190: {  	s7 =	sadd.s32 $0x200, s7;
	v2 =	vld [tilespmem:s8+$0x4420];
	[tilespmem:s6+$0x4430] =	vst v5;
	s6 =	smov.u32 s8  }
0x191: {  	v5 =	vld [tilespmem:s6+$0x4430]  }
0x192: {  	v6 =	vld [tilespmem:s6+$0xC420]  }
0x193: {  	v7 =	vld [tilespmem:s6+$0xC430];
	v3 =	vmul.f32 $8.000000000e+00, v3  }
0x194: {  	v4 =	vmul.f32 $8.000000000e+00, v4  }
0x195: {  	v1 =	vadd.f32 v1, v3;
	v2 =	vmul.f32 $8.000000000e+00, v2  }
0x196: {  	v0 =	vadd.f32 v0, v4;
	v3 =	vmul.f32 $8.000000000e+00, v5  }
0x197: {  	[tilespmem:s6+$0x4400] =	vst v1;
	v1 =	vadd.f32 v6, v2  }
0x198: {  	[tilespmem:s6+$0x4410] =	vst v0;
	v0 =	vadd.f32 v7, v3  }
0x199: {  	[tilespmem:s6+$0x4420] =	vst v1  }
0x19a: {  	s26 =	simm.s32 $0x0;
	s7 =	rddreg [dreg:$0x9];
	[tilespmem:s6+$0x4430] =	vst v0  }
0x19b: {  	[hbm4b:s7+s26] =	stream.linear.scatter [tilespmem:s0], [sflag:$0x4], $0x4000, $0x38;
	[tilespmem:$0x10400] =	vst v63  }
0x19c: {  	_ =	swait.ge [sflag:s23], $0x4000  }
0x19d: {  	s8 =	simm.s32 $0xC400;
	[sflag:s23] =	ssyncset.done $0x0  }
0x19e: {  	s7 =	simm.s32 $0x180;
	s28 =	rddreg [dreg:$0xa];
	[sflag:s23] =	ssyncadd.s32 $0xFFFFC000  }
0x19f: {  	[tilespmem:s8], [sflag:$0x6] =	stream.linear.gather [hbm4b:s28+s26], $0x4000, $0x38;
	[tilespmem:$0x10400] =	vst v63  }
0x1a0: {  	v0 =	vld [tilespmem:s7+$0x0];
	_ =	sdelay $0x4  }
0x1a1: {  	v0 =	vshll.u32 v0, $0x4  }
0x1a2: {  	(v2sf) =	vpush v0, $0x0  }
0x1a3: {  	(v2sf) =	vpush v0, $0x1  }
0x1a4: {  	(v2sf) =	vpush v0, $0x2;
	_ =	sdelay $0x1  }
0x1a5: {  	(v2sf) =	vpush v0, $0x4;
	_ =	sdelay $0x1  }
0x1a6: {  	(v2sf) =	vpush v0, $0x3  }
0x1a7: {  	(v2sf) =	vpush v0, $0x5  }
0x1a8: {  	s6 =	simm.s32 $0x0;
	s8 =	simm.s32 $0x2000;
	(v2sf) =	vpush v0, $0x6  }
.LBB2_12:
0x1a9: {  	p0 =	sne.s32 s8, $0xE000  }
0x1aa: {  	s18 =	sadd.s32 $0x4480, s6;
	s12 =	sadd.s32 $0x4980, s6;
	s9 =	smov.u32 s8  }
0x1ab: {  	s8 =	sadd.s32 $0x2000, s8;
	s15 =	sadd.s32 $0x4780, s6;
	s10 =	sadd.s32 $0x4A00, s6;
	(v2sf) =	vpush v0, $0x7  }
0x1ac: {  	s17 =	sadd.s32 $0x4680, s6;
	s14 =	sadd.s32 $0x4800, s6;
	s11 =	sadd.s32 $0x4A80, s6  }
0x1ad: {  	s19 =	sadd.s32 $0x4400, s6;
	s20 =	sadd.s32 $0x4600, s6;
	(v2sf) =	vpush v0, $0x8  }
0x1ae: {  	s21 =	sadd.s32 $0x4700, s6;
	s7 =	sadd.s32 $0x10, s7  }
0x1af: {  	s22 =	sadd.s32 $0x4500, s6;
	s13 =	sadd.s32 $0x4900, s6;
	s16 =	spop (v2sf);
	(v2sf) =	vpush v0, $0x9  }
0x1b0: {  	s25 =	sand.u32 $0x1FFFFFF0, s16;
	s16 =	sadd.s32 $0x4880, s6;
	s26 =	spop (v2sf)  }
0x1b1: {  	s25 =	sadd.s32 s3, s25;
	s26 =	sand.u32 $0x1FFFFFF0, s26;
	s28 =	spop (v2sf);
	(v2sf) =	vpush v0, $0xA  }
0x1b2: {  	[tilespmem:s19], [sflag:$0x2] =	stream.linear.gather [hbm4b:s25+s2], $0x80, $0x38;
	[tilespmem:$0x10400] =	vst v63  }
0x1b3: {  	s19 =	sadd.s32 s3, s26;
	s25 =	sadd.s32 $0x4580, s6;
	s26 =	spop (v2sf);
	(v2sf) =	vpush v0, $0xB  }
0x1b4: {  	[tilespmem:s18], [sflag:$0x2] =	stream.linear.gather [hbm4b:s19+s2], $0x80, $0x38;
	[tilespmem:$0x10400] =	vst v63  }
0x1b5: {  	s18 =	sand.u32 $0x1FFFFFF0, s28;
	s19 =	sand.u32 $0x1FFFFFF0, s26;
	s26 =	spop (v2sf);
	(v2sf) =	vpush v0, $0xC  }
0x1b6: {  	s18 =	sadd.s32 s3, s18;
	s26 =	sand.u32 $0x1FFFFFF0, s26;
	s28 =	spop (v2sf)  }
0x1b7: {  	[tilespmem:s22], [sflag:$0x2] =	stream.linear.gather [hbm4b:s18+s2], $0x80, $0x38;
	(v2sf) =	vpush v0, $0xD;
	[tilespmem:$0x10400] =	vst v63  }
0x1b8: {  	s18 =	sadd.s32 s3, s26;
	s22 =	sand.u32 $0x1FFFFFF0, s28;
	s26 =	spop (v2sf)  }
0x1b9: {  	[tilespmem:s25], [sflag:$0x2] =	stream.linear.gather [hbm4b:s18+s2], $0x80, $0x38;
	(v2sf) =	vpush v0, $0xE;
	[tilespmem:$0x10400] =	vst v63  }
0x1ba: {  	s18 =	sadd.s32 s3, s19;
	s19 =	sand.u32 $0x1FFFFFF0, s26;
	s25 =	spop (v2sf)  }
0x1bb: {  	[tilespmem:s20], [sflag:$0x2] =	stream.linear.gather [hbm4b:s18+s2], $0x80, $0x38;
	(v2sf) =	vpush v0, $0xF;
	[tilespmem:$0x10400] =	vst v63  }
0x1bc: {  	s18 =	sadd.s32 s3, s22;
	s20 =	sand.u32 $0x1FFFFFF0, s25;
	s22 =	spop (v2sf)  }
0x1bd: {  	[tilespmem:s17], [sflag:$0x2] =	stream.linear.gather [hbm4b:s18+s2], $0x80, $0x38;
	[tilespmem:$0x10400] =	vst v63  }
0x1be: {  	s17 =	sadd.s32 s3, s19;
	s18 =	sand.u32 $0x1FFFFFF0, s22;
	s19 =	spop (v2sf)  }
0x1bf: {  	[tilespmem:s21], [sflag:$0x2] =	stream.linear.gather [hbm4b:s17+s2], $0x80, $0x38;
	[tilespmem:$0x10400] =	vst v63  }
0x1c0: {  	s17 =	sadd.s32 s3, s20;
	s19 =	sand.u32 $0x1FFFFFF0, s19;
	s20 =	spop (v2sf)  }
0x1c1: {  	[tilespmem:s15], [sflag:$0x2] =	stream.linear.gather [hbm4b:s17+s2], $0x80, $0x38;
	[tilespmem:$0x10400] =	vst v63  }
0x1c2: {  	s15 =	sadd.s32 s3, s18;
	s17 =	sand.u32 $0x1FFFFFF0, s20;
	s18 =	spop (v2sf)  }
0x1c3: {  	[tilespmem:s14], [sflag:$0x2] =	stream.linear.gather [hbm4b:s15+s2], $0x80, $0x38;
	[tilespmem:$0x10400] =	vst v63  }
0x1c4: {  	s14 =	sadd.s32 s3, s19;
	s15 =	sand.u32 $0x1FFFFFF0, s18;
	s18 =	spop (v2sf)  }
0x1c5: {  	[tilespmem:s16], [sflag:$0x2] =	stream.linear.gather [hbm4b:s14+s2], $0x80, $0x38;
	[tilespmem:$0x10400] =	vst v63  }
0x1c6: {  	s14 =	sadd.s32 s3, s17;
	s16 =	sand.u32 $0x1FFFFFF0, s18;
	s17 =	spop (v2sf)  }
0x1c7: {  	[tilespmem:s13], [sflag:$0x2] =	stream.linear.gather [hbm4b:s14+s2], $0x80, $0x38;
	[tilespmem:$0x10400] =	vst v63  }
0x1c8: {  	s13 =	sadd.s32 s3, s15;
	s14 =	sand.u32 $0x1FFFFFF0, s17;
	s15 =	spop (v2sf)  }
0x1c9: {  	[tilespmem:s12], [sflag:$0x2] =	stream.linear.gather [hbm4b:s13+s2], $0x80, $0x38;
	[tilespmem:$0x10400] =	vst v63  }
0x1ca: {  	s12 =	sadd.s32 s3, s16;
	s13 =	sand.u32 $0x1FFFFFF0, s15;
	s15 =	spop (v2sf)  }
0x1cb: {  	[tilespmem:s10], [sflag:$0x2] =	stream.linear.gather [hbm4b:s12+s2], $0x80, $0x38;
	[tilespmem:$0x10400] =	vst v63  }
0x1cc: {  	s10 =	sadd.s32 s3, s14;
	s12 =	sand.u32 $0x1FFFFFF0, s15  }
0x1cd: {  	[tilespmem:s11], [sflag:$0x2] =	stream.linear.gather [hbm4b:s10+s2], $0x80, $0x38;
	[tilespmem:$0x10400] =	vst v63  }
0x1ce: {  	s10 =	sadd.s32 $0x4B00, s6;
	s11 =	sadd.s32 s3, s13  }
0x1cf: {  	[tilespmem:s10], [sflag:$0x2] =	stream.linear.gather [hbm4b:s11+s2], $0x80, $0x38;
	[tilespmem:$0x10400] =	vst v63  }
0x1d0: {  	s6 =	sadd.s32 $0x4B80, s6;
	s10 =	sadd.s32 s3, s12  }
0x1d1: {  	[tilespmem:s6], [sflag:$0x2] =	stream.linear.gather [hbm4b:s10+s2], $0x80, $0x38;
	[tilespmem:$0x10400] =	vst v63  }
0x1d2: {  	v0 =	vld [tilespmem:s7+$0x0];
	_ =	sdelay $0x4  }
0x1d3: {  	v0 =	vshll.u32 v0, $0x4  }
0x1d4: {  	(v2sf) =	vpush v0, $0x0  }
0x1d5: {  	(v2sf) =	vpush v0, $0x1  }
0x1d6: {  	(v2sf) =	vpush v0, $0x2;
	_ =	sdelay $0x1  }
0x1d7: {  	(v2sf) =	vpush v0, $0x4  }
.Ltmp5:
0x1d8: {  	(pc) =	sbr.rel @p0 .LBB2_12-.Ltmp5, $3  }
0x1d9: {  	(v2sf) =	vpush v0, $0x3  }
0x1da: {  	(v2sf) =	vpush v0, $0x5;
	_ =	sdelay $0x1  }
0x1db: {  	s6 =	sshra.s32 s9, $0x2;
	(v2sf) =	vpush v0, $0x6  }
0x1dc: {  	_ =	sdelay $0x1  }
0x1dd: {  	s10 =	sadd.s32 $0x4480, s6;
	s9 =	sadd.s32 $0x4980, s6  }
0x1de: {  	s11 =	sadd.s32 $0x4780, s6;
	s7 =	sadd.s32 $0x4A00, s6;
	(v2sf) =	vpush v0, $0x7;
	s12 =	sadd.s32 $0x4680, s6  }
0x1df: {  	s13 =	sadd.s32 $0x4800, s6;
	s8 =	sadd.s32 $0x4A80, s6;
	s14 =	sadd.s32 $0x4400, s6  }
0x1e0: {  	s15 =	sadd.s32 $0x4600, s6;
	s16 =	sadd.s32 $0x4700, s6;
	(v2sf) =	vpush v0, $0x8;
	s17 =	spop (v2sf)  }
0x1e1: {  	s18 =	sadd.s32 $0x4500, s6;
	s17 =	sand.u32 $0x1FFFFFF0, s17;
	s19 =	spop (v2sf)  }
0x1e2: {  	(v2sf) =	vpush v0, $0x9;
	s17 =	sadd.s32 s3, s17;
	s19 =	sand.u32 $0x1FFFFFF0, s19;
	s20 =	spop (v2sf)  }
0x1e3: {  	[tilespmem:s14], [sflag:$0x2] =	stream.linear.gather [hbm4b:s17+s2], $0x80, $0x38;
	[tilespmem:$0x10400] =	vst v63  }
0x1e4: {  	s21 =	sadd.s32 $0x4580, s6;
	(v2sf) =	vpush v0, $0xA;
	s26 =	sadd.s32 s3, s19;
	s28 =	spop (v2sf)  }
0x1e5: {  	[tilespmem:s10], [sflag:$0x2] =	stream.linear.gather [hbm4b:s26+s2], $0x80, $0x38;
	[tilespmem:$0x10400] =	vst v63  }
0x1e6: {  	s14 =	sadd.s32 $0x4900, s6;
	s22 =	sand.u32 $0x1FFFFFF0, s20;
	(v2sf) =	vpush v0, $0xB;
	s25 =	spop (v2sf)  }
0x1e7: {  	s17 =	sadd.s32 s3, s22;
	s10 =	sadd.s32 $0x4880, s6;
	s20 =	sand.u32 $0x1FFFFFF0, s25  }
0x1e8: {  	(v2sf) =	vpush v0, $0xC;
	[tilespmem:s18], [sflag:$0x2] =	stream.linear.gather [hbm4b:s17+s2], $0x80, $0x38;
	[tilespmem:$0x10400] =	vst v63  }
0x1e9: {  	s26 =	sand.u32 $0x1FFFFFF0, s28;
	s28 =	spop (v2sf);
	s22 =	sadd.s32 s3, s20  }
0x1ea: {  	(v2sf) =	vpush v0, $0xD;
	[tilespmem:s21], [sflag:$0x2] =	stream.linear.gather [hbm4b:s22+s2], $0x80, $0x38;
	[tilespmem:$0x10400] =	vst v63  }
0x1eb: {  	s17 =	sadd.s32 s3, s26;
	s18 =	sand.u32 $0x1FFFFFF0, s28;
	s25 =	spop (v2sf)  }
0x1ec: {  	(v2sf) =	vpush v0, $0xE;
	[tilespmem:s15], [sflag:$0x2] =	stream.linear.gather [hbm4b:s17+s2], $0x80, $0x38;
	[tilespmem:$0x10400] =	vst v63  }
0x1ed: {  	s18 =	sadd.s32 s3, s18;
	s26 =	sand.u32 $0x1FFFFFF0, s25;
	s28 =	spop (v2sf)  }
0x1ee: {  	(v2sf) =	vpush v0, $0xF;
	[tilespmem:s12], [sflag:$0x2] =	stream.linear.gather [hbm4b:s18+s2], $0x80, $0x38;
	[tilespmem:$0x10400] =	vst v63  }
0x1ef: {  	s19 =	sand.u32 $0x1FFFFFF0, s28;
	s20 =	spop (v2sf);
	s15 =	sadd.s32 s3, s26  }
0x1f0: {  	[tilespmem:s16], [sflag:$0x2] =	stream.linear.gather [hbm4b:s15+s2], $0x80, $0x38;
	[tilespmem:$0x10400] =	vst v63  }
0x1f1: {  	s21 =	sand.u32 $0x1FFFFFF0, s20;
	s12 =	sadd.s32 s3, s19;
	s22 =	spop (v2sf)  }
0x1f2: {  	[tilespmem:s11], [sflag:$0x2] =	stream.linear.gather [hbm4b:s12+s2], $0x80, $0x38;
	[tilespmem:$0x10400] =	vst v63  }
0x1f3: {  	s15 =	sadd.s32 s3, s21;
	s25 =	sand.u32 $0x1FFFFFF0, s22;
	s26 =	spop (v2sf)  }
0x1f4: {  	[tilespmem:s13], [sflag:$0x2] =	stream.linear.gather [hbm4b:s15+s2], $0x80, $0x38;
	[tilespmem:$0x10400] =	vst v63  }
0x1f5: {  	s12 =	sand.u32 $0x1FFFFFF0, s26;
	s11 =	sadd.s32 s3, s25;
	s28 =	spop (v2sf)  }
0x1f6: {  	[tilespmem:s10], [sflag:$0x2] =	stream.linear.gather [hbm4b:s11+s2], $0x80, $0x38;
	[tilespmem:$0x10400] =	vst v63  }
0x1f7: {  	s12 =	sadd.s32 s3, s12;
	s15 =	sand.u32 $0x1FFFFFF0, s28;
	s16 =	spop (v2sf)  }
0x1f8: {  	[tilespmem:s14], [sflag:$0x2] =	stream.linear.gather [hbm4b:s12+s2], $0x80, $0x38;
	[tilespmem:$0x10400] =	vst v63  }
0x1f9: {  	s10 =	sadd.s32 s3, s15;
	s11 =	sand.u32 $0x1FFFFFF0, s16;
	s17 =	spop (v2sf)  }
0x1fa: {  	[tilespmem:s9], [sflag:$0x2] =	stream.linear.gather [hbm4b:s10+s2], $0x80, $0x38;
	[tilespmem:$0x10400] =	vst v63  }
0x1fb: {  	s18 =	sand.u32 $0x1FFFFFF0, s17;
	s11 =	sadd.s32 s3, s11;
	s19 =	spop (v2sf)  }
0x1fc: {  	[tilespmem:s7], [sflag:$0x2] =	stream.linear.gather [hbm4b:s11+s2], $0x80, $0x38;
	[tilespmem:$0x10400] =	vst v63  }
0x1fd: {  	s20 =	sand.u32 $0x1FFFFFF0, s19;
	s21 =	spop (v2sf);
	s9 =	sadd.s32 s3, s18  }
0x1fe: {  	[tilespmem:s8], [sflag:$0x2] =	stream.linear.gather [hbm4b:s9+s2], $0x80, $0x38;
	[tilespmem:$0x10400] =	vst v63  }
0x1ff: {  	s25 =	sadd.s32 $0x4B00, s6;
	s22 =	sand.u32 $0x1FFFFFF0, s21;
	s7 =	sadd.s32 s3, s20  }
0x200: {  	[tilespmem:s25], [sflag:$0x2] =	stream.linear.gather [hbm4b:s7+s2], $0x80, $0x38;
	[tilespmem:$0x10400] =	vst v63  }
0x201: {  	s26 =	sadd.s32 $0x4B80, s6;
	s28 =	sadd.s32 s3, s22  }
0x202: {  	[tilespmem:s26], [sflag:$0x2] =	stream.linear.gather [hbm4b:s28+s2], $0x80, $0x38;
	[tilespmem:$0x10400] =	vst v63  }
0x203: {  	_ =	swait.ge [sflag:s4], $0x4000  }
0x204: {  	[sflag:s4] =	ssyncset.done $0x0  }
0x205: {  	[sflag:s4] =	ssyncadd.s32 $0xFFFFC000  }
0x206: {  	_ =	swait.ge [sflag:s29], $0x4000  }
0x207: {  	[sflag:s29] =	ssyncset.done $0x0  }
0x208: {  	s6 =	simm.s32 $0x0;
	[sflag:s29] =	ssyncadd.s32 $0xFFFFC000  }
0x209: {  	v1 =	vld [tilespmem:s6+$0x8400]  }
0x20a: {  	v0 =	vld [tilespmem:s6+$0x8410]  }
0x20b: {  	v3 =	vld [tilespmem:s6+$0x400]  }
0x20c: {  	v4 =	vld [tilespmem:s6+$0x410]  }
0x20d: {  	s7 =	simm.s32 $0x200;
	v2 =	vld [tilespmem:s6+$0x420]  }
.LBB2_14:
0x20e: {  	p0 =	sne.s32 s7, $0xFE00;
	v5 =	vld [tilespmem:s6+$0x430]  }
0x20f: {  	v6 =	vld [tilespmem:s6+$0x8420]  }
0x210: {  	v3 =	vmul.f32 $8.000000000e+00, v3;
	v7 =	vld [tilespmem:s6+$0x8430]  }
0x211: {  	v4 =	vmul.f32 $8.000000000e+00, v4  }
0x212: {  	s8 =	sshra.s32 s7, $0x2;
	v3 =	vadd.f32 v1, v3;
	v2 =	vmul.f32 $8.000000000e+00, v2  }
.Ltmp6:
0x213: {  	v1 =	vld [tilespmem:s8+$0x8400];
	v4 =	vadd.f32 v0, v4;
	v5 =	vmul.f32 $8.000000000e+00, v5;
	(pc) =	sbr.rel @p0 .LBB2_14-.Ltmp6, $4  }
0x214: {  	v0 =	vld [tilespmem:s8+$0x8410];
	[tilespmem:s6+$0x400] =	vst v3;
	v2 =	vadd.f32 v6, v2  }
0x215: {  	v3 =	vld [tilespmem:s8+$0x400];
	[tilespmem:s6+$0x410] =	vst v4;
	v5 =	vadd.f32 v7, v5  }
0x216: {  	v4 =	vld [tilespmem:s8+$0x410];
	[tilespmem:s6+$0x420] =	vst v2  }
0x217: {  	s7 =	sadd.s32 $0x200, s7;
	v2 =	vld [tilespmem:s8+$0x420];
	[tilespmem:s6+$0x430] =	vst v5;
	s6 =	smov.u32 s8  }
0x218: {  	v5 =	vld [tilespmem:s6+$0x430]  }
0x219: {  	v6 =	vld [tilespmem:s6+$0x8420]  }
0x21a: {  	v7 =	vld [tilespmem:s6+$0x8430];
	v3 =	vmul.f32 $8.000000000e+00, v3  }
0x21b: {  	v4 =	vmul.f32 $8.000000000e+00, v4  }
0x21c: {  	v1 =	vadd.f32 v1, v3;
	v2 =	vmul.f32 $8.000000000e+00, v2  }
0x21d: {  	v0 =	vadd.f32 v0, v4;
	v3 =	vmul.f32 $8.000000000e+00, v5  }
0x21e: {  	[tilespmem:s6+$0x400] =	vst v1;
	v1 =	vadd.f32 v6, v2  }
0x21f: {  	[tilespmem:s6+$0x410] =	vst v0;
	v0 =	vadd.f32 v7, v3  }
0x220: {  	[tilespmem:s6+$0x420] =	vst v1  }
0x221: {  	s26 =	simm.s32 $0x0;
	s7 =	rddreg [dreg:$0xb];
	[tilespmem:s6+$0x430] =	vst v0  }
0x222: {  	[hbm4b:s7+s26] =	stream.linear.scatter [tilespmem:s24], [sflag:$0x3], $0x4000, $0x38;
	[tilespmem:$0x10400] =	vst v63  }
0x223: {  	_ =	swait.ge [sflag:s30], $0x4000  }
0x224: {  	s8 =	simm.s32 $0x8400;
	[sflag:s30] =	ssyncset.done $0x0  }
0x225: {  	s7 =	simm.s32 $0x200;
	s28 =	rddreg [dreg:$0xc];
	[sflag:s30] =	ssyncadd.s32 $0xFFFFC000  }
0x226: {  	[tilespmem:s8], [sflag:$0x5] =	stream.linear.gather [hbm4b:s28+s26], $0x4000, $0x38;
	[tilespmem:$0x10400] =	vst v63  }
0x227: {  	v0 =	vld [tilespmem:s7+$0x0];
	_ =	sdelay $0x4  }
0x228: {  	v0 =	vshll.u32 v0, $0x4  }
0x229: {  	(v2sf) =	vpush v0, $0x0  }
0x22a: {  	(v2sf) =	vpush v0, $0x1  }
0x22b: {  	(v2sf) =	vpush v0, $0x2;
	_ =	sdelay $0x1  }
0x22c: {  	(v2sf) =	vpush v0, $0x4;
	_ =	sdelay $0x1  }
0x22d: {  	(v2sf) =	vpush v0, $0x3  }
0x22e: {  	(v2sf) =	vpush v0, $0x5  }
0x22f: {  	s6 =	simm.s32 $0x0;
	s8 =	simm.s32 $0x2000;
	(v2sf) =	vpush v0, $0x6  }
.LBB2_16:
0x230: {  	p0 =	sne.s32 s8, $0xE000  }
0x231: {  	s18 =	sadd.s32 $0x480, s6;
	s12 =	sadd.s32 $0x980, s6;
	s9 =	smov.u32 s8  }
0x232: {  	s8 =	sadd.s32 $0x2000, s8;
	s15 =	sadd.s32 $0x780, s6;
	s10 =	sadd.s32 $0xA00, s6;
	(v2sf) =	vpush v0, $0x7  }
0x233: {  	s17 =	sadd.s32 $0x680, s6;
	s14 =	sadd.s32 $0x800, s6;
	s11 =	sadd.s32 $0xA80, s6  }
0x234: {  	s19 =	sadd.s32 $0x400, s6;
	s20 =	sadd.s32 $0x600, s6;
	(v2sf) =	vpush v0, $0x8  }
0x235: {  	s21 =	sadd.s32 $0x700, s6;
	s7 =	sadd.s32 $0x10, s7  }
0x236: {  	s22 =	sadd.s32 $0x500, s6;
	s13 =	sadd.s32 $0x900, s6;
	s16 =	spop (v2sf);
	(v2sf) =	vpush v0, $0x9  }
0x237: {  	s25 =	sand.u32 $0x1FFFFFF0, s16;
	s16 =	sadd.s32 $0x880, s6;
	s26 =	spop (v2sf)  }
0x238: {  	s25 =	sadd.s32 s3, s25;
	s26 =	sand.u32 $0x1FFFFFF0, s26;
	s28 =	spop (v2sf);
	(v2sf) =	vpush v0, $0xA  }
0x239: {  	[tilespmem:s19], [sflag:$0x1] =	stream.linear.gather [hbm4b:s25+s2], $0x80, $0x38;
	[tilespmem:$0x10400] =	vst v63  }
0x23a: {  	s19 =	sadd.s32 s3, s26;
	s25 =	sadd.s32 $0x580, s6;
	s26 =	spop (v2sf);
	(v2sf) =	vpush v0, $0xB  }
0x23b: {  	[tilespmem:s18], [sflag:$0x1] =	stream.linear.gather [hbm4b:s19+s2], $0x80, $0x38;
	[tilespmem:$0x10400] =	vst v63  }
0x23c: {  	s18 =	sand.u32 $0x1FFFFFF0, s28;
	s19 =	sand.u32 $0x1FFFFFF0, s26;
	s26 =	spop (v2sf);
	(v2sf) =	vpush v0, $0xC  }
0x23d: {  	s18 =	sadd.s32 s3, s18;
	s26 =	sand.u32 $0x1FFFFFF0, s26;
	s28 =	spop (v2sf)  }
0x23e: {  	[tilespmem:s22], [sflag:$0x1] =	stream.linear.gather [hbm4b:s18+s2], $0x80, $0x38;
	(v2sf) =	vpush v0, $0xD;
	[tilespmem:$0x10400] =	vst v63  }
0x23f: {  	s18 =	sadd.s32 s3, s26;
	s22 =	sand.u32 $0x1FFFFFF0, s28;
	s26 =	spop (v2sf)  }
0x240: {  	[tilespmem:s25], [sflag:$0x1] =	stream.linear.gather [hbm4b:s18+s2], $0x80, $0x38;
	(v2sf) =	vpush v0, $0xE;
	[tilespmem:$0x10400] =	vst v63  }
0x241: {  	s18 =	sadd.s32 s3, s19;
	s19 =	sand.u32 $0x1FFFFFF0, s26;
	s25 =	spop (v2sf)  }
0x242: {  	[tilespmem:s20], [sflag:$0x1] =	stream.linear.gather [hbm4b:s18+s2], $0x80, $0x38;
	(v2sf) =	vpush v0, $0xF;
	[tilespmem:$0x10400] =	vst v63  }
0x243: {  	s18 =	sadd.s32 s3, s22;
	s20 =	sand.u32 $0x1FFFFFF0, s25;
	s22 =	spop (v2sf)  }
0x244: {  	[tilespmem:s17], [sflag:$0x1] =	stream.linear.gather [hbm4b:s18+s2], $0x80, $0x38;
	[tilespmem:$0x10400] =	vst v63  }
0x245: {  	s17 =	sadd.s32 s3, s19;
	s18 =	sand.u32 $0x1FFFFFF0, s22;
	s19 =	spop (v2sf)  }
0x246: {  	[tilespmem:s21], [sflag:$0x1] =	stream.linear.gather [hbm4b:s17+s2], $0x80, $0x38;
	[tilespmem:$0x10400] =	vst v63  }
0x247: {  	s17 =	sadd.s32 s3, s20;
	s19 =	sand.u32 $0x1FFFFFF0, s19;
	s20 =	spop (v2sf)  }
0x248: {  	[tilespmem:s15], [sflag:$0x1] =	stream.linear.gather [hbm4b:s17+s2], $0x80, $0x38;
	[tilespmem:$0x10400] =	vst v63  }
0x249: {  	s15 =	sadd.s32 s3, s18;
	s17 =	sand.u32 $0x1FFFFFF0, s20;
	s18 =	spop (v2sf)  }
0x24a: {  	[tilespmem:s14], [sflag:$0x1] =	stream.linear.gather [hbm4b:s15+s2], $0x80, $0x38;
	[tilespmem:$0x10400] =	vst v63  }
0x24b: {  	s14 =	sadd.s32 s3, s19;
	s15 =	sand.u32 $0x1FFFFFF0, s18;
	s18 =	spop (v2sf)  }
0x24c: {  	[tilespmem:s16], [sflag:$0x1] =	stream.linear.gather [hbm4b:s14+s2], $0x80, $0x38;
	[tilespmem:$0x10400] =	vst v63  }
0x24d: {  	s14 =	sadd.s32 s3, s17;
	s16 =	sand.u32 $0x1FFFFFF0, s18;
	s17 =	spop (v2sf)  }
0x24e: {  	[tilespmem:s13], [sflag:$0x1] =	stream.linear.gather [hbm4b:s14+s2], $0x80, $0x38;
	[tilespmem:$0x10400] =	vst v63  }
0x24f: {  	s13 =	sadd.s32 s3, s15;
	s14 =	sand.u32 $0x1FFFFFF0, s17;
	s15 =	spop (v2sf)  }
0x250: {  	[tilespmem:s12], [sflag:$0x1] =	stream.linear.gather [hbm4b:s13+s2], $0x80, $0x38;
	[tilespmem:$0x10400] =	vst v63  }
0x251: {  	s12 =	sadd.s32 s3, s16;
	s13 =	sand.u32 $0x1FFFFFF0, s15;
	s15 =	spop (v2sf)  }
0x252: {  	[tilespmem:s10], [sflag:$0x1] =	stream.linear.gather [hbm4b:s12+s2], $0x80, $0x38;
	[tilespmem:$0x10400] =	vst v63  }
0x253: {  	s10 =	sadd.s32 s3, s14;
	s12 =	sand.u32 $0x1FFFFFF0, s15  }
0x254: {  	[tilespmem:s11], [sflag:$0x1] =	stream.linear.gather [hbm4b:s10+s2], $0x80, $0x38;
	[tilespmem:$0x10400] =	vst v63  }
0x255: {  	s10 =	sadd.s32 $0xB00, s6;
	s11 =	sadd.s32 s3, s13  }
0x256: {  	[tilespmem:s10], [sflag:$0x1] =	stream.linear.gather [hbm4b:s11+s2], $0x80, $0x38;
	[tilespmem:$0x10400] =	vst v63  }
0x257: {  	s6 =	sadd.s32 $0xB80, s6;
	s10 =	sadd.s32 s3, s12  }
0x258: {  	[tilespmem:s6], [sflag:$0x1] =	stream.linear.gather [hbm4b:s10+s2], $0x80, $0x38;
	[tilespmem:$0x10400] =	vst v63  }
0x259: {  	v0 =	vld [tilespmem:s7+$0x0];
	_ =	sdelay $0x4  }
0x25a: {  	v0 =	vshll.u32 v0, $0x4  }
0x25b: {  	(v2sf) =	vpush v0, $0x0  }
0x25c: {  	(v2sf) =	vpush v0, $0x1  }
0x25d: {  	(v2sf) =	vpush v0, $0x2;
	_ =	sdelay $0x1  }
0x25e: {  	(v2sf) =	vpush v0, $0x4  }
.Ltmp7:
0x25f: {  	(pc) =	sbr.rel @p0 .LBB2_16-.Ltmp7, $3  }
0x260: {  	(v2sf) =	vpush v0, $0x3  }
0x261: {  	(v2sf) =	vpush v0, $0x5;
	_ =	sdelay $0x1  }
0x262: {  	s6 =	sshra.s32 s9, $0x2;
	(v2sf) =	vpush v0, $0x6  }
0x263: {  	_ =	sdelay $0x1  }
0x264: {  	s10 =	sadd.s32 $0x480, s6;
	s9 =	sadd.s32 $0x980, s6  }
0x265: {  	s11 =	sadd.s32 $0x780, s6;
	s7 =	sadd.s32 $0xA00, s6;
	(v2sf) =	vpush v0, $0x7;
	s12 =	sadd.s32 $0x680, s6  }
0x266: {  	s13 =	sadd.s32 $0x800, s6;
	s8 =	sadd.s32 $0xA80, s6;
	s14 =	sadd.s32 $0x400, s6  }
0x267: {  	s15 =	sadd.s32 $0x600, s6;
	s16 =	sadd.s32 $0x700, s6;
	(v2sf) =	vpush v0, $0x8;
	s17 =	spop (v2sf)  }
0x268: {  	s18 =	sadd.s32 $0x500, s6;
	s17 =	sand.u32 $0x1FFFFFF0, s17;
	s19 =	spop (v2sf)  }
0x269: {  	(v2sf) =	vpush v0, $0x9;
	s17 =	sadd.s32 s3, s17;
	s19 =	sand.u32 $0x1FFFFFF0, s19;
	s20 =	spop (v2sf)  }
0x26a: {  	[tilespmem:s14], [sflag:$0x1] =	stream.linear.gather [hbm4b:s17+s2], $0x80, $0x38;
	[tilespmem:$0x10400] =	vst v63  }
0x26b: {  	s21 =	sadd.s32 $0x580, s6;
	(v2sf) =	vpush v0, $0xA;
	s26 =	sadd.s32 s3, s19;
	s28 =	spop (v2sf)  }
0x26c: {  	[tilespmem:s10], [sflag:$0x1] =	stream.linear.gather [hbm4b:s26+s2], $0x80, $0x38;
	[tilespmem:$0x10400] =	vst v63  }
0x26d: {  	s14 =	sadd.s32 $0x900, s6;
	s22 =	sand.u32 $0x1FFFFFF0, s20;
	(v2sf) =	vpush v0, $0xB;
	s25 =	spop (v2sf)  }
0x26e: {  	s17 =	sadd.s32 s3, s22;
	s10 =	sadd.s32 $0x880, s6;
	s20 =	sand.u32 $0x1FFFFFF0, s25  }
0x26f: {  	(v2sf) =	vpush v0, $0xC;
	[tilespmem:s18], [sflag:$0x1] =	stream.linear.gather [hbm4b:s17+s2], $0x80, $0x38;
	[tilespmem:$0x10400] =	vst v63  }
0x270: {  	s26 =	sand.u32 $0x1FFFFFF0, s28;
	s28 =	spop (v2sf);
	s22 =	sadd.s32 s3, s20  }
0x271: {  	(v2sf) =	vpush v0, $0xD;
	[tilespmem:s21], [sflag:$0x1] =	stream.linear.gather [hbm4b:s22+s2], $0x80, $0x38;
	[tilespmem:$0x10400] =	vst v63  }
0x272: {  	s17 =	sadd.s32 s3, s26;
	s18 =	sand.u32 $0x1FFFFFF0, s28;
	s25 =	spop (v2sf)  }
0x273: {  	(v2sf) =	vpush v0, $0xE;
	[tilespmem:s15], [sflag:$0x1] =	stream.linear.gather [hbm4b:s17+s2], $0x80, $0x38;
	[tilespmem:$0x10400] =	vst v63  }
0x274: {  	s18 =	sadd.s32 s3, s18;
	s26 =	sand.u32 $0x1FFFFFF0, s25;
	s28 =	spop (v2sf)  }
0x275: {  	(v2sf) =	vpush v0, $0xF;
	[tilespmem:s12], [sflag:$0x1] =	stream.linear.gather [hbm4b:s18+s2], $0x80, $0x38;
	[tilespmem:$0x10400] =	vst v63  }
0x276: {  	s19 =	sand.u32 $0x1FFFFFF0, s28;
	s20 =	spop (v2sf);
	s15 =	sadd.s32 s3, s26  }
0x277: {  	[tilespmem:s16], [sflag:$0x1] =	stream.linear.gather [hbm4b:s15+s2], $0x80, $0x38;
	[tilespmem:$0x10400] =	vst v63  }
0x278: {  	s21 =	sand.u32 $0x1FFFFFF0, s20;
	s12 =	sadd.s32 s3, s19;
	s22 =	spop (v2sf)  }
0x279: {  	[tilespmem:s11], [sflag:$0x1] =	stream.linear.gather [hbm4b:s12+s2], $0x80, $0x38;
	[tilespmem:$0x10400] =	vst v63  }
0x27a: {  	s15 =	sadd.s32 s3, s21;
	s25 =	sand.u32 $0x1FFFFFF0, s22;
	s26 =	spop (v2sf)  }
0x27b: {  	[tilespmem:s13], [sflag:$0x1] =	stream.linear.gather [hbm4b:s15+s2], $0x80, $0x38;
	[tilespmem:$0x10400] =	vst v63  }
0x27c: {  	s12 =	sand.u32 $0x1FFFFFF0, s26;
	s11 =	sadd.s32 s3, s25;
	s28 =	spop (v2sf)  }
0x27d: {  	[tilespmem:s10], [sflag:$0x1] =	stream.linear.gather [hbm4b:s11+s2], $0x80, $0x38;
	[tilespmem:$0x10400] =	vst v63  }
0x27e: {  	s12 =	sadd.s32 s3, s12;
	s15 =	sand.u32 $0x1FFFFFF0, s28;
	s16 =	spop (v2sf)  }
0x27f: {  	[tilespmem:s14], [sflag:$0x1] =	stream.linear.gather [hbm4b:s12+s2], $0x80, $0x38;
	[tilespmem:$0x10400] =	vst v63  }
0x280: {  	s10 =	sadd.s32 s3, s15;
	s11 =	sand.u32 $0x1FFFFFF0, s16;
	s17 =	spop (v2sf)  }
0x281: {  	[tilespmem:s9], [sflag:$0x1] =	stream.linear.gather [hbm4b:s10+s2], $0x80, $0x38;
	[tilespmem:$0x10400] =	vst v63  }
0x282: {  	s18 =	sand.u32 $0x1FFFFFF0, s17;
	s11 =	sadd.s32 s3, s11;
	s19 =	spop (v2sf)  }
0x283: {  	[tilespmem:s7], [sflag:$0x1] =	stream.linear.gather [hbm4b:s11+s2], $0x80, $0x38;
	[tilespmem:$0x10400] =	vst v63  }
0x284: {  	s20 =	sand.u32 $0x1FFFFFF0, s19;
	s21 =	spop (v2sf);
	s9 =	sadd.s32 s3, s18  }
0x285: {  	[tilespmem:s8], [sflag:$0x1] =	stream.linear.gather [hbm4b:s9+s2], $0x80, $0x38;
	[tilespmem:$0x10400] =	vst v63  }
0x286: {  	s25 =	sadd.s32 $0xB00, s6;
	s22 =	sand.u32 $0x1FFFFFF0, s21;
	s7 =	sadd.s32 s3, s20  }
0x287: {  	[tilespmem:s25], [sflag:$0x1] =	stream.linear.gather [hbm4b:s7+s2], $0x80, $0x38;
	[tilespmem:$0x10400] =	vst v63  }
0x288: {  	s26 =	sadd.s32 $0xB80, s6;
	s28 =	sadd.s32 s3, s22  }
0x289: {  	[tilespmem:s26], [sflag:$0x1] =	stream.linear.gather [hbm4b:s28+s2], $0x80, $0x38;
	[tilespmem:$0x10400] =	vst v63  }
0x28a: {  	_ =	swait.ge [sflag:s31], $0x4000  }
0x28b: {  	[sflag:s31] =	ssyncset.done $0x0  }
0x28c: {  	[sflag:s31] =	ssyncadd.s32 $0xFFFFC000  }
0x28d: {  	_ =	swait.ge [sflag:s1], $0x4000  }
0x28e: {  	[sflag:s1] =	ssyncset.done $0x0  }
0x28f: {  	s6 =	simm.s32 $0x0;
	[sflag:s1] =	ssyncadd.s32 $0xFFFFC000  }
0x290: {  	v1 =	vld [tilespmem:s6+$0xC400]  }
0x291: {  	v0 =	vld [tilespmem:s6+$0xC410]  }
0x292: {  	v3 =	vld [tilespmem:s6+$0x4400]  }
0x293: {  	v4 =	vld [tilespmem:s6+$0x4410]  }
0x294: {  	s7 =	simm.s32 $0x200;
	v2 =	vld [tilespmem:s6+$0x4420]  }
.LBB2_18:
0x295: {  	p0 =	sne.s32 s7, $0xFE00;
	v5 =	vld [tilespmem:s6+$0x4430]  }
0x296: {  	v6 =	vld [tilespmem:s6+$0xC420]  }
0x297: {  	v3 =	vmul.f32 $8.000000000e+00, v3;
	v7 =	vld [tilespmem:s6+$0xC430]  }
0x298: {  	v4 =	vmul.f32 $8.000000000e+00, v4  }
0x299: {  	s8 =	sshra.s32 s7, $0x2;
	v3 =	vadd.f32 v1, v3;
	v2 =	vmul.f32 $8.000000000e+00, v2  }
.Ltmp8:
0x29a: {  	v1 =	vld [tilespmem:s8+$0xC400];
	v4 =	vadd.f32 v0, v4;
	v5 =	vmul.f32 $8.000000000e+00, v5;
	(pc) =	sbr.rel @p0 .LBB2_18-.Ltmp8, $4  }
0x29b: {  	v0 =	vld [tilespmem:s8+$0xC410];
	[tilespmem:s6+$0x4400] =	vst v3;
	v2 =	vadd.f32 v6, v2  }
0x29c: {  	v3 =	vld [tilespmem:s8+$0x4400];
	[tilespmem:s6+$0x4410] =	vst v4;
	v5 =	vadd.f32 v7, v5  }
0x29d: {  	v4 =	vld [tilespmem:s8+$0x4410];
	[tilespmem:s6+$0x4420] =	vst v2  }
0x29e: {  	s7 =	sadd.s32 $0x200, s7;
	v2 =	vld [tilespmem:s8+$0x4420];
	[tilespmem:s6+$0x4430] =	vst v5;
	s6 =	smov.u32 s8  }
0x29f: {  	v5 =	vld [tilespmem:s6+$0x4430]  }
0x2a0: {  	v6 =	vld [tilespmem:s6+$0xC420]  }
0x2a1: {  	v7 =	vld [tilespmem:s6+$0xC430];
	v3 =	vmul.f32 $8.000000000e+00, v3  }
0x2a2: {  	v4 =	vmul.f32 $8.000000000e+00, v4  }
0x2a3: {  	v1 =	vadd.f32 v1, v3;
	v2 =	vmul.f32 $8.000000000e+00, v2  }
0x2a4: {  	v0 =	vadd.f32 v0, v4;
	v3 =	vmul.f32 $8.000000000e+00, v5  }
0x2a5: {  	[tilespmem:s6+$0x4400] =	vst v1;
	v1 =	vadd.f32 v6, v2  }
0x2a6: {  	[tilespmem:s6+$0x4410] =	vst v0;
	v0 =	vadd.f32 v7, v3  }
0x2a7: {  	[tilespmem:s6+$0x4420] =	vst v1  }
0x2a8: {  	s26 =	simm.s32 $0x0;
	s7 =	rddreg [dreg:$0xd];
	[tilespmem:s6+$0x4430] =	vst v0  }
0x2a9: {  	[hbm4b:s7+s26] =	stream.linear.scatter [tilespmem:s0], [sflag:$0x4], $0x4000, $0x38;
	[tilespmem:$0x10400] =	vst v63  }
0x2aa: {  	_ =	swait.ge [sflag:s23], $0x4000  }
0x2ab: {  	s8 =	simm.s32 $0xC400;
	[sflag:s23] =	ssyncset.done $0x0  }
0x2ac: {  	s7 =	simm.s32 $0x280;
	s28 =	rddreg [dreg:$0xe];
	[sflag:s23] =	ssyncadd.s32 $0xFFFFC000  }
0x2ad: {  	[tilespmem:s8], [sflag:$0x6] =	stream.linear.gather [hbm4b:s28+s26], $0x4000, $0x38;
	[tilespmem:$0x10400] =	vst v63  }
0x2ae: {  	v0 =	vld [tilespmem:s7+$0x0];
	_ =	sdelay $0x4  }
0x2af: {  	v0 =	vshll.u32 v0, $0x4  }
0x2b0: {  	(v2sf) =	vpush v0, $0x0  }
0x2b1: {  	(v2sf) =	vpush v0, $0x1  }
0x2b2: {  	(v2sf) =	vpush v0, $0x2;
	_ =	sdelay $0x1  }
0x2b3: {  	(v2sf) =	vpush v0, $0x4;
	_ =	sdelay $0x1  }
0x2b4: {  	(v2sf) =	vpush v0, $0x3  }
0x2b5: {  	(v2sf) =	vpush v0, $0x5  }
0x2b6: {  	s6 =	simm.s32 $0x0;
	s8 =	simm.s32 $0x2000;
	(v2sf) =	vpush v0, $0x6  }
.LBB2_20:
0x2b7: {  	p0 =	sne.s32 s8, $0xE000  }
0x2b8: {  	s18 =	sadd.s32 $0x4480, s6;
	s12 =	sadd.s32 $0x4980, s6;
	s9 =	smov.u32 s8  }
0x2b9: {  	s8 =	sadd.s32 $0x2000, s8;
	s15 =	sadd.s32 $0x4780, s6;
	s10 =	sadd.s32 $0x4A00, s6;
	(v2sf) =	vpush v0, $0x7  }
0x2ba: {  	s17 =	sadd.s32 $0x4680, s6;
	s14 =	sadd.s32 $0x4800, s6;
	s11 =	sadd.s32 $0x4A80, s6  }
0x2bb: {  	s19 =	sadd.s32 $0x4400, s6;
	s20 =	sadd.s32 $0x4600, s6;
	(v2sf) =	vpush v0, $0x8  }
0x2bc: {  	s21 =	sadd.s32 $0x4700, s6;
	s7 =	sadd.s32 $0x10, s7  }
0x2bd: {  	s22 =	sadd.s32 $0x4500, s6;
	s13 =	sadd.s32 $0x4900, s6;
	s16 =	spop (v2sf);
	(v2sf) =	vpush v0, $0x9  }
0x2be: {  	s25 =	sand.u32 $0x1FFFFFF0, s16;
	s16 =	sadd.s32 $0x4880, s6;
	s26 =	spop (v2sf)  }
0x2bf: {  	s25 =	sadd.s32 s3, s25;
	s26 =	sand.u32 $0x1FFFFFF0, s26;
	s28 =	spop (v2sf);
	(v2sf) =	vpush v0, $0xA  }
0x2c0: {  	[tilespmem:s19], [sflag:$0x2] =	stream.linear.gather [hbm4b:s25+s2], $0x80, $0x38;
	[tilespmem:$0x10400] =	vst v63  }
0x2c1: {  	s19 =	sadd.s32 s3, s26;
	s25 =	sadd.s32 $0x4580, s6;
	s26 =	spop (v2sf);
	(v2sf) =	vpush v0, $0xB  }
0x2c2: {  	[tilespmem:s18], [sflag:$0x2] =	stream.linear.gather [hbm4b:s19+s2], $0x80, $0x38;
	[tilespmem:$0x10400] =	vst v63  }
0x2c3: {  	s18 =	sand.u32 $0x1FFFFFF0, s28;
	s19 =	sand.u32 $0x1FFFFFF0, s26;
	s26 =	spop (v2sf);
	(v2sf) =	vpush v0, $0xC  }
0x2c4: {  	s18 =	sadd.s32 s3, s18;
	s26 =	sand.u32 $0x1FFFFFF0, s26;
	s28 =	spop (v2sf)  }
0x2c5: {  	[tilespmem:s22], [sflag:$0x2] =	stream.linear.gather [hbm4b:s18+s2], $0x80, $0x38;
	(v2sf) =	vpush v0, $0xD;
	[tilespmem:$0x10400] =	vst v63  }
0x2c6: {  	s18 =	sadd.s32 s3, s26;
	s22 =	sand.u32 $0x1FFFFFF0, s28;
	s26 =	spop (v2sf)  }
0x2c7: {  	[tilespmem:s25], [sflag:$0x2] =	stream.linear.gather [hbm4b:s18+s2], $0x80, $0x38;
	(v2sf) =	vpush v0, $0xE;
	[tilespmem:$0x10400] =	vst v63  }
0x2c8: {  	s18 =	sadd.s32 s3, s19;
	s19 =	sand.u32 $0x1FFFFFF0, s26;
	s25 =	spop (v2sf)  }
0x2c9: {  	[tilespmem:s20], [sflag:$0x2] =	stream.linear.gather [hbm4b:s18+s2], $0x80, $0x38;
	(v2sf) =	vpush v0, $0xF;
	[tilespmem:$0x10400] =	vst v63  }
0x2ca: {  	s18 =	sadd.s32 s3, s22;
	s20 =	sand.u32 $0x1FFFFFF0, s25;
	s22 =	spop (v2sf)  }
0x2cb: {  	[tilespmem:s17], [sflag:$0x2] =	stream.linear.gather [hbm4b:s18+s2], $0x80, $0x38;
	[tilespmem:$0x10400] =	vst v63  }
0x2cc: {  	s17 =	sadd.s32 s3, s19;
	s18 =	sand.u32 $0x1FFFFFF0, s22;
	s19 =	spop (v2sf)  }
0x2cd: {  	[tilespmem:s21], [sflag:$0x2] =	stream.linear.gather [hbm4b:s17+s2], $0x80, $0x38;
	[tilespmem:$0x10400] =	vst v63  }
0x2ce: {  	s17 =	sadd.s32 s3, s20;
	s19 =	sand.u32 $0x1FFFFFF0, s19;
	s20 =	spop (v2sf)  }
0x2cf: {  	[tilespmem:s15], [sflag:$0x2] =	stream.linear.gather [hbm4b:s17+s2], $0x80, $0x38;
	[tilespmem:$0x10400] =	vst v63  }
0x2d0: {  	s15 =	sadd.s32 s3, s18;
	s17 =	sand.u32 $0x1FFFFFF0, s20;
	s18 =	spop (v2sf)  }
0x2d1: {  	[tilespmem:s14], [sflag:$0x2] =	stream.linear.gather [hbm4b:s15+s2], $0x80, $0x38;
	[tilespmem:$0x10400] =	vst v63  }
0x2d2: {  	s14 =	sadd.s32 s3, s19;
	s15 =	sand.u32 $0x1FFFFFF0, s18;
	s18 =	spop (v2sf)  }
0x2d3: {  	[tilespmem:s16], [sflag:$0x2] =	stream.linear.gather [hbm4b:s14+s2], $0x80, $0x38;
	[tilespmem:$0x10400] =	vst v63  }
0x2d4: {  	s14 =	sadd.s32 s3, s17;
	s16 =	sand.u32 $0x1FFFFFF0, s18;
	s17 =	spop (v2sf)  }
0x2d5: {  	[tilespmem:s13], [sflag:$0x2] =	stream.linear.gather [hbm4b:s14+s2], $0x80, $0x38;
	[tilespmem:$0x10400] =	vst v63  }
0x2d6: {  	s13 =	sadd.s32 s3, s15;
	s14 =	sand.u32 $0x1FFFFFF0, s17;
	s15 =	spop (v2sf)  }
0x2d7: {  	[tilespmem:s12], [sflag:$0x2] =	stream.linear.gather [hbm4b:s13+s2], $0x80, $0x38;
	[tilespmem:$0x10400] =	vst v63  }
0x2d8: {  	s12 =	sadd.s32 s3, s16;
	s13 =	sand.u32 $0x1FFFFFF0, s15;
	s15 =	spop (v2sf)  }
0x2d9: {  	[tilespmem:s10], [sflag:$0x2] =	stream.linear.gather [hbm4b:s12+s2], $0x80, $0x38;
	[tilespmem:$0x10400] =	vst v63  }
0x2da: {  	s10 =	sadd.s32 s3, s14;
	s12 =	sand.u32 $0x1FFFFFF0, s15  }
0x2db: {  	[tilespmem:s11], [sflag:$0x2] =	stream.linear.gather [hbm4b:s10+s2], $0x80, $0x38;
	[tilespmem:$0x10400] =	vst v63  }
0x2dc: {  	s10 =	sadd.s32 $0x4B00, s6;
	s11 =	sadd.s32 s3, s13  }
0x2dd: {  	[tilespmem:s10], [sflag:$0x2] =	stream.linear.gather [hbm4b:s11+s2], $0x80, $0x38;
	[tilespmem:$0x10400] =	vst v63  }
0x2de: {  	s6 =	sadd.s32 $0x4B80, s6;
	s10 =	sadd.s32 s3, s12  }
0x2df: {  	[tilespmem:s6], [sflag:$0x2] =	stream.linear.gather [hbm4b:s10+s2], $0x80, $0x38;
	[tilespmem:$0x10400] =	vst v63  }
0x2e0: {  	v0 =	vld [tilespmem:s7+$0x0];
	_ =	sdelay $0x4  }
0x2e1: {  	v0 =	vshll.u32 v0, $0x4  }
0x2e2: {  	(v2sf) =	vpush v0, $0x0  }
0x2e3: {  	(v2sf) =	vpush v0, $0x1  }
0x2e4: {  	(v2sf) =	vpush v0, $0x2;
	_ =	sdelay $0x1  }
0x2e5: {  	(v2sf) =	vpush v0, $0x4  }
.Ltmp9:
0x2e6: {  	(pc) =	sbr.rel @p0 .LBB2_20-.Ltmp9, $3  }
0x2e7: {  	(v2sf) =	vpush v0, $0x3  }
0x2e8: {  	(v2sf) =	vpush v0, $0x5;
	_ =	sdelay $0x1  }
0x2e9: {  	s6 =	sshra.s32 s9, $0x2;
	(v2sf) =	vpush v0, $0x6  }
0x2ea: {  	_ =	sdelay $0x1  }
0x2eb: {  	s10 =	sadd.s32 $0x4480, s6;
	s9 =	sadd.s32 $0x4980, s6  }
0x2ec: {  	s11 =	sadd.s32 $0x4780, s6;
	s7 =	sadd.s32 $0x4A00, s6;
	(v2sf) =	vpush v0, $0x7;
	s12 =	sadd.s32 $0x4680, s6  }
0x2ed: {  	s13 =	sadd.s32 $0x4800, s6;
	s8 =	sadd.s32 $0x4A80, s6;
	s14 =	sadd.s32 $0x4400, s6  }
0x2ee: {  	s15 =	sadd.s32 $0x4600, s6;
	s16 =	sadd.s32 $0x4700, s6;
	(v2sf) =	vpush v0, $0x8;
	s17 =	spop (v2sf)  }
0x2ef: {  	s18 =	sadd.s32 $0x4500, s6;
	s17 =	sand.u32 $0x1FFFFFF0, s17;
	s19 =	spop (v2sf)  }
0x2f0: {  	(v2sf) =	vpush v0, $0x9;
	s17 =	sadd.s32 s3, s17;
	s19 =	sand.u32 $0x1FFFFFF0, s19;
	s20 =	spop (v2sf)  }
0x2f1: {  	[tilespmem:s14], [sflag:$0x2] =	stream.linear.gather [hbm4b:s17+s2], $0x80, $0x38;
	[tilespmem:$0x10400] =	vst v63  }
0x2f2: {  	s21 =	sadd.s32 $0x4580, s6;
	(v2sf) =	vpush v0, $0xA;
	s26 =	sadd.s32 s3, s19;
	s28 =	spop (v2sf)  }
0x2f3: {  	[tilespmem:s10], [sflag:$0x2] =	stream.linear.gather [hbm4b:s26+s2], $0x80, $0x38;
	[tilespmem:$0x10400] =	vst v63  }
0x2f4: {  	s14 =	sadd.s32 $0x4900, s6;
	s22 =	sand.u32 $0x1FFFFFF0, s20;
	(v2sf) =	vpush v0, $0xB;
	s25 =	spop (v2sf)  }
0x2f5: {  	s17 =	sadd.s32 s3, s22;
	s10 =	sadd.s32 $0x4880, s6;
	s20 =	sand.u32 $0x1FFFFFF0, s25  }
0x2f6: {  	(v2sf) =	vpush v0, $0xC;
	[tilespmem:s18], [sflag:$0x2] =	stream.linear.gather [hbm4b:s17+s2], $0x80, $0x38;
	[tilespmem:$0x10400] =	vst v63  }
0x2f7: {  	s26 =	sand.u32 $0x1FFFFFF0, s28;
	s28 =	spop (v2sf);
	s22 =	sadd.s32 s3, s20  }
0x2f8: {  	(v2sf) =	vpush v0, $0xD;
	[tilespmem:s21], [sflag:$0x2] =	stream.linear.gather [hbm4b:s22+s2], $0x80, $0x38;
	[tilespmem:$0x10400] =	vst v63  }
0x2f9: {  	s17 =	sadd.s32 s3, s26;
	s18 =	sand.u32 $0x1FFFFFF0, s28;
	s25 =	spop (v2sf)  }
0x2fa: {  	(v2sf) =	vpush v0, $0xE;
	[tilespmem:s15], [sflag:$0x2] =	stream.linear.gather [hbm4b:s17+s2], $0x80, $0x38;
	[tilespmem:$0x10400] =	vst v63  }
0x2fb: {  	s18 =	sadd.s32 s3, s18;
	s26 =	sand.u32 $0x1FFFFFF0, s25;
	s28 =	spop (v2sf)  }
0x2fc: {  	(v2sf) =	vpush v0, $0xF;
	[tilespmem:s12], [sflag:$0x2] =	stream.linear.gather [hbm4b:s18+s2], $0x80, $0x38;
	[tilespmem:$0x10400] =	vst v63  }
0x2fd: {  	s19 =	sand.u32 $0x1FFFFFF0, s28;
	s20 =	spop (v2sf);
	s15 =	sadd.s32 s3, s26  }
0x2fe: {  	[tilespmem:s16], [sflag:$0x2] =	stream.linear.gather [hbm4b:s15+s2], $0x80, $0x38;
	[tilespmem:$0x10400] =	vst v63  }
0x2ff: {  	s21 =	sand.u32 $0x1FFFFFF0, s20;
	s12 =	sadd.s32 s3, s19;
	s22 =	spop (v2sf)  }
0x300: {  	[tilespmem:s11], [sflag:$0x2] =	stream.linear.gather [hbm4b:s12+s2], $0x80, $0x38;
	[tilespmem:$0x10400] =	vst v63  }
0x301: {  	s15 =	sadd.s32 s3, s21;
	s25 =	sand.u32 $0x1FFFFFF0, s22;
	s26 =	spop (v2sf)  }
0x302: {  	[tilespmem:s13], [sflag:$0x2] =	stream.linear.gather [hbm4b:s15+s2], $0x80, $0x38;
	[tilespmem:$0x10400] =	vst v63  }
0x303: {  	s12 =	sand.u32 $0x1FFFFFF0, s26;
	s11 =	sadd.s32 s3, s25;
	s28 =	spop (v2sf)  }
0x304: {  	[tilespmem:s10], [sflag:$0x2] =	stream.linear.gather [hbm4b:s11+s2], $0x80, $0x38;
	[tilespmem:$0x10400] =	vst v63  }
0x305: {  	s12 =	sadd.s32 s3, s12;
	s15 =	sand.u32 $0x1FFFFFF0, s28;
	s16 =	spop (v2sf)  }
0x306: {  	[tilespmem:s14], [sflag:$0x2] =	stream.linear.gather [hbm4b:s12+s2], $0x80, $0x38;
	[tilespmem:$0x10400] =	vst v63  }
0x307: {  	s10 =	sadd.s32 s3, s15;
	s11 =	sand.u32 $0x1FFFFFF0, s16;
	s17 =	spop (v2sf)  }
0x308: {  	[tilespmem:s9], [sflag:$0x2] =	stream.linear.gather [hbm4b:s10+s2], $0x80, $0x38;
	[tilespmem:$0x10400] =	vst v63  }
0x309: {  	s18 =	sand.u32 $0x1FFFFFF0, s17;
	s11 =	sadd.s32 s3, s11;
	s19 =	spop (v2sf)  }
0x30a: {  	[tilespmem:s7], [sflag:$0x2] =	stream.linear.gather [hbm4b:s11+s2], $0x80, $0x38;
	[tilespmem:$0x10400] =	vst v63  }
0x30b: {  	s20 =	sand.u32 $0x1FFFFFF0, s19;
	s21 =	spop (v2sf);
	s9 =	sadd.s32 s3, s18  }
0x30c: {  	[tilespmem:s8], [sflag:$0x2] =	stream.linear.gather [hbm4b:s9+s2], $0x80, $0x38;
	[tilespmem:$0x10400] =	vst v63  }
0x30d: {  	s25 =	sadd.s32 $0x4B00, s6;
	s22 =	sand.u32 $0x1FFFFFF0, s21;
	s7 =	sadd.s32 s3, s20  }
0x30e: {  	[tilespmem:s25], [sflag:$0x2] =	stream.linear.gather [hbm4b:s7+s2], $0x80, $0x38;
	[tilespmem:$0x10400] =	vst v63  }
0x30f: {  	s26 =	sadd.s32 $0x4B80, s6;
	s28 =	sadd.s32 s3, s22  }
0x310: {  	[tilespmem:s26], [sflag:$0x2] =	stream.linear.gather [hbm4b:s28+s2], $0x80, $0x38;
	[tilespmem:$0x10400] =	vst v63  }
0x311: {  	_ =	swait.ge [sflag:s4], $0x4000  }
0x312: {  	[sflag:s4] =	ssyncset.done $0x0  }
0x313: {  	[sflag:s4] =	ssyncadd.s32 $0xFFFFC000  }
0x314: {  	_ =	swait.ge [sflag:s29], $0x4000  }
0x315: {  	[sflag:s29] =	ssyncset.done $0x0  }
0x316: {  	s6 =	simm.s32 $0x0;
	[sflag:s29] =	ssyncadd.s32 $0xFFFFC000  }
0x317: {  	v1 =	vld [tilespmem:s6+$0x8400]  }
0x318: {  	v0 =	vld [tilespmem:s6+$0x8410]  }
0x319: {  	v3 =	vld [tilespmem:s6+$0x400]  }
0x31a: {  	v4 =	vld [tilespmem:s6+$0x410]  }
0x31b: {  	s7 =	simm.s32 $0x200;
	v2 =	vld [tilespmem:s6+$0x420]  }
.LBB2_22:
0x31c: {  	p0 =	sne.s32 s7, $0xFE00;
	v5 =	vld [tilespmem:s6+$0x430]  }
0x31d: {  	v6 =	vld [tilespmem:s6+$0x8420]  }
0x31e: {  	v3 =	vmul.f32 $8.000000000e+00, v3;
	v7 =	vld [tilespmem:s6+$0x8430]  }
0x31f: {  	v4 =	vmul.f32 $8.000000000e+00, v4  }
0x320: {  	s8 =	sshra.s32 s7, $0x2;
	v3 =	vadd.f32 v1, v3;
	v2 =	vmul.f32 $8.000000000e+00, v2  }
.Ltmp10:
0x321: {  	v1 =	vld [tilespmem:s8+$0x8400];
	v4 =	vadd.f32 v0, v4;
	v5 =	vmul.f32 $8.000000000e+00, v5;
	(pc) =	sbr.rel @p0 .LBB2_22-.Ltmp10, $4  }
0x322: {  	v0 =	vld [tilespmem:s8+$0x8410];
	[tilespmem:s6+$0x400] =	vst v3;
	v2 =	vadd.f32 v6, v2  }
0x323: {  	v3 =	vld [tilespmem:s8+$0x400];
	[tilespmem:s6+$0x410] =	vst v4;
	v5 =	vadd.f32 v7, v5  }
0x324: {  	v4 =	vld [tilespmem:s8+$0x410];
	[tilespmem:s6+$0x420] =	vst v2  }
0x325: {  	s7 =	sadd.s32 $0x200, s7;
	v2 =	vld [tilespmem:s8+$0x420];
	[tilespmem:s6+$0x430] =	vst v5;
	s6 =	smov.u32 s8  }
0x326: {  	v5 =	vld [tilespmem:s6+$0x430]  }
0x327: {  	v6 =	vld [tilespmem:s6+$0x8420]  }
0x328: {  	v7 =	vld [tilespmem:s6+$0x8430];
	v3 =	vmul.f32 $8.000000000e+00, v3  }
0x329: {  	v4 =	vmul.f32 $8.000000000e+00, v4  }
0x32a: {  	v1 =	vadd.f32 v1, v3;
	v2 =	vmul.f32 $8.000000000e+00, v2  }
0x32b: {  	v0 =	vadd.f32 v0, v4;
	v3 =	vmul.f32 $8.000000000e+00, v5  }
0x32c: {  	[tilespmem:s6+$0x400] =	vst v1;
	v1 =	vadd.f32 v6, v2  }
0x32d: {  	[tilespmem:s6+$0x410] =	vst v0;
	v0 =	vadd.f32 v7, v3  }
0x32e: {  	[tilespmem:s6+$0x420] =	vst v1  }
0x32f: {  	s26 =	simm.s32 $0x0;
	s7 =	rddreg [dreg:$0xf];
	[tilespmem:s6+$0x430] =	vst v0  }
0x330: {  	[hbm4b:s7+s26] =	stream.linear.scatter [tilespmem:s24], [sflag:$0x3], $0x4000, $0x38;
	[tilespmem:$0x10400] =	vst v63  }
0x331: {  	_ =	swait.ge [sflag:s30], $0x4000  }
0x332: {  	s8 =	simm.s32 $0x8400;
	[sflag:s30] =	ssyncset.done $0x0  }
0x333: {  	s7 =	simm.s32 $0x300;
	s28 =	rddreg [dreg:$0x10];
	[sflag:s30] =	ssyncadd.s32 $0xFFFFC000  }
0x334: {  	[tilespmem:s8], [sflag:$0x5] =	stream.linear.gather [hbm4b:s28+s26], $0x4000, $0x38;
	[tilespmem:$0x10400] =	vst v63  }
0x335: {  	v0 =	vld [tilespmem:s7+$0x0];
	_ =	sdelay $0x4  }
0x336: {  	v0 =	vshll.u32 v0, $0x4  }
0x337: {  	(v2sf) =	vpush v0, $0x0  }
0x338: {  	(v2sf) =	vpush v0, $0x1  }
0x339: {  	(v2sf) =	vpush v0, $0x2;
	_ =	sdelay $0x1  }
0x33a: {  	(v2sf) =	vpush v0, $0x4;
	_ =	sdelay $0x1  }
0x33b: {  	(v2sf) =	vpush v0, $0x3  }
0x33c: {  	(v2sf) =	vpush v0, $0x5  }
0x33d: {  	s6 =	simm.s32 $0x0;
	s8 =	simm.s32 $0x2000;
	(v2sf) =	vpush v0, $0x6  }
.LBB2_24:
0x33e: {  	p0 =	sne.s32 s8, $0xE000  }
0x33f: {  	s18 =	sadd.s32 $0x480, s6;
	s12 =	sadd.s32 $0x980, s6;
	s9 =	smov.u32 s8  }
0x340: {  	s8 =	sadd.s32 $0x2000, s8;
	s15 =	sadd.s32 $0x780, s6;
	s10 =	sadd.s32 $0xA00, s6;
	(v2sf) =	vpush v0, $0x7  }
0x341: {  	s17 =	sadd.s32 $0x680, s6;
	s14 =	sadd.s32 $0x800, s6;
	s11 =	sadd.s32 $0xA80, s6  }
0x342: {  	s19 =	sadd.s32 $0x400, s6;
	s20 =	sadd.s32 $0x600, s6;
	(v2sf) =	vpush v0, $0x8  }
0x343: {  	s21 =	sadd.s32 $0x700, s6;
	s7 =	sadd.s32 $0x10, s7  }
0x344: {  	s22 =	sadd.s32 $0x500, s6;
	s13 =	sadd.s32 $0x900, s6;
	s16 =	spop (v2sf);
	(v2sf) =	vpush v0, $0x9  }
0x345: {  	s25 =	sand.u32 $0x1FFFFFF0, s16;
	s16 =	sadd.s32 $0x880, s6;
	s26 =	spop (v2sf)  }
0x346: {  	s25 =	sadd.s32 s3, s25;
	s26 =	sand.u32 $0x1FFFFFF0, s26;
	s28 =	spop (v2sf);
	(v2sf) =	vpush v0, $0xA  }
0x347: {  	[tilespmem:s19], [sflag:$0x1] =	stream.linear.gather [hbm4b:s25+s2], $0x80, $0x38;
	[tilespmem:$0x10400] =	vst v63  }
0x348: {  	s19 =	sadd.s32 s3, s26;
	s25 =	sadd.s32 $0x580, s6;
	s26 =	spop (v2sf);
	(v2sf) =	vpush v0, $0xB  }
0x349: {  	[tilespmem:s18], [sflag:$0x1] =	stream.linear.gather [hbm4b:s19+s2], $0x80, $0x38;
	[tilespmem:$0x10400] =	vst v63  }
0x34a: {  	s18 =	sand.u32 $0x1FFFFFF0, s28;
	s19 =	sand.u32 $0x1FFFFFF0, s26;
	s26 =	spop (v2sf);
	(v2sf) =	vpush v0, $0xC  }
0x34b: {  	s18 =	sadd.s32 s3, s18;
	s26 =	sand.u32 $0x1FFFFFF0, s26;
	s28 =	spop (v2sf)  }
0x34c: {  	[tilespmem:s22], [sflag:$0x1] =	stream.linear.gather [hbm4b:s18+s2], $0x80, $0x38;
	(v2sf) =	vpush v0, $0xD;
	[tilespmem:$0x10400] =	vst v63  }
0x34d: {  	s18 =	sadd.s32 s3, s26;
	s22 =	sand.u32 $0x1FFFFFF0, s28;
	s26 =	spop (v2sf)  }
0x34e: {  	[tilespmem:s25], [sflag:$0x1] =	stream.linear.gather [hbm4b:s18+s2], $0x80, $0x38;
	(v2sf) =	vpush v0, $0xE;
	[tilespmem:$0x10400] =	vst v63  }
0x34f: {  	s18 =	sadd.s32 s3, s19;
	s19 =	sand.u32 $0x1FFFFFF0, s26;
	s25 =	spop (v2sf)  }
0x350: {  	[tilespmem:s20], [sflag:$0x1] =	stream.linear.gather [hbm4b:s18+s2], $0x80, $0x38;
	(v2sf) =	vpush v0, $0xF;
	[tilespmem:$0x10400] =	vst v63  }
0x351: {  	s18 =	sadd.s32 s3, s22;
	s20 =	sand.u32 $0x1FFFFFF0, s25;
	s22 =	spop (v2sf)  }
0x352: {  	[tilespmem:s17], [sflag:$0x1] =	stream.linear.gather [hbm4b:s18+s2], $0x80, $0x38;
	[tilespmem:$0x10400] =	vst v63  }
0x353: {  	s17 =	sadd.s32 s3, s19;
	s18 =	sand.u32 $0x1FFFFFF0, s22;
	s19 =	spop (v2sf)  }
0x354: {  	[tilespmem:s21], [sflag:$0x1] =	stream.linear.gather [hbm4b:s17+s2], $0x80, $0x38;
	[tilespmem:$0x10400] =	vst v63  }
0x355: {  	s17 =	sadd.s32 s3, s20;
	s19 =	sand.u32 $0x1FFFFFF0, s19;
	s20 =	spop (v2sf)  }
0x356: {  	[tilespmem:s15], [sflag:$0x1] =	stream.linear.gather [hbm4b:s17+s2], $0x80, $0x38;
	[tilespmem:$0x10400] =	vst v63  }
0x357: {  	s15 =	sadd.s32 s3, s18;
	s17 =	sand.u32 $0x1FFFFFF0, s20;
	s18 =	spop (v2sf)  }
0x358: {  	[tilespmem:s14], [sflag:$0x1] =	stream.linear.gather [hbm4b:s15+s2], $0x80, $0x38;
	[tilespmem:$0x10400] =	vst v63  }
0x359: {  	s14 =	sadd.s32 s3, s19;
	s15 =	sand.u32 $0x1FFFFFF0, s18;
	s18 =	spop (v2sf)  }
0x35a: {  	[tilespmem:s16], [sflag:$0x1] =	stream.linear.gather [hbm4b:s14+s2], $0x80, $0x38;
	[tilespmem:$0x10400] =	vst v63  }
0x35b: {  	s14 =	sadd.s32 s3, s17;
	s16 =	sand.u32 $0x1FFFFFF0, s18;
	s17 =	spop (v2sf)  }
0x35c: {  	[tilespmem:s13], [sflag:$0x1] =	stream.linear.gather [hbm4b:s14+s2], $0x80, $0x38;
	[tilespmem:$0x10400] =	vst v63  }
0x35d: {  	s13 =	sadd.s32 s3, s15;
	s14 =	sand.u32 $0x1FFFFFF0, s17;
	s15 =	spop (v2sf)  }
0x35e: {  	[tilespmem:s12], [sflag:$0x1] =	stream.linear.gather [hbm4b:s13+s2], $0x80, $0x38;
	[tilespmem:$0x10400] =	vst v63  }
0x35f: {  	s12 =	sadd.s32 s3, s16;
	s13 =	sand.u32 $0x1FFFFFF0, s15;
	s15 =	spop (v2sf)  }
0x360: {  	[tilespmem:s10], [sflag:$0x1] =	stream.linear.gather [hbm4b:s12+s2], $0x80, $0x38;
	[tilespmem:$0x10400] =	vst v63  }
0x361: {  	s10 =	sadd.s32 s3, s14;
	s12 =	sand.u32 $0x1FFFFFF0, s15  }
0x362: {  	[tilespmem:s11], [sflag:$0x1] =	stream.linear.gather [hbm4b:s10+s2], $0x80, $0x38;
	[tilespmem:$0x10400] =	vst v63  }
0x363: {  	s10 =	sadd.s32 $0xB00, s6;
	s11 =	sadd.s32 s3, s13  }
0x364: {  	[tilespmem:s10], [sflag:$0x1] =	stream.linear.gather [hbm4b:s11+s2], $0x80, $0x38;
	[tilespmem:$0x10400] =	vst v63  }
0x365: {  	s6 =	sadd.s32 $0xB80, s6;
	s10 =	sadd.s32 s3, s12  }
0x366: {  	[tilespmem:s6], [sflag:$0x1] =	stream.linear.gather [hbm4b:s10+s2], $0x80, $0x38;
	[tilespmem:$0x10400] =	vst v63  }
0x367: {  	v0 =	vld [tilespmem:s7+$0x0];
	_ =	sdelay $0x4  }
0x368: {  	v0 =	vshll.u32 v0, $0x4  }
0x369: {  	(v2sf) =	vpush v0, $0x0  }
0x36a: {  	(v2sf) =	vpush v0, $0x1  }
0x36b: {  	(v2sf) =	vpush v0, $0x2;
	_ =	sdelay $0x1  }
0x36c: {  	(v2sf) =	vpush v0, $0x4  }
.Ltmp11:
0x36d: {  	(pc) =	sbr.rel @p0 .LBB2_24-.Ltmp11, $3  }
0x36e: {  	(v2sf) =	vpush v0, $0x3  }
0x36f: {  	(v2sf) =	vpush v0, $0x5;
	_ =	sdelay $0x1  }
0x370: {  	s6 =	sshra.s32 s9, $0x2;
	(v2sf) =	vpush v0, $0x6  }
0x371: {  	_ =	sdelay $0x1  }
0x372: {  	s10 =	sadd.s32 $0x480, s6;
	s9 =	sadd.s32 $0x980, s6  }
0x373: {  	s11 =	sadd.s32 $0x780, s6;
	s7 =	sadd.s32 $0xA00, s6;
	(v2sf) =	vpush v0, $0x7;
	s12 =	sadd.s32 $0x680, s6  }
0x374: {  	s13 =	sadd.s32 $0x800, s6;
	s8 =	sadd.s32 $0xA80, s6;
	s14 =	sadd.s32 $0x400, s6  }
0x375: {  	s15 =	sadd.s32 $0x600, s6;
	s16 =	sadd.s32 $0x700, s6;
	(v2sf) =	vpush v0, $0x8;
	s17 =	spop (v2sf)  }
0x376: {  	s18 =	sadd.s32 $0x500, s6;
	s17 =	sand.u32 $0x1FFFFFF0, s17;
	s19 =	spop (v2sf)  }
0x377: {  	(v2sf) =	vpush v0, $0x9;
	s17 =	sadd.s32 s3, s17;
	s19 =	sand.u32 $0x1FFFFFF0, s19;
	s20 =	spop (v2sf)  }
0x378: {  	[tilespmem:s14], [sflag:$0x1] =	stream.linear.gather [hbm4b:s17+s2], $0x80, $0x38;
	[tilespmem:$0x10400] =	vst v63  }
0x379: {  	s21 =	sadd.s32 $0x580, s6;
	(v2sf) =	vpush v0, $0xA;
	s26 =	sadd.s32 s3, s19;
	s28 =	spop (v2sf)  }
0x37a: {  	[tilespmem:s10], [sflag:$0x1] =	stream.linear.gather [hbm4b:s26+s2], $0x80, $0x38;
	[tilespmem:$0x10400] =	vst v63  }
0x37b: {  	s14 =	sadd.s32 $0x900, s6;
	s22 =	sand.u32 $0x1FFFFFF0, s20;
	(v2sf) =	vpush v0, $0xB;
	s25 =	spop (v2sf)  }
0x37c: {  	s17 =	sadd.s32 s3, s22;
	s10 =	sadd.s32 $0x880, s6;
	s20 =	sand.u32 $0x1FFFFFF0, s25  }
0x37d: {  	(v2sf) =	vpush v0, $0xC;
	[tilespmem:s18], [sflag:$0x1] =	stream.linear.gather [hbm4b:s17+s2], $0x80, $0x38;
	[tilespmem:$0x10400] =	vst v63  }
0x37e: {  	s26 =	sand.u32 $0x1FFFFFF0, s28;
	s28 =	spop (v2sf);
	s22 =	sadd.s32 s3, s20  }
0x37f: {  	(v2sf) =	vpush v0, $0xD;
	[tilespmem:s21], [sflag:$0x1] =	stream.linear.gather [hbm4b:s22+s2], $0x80, $0x38;
	[tilespmem:$0x10400] =	vst v63  }
0x380: {  	s17 =	sadd.s32 s3, s26;
	s18 =	sand.u32 $0x1FFFFFF0, s28;
	s25 =	spop (v2sf)  }
0x381: {  	(v2sf) =	vpush v0, $0xE;
	[tilespmem:s15], [sflag:$0x1] =	stream.linear.gather [hbm4b:s17+s2], $0x80, $0x38;
	[tilespmem:$0x10400] =	vst v63  }
0x382: {  	s18 =	sadd.s32 s3, s18;
	s26 =	sand.u32 $0x1FFFFFF0, s25;
	s28 =	spop (v2sf)  }
0x383: {  	(v2sf) =	vpush v0, $0xF;
	[tilespmem:s12], [sflag:$0x1] =	stream.linear.gather [hbm4b:s18+s2], $0x80, $0x38;
	[tilespmem:$0x10400] =	vst v63  }
0x384: {  	s19 =	sand.u32 $0x1FFFFFF0, s28;
	s20 =	spop (v2sf);
	s15 =	sadd.s32 s3, s26  }
0x385: {  	[tilespmem:s16], [sflag:$0x1] =	stream.linear.gather [hbm4b:s15+s2], $0x80, $0x38;
	[tilespmem:$0x10400] =	vst v63  }
0x386: {  	s21 =	sand.u32 $0x1FFFFFF0, s20;
	s12 =	sadd.s32 s3, s19;
	s22 =	spop (v2sf)  }
0x387: {  	[tilespmem:s11], [sflag:$0x1] =	stream.linear.gather [hbm4b:s12+s2], $0x80, $0x38;
	[tilespmem:$0x10400] =	vst v63  }
0x388: {  	s15 =	sadd.s32 s3, s21;
	s25 =	sand.u32 $0x1FFFFFF0, s22;
	s26 =	spop (v2sf)  }
0x389: {  	[tilespmem:s13], [sflag:$0x1] =	stream.linear.gather [hbm4b:s15+s2], $0x80, $0x38;
	[tilespmem:$0x10400] =	vst v63  }
0x38a: {  	s12 =	sand.u32 $0x1FFFFFF0, s26;
	s11 =	sadd.s32 s3, s25;
	s28 =	spop (v2sf)  }
0x38b: {  	[tilespmem:s10], [sflag:$0x1] =	stream.linear.gather [hbm4b:s11+s2], $0x80, $0x38;
	[tilespmem:$0x10400] =	vst v63  }
0x38c: {  	s12 =	sadd.s32 s3, s12;
	s15 =	sand.u32 $0x1FFFFFF0, s28;
	s16 =	spop (v2sf)  }
0x38d: {  	[tilespmem:s14], [sflag:$0x1] =	stream.linear.gather [hbm4b:s12+s2], $0x80, $0x38;
	[tilespmem:$0x10400] =	vst v63  }
0x38e: {  	s10 =	sadd.s32 s3, s15;
	s11 =	sand.u32 $0x1FFFFFF0, s16;
	s17 =	spop (v2sf)  }
0x38f: {  	[tilespmem:s9], [sflag:$0x1] =	stream.linear.gather [hbm4b:s10+s2], $0x80, $0x38;
	[tilespmem:$0x10400] =	vst v63  }
0x390: {  	s18 =	sand.u32 $0x1FFFFFF0, s17;
	s11 =	sadd.s32 s3, s11;
	s19 =	spop (v2sf)  }
0x391: {  	[tilespmem:s7], [sflag:$0x1] =	stream.linear.gather [hbm4b:s11+s2], $0x80, $0x38;
	[tilespmem:$0x10400] =	vst v63  }
0x392: {  	s20 =	sand.u32 $0x1FFFFFF0, s19;
	s21 =	spop (v2sf);
	s9 =	sadd.s32 s3, s18  }
0x393: {  	[tilespmem:s8], [sflag:$0x1] =	stream.linear.gather [hbm4b:s9+s2], $0x80, $0x38;
	[tilespmem:$0x10400] =	vst v63  }
0x394: {  	s25 =	sadd.s32 $0xB00, s6;
	s22 =	sand.u32 $0x1FFFFFF0, s21;
	s7 =	sadd.s32 s3, s20  }
0x395: {  	[tilespmem:s25], [sflag:$0x1] =	stream.linear.gather [hbm4b:s7+s2], $0x80, $0x38;
	[tilespmem:$0x10400] =	vst v63  }
0x396: {  	s26 =	sadd.s32 $0xB80, s6;
	s28 =	sadd.s32 s3, s22  }
0x397: {  	[tilespmem:s26], [sflag:$0x1] =	stream.linear.gather [hbm4b:s28+s2], $0x80, $0x38;
	[tilespmem:$0x10400] =	vst v63  }
0x398: {  	_ =	swait.ge [sflag:s31], $0x4000  }
0x399: {  	[sflag:s31] =	ssyncset.done $0x0  }
0x39a: {  	[sflag:s31] =	ssyncadd.s32 $0xFFFFC000  }
0x39b: {  	_ =	swait.ge [sflag:s1], $0x4000  }
0x39c: {  	[sflag:s1] =	ssyncset.done $0x0  }
0x39d: {  	s6 =	simm.s32 $0x0;
	[sflag:s1] =	ssyncadd.s32 $0xFFFFC000  }
0x39e: {  	v1 =	vld [tilespmem:s6+$0xC400]  }
0x39f: {  	v0 =	vld [tilespmem:s6+$0xC410]  }
0x3a0: {  	v3 =	vld [tilespmem:s6+$0x4400]  }
0x3a1: {  	v4 =	vld [tilespmem:s6+$0x4410]  }
0x3a2: {  	s7 =	simm.s32 $0x200;
	v2 =	vld [tilespmem:s6+$0x4420]  }
.LBB2_26:
0x3a3: {  	p0 =	sne.s32 s7, $0xFE00;
	v5 =	vld [tilespmem:s6+$0x4430]  }
0x3a4: {  	v6 =	vld [tilespmem:s6+$0xC420]  }
0x3a5: {  	v3 =	vmul.f32 $8.000000000e+00, v3;
	v7 =	vld [tilespmem:s6+$0xC430]  }
0x3a6: {  	v4 =	vmul.f32 $8.000000000e+00, v4  }
0x3a7: {  	s8 =	sshra.s32 s7, $0x2;
	v3 =	vadd.f32 v1, v3;
	v2 =	vmul.f32 $8.000000000e+00, v2  }
.Ltmp12:
0x3a8: {  	v1 =	vld [tilespmem:s8+$0xC400];
	v4 =	vadd.f32 v0, v4;
	v5 =	vmul.f32 $8.000000000e+00, v5;
	(pc) =	sbr.rel @p0 .LBB2_26-.Ltmp12, $4  }
0x3a9: {  	v0 =	vld [tilespmem:s8+$0xC410];
	[tilespmem:s6+$0x4400] =	vst v3;
	v2 =	vadd.f32 v6, v2  }
0x3aa: {  	v3 =	vld [tilespmem:s8+$0x4400];
	[tilespmem:s6+$0x4410] =	vst v4;
	v5 =	vadd.f32 v7, v5  }
0x3ab: {  	v4 =	vld [tilespmem:s8+$0x4410];
	[tilespmem:s6+$0x4420] =	vst v2  }
0x3ac: {  	s7 =	sadd.s32 $0x200, s7;
	v2 =	vld [tilespmem:s8+$0x4420];
	[tilespmem:s6+$0x4430] =	vst v5;
	s6 =	smov.u32 s8  }
0x3ad: {  	v5 =	vld [tilespmem:s6+$0x4430]  }
0x3ae: {  	v6 =	vld [tilespmem:s6+$0xC420]  }
0x3af: {  	v7 =	vld [tilespmem:s6+$0xC430];
	v3 =	vmul.f32 $8.000000000e+00, v3  }
0x3b0: {  	v4 =	vmul.f32 $8.000000000e+00, v4  }
0x3b1: {  	v1 =	vadd.f32 v1, v3;
	v2 =	vmul.f32 $8.000000000e+00, v2  }
0x3b2: {  	v0 =	vadd.f32 v0, v4;
	v3 =	vmul.f32 $8.000000000e+00, v5  }
0x3b3: {  	[tilespmem:s6+$0x4400] =	vst v1;
	v1 =	vadd.f32 v6, v2  }
0x3b4: {  	[tilespmem:s6+$0x4410] =	vst v0;
	v0 =	vadd.f32 v7, v3  }
0x3b5: {  	[tilespmem:s6+$0x4420] =	vst v1  }
0x3b6: {  	s26 =	simm.s32 $0x0;
	s7 =	rddreg [dreg:$0x11];
	[tilespmem:s6+$0x4430] =	vst v0  }
0x3b7: {  	[hbm4b:s7+s26] =	stream.linear.scatter [tilespmem:s0], [sflag:$0x4], $0x4000, $0x38;
	[tilespmem:$0x10400] =	vst v63  }
0x3b8: {  	_ =	swait.ge [sflag:s23], $0x4000  }
0x3b9: {  	s8 =	simm.s32 $0xC400;
	[sflag:s23] =	ssyncset.done $0x0  }
0x3ba: {  	s7 =	simm.s32 $0x380;
	s28 =	rddreg [dreg:$0x12];
	[sflag:s23] =	ssyncadd.s32 $0xFFFFC000  }
0x3bb: {  	[tilespmem:s8], [sflag:$0x6] =	stream.linear.gather [hbm4b:s28+s26], $0x4000, $0x38;
	[tilespmem:$0x10400] =	vst v63  }
0x3bc: {  	v0 =	vld [tilespmem:s7+$0x0];
	_ =	sdelay $0x4  }
0x3bd: {  	v0 =	vshll.u32 v0, $0x4  }
0x3be: {  	(v2sf) =	vpush v0, $0x0  }
0x3bf: {  	(v2sf) =	vpush v0, $0x1  }
0x3c0: {  	(v2sf) =	vpush v0, $0x2;
	_ =	sdelay $0x1  }
0x3c1: {  	(v2sf) =	vpush v0, $0x4;
	_ =	sdelay $0x1  }
0x3c2: {  	(v2sf) =	vpush v0, $0x3  }
0x3c3: {  	(v2sf) =	vpush v0, $0x5  }
0x3c4: {  	s6 =	simm.s32 $0x0;
	s8 =	simm.s32 $0x2000;
	(v2sf) =	vpush v0, $0x6  }
.LBB2_28:
0x3c5: {  	p0 =	sne.s32 s8, $0xE000  }
0x3c6: {  	s18 =	sadd.s32 $0x4480, s6;
	s12 =	sadd.s32 $0x4980, s6;
	s9 =	smov.u32 s8  }
0x3c7: {  	s8 =	sadd.s32 $0x2000, s8;
	s15 =	sadd.s32 $0x4780, s6;
	s10 =	sadd.s32 $0x4A00, s6;
	(v2sf) =	vpush v0, $0x7  }
0x3c8: {  	s17 =	sadd.s32 $0x4680, s6;
	s14 =	sadd.s32 $0x4800, s6;
	s11 =	sadd.s32 $0x4A80, s6  }
0x3c9: {  	s19 =	sadd.s32 $0x4400, s6;
	s20 =	sadd.s32 $0x4600, s6;
	(v2sf) =	vpush v0, $0x8  }
0x3ca: {  	s21 =	sadd.s32 $0x4700, s6;
	s7 =	sadd.s32 $0x10, s7  }
0x3cb: {  	s22 =	sadd.s32 $0x4500, s6;
	s13 =	sadd.s32 $0x4900, s6;
	s16 =	spop (v2sf);
	(v2sf) =	vpush v0, $0x9  }
0x3cc: {  	s25 =	sand.u32 $0x1FFFFFF0, s16;
	s16 =	sadd.s32 $0x4880, s6;
	s26 =	spop (v2sf)  }
0x3cd: {  	s25 =	sadd.s32 s3, s25;
	s26 =	sand.u32 $0x1FFFFFF0, s26;
	s28 =	spop (v2sf);
	(v2sf) =	vpush v0, $0xA  }
0x3ce: {  	[tilespmem:s19], [sflag:$0x2] =	stream.linear.gather [hbm4b:s25+s2], $0x80, $0x38;
	[tilespmem:$0x10400] =	vst v63  }
0x3cf: {  	s19 =	sadd.s32 s3, s26;
	s25 =	sadd.s32 $0x4580, s6;
	s26 =	spop (v2sf);
	(v2sf) =	vpush v0, $0xB  }
0x3d0: {  	[tilespmem:s18], [sflag:$0x2] =	stream.linear.gather [hbm4b:s19+s2], $0x80, $0x38;
	[tilespmem:$0x10400] =	vst v63  }
0x3d1: {  	s18 =	sand.u32 $0x1FFFFFF0, s28;
	s19 =	sand.u32 $0x1FFFFFF0, s26;
	s26 =	spop (v2sf);
	(v2sf) =	vpush v0, $0xC  }
0x3d2: {  	s18 =	sadd.s32 s3, s18;
	s26 =	sand.u32 $0x1FFFFFF0, s26;
	s28 =	spop (v2sf)  }
0x3d3: {  	[tilespmem:s22], [sflag:$0x2] =	stream.linear.gather [hbm4b:s18+s2], $0x80, $0x38;
	(v2sf) =	vpush v0, $0xD;
	[tilespmem:$0x10400] =	vst v63  }
0x3d4: {  	s18 =	sadd.s32 s3, s26;
	s22 =	sand.u32 $0x1FFFFFF0, s28;
	s26 =	spop (v2sf)  }
0x3d5: {  	[tilespmem:s25], [sflag:$0x2] =	stream.linear.gather [hbm4b:s18+s2], $0x80, $0x38;
	(v2sf) =	vpush v0, $0xE;
	[tilespmem:$0x10400] =	vst v63  }
0x3d6: {  	s18 =	sadd.s32 s3, s19;
	s19 =	sand.u32 $0x1FFFFFF0, s26;
	s25 =	spop (v2sf)  }
0x3d7: {  	[tilespmem:s20], [sflag:$0x2] =	stream.linear.gather [hbm4b:s18+s2], $0x80, $0x38;
	(v2sf) =	vpush v0, $0xF;
	[tilespmem:$0x10400] =	vst v63  }
0x3d8: {  	s18 =	sadd.s32 s3, s22;
	s20 =	sand.u32 $0x1FFFFFF0, s25;
	s22 =	spop (v2sf)  }
0x3d9: {  	[tilespmem:s17], [sflag:$0x2] =	stream.linear.gather [hbm4b:s18+s2], $0x80, $0x38;
	[tilespmem:$0x10400] =	vst v63  }
0x3da: {  	s17 =	sadd.s32 s3, s19;
	s18 =	sand.u32 $0x1FFFFFF0, s22;
	s19 =	spop (v2sf)  }
0x3db: {  	[tilespmem:s21], [sflag:$0x2] =	stream.linear.gather [hbm4b:s17+s2], $0x80, $0x38;
	[tilespmem:$0x10400] =	vst v63  }
0x3dc: {  	s17 =	sadd.s32 s3, s20;
	s19 =	sand.u32 $0x1FFFFFF0, s19;
	s20 =	spop (v2sf)  }
0x3dd: {  	[tilespmem:s15], [sflag:$0x2] =	stream.linear.gather [hbm4b:s17+s2], $0x80, $0x38;
	[tilespmem:$0x10400] =	vst v63  }
0x3de: {  	s15 =	sadd.s32 s3, s18;
	s17 =	sand.u32 $0x1FFFFFF0, s20;
	s18 =	spop (v2sf)  }
0x3df: {  	[tilespmem:s14], [sflag:$0x2] =	stream.linear.gather [hbm4b:s15+s2], $0x80, $0x38;
	[tilespmem:$0x10400] =	vst v63  }
0x3e0: {  	s14 =	sadd.s32 s3, s19;
	s15 =	sand.u32 $0x1FFFFFF0, s18;
	s18 =	spop (v2sf)  }
0x3e1: {  	[tilespmem:s16], [sflag:$0x2] =	stream.linear.gather [hbm4b:s14+s2], $0x80, $0x38;
	[tilespmem:$0x10400] =	vst v63  }
0x3e2: {  	s14 =	sadd.s32 s3, s17;
	s16 =	sand.u32 $0x1FFFFFF0, s18;
	s17 =	spop (v2sf)  }
0x3e3: {  	[tilespmem:s13], [sflag:$0x2] =	stream.linear.gather [hbm4b:s14+s2], $0x80, $0x38;
	[tilespmem:$0x10400] =	vst v63  }
0x3e4: {  	s13 =	sadd.s32 s3, s15;
	s14 =	sand.u32 $0x1FFFFFF0, s17;
	s15 =	spop (v2sf)  }
0x3e5: {  	[tilespmem:s12], [sflag:$0x2] =	stream.linear.gather [hbm4b:s13+s2], $0x80, $0x38;
	[tilespmem:$0x10400] =	vst v63  }
0x3e6: {  	s12 =	sadd.s32 s3, s16;
	s13 =	sand.u32 $0x1FFFFFF0, s15;
	s15 =	spop (v2sf)  }
0x3e7: {  	[tilespmem:s10], [sflag:$0x2] =	stream.linear.gather [hbm4b:s12+s2], $0x80, $0x38;
	[tilespmem:$0x10400] =	vst v63  }
0x3e8: {  	s10 =	sadd.s32 s3, s14;
	s12 =	sand.u32 $0x1FFFFFF0, s15  }
0x3e9: {  	[tilespmem:s11], [sflag:$0x2] =	stream.linear.gather [hbm4b:s10+s2], $0x80, $0x38;
	[tilespmem:$0x10400] =	vst v63  }
0x3ea: {  	s10 =	sadd.s32 $0x4B00, s6;
	s11 =	sadd.s32 s3, s13  }
0x3eb: {  	[tilespmem:s10], [sflag:$0x2] =	stream.linear.gather [hbm4b:s11+s2], $0x80, $0x38;
	[tilespmem:$0x10400] =	vst v63  }
0x3ec: {  	s6 =	sadd.s32 $0x4B80, s6;
	s10 =	sadd.s32 s3, s12  }
0x3ed: {  	[tilespmem:s6], [sflag:$0x2] =	stream.linear.gather [hbm4b:s10+s2], $0x80, $0x38;
	[tilespmem:$0x10400] =	vst v63  }
0x3ee: {  	v0 =	vld [tilespmem:s7+$0x0];
	_ =	sdelay $0x4  }
0x3ef: {  	v0 =	vshll.u32 v0, $0x4  }
0x3f0: {  	(v2sf) =	vpush v0, $0x0  }
0x3f1: {  	(v2sf) =	vpush v0, $0x1  }
0x3f2: {  	(v2sf) =	vpush v0, $0x2;
	_ =	sdelay $0x1  }
0x3f3: {  	(v2sf) =	vpush v0, $0x4  }
.Ltmp13:
0x3f4: {  	(pc) =	sbr.rel @p0 .LBB2_28-.Ltmp13, $3  }
0x3f5: {  	(v2sf) =	vpush v0, $0x3  }
0x3f6: {  	(v2sf) =	vpush v0, $0x5;
	_ =	sdelay $0x1  }
0x3f7: {  	s6 =	sshra.s32 s9, $0x2;
	(v2sf) =	vpush v0, $0x6  }
0x3f8: {  	_ =	sdelay $0x1  }
0x3f9: {  	s10 =	sadd.s32 $0x4480, s6;
	s9 =	sadd.s32 $0x4980, s6  }
0x3fa: {  	s11 =	sadd.s32 $0x4780, s6;
	s7 =	sadd.s32 $0x4A00, s6;
	(v2sf) =	vpush v0, $0x7;
	s12 =	sadd.s32 $0x4680, s6  }
0x3fb: {  	s13 =	sadd.s32 $0x4800, s6;
	s8 =	sadd.s32 $0x4A80, s6;
	s14 =	sadd.s32 $0x4400, s6  }
0x3fc: {  	s15 =	sadd.s32 $0x4600, s6;
	s16 =	sadd.s32 $0x4700, s6;
	(v2sf) =	vpush v0, $0x8;
	s17 =	spop (v2sf)  }
0x3fd: {  	s18 =	sadd.s32 $0x4500, s6;
	s17 =	sand.u32 $0x1FFFFFF0, s17;
	s19 =	spop (v2sf)  }
0x3fe: {  	(v2sf) =	vpush v0, $0x9;
	s17 =	sadd.s32 s3, s17;
	s19 =	sand.u32 $0x1FFFFFF0, s19;
	s20 =	spop (v2sf)  }
0x3ff: {  	[tilespmem:s14], [sflag:$0x2] =	stream.linear.gather [hbm4b:s17+s2], $0x80, $0x38;
	[tilespmem:$0x10400] =	vst v63  }
0x400: {  	s21 =	sadd.s32 $0x4580, s6;
	(v2sf) =	vpush v0, $0xA;
	s26 =	sadd.s32 s3, s19;
	s28 =	spop (v2sf)  }
0x401: {  	[tilespmem:s10], [sflag:$0x2] =	stream.linear.gather [hbm4b:s26+s2], $0x80, $0x38;
	[tilespmem:$0x10400] =	vst v63  }
0x402: {  	s14 =	sadd.s32 $0x4900, s6;
	s22 =	sand.u32 $0x1FFFFFF0, s20;
	(v2sf) =	vpush v0, $0xB;
	s25 =	spop (v2sf)  }
0x403: {  	s17 =	sadd.s32 s3, s22;
	s10 =	sadd.s32 $0x4880, s6;
	s20 =	sand.u32 $0x1FFFFFF0, s25  }
0x404: {  	(v2sf) =	vpush v0, $0xC;
	[tilespmem:s18], [sflag:$0x2] =	stream.linear.gather [hbm4b:s17+s2], $0x80, $0x38;
	[tilespmem:$0x10400] =	vst v63  }
0x405: {  	s26 =	sand.u32 $0x1FFFFFF0, s28;
	s28 =	spop (v2sf);
	s22 =	sadd.s32 s3, s20  }
0x406: {  	(v2sf) =	vpush v0, $0xD;
	[tilespmem:s21], [sflag:$0x2] =	stream.linear.gather [hbm4b:s22+s2], $0x80, $0x38;
	[tilespmem:$0x10400] =	vst v63  }
0x407: {  	s17 =	sadd.s32 s3, s26;
	s18 =	sand.u32 $0x1FFFFFF0, s28;
	s25 =	spop (v2sf)  }
0x408: {  	(v2sf) =	vpush v0, $0xE;
	[tilespmem:s15], [sflag:$0x2] =	stream.linear.gather [hbm4b:s17+s2], $0x80, $0x38;
	[tilespmem:$0x10400] =	vst v63  }
0x409: {  	s18 =	sadd.s32 s3, s18;
	s26 =	sand.u32 $0x1FFFFFF0, s25;
	s28 =	spop (v2sf)  }
0x40a: {  	(v2sf) =	vpush v0, $0xF;
	[tilespmem:s12], [sflag:$0x2] =	stream.linear.gather [hbm4b:s18+s2], $0x80, $0x38;
	[tilespmem:$0x10400] =	vst v63  }
0x40b: {  	s19 =	sand.u32 $0x1FFFFFF0, s28;
	s20 =	spop (v2sf);
	s15 =	sadd.s32 s3, s26  }
0x40c: {  	[tilespmem:s16], [sflag:$0x2] =	stream.linear.gather [hbm4b:s15+s2], $0x80, $0x38;
	[tilespmem:$0x10400] =	vst v63  }
0x40d: {  	s21 =	sand.u32 $0x1FFFFFF0, s20;
	s12 =	sadd.s32 s3, s19;
	s22 =	spop (v2sf)  }
0x40e: {  	[tilespmem:s11], [sflag:$0x2] =	stream.linear.gather [hbm4b:s12+s2], $0x80, $0x38;
	[tilespmem:$0x10400] =	vst v63  }
0x40f: {  	s15 =	sadd.s32 s3, s21;
	s25 =	sand.u32 $0x1FFFFFF0, s22;
	s26 =	spop (v2sf)  }
0x410: {  	[tilespmem:s13], [sflag:$0x2] =	stream.linear.gather [hbm4b:s15+s2], $0x80, $0x38;
	[tilespmem:$0x10400] =	vst v63  }
0x411: {  	s12 =	sand.u32 $0x1FFFFFF0, s26;
	s11 =	sadd.s32 s3, s25;
	s28 =	spop (v2sf)  }
0x412: {  	[tilespmem:s10], [sflag:$0x2] =	stream.linear.gather [hbm4b:s11+s2], $0x80, $0x38;
	[tilespmem:$0x10400] =	vst v63  }
0x413: {  	s12 =	sadd.s32 s3, s12;
	s15 =	sand.u32 $0x1FFFFFF0, s28;
	s16 =	spop (v2sf)  }
0x414: {  	[tilespmem:s14], [sflag:$0x2] =	stream.linear.gather [hbm4b:s12+s2], $0x80, $0x38;
	[tilespmem:$0x10400] =	vst v63  }
0x415: {  	s10 =	sadd.s32 s3, s15;
	s11 =	sand.u32 $0x1FFFFFF0, s16;
	s17 =	spop (v2sf)  }
0x416: {  	[tilespmem:s9], [sflag:$0x2] =	stream.linear.gather [hbm4b:s10+s2], $0x80, $0x38;
	[tilespmem:$0x10400] =	vst v63  }
0x417: {  	s18 =	sand.u32 $0x1FFFFFF0, s17;
	s11 =	sadd.s32 s3, s11;
	s19 =	spop (v2sf)  }
0x418: {  	[tilespmem:s7], [sflag:$0x2] =	stream.linear.gather [hbm4b:s11+s2], $0x80, $0x38;
	[tilespmem:$0x10400] =	vst v63  }
0x419: {  	s20 =	sand.u32 $0x1FFFFFF0, s19;
	s21 =	spop (v2sf);
	s9 =	sadd.s32 s3, s18  }
0x41a: {  	[tilespmem:s8], [sflag:$0x2] =	stream.linear.gather [hbm4b:s9+s2], $0x80, $0x38;
	[tilespmem:$0x10400] =	vst v63  }
0x41b: {  	s25 =	sadd.s32 $0x4B00, s6;
	s22 =	sand.u32 $0x1FFFFFF0, s21;
	s7 =	sadd.s32 s3, s20  }
0x41c: {  	[tilespmem:s25], [sflag:$0x2] =	stream.linear.gather [hbm4b:s7+s2], $0x80, $0x38;
	[tilespmem:$0x10400] =	vst v63  }
0x41d: {  	s26 =	sadd.s32 $0x4B80, s6;
	s28 =	sadd.s32 s3, s22  }
0x41e: {  	[tilespmem:s26], [sflag:$0x2] =	stream.linear.gather [hbm4b:s28+s2], $0x80, $0x38;
	[tilespmem:$0x10400] =	vst v63  }
0x41f: {  	_ =	swait.ge [sflag:s4], $0x4000  }
0x420: {  	[sflag:s4] =	ssyncset.done $0x0  }
0x421: {  	[sflag:s4] =	ssyncadd.s32 $0xFFFFC000  }
0x422: {  	_ =	swait.ge [sflag:s29], $0x4000  }
0x423: {  	[sflag:s29] =	ssyncset.done $0x0  }
0x424: {  	s6 =	simm.s32 $0x0;
	[sflag:s29] =	ssyncadd.s32 $0xFFFFC000  }
0x425: {  	v1 =	vld [tilespmem:s6+$0x8400]  }
0x426: {  	v0 =	vld [tilespmem:s6+$0x8410]  }
0x427: {  	v3 =	vld [tilespmem:s6+$0x400]  }
0x428: {  	v4 =	vld [tilespmem:s6+$0x410]  }
0x429: {  	s7 =	simm.s32 $0x200;
	v2 =	vld [tilespmem:s6+$0x420]  }
.LBB2_30:
0x42a: {  	p0 =	sne.s32 s7, $0xFE00;
	v5 =	vld [tilespmem:s6+$0x430]  }
0x42b: {  	v6 =	vld [tilespmem:s6+$0x8420]  }
0x42c: {  	v3 =	vmul.f32 $8.000000000e+00, v3;
	v7 =	vld [tilespmem:s6+$0x8430]  }
0x42d: {  	v4 =	vmul.f32 $8.000000000e+00, v4  }
0x42e: {  	s8 =	sshra.s32 s7, $0x2;
	v3 =	vadd.f32 v1, v3;
	v2 =	vmul.f32 $8.000000000e+00, v2  }
.Ltmp14:
0x42f: {  	v1 =	vld [tilespmem:s8+$0x8400];
	v4 =	vadd.f32 v0, v4;
	v5 =	vmul.f32 $8.000000000e+00, v5;
	(pc) =	sbr.rel @p0 .LBB2_30-.Ltmp14, $4  }
0x430: {  	v0 =	vld [tilespmem:s8+$0x8410];
	[tilespmem:s6+$0x400] =	vst v3;
	v2 =	vadd.f32 v6, v2  }
0x431: {  	v3 =	vld [tilespmem:s8+$0x400];
	[tilespmem:s6+$0x410] =	vst v4;
	v5 =	vadd.f32 v7, v5  }
0x432: {  	v4 =	vld [tilespmem:s8+$0x410];
	[tilespmem:s6+$0x420] =	vst v2  }
0x433: {  	s7 =	sadd.s32 $0x200, s7;
	v2 =	vld [tilespmem:s8+$0x420];
	[tilespmem:s6+$0x430] =	vst v5;
	s6 =	smov.u32 s8  }
0x434: {  	v5 =	vld [tilespmem:s6+$0x430]  }
0x435: {  	v6 =	vld [tilespmem:s6+$0x8420]  }
0x436: {  	v7 =	vld [tilespmem:s6+$0x8430];
	v3 =	vmul.f32 $8.000000000e+00, v3  }
0x437: {  	v4 =	vmul.f32 $8.000000000e+00, v4  }
0x438: {  	v1 =	vadd.f32 v1, v3;
	v2 =	vmul.f32 $8.000000000e+00, v2  }
0x439: {  	v0 =	vadd.f32 v0, v4;
	v3 =	vmul.f32 $8.000000000e+00, v5  }
0x43a: {  	[tilespmem:s6+$0x400] =	vst v1;
	v1 =	vadd.f32 v6, v2  }
0x43b: {  	[tilespmem:s6+$0x410] =	vst v0;
	v0 =	vadd.f32 v7, v3  }
0x43c: {  	[tilespmem:s6+$0x420] =	vst v1  }
0x43d: {  	s28 =	simm.s32 $0x0;
	s7 =	rddreg [dreg:$0x13];
	[tilespmem:s6+$0x430] =	vst v0  }
0x43e: {  	[hbm4b:s7+s28] =	stream.linear.scatter [tilespmem:s24], [sflag:$0x3], $0x4000, $0x38;
	[tilespmem:$0x10400] =	vst v63  }
0x43f: {  	_ =	swait.ge [sflag:s31], $0x4000  }
0x440: {  	[sflag:s31] =	ssyncset.done $0x0  }
0x441: {  	[sflag:s31] =	ssyncadd.s32 $0xFFFFC000  }
0x442: {  	_ =	swait.ge [sflag:s1], $0x4000  }
0x443: {  	[sflag:s1] =	ssyncset.done $0x0  }
0x444: {  	s6 =	simm.s32 $0x0;
	[sflag:s1] =	ssyncadd.s32 $0xFFFFC000  }
0x445: {  	v1 =	vld [tilespmem:s6+$0xC400]  }
0x446: {  	v0 =	vld [tilespmem:s6+$0xC410]  }
0x447: {  	v3 =	vld [tilespmem:s6+$0x4400]  }
0x448: {  	v4 =	vld [tilespmem:s6+$0x4410]  }
0x449: {  	s7 =	simm.s32 $0x200;
	v2 =	vld [tilespmem:s6+$0x4420]  }
.LBB2_32:
0x44a: {  	p0 =	sne.s32 s7, $0xFE00;
	v5 =	vld [tilespmem:s6+$0x4430]  }
0x44b: {  	v6 =	vld [tilespmem:s6+$0xC420]  }
0x44c: {  	v3 =	vmul.f32 $8.000000000e+00, v3;
	v7 =	vld [tilespmem:s6+$0xC430]  }
0x44d: {  	v4 =	vmul.f32 $8.000000000e+00, v4  }
0x44e: {  	s8 =	sshra.s32 s7, $0x2;
	v3 =	vadd.f32 v1, v3;
	v2 =	vmul.f32 $8.000000000e+00, v2  }
.Ltmp15:
0x44f: {  	v1 =	vld [tilespmem:s8+$0xC400];
	v4 =	vadd.f32 v0, v4;
	v5 =	vmul.f32 $8.000000000e+00, v5;
	(pc) =	sbr.rel @p0 .LBB2_32-.Ltmp15, $4  }
0x450: {  	v0 =	vld [tilespmem:s8+$0xC410];
	[tilespmem:s6+$0x4400] =	vst v3;
	v2 =	vadd.f32 v6, v2  }
0x451: {  	v3 =	vld [tilespmem:s8+$0x4400];
	[tilespmem:s6+$0x4410] =	vst v4;
	v5 =	vadd.f32 v7, v5  }
0x452: {  	v4 =	vld [tilespmem:s8+$0x4410];
	[tilespmem:s6+$0x4420] =	vst v2  }
0x453: {  	s7 =	sadd.s32 $0x200, s7;
	v2 =	vld [tilespmem:s8+$0x4420];
	[tilespmem:s6+$0x4430] =	vst v5;
	s6 =	smov.u32 s8  }
0x454: {  	v5 =	vld [tilespmem:s6+$0x4430]  }
0x455: {  	v6 =	vld [tilespmem:s6+$0xC420]  }
0x456: {  	v7 =	vld [tilespmem:s6+$0xC430];
	v3 =	vmul.f32 $8.000000000e+00, v3  }
0x457: {  	v4 =	vmul.f32 $8.000000000e+00, v4  }
0x458: {  	v1 =	vadd.f32 v1, v3;
	v2 =	vmul.f32 $8.000000000e+00, v2  }
0x459: {  	v0 =	vadd.f32 v0, v4;
	v61 =	vmul.f32 $8.000000000e+00, v5  }
0x45a: {  	[tilespmem:s6+$0x4400] =	vst v1;
	v62 =	vadd.f32 v6, v2  }
0x45b: {  	[tilespmem:s6+$0x4410] =	vst v0;
	v63 =	vadd.f32 v7, v61  }
0x45c: {  	[tilespmem:s6+$0x4420] =	vst v62  }
0x45d: {  	s26 =	rddreg [dreg:$0x14];
	[tilespmem:s6+$0x4430] =	vst v63  }
0x45e: {  	[hbm4b:s26+s2] =	stream.linear.scatter [tilespmem:s0], [sflag:$0x4], $0x4000, $0x38;
	[tilespmem:$0x10400] =	vst v63  }
0x45f: {  	_ =	swait.ge [sflag:s30], $0x4000  }
0x460: {  	[sflag:s30] =	ssyncset.done $0x0  }
0x461: {  	[sflag:s30] =	ssyncadd.s32 $0xFFFFC000  }
0x462: {  	_ =	swait.ge [sflag:s23], $0x4000  }
0x463: {  	s5 =	sadd.s32 $0x1, s5;
	s28 =	rddreg [dreg:$0x15]  }
0x464: {  	p0 =	sne.s32 s5, s28  }
.Ltmp16:
0x465: {  	_ = 	snop;
	(pc) =	sbr.rel @p0 .LBB2_1-.Ltmp16, $3  }
0x466: {  	_ =	sdelay $0x1  }
0x467: {  	[sflag:s23] =	ssyncset.done $0x0  }
0x468: {  	[sflag:s23] =	ssyncadd.s32 $0xFFFFC000  }
0x469: {  	_ =	sfence.sel $0x180000  }
0x46a: {  	[bflag:$0x0] =	sbarrier.arrive $0xFFFF  }
0x46b: {  	_ =	strace $0x90000047  }
0x46c: {  	s0 =	stileid.u32;
	[bflag:$0x2] =	sbarrier.arrive $0xFFFF  }
0x46d: {  	p0 =	sne.s32 s0, $0x0;
	s0 =	rddreg [dreg:$0x3]  }
0x46e: {  	s0 =	sadd.s32 @!p0 $0x100000, s0  }
0x46f: {  	[sflag:s0] =	ssyncadd.tile.s32 @!p0 $0x1;
	_ =	shalt  }
.Lfunc_end2:
_tile_overlayer_lowered:
.L_overlay_start_2:
0x470: {  	(tag) =	ssettag $0x2  }
0x471: {  	s0 =	rddreg [dreg:$0x0];
	s2 =	stileid.u32  }
0x472: {  	s1 =	rddreg [dreg:$0x1];
	p0 =	sne.s32 s2, $0x0  }
0x473: {  	s3 =	rddreg [dreg:$0x2];
	[bflag:$0x3] =	sbarrier.arrive $0xFFFF;
	s2 =	simm.s32 @!p0 $0x1C07  }
0x474: {  	[timem:s3], [sflag:s2] =	dma.local @!p0 [hbm:s0], s1  }
0x475: {  	s0 =	simm.s32 @!p0 $0x7  }
0x476: {  	_ =	swait.ge @!p0 [sflag:s0], s1  }
0x477: {  	s1 =	ssub.s32 @!p0 $0x0, s1;
	[sflag:s0] =	ssyncset.done @!p0 $0x0  }
0x478: {  	[sflag:s0] =	ssyncadd.s32 @!p0 s1  }
0x479: {  	[bflag:$0x3] =	sbarrier.arrive $0xFFFF  }
0x47a: {  	_ =	shalt  }

</sc_bundles>
